<compile_context>
chip_gen: v7x
topology: tpu7x:2x2x1
jax: 0.10.2.dev20260603
libtpu: 0.0.44.dev20260713+nightly
codegen_flags: <defaults>
</compile_context>

<pallas_src>
import functools

import jax
import jax.numpy as jnp
from jax import lax
from jax.experimental import pallas as pl
from jax.experimental.pallas import tpu as pltpu
from jax.experimental.pallas import tpu_sc as plsc

EMBED = 64
LANES = 16
NC = 2
NS = 16
NW = NC * NS
L_ROWS = 200
BATCH = 4096
VOCAB = 100000


def _make_embed_add():
    mesh = plsc.VectorSubcoreMesh(core_axis_name="c", subcore_axis_name="s")

    @functools.partial(
        pl.kernel,
        out_type=jax.ShapeDtypeStruct((L_ROWS * EMBED, BATCH), jnp.float32),
        mesh=mesh,
        scratch_types=[
            pltpu.VMEM((VOCAB,), jnp.float32),
            pltpu.VMEM((BATCH,), jnp.float32),
            pltpu.VMEM((BATCH,), jnp.float32),
            pltpu.VMEM((BATCH,), jnp.float32),
            pltpu.VMEM((BATCH,), jnp.float32),
            pltpu.VMEM((BATCH,), jnp.int32),
            pltpu.VMEM((BATCH,), jnp.int32),
            pltpu.SemaphoreType.DMA,
            pltpu.SemaphoreType.DMA,
            pltpu.SemaphoreType.DMA,
            pltpu.SemaphoreType.DMA,
            pltpu.SemaphoreType.DMA,
            pltpu.SemaphoreType.DMA,
            pltpu.SemaphoreType.DMA,
            pltpu.SemaphoreType.DMA,
            pltpu.SemaphoreType.DMA,
            pltpu.SemaphoreType.DMA,
        ],
        compiler_params=pltpu.CompilerParams(
            use_tc_tiling_on_sc=True, needs_layout_passes=False),
    )
    def embed_add(x_hbm, idx_hbm, w_hbm, out_hbm,
                  wrow, xo0, xo1, xo2, xo3, id0, id1,
                  si0, si1, sx0, sx1, sx2, sx3, so0, so1, so2, so3):
        xo = (xo0, xo1, xo2, xo3)
        idv = (id0, id1)
        sem_i = (si0, si1)
        sem_x = (sx0, sx1, sx2, sx3)
        sem_o = (so0, so1, so2, so3)
        wid = lax.axis_index("s") * NC + lax.axis_index("c")

        for p in range(2):
            e = wid + NW * p

            def xrow(l):
                return x_hbm.at[l * EMBED + e]

            def orow(l):
                return out_hbm.at[l * EMBED + e]

            def start_idx(l, bi):
                pltpu.async_copy(idx_hbm.at[l], idv[bi], sem_i[bi])

            def wait_idx(l, bi):
                pltpu.make_async_copy(idx_hbm.at[l], idv[bi], sem_i[bi]).wait()

            def start_x(l, bx):
                pltpu.async_copy(xrow(l), xo[bx], sem_x[bx])

            def wait_x(l, bx):
                pltpu.make_async_copy(xrow(l), xo[bx], sem_x[bx]).wait()

            def start_out(l, bx):
                pltpu.async_copy(xo[bx], orow(l), sem_o[bx])

            def wait_out(l, bx):
                pltpu.make_async_copy(xo[bx], orow(l), sem_o[bx]).wait()

            def gather_add(bi, bx):
                iv = idv[bi]
                ov = xo[bx]

                @plsc.parallel_loop(0, BATCH, step=LANES, unroll=8)
                def _(i):
                    sl = pl.ds(i, LANES)
                    vi = iv[sl]
                    g = plsc.load_gather(wrow, [vi])
                    plsc.addupdate(ov.at[sl], g)

            def task(l, j, prefetch, outwait):
                bi = j % 2
                wait_idx(l, bi)
                wait_x(l, j)
                gather_add(bi, j)
                if prefetch:
                    start_idx(l + 2, bi)
                start_out(l, j)
                if outwait:
                    wait_out(l - 2, (j + 2) % 4)
                if prefetch:
                    start_x(l + 2, (j + 2) % 4)

            pltpu.sync_copy(w_hbm.at[e], wrow)
            start_idx(0, 0)
            start_idx(1, 1)
            start_x(0, 0)
            start_x(1, 1)

            for j in range(4):
                task(j, j, True, j >= 2)

            def quad_body(qq, carry):
                for j in range(4):
                    task(4 * qq + j, j, True, True)
                return carry

            lax.fori_loop(1, L_ROWS // 4 - 1, quad_body, 0, unroll=False)

            for j in range(4):
                task(L_ROWS - 4 + j, j, j < 2, True)

            wait_out(L_ROWS - 2, 2)
            wait_out(L_ROWS - 1, 3)

    return embed_add


def kernel(x, variable_seq, W_var):
    B, L, E = x.shape
    x2 = x.transpose(1, 2, 0).reshape(L * E, B)
    idx_t = variable_seq.transpose(1, 0).astype(jnp.int32)
    w_t = W_var.transpose(1, 0)
    out2 = _make_embed_add()(x2, idx_t, w_t)
    return out2.reshape(L, E, B).transpose(2, 0, 1)

# --- scband reference (transcript-rebuilt; emitter-appended) ---
"""Pipeline reference for scband-embedding-26499948216772 (READ-ONLY COPY).

The authoritative reference and input builder live on the scoring server;
editing this copy changes nothing except your own understanding.
"""

import jax, jax.numpy as jnp
import numpy as np

VAR_LEN = 100000
EMBED = 64
B = 4096
L = 200

def setup_inputs(seed: int = 0) -> dict:
    key = jax.random.key(seed)
    k1, k2, k3 = jax.random.split(key, 3)
    x = jax.random.normal(k1, (B, L, EMBED), dtype=jnp.float32)
    variable_seq = jax.random.randint(k2, (B, L), 0, VAR_LEN, dtype=jnp.int64)
    W_var = jax.random.normal(k3, (VAR_LEN, EMBED), dtype=jnp.float32) * 0.02
    return {"x": x, "variable_seq": variable_seq, "W_var": W_var}

def reference(x, variable_seq, W_var):
    # position_seq is None, so forward is x + variable_embedding(variable_seq)
    # dropout is identity at inference
    var_emb = jnp.take(W_var, variable_seq, axis=0)
    return x + var_emb

if __name__ == "__main__":
    import jax
    _d = setup_inputs()
    print(jax.jit(kernel)(*tuple(_d.values())))

</pallas_src>

<mosaic_0001>
#map = affine_map<(d0, d1) -> (0, 0)>
module attributes {stable_mosaic.version = 14 : i64} {
  func.func @embed_add(%arg0: i32, %arg1: i32, %arg2: memref<12800x4096xf32, #tpu.memory_space<hbm>>, %arg3: memref<200x4096xi32, #tpu.memory_space<hbm>>, %arg4: memref<64x100000xf32, #tpu.memory_space<hbm>>, %arg5: memref<12800x4096xf32, #tpu.memory_space<hbm>>, %arg6: memref<100000xf32, #tpu.memory_space<vmem>>, %arg7: memref<4096xf32, #tpu.memory_space<vmem>>, %arg8: memref<4096xf32, #tpu.memory_space<vmem>>, %arg9: memref<4096xf32, #tpu.memory_space<vmem>>, %arg10: memref<4096xf32, #tpu.memory_space<vmem>>, %arg11: memref<4096xi32, #tpu.memory_space<vmem>>, %arg12: memref<4096xi32, #tpu.memory_space<vmem>>, %arg13: memref<!tpu.dma_semaphore, #tpu.memory_space<semaphore_mem>>, %arg14: memref<!tpu.dma_semaphore, #tpu.memory_space<semaphore_mem>>, %arg15: memref<!tpu.dma_semaphore, #tpu.memory_space<semaphore_mem>>, %arg16: memref<!tpu.dma_semaphore, #tpu.memory_space<semaphore_mem>>, %arg17: memref<!tpu.dma_semaphore, #tpu.memory_space<semaphore_mem>>, %arg18: memref<!tpu.dma_semaphore, #tpu.memory_space<semaphore_mem>>, %arg19: memref<!tpu.dma_semaphore, #tpu.memory_space<semaphore_mem>>, %arg20: memref<!tpu.dma_semaphore, #tpu.memory_space<semaphore_mem>>, %arg21: memref<!tpu.dma_semaphore, #tpu.memory_space<semaphore_mem>>, %arg22: memref<!tpu.dma_semaphore, #tpu.memory_space<semaphore_mem>>) attributes {dimension_semantics = [#tpu.dimension_semantics<core_parallel>, #tpu.dimension_semantics<subcore_parallel>], iteration_bounds = array<i64: 2, 16>, scalar_prefetch = 0 : i64, scratch_operands = 17 : i64, tpu.core_type = #tpu.core_type<sc_vector_subcore>, window_params = [{transform_indices = #map}, {transform_indices = #map}, {transform_indices = #map}, {transform_indices = #map}]} {
    %mul3A = arith.constant 2 : i32
    %mul3A_0 = arith.muli %arg1, %mul3A : i32
    %add3A = arith.addi %mul3A_0, %arg0 : i32
    %add3A_1 = arith.constant 0 : i32
    %add3A_2 = arith.addi %add3A, %add3A_1 : i32
    "tpu.region"() ({
      %run_scoped3A = tpu.sem_alloc : memref<!tpu.dma_semaphore, #tpu.memory_space<semaphore_mem>>
      %dma_start3A_797 = arith.constant 0 : i32
      %dma_start3A_798 = tpu.memref_slice %arg4[%add3A_2, %dma_start3A_797] : memref<64x100000xf32, #tpu.memory_space<hbm>> -> memref<1x100000xf32, #tpu.memory_space<hbm>>
      %dma_start3A_799 = tpu.memref_squeeze %dma_start3A_798 : memref<1x100000xf32, #tpu.memory_space<hbm>> -> memref<100000xf32, #tpu.memory_space<hbm>>
      %dma_start3A_800 = arith.constant 0 : i32
      %dma_start3A_801 = tpu.memref_slice %arg4[%add3A_2, %dma_start3A_800] : memref<64x100000xf32, #tpu.memory_space<hbm>> -> memref<1x100000xf32, #tpu.memory_space<hbm>>
      %dma_start3A_802 = tpu.memref_squeeze %dma_start3A_801 : memref<1x100000xf32, #tpu.memory_space<hbm>> -> memref<100000xf32, #tpu.memory_space<hbm>>
      tpu.enqueue_dma source(%dma_start3A_802 : memref<100000xf32, #tpu.memory_space<hbm>>) target(%arg6 : memref<100000xf32, #tpu.memory_space<vmem>>) target_semaphore(%run_scoped3A : memref<!tpu.dma_semaphore, #tpu.memory_space<semaphore_mem>>)
      %dma_wait3A_803 = arith.constant 0 : i32
      %dma_wait3A_804 = tpu.memref_slice %arg4[%add3A_2, %dma_wait3A_803] : memref<64x100000xf32, #tpu.memory_space<hbm>> -> memref<1x100000xf32, #tpu.memory_space<hbm>>
      %dma_wait3A_805 = tpu.memref_squeeze %dma_wait3A_804 : memref<1x100000xf32, #tpu.memory_space<hbm>> -> memref<100000xf32, #tpu.memory_space<hbm>>
      %dma_wait3A_806 = arith.constant 0 : i32
      %dma_wait3A_807 = tpu.memref_slice %arg4[%add3A_2, %dma_wait3A_806] : memref<64x100000xf32, #tpu.memory_space<hbm>> -> memref<1x100000xf32, #tpu.memory_space<hbm>>
      %dma_wait3A_808 = tpu.memref_squeeze %dma_wait3A_807 : memref<1x100000xf32, #tpu.memory_space<hbm>> -> memref<100000xf32, #tpu.memory_space<hbm>>
      tpu.wait_dma2 semaphore(%run_scoped3A : memref<!tpu.dma_semaphore, #tpu.memory_space<semaphore_mem>>) src(%dma_wait3A_808 : memref<100000xf32, #tpu.memory_space<hbm>>) dst(%arg6 : memref<100000xf32, #tpu.memory_space<vmem>>)
      tpu.yield
    }) : () -> ()
    %dma_start3A = arith.constant 0 : i32
    %dma_start3A_3 = arith.constant 0 : i32
    %dma_start3A_4 = tpu.memref_slice %arg3[%dma_start3A, %dma_start3A_3] : memref<200x4096xi32, #tpu.memory_space<hbm>> -> memref<1x4096xi32, #tpu.memory_space<hbm>>
    %dma_start3A_5 = tpu.memref_squeeze %dma_start3A_4 : memref<1x4096xi32, #tpu.memory_space<hbm>> -> memref<4096xi32, #tpu.memory_space<hbm>>
    %dma_start3A_6 = arith.constant 0 : i32
    %dma_start3A_7 = tpu.memref_slice %arg3[%dma_start3A, %dma_start3A_6] : memref<200x4096xi32, #tpu.memory_space<hbm>> -> memref<1x4096xi32, #tpu.memory_space<hbm>>
    %dma_start3A_8 = tpu.memref_squeeze %dma_start3A_7 : memref<1x4096xi32, #tpu.memory_space<hbm>> -> memref<4096xi32, #tpu.memory_space<hbm>>
    tpu.enqueue_dma source(%dma_start3A_8 : memref<4096xi32, #tpu.memory_space<hbm>>) target(%arg11 : memref<4096xi32, #tpu.memory_space<vmem>>) target_semaphore(%arg13 : memref<!tpu.dma_semaphore, #tpu.memory_space<semaphore_mem>>)
    %dma_start3A_9 = arith.constant 1 : i32
    %dma_start3A_10 = arith.constant 0 : i32
    %dma_start3A_11 = tpu.memref_slice %arg3[%dma_start3A_9, %dma_start3A_10] : memref<200x4096xi32, #tpu.memory_space<hbm>> -> memref<1x4096xi32, #tpu.memory_space<hbm>>
    %dma_start3A_12 = tpu.memref_squeeze %dma_start3A_11 : memref<1x4096xi32, #tpu.memory_space<hbm>> -> memref<4096xi32, #tpu.memory_space<hbm>>
    %dma_start3A_13 = arith.constant 0 : i32
    %dma_start3A_14 = tpu.memref_slice %arg3[%dma_start3A_9, %dma_start3A_13] : memref<200x4096xi32, #tpu.memory_space<hbm>> -> memref<1x4096xi32, #tpu.memory_space<hbm>>
    %dma_start3A_15 = tpu.memref_squeeze %dma_start3A_14 : memref<1x4096xi32, #tpu.memory_space<hbm>> -> memref<4096xi32, #tpu.memory_space<hbm>>
    tpu.enqueue_dma source(%dma_start3A_15 : memref<4096xi32, #tpu.memory_space<hbm>>) target(%arg12 : memref<4096xi32, #tpu.memory_space<vmem>>) target_semaphore(%arg14 : memref<!tpu.dma_semaphore, #tpu.memory_space<semaphore_mem>>)
    %add3A_16 = arith.constant 0 : i32
    %add3A_17 = arith.addi %add3A_16, %add3A_2 : i32
    %dma_start3A_18 = arith.constant 0 : i32
    %dma_start3A_19 = tpu.memref_slice %arg2[%add3A_17, %dma_start3A_18] : memref<12800x4096xf32, #tpu.memory_space<hbm>> -> memref<1x4096xf32, #tpu.memory_space<hbm>>
    %dma_start3A_20 = tpu.memref_squeeze %dma_start3A_19 : memref<1x4096xf32, #tpu.memory_space<hbm>> -> memref<4096xf32, #tpu.memory_space<hbm>>
    %dma_start3A_21 = arith.constant 0 : i32
    %dma_start3A_22 = tpu.memref_slice %arg2[%add3A_17, %dma_start3A_21] : memref<12800x4096xf32, #tpu.memory_space<hbm>> -> memref<1x4096xf32, #tpu.memory_space<hbm>>
    %dma_start3A_23 = tpu.memref_squeeze %dma_start3A_22 : memref<1x4096xf32, #tpu.memory_space<hbm>> -> memref<4096xf32, #tpu.memory_space<hbm>>
    tpu.enqueue_dma source(%dma_start3A_23 : memref<4096xf32, #tpu.memory_space<hbm>>) target(%arg7 : memref<4096xf32, #tpu.memory_space<vmem>>) target_semaphore(%arg15 : memref<!tpu.dma_semaphore, #tpu.memory_space<semaphore_mem>>)
    %add3A_24 = arith.constant 64 : i32
    %add3A_25 = arith.addi %add3A_24, %add3A_2 : i32
    %dma_start3A_26 = arith.constant 0 : i32
    %dma_start3A_27 = tpu.memref_slice %arg2[%add3A_25, %dma_start3A_26] : memref<12800x4096xf32, #tpu.memory_space<hbm>> -> memref<1x4096xf32, #tpu.memory_space<hbm>>
    %dma_start3A_28 = tpu.memref_squeeze %dma_start3A_27 : memref<1x4096xf32, #tpu.memory_space<hbm>> -> memref<4096xf32, #tpu.memory_space<hbm>>
    %dma_start3A_29 = arith.constant 0 : i32
    %dma_start3A_30 = tpu.memref_slice %arg2[%add3A_25, %dma_start3A_29] : memref<12800x4096xf32, #tpu.memory_space<hbm>> -> memref<1x4096xf32, #tpu.memory_space<hbm>>
    %dma_start3A_31 = tpu.memref_squeeze %dma_start3A_30 : memref<1x4096xf32, #tpu.memory_space<hbm>> -> memref<4096xf32, #tpu.memory_space<hbm>>
    tpu.enqueue_dma source(%dma_start3A_31 : memref<4096xf32, #tpu.memory_space<hbm>>) target(%arg8 : memref<4096xf32, #tpu.memory_space<vmem>>) target_semaphore(%arg16 : memref<!tpu.dma_semaphore, #tpu.memory_space<semaphore_mem>>)
    %dma_wait3A = arith.constant 0 : i32
    %dma_wait3A_32 = arith.constant 0 : i32
    %dma_wait3A_33 = tpu.memref_slice %arg3[%dma_wait3A, %dma_wait3A_32] : memref<200x4096xi32, #tpu.memory_space<hbm>> -> memref<1x4096xi32, #tpu.memory_space<hbm>>
    %dma_wait3A_34 = tpu.memref_squeeze %dma_wait3A_33 : memref<1x4096xi32, #tpu.memory_space<hbm>> -> memref<4096xi32, #tpu.memory_space<hbm>>
    %dma_wait3A_35 = arith.constant 0 : i32
    %dma_wait3A_36 = tpu.memref_slice %arg3[%dma_wait3A, %dma_wait3A_35] : memref<200x4096xi32, #tpu.memory_space<hbm>> -> memref<1x4096xi32, #tpu.memory_space<hbm>>
    %dma_wait3A_37 = tpu.memref_squeeze %dma_wait3A_36 : memref<1x4096xi32, #tpu.memory_space<hbm>> -> memref<4096xi32, #tpu.memory_space<hbm>>
    tpu.wait_dma2 semaphore(%arg13 : memref<!tpu.dma_semaphore, #tpu.memory_space<semaphore_mem>>) src(%dma_wait3A_37 : memref<4096xi32, #tpu.memory_space<hbm>>) dst(%arg11 : memref<4096xi32, #tpu.memory_space<vmem>>)
    %add3A_38 = arith.constant 0 : i32
    %add3A_39 = arith.addi %add3A_38, %add3A_2 : i32
    %dma_wait3A_40 = arith.constant 0 : i32
    %dma_wait3A_41 = tpu.memref_slice %arg2[%add3A_39, %dma_wait3A_40] : memref<12800x4096xf32, #tpu.memory_space<hbm>> -> memref<1x4096xf32, #tpu.memory_space<hbm>>
    %dma_wait3A_42 = tpu.memref_squeeze %dma_wait3A_41 : memref<1x4096xf32, #tpu.memory_space<hbm>> -> memref<4096xf32, #tpu.memory_space<hbm>>
    %dma_wait3A_43 = arith.constant 0 : i32
    %dma_wait3A_44 = tpu.memref_slice %arg2[%add3A_39, %dma_wait3A_43] : memref<12800x4096xf32, #tpu.memory_space<hbm>> -> memref<1x4096xf32, #tpu.memory_space<hbm>>
    %dma_wait3A_45 = tpu.memref_squeeze %dma_wait3A_44 : memref<1x4096xf32, #tpu.memory_space<hbm>> -> memref<4096xf32, #tpu.memory_space<hbm>>
    tpu.wait_dma2 semaphore(%arg15 : memref<!tpu.dma_semaphore, #tpu.memory_space<semaphore_mem>>) src(%dma_wait3A_45 : memref<4096xf32, #tpu.memory_space<hbm>>) dst(%arg7 : memref<4096xf32, #tpu.memory_space<vmem>>)
    %parallel_loop3A = arith.constant 0 : i32
    %parallel_loop3A_46 = arith.constant 4096 : i32
    %parallel_loop3A_47 = arith.constant 16 : i32
    scf.for %parallel_loop3A_797 = %parallel_loop3A to %parallel_loop3A_46 step %parallel_loop3A_47  : i32 {
      %parallel_loop3A_798 = arith.index_cast %parallel_loop3A_797 : i32 to index
      %parallel_loop3A_799 = tpu.vector_load %arg11[%parallel_loop3A_798] {strides = array<i32>} : memref<4096xi32, #tpu.memory_space<vmem>>, vector<16xi32>,
      %parallel_loop3A_800 = tpu.vector_load_idx %arg6[%parallel_loop3A_799] : memref<100000xf32, #tpu.memory_space<vmem>>[vector<16xi32>], vector<16xf32>,
      %parallel_loop3A_801 = arith.index_cast %parallel_loop3A_797 : i32 to index
      %parallel_loop3A_802 = tpu.vector_load %arg7[%parallel_loop3A_801] {strides = array<i32>} : memref<4096xf32, #tpu.memory_space<vmem>>, vector<16xf32>,
      tpu.vector_store %arg7[%parallel_loop3A_801], %parallel_loop3A_800 {add = true, strides = array<i32>} : memref<4096xf32, #tpu.memory_space<vmem>>, vector<16xf32>,
    } {sc.loop_unroll_factor = 8 : i64, sc.parallel_access}
    %dma_start3A_48 = arith.constant 2 : i32
    %dma_start3A_49 = arith.constant 0 : i32
    %dma_start3A_50 = tpu.memref_slice %arg3[%dma_start3A_48, %dma_start3A_49] : memref<200x4096xi32, #tpu.memory_space<hbm>> -> memref<1x4096xi32, #tpu.memory_space<hbm>>
    %dma_start3A_51 = tpu.memref_squeeze %dma_start3A_50 : memref<1x4096xi32, #tpu.memory_space<hbm>> -> memref<4096xi32, #tpu.memory_space<hbm>>
    %dma_start3A_52 = arith.constant 0 : i32
    %dma_start3A_53 = tpu.memref_slice %arg3[%dma_start3A_48, %dma_start3A_52] : memref<200x4096xi32, #tpu.memory_space<hbm>> -> memref<1x4096xi32, #tpu.memory_space<hbm>>
    %dma_start3A_54 = tpu.memref_squeeze %dma_start3A_53 : memref<1x4096xi32, #tpu.memory_space<hbm>> -> memref<4096xi32, #tpu.memory_space<hbm>>
    tpu.enqueue_dma source(%dma_start3A_54 : memref<4096xi32, #tpu.memory_space<hbm>>) target(%arg11 : memref<4096xi32, #tpu.memory_space<vmem>>) target_semaphore(%arg13 : memref<!tpu.dma_semaphore, #tpu.memory_space<semaphore_mem>>)
    %add3A_55 = arith.constant 0 : i32
    %add3A_56 = arith.addi %add3A_55, %add3A_2 : i32
    %dma_start3A_57 = arith.constant 0 : i32
    %dma_start3A_58 = tpu.memref_slice %arg5[%add3A_56, %dma_start3A_57] : memref<12800x4096xf32, #tpu.memory_space<hbm>> -> memref<1x4096xf32, #tpu.memory_space<hbm>>
    %dma_start3A_59 = tpu.memref_squeeze %dma_start3A_58 : memref<1x4096xf32, #tpu.memory_space<hbm>> -> memref<4096xf32, #tpu.memory_space<hbm>>
    %dma_start3A_60 = arith.constant 0 : i32
    %dma_start3A_61 = tpu.memref_slice %arg5[%add3A_56, %dma_start3A_60] : memref<12800x4096xf32, #tpu.memory_space<hbm>> -> memref<1x4096xf32, #tpu.memory_space<hbm>>
    %dma_start3A_62 = tpu.memref_squeeze %dma_start3A_61 : memref<1x4096xf32, #tpu.memory_space<hbm>> -> memref<4096xf32, #tpu.memory_space<hbm>>
    tpu.enqueue_dma source(%arg7 : memref<4096xf32, #tpu.memory_space<vmem>>) target(%dma_start3A_62 : memref<4096xf32, #tpu.memory_space<hbm>>) target_semaphore(%arg19 : memref<!tpu.dma_semaphore, #tpu.memory_space<semaphore_mem>>)
    %add3A_63 = arith.constant 128 : i32
    %add3A_64 = arith.addi %add3A_63, %add3A_2 : i32
    %dma_start3A_65 = arith.constant 0 : i32
    %dma_start3A_66 = tpu.memref_slice %arg2[%add3A_64, %dma_start3A_65] : memref<12800x4096xf32, #tpu.memory_space<hbm>> -> memref<1x4096xf32, #tpu.memory_space<hbm>>
    %dma_start3A_67 = tpu.memref_squeeze %dma_start3A_66 : memref<1x4096xf32, #tpu.memory_space<hbm>> -> memref<4096xf32, #tpu.memory_space<hbm>>
    %dma_start3A_68 = arith.constant 0 : i32
    %dma_start3A_69 = tpu.memref_slice %arg2[%add3A_64, %dma_start3A_68] : memref<12800x4096xf32, #tpu.memory_space<hbm>> -> memref<1x4096xf32, #tpu.memory_space<hbm>>
    %dma_start3A_70 = tpu.memref_squeeze %dma_start3A_69 : memref<1x4096xf32, #tpu.memory_space<hbm>> -> memref<4096xf32, #tpu.memory_space<hbm>>
    tpu.enqueue_dma source(%dma_start3A_70 : memref<4096xf32, #tpu.memory_space<hbm>>) target(%arg9 : memref<4096xf32, #tpu.memory_space<vmem>>) target_semaphore(%arg17 : memref<!tpu.dma_semaphore, #tpu.memory_space<semaphore_mem>>)
    %dma_wait3A_71 = arith.constant 1 : i32
    %dma_wait3A_72 = arith.constant 0 : i32
    %dma_wait3A_73 = tpu.memref_slice %arg3[%dma_wait3A_71, %dma_wait3A_72] : memref<200x4096xi32, #tpu.memory_space<hbm>> -> memref<1x4096xi32, #tpu.memory_space<hbm>>
    %dma_wait3A_74 = tpu.memref_squeeze %dma_wait3A_73 : memref<1x4096xi32, #tpu.memory_space<hbm>> -> memref<4096xi32, #tpu.memory_space<hbm>>
    %dma_wait3A_75 = arith.constant 0 : i32
    %dma_wait3A_76 = tpu.memref_slice %arg3[%dma_wait3A_71, %dma_wait3A_75] : memref<200x4096xi32, #tpu.memory_space<hbm>> -> memref<1x4096xi32, #tpu.memory_space<hbm>>
    %dma_wait3A_77 = tpu.memref_squeeze %dma_wait3A_76 : memref<1x4096xi32, #tpu.memory_space<hbm>> -> memref<4096xi32, #tpu.memory_space<hbm>>
    tpu.wait_dma2 semaphore(%arg14 : memref<!tpu.dma_semaphore, #tpu.memory_space<semaphore_mem>>) src(%dma_wait3A_77 : memref<4096xi32, #tpu.memory_space<hbm>>) dst(%arg12 : memref<4096xi32, #tpu.memory_space<vmem>>)
    %add3A_78 = arith.constant 64 : i32
    %add3A_79 = arith.addi %add3A_78, %add3A_2 : i32
    %dma_wait3A_80 = arith.constant 0 : i32
    %dma_wait3A_81 = tpu.memref_slice %arg2[%add3A_79, %dma_wait3A_80] : memref<12800x4096xf32, #tpu.memory_space<hbm>> -> memref<1x4096xf32, #tpu.memory_space<hbm>>
    %dma_wait3A_82 = tpu.memref_squeeze %dma_wait3A_81 : memref<1x4096xf32, #tpu.memory_space<hbm>> -> memref<4096xf32, #tpu.memory_space<hbm>>
    %dma_wait3A_83 = arith.constant 0 : i32
    %dma_wait3A_84 = tpu.memref_slice %arg2[%add3A_79, %dma_wait3A_83] : memref<12800x4096xf32, #tpu.memory_space<hbm>> -> memref<1x4096xf32, #tpu.memory_space<hbm>>
    %dma_wait3A_85 = tpu.memref_squeeze %dma_wait3A_84 : memref<1x4096xf32, #tpu.memory_space<hbm>> -> memref<4096xf32, #tpu.memory_space<hbm>>
    tpu.wait_dma2 semaphore(%arg16 : memref<!tpu.dma_semaphore, #tpu.memory_space<semaphore_mem>>) src(%dma_wait3A_85 : memref<4096xf32, #tpu.memory_space<hbm>>) dst(%arg8 : memref<4096xf32, #tpu.memory_space<vmem>>)
    %parallel_loop3A_86 = arith.constant 0 : i32
    %parallel_loop3A_87 = arith.constant 4096 : i32
    %parallel_loop3A_88 = arith.constant 16 : i32
    scf.for %parallel_loop3A_797 = %parallel_loop3A_86 to %parallel_loop3A_87 step %parallel_loop3A_88  : i32 {
      %parallel_loop3A_798 = arith.index_cast %parallel_loop3A_797 : i32 to index
      %parallel_loop3A_799 = tpu.vector_load %arg12[%parallel_loop3A_798] {strides = array<i32>} : memref<4096xi32, #tpu.memory_space<vmem>>, vector<16xi32>,
      %parallel_loop3A_800 = tpu.vector_load_idx %arg6[%parallel_loop3A_799] : memref<100000xf32, #tpu.memory_space<vmem>>[vector<16xi32>], vector<16xf32>,
      %parallel_loop3A_801 = arith.index_cast %parallel_loop3A_797 : i32 to index
      %parallel_loop3A_802 = tpu.vector_load %arg8[%parallel_loop3A_801] {strides = array<i32>} : memref<4096xf32, #tpu.memory_space<vmem>>, vector<16xf32>,
      tpu.vector_store %arg8[%parallel_loop3A_801], %parallel_loop3A_800 {add = true, strides = array<i32>} : memref<4096xf32, #tpu.memory_space<vmem>>, vector<16xf32>,
    } {sc.loop_unroll_factor = 8 : i64, sc.parallel_access}
    %dma_start3A_89 = arith.constant 3 : i32
    %dma_start3A_90 = arith.constant 0 : i32
    %dma_start3A_91 = tpu.memref_slice %arg3[%dma_start3A_89, %dma_start3A_90] : memref<200x4096xi32, #tpu.memory_space<hbm>> -> memref<1x4096xi32, #tpu.memory_space<hbm>>
    %dma_start3A_92 = tpu.memref_squeeze %dma_start3A_91 : memref<1x4096xi32, #tpu.memory_space<hbm>> -> memref<4096xi32, #tpu.memory_space<hbm>>
    %dma_start3A_93 = arith.constant 0 : i32
    %dma_start3A_94 = tpu.memref_slice %arg3[%dma_start3A_89, %dma_start3A_93] : memref<200x4096xi32, #tpu.memory_space<hbm>> -> memref<1x4096xi32, #tpu.memory_space<hbm>>
    %dma_start3A_95 = tpu.memref_squeeze %dma_start3A_94 : memref<1x4096xi32, #tpu.memory_space<hbm>> -> memref<4096xi32, #tpu.memory_space<hbm>>
    tpu.enqueue_dma source(%dma_start3A_95 : memref<4096xi32, #tpu.memory_space<hbm>>) target(%arg12 : memref<4096xi32, #tpu.memory_space<vmem>>) target_semaphore(%arg14 : memref<!tpu.dma_semaphore, #tpu.memory_space<semaphore_mem>>)
    %add3A_96 = arith.constant 64 : i32
    %add3A_97 = arith.addi %add3A_96, %add3A_2 : i32
    %dma_start3A_98 = arith.constant 0 : i32
    %dma_start3A_99 = tpu.memref_slice %arg5[%add3A_97, %dma_start3A_98] : memref<12800x4096xf32, #tpu.memory_space<hbm>> -> memref<1x4096xf32, #tpu.memory_space<hbm>>
    %dma_start3A_100 = tpu.memref_squeeze %dma_start3A_99 : memref<1x4096xf32, #tpu.memory_space<hbm>> -> memref<4096xf32, #tpu.memory_space<hbm>>
    %dma_start3A_101 = arith.constant 0 : i32
    %dma_start3A_102 = tpu.memref_slice %arg5[%add3A_97, %dma_start3A_101] : memref<12800x4096xf32, #tpu.memory_space<hbm>> -> memref<1x4096xf32, #tpu.memory_space<hbm>>
    %dma_start3A_103 = tpu.memref_squeeze %dma_start3A_102 : memref<1x4096xf32, #tpu.memory_space<hbm>> -> memref<4096xf32, #tpu.memory_space<hbm>>
    tpu.enqueue_dma source(%arg8 : memref<4096xf32, #tpu.memory_space<vmem>>) target(%dma_start3A_103 : memref<4096xf32, #tpu.memory_space<hbm>>) target_semaphore(%arg20 : memref<!tpu.dma_semaphore, #tpu.memory_space<semaphore_mem>>)
    %add3A_104 = arith.constant 192 : i32
    %add3A_105 = arith.addi %add3A_104, %add3A_2 : i32
    %dma_start3A_106 = arith.constant 0 : i32
    %dma_start3A_107 = tpu.memref_slice %arg2[%add3A_105, %dma_start3A_106] : memref<12800x4096xf32, #tpu.memory_space<hbm>> -> memref<1x4096xf32, #tpu.memory_space<hbm>>
    %dma_start3A_108 = tpu.memref_squeeze %dma_start3A_107 : memref<1x4096xf32, #tpu.memory_space<hbm>> -> memref<4096xf32, #tpu.memory_space<hbm>>
    %dma_start3A_109 = arith.constant 0 : i32
    %dma_start3A_110 = tpu.memref_slice %arg2[%add3A_105, %dma_start3A_109] : memref<12800x4096xf32, #tpu.memory_space<hbm>> -> memref<1x4096xf32, #tpu.memory_space<hbm>>
    %dma_start3A_111 = tpu.memref_squeeze %dma_start3A_110 : memref<1x4096xf32, #tpu.memory_space<hbm>> -> memref<4096xf32, #tpu.memory_space<hbm>>
    tpu.enqueue_dma source(%dma_start3A_111 : memref<4096xf32, #tpu.memory_space<hbm>>) target(%arg10 : memref<4096xf32, #tpu.memory_space<vmem>>) target_semaphore(%arg18 : memref<!tpu.dma_semaphore, #tpu.memory_space<semaphore_mem>>)
    %dma_wait3A_112 = arith.constant 2 : i32
    %dma_wait3A_113 = arith.constant 0 : i32
    %dma_wait3A_114 = tpu.memref_slice %arg3[%dma_wait3A_112, %dma_wait3A_113] : memref<200x4096xi32, #tpu.memory_space<hbm>> -> memref<1x4096xi32, #tpu.memory_space<hbm>>
    %dma_wait3A_115 = tpu.memref_squeeze %dma_wait3A_114 : memref<1x4096xi32, #tpu.memory_space<hbm>> -> memref<4096xi32, #tpu.memory_space<hbm>>
    %dma_wait3A_116 = arith.constant 0 : i32
    %dma_wait3A_117 = tpu.memref_slice %arg3[%dma_wait3A_112, %dma_wait3A_116] : memref<200x4096xi32, #tpu.memory_space<hbm>> -> memref<1x4096xi32, #tpu.memory_space<hbm>>
    %dma_wait3A_118 = tpu.memref_squeeze %dma_wait3A_117 : memref<1x4096xi32, #tpu.memory_space<hbm>> -> memref<4096xi32, #tpu.memory_space<hbm>>
    tpu.wait_dma2 semaphore(%arg13 : memref<!tpu.dma_semaphore, #tpu.memory_space<semaphore_mem>>) src(%dma_wait3A_118 : memref<4096xi32, #tpu.memory_space<hbm>>) dst(%arg11 : memref<4096xi32, #tpu.memory_space<vmem>>)
    %add3A_119 = arith.constant 128 : i32
    %add3A_120 = arith.addi %add3A_119, %add3A_2 : i32
    %dma_wait3A_121 = arith.constant 0 : i32
    %dma_wait3A_122 = tpu.memref_slice %arg2[%add3A_120, %dma_wait3A_121] : memref<12800x4096xf32, #tpu.memory_space<hbm>> -> memref<1x4096xf32, #tpu.memory_space<hbm>>
    %dma_wait3A_123 = tpu.memref_squeeze %dma_wait3A_122 : memref<1x4096xf32, #tpu.memory_space<hbm>> -> memref<4096xf32, #tpu.memory_space<hbm>>
    %dma_wait3A_124 = arith.constant 0 : i32
    %dma_wait3A_125 = tpu.memref_slice %arg2[%add3A_120, %dma_wait3A_124] : memref<12800x4096xf32, #tpu.memory_space<hbm>> -> memref<1x4096xf32, #tpu.memory_space<hbm>>
    %dma_wait3A_126 = tpu.memref_squeeze %dma_wait3A_125 : memref<1x4096xf32, #tpu.memory_space<hbm>> -> memref<4096xf32, #tpu.memory_space<hbm>>
    tpu.wait_dma2 semaphore(%arg17 : memref<!tpu.dma_semaphore, #tpu.memory_space<semaphore_mem>>) src(%dma_wait3A_126 : memref<4096xf32, #tpu.memory_space<hbm>>) dst(%arg9 : memref<4096xf32, #tpu.memory_space<vmem>>)
    %parallel_loop3A_127 = arith.constant 0 : i32
    %parallel_loop3A_128 = arith.constant 4096 : i32
    %parallel_loop3A_129 = arith.constant 16 : i32
    scf.for %parallel_loop3A_797 = %parallel_loop3A_127 to %parallel_loop3A_128 step %parallel_loop3A_129  : i32 {
      %parallel_loop3A_798 = arith.index_cast %parallel_loop3A_797 : i32 to index
      %parallel_loop3A_799 = tpu.vector_load %arg11[%parallel_loop3A_798] {strides = array<i32>} : memref<4096xi32, #tpu.memory_space<vmem>>, vector<16xi32>,
      %parallel_loop3A_800 = tpu.vector_load_idx %arg6[%parallel_loop3A_799] : memref<100000xf32, #tpu.memory_space<vmem>>[vector<16xi32>], vector<16xf32>,
      %parallel_loop3A_801 = arith.index_cast %parallel_loop3A_797 : i32 to index
      %parallel_loop3A_802 = tpu.vector_load %arg9[%parallel_loop3A_801] {strides = array<i32>} : memref<4096xf32, #tpu.memory_space<vmem>>, vector<16xf32>,
      tpu.vector_store %arg9[%parallel_loop3A_801], %parallel_loop3A_800 {add = true, strides = array<i32>} : memref<4096xf32, #tpu.memory_space<vmem>>, vector<16xf32>,
    } {sc.loop_unroll_factor = 8 : i64, sc.parallel_access}
    %dma_start3A_130 = arith.constant 4 : i32
    %dma_start3A_131 = arith.constant 0 : i32
    %dma_start3A_132 = tpu.memref_slice %arg3[%dma_start3A_130, %dma_start3A_131] : memref<200x4096xi32, #tpu.memory_space<hbm>> -> memref<1x4096xi32, #tpu.memory_space<hbm>>
    %dma_start3A_133 = tpu.memref_squeeze %dma_start3A_132 : memref<1x4096xi32, #tpu.memory_space<hbm>> -> memref<4096xi32, #tpu.memory_space<hbm>>
    %dma_start3A_134 = arith.constant 0 : i32
    %dma_start3A_135 = tpu.memref_slice %arg3[%dma_start3A_130, %dma_start3A_134] : memref<200x4096xi32, #tpu.memory_space<hbm>> -> memref<1x4096xi32, #tpu.memory_space<hbm>>
    %dma_start3A_136 = tpu.memref_squeeze %dma_start3A_135 : memref<1x4096xi32, #tpu.memory_space<hbm>> -> memref<4096xi32, #tpu.memory_space<hbm>>
    tpu.enqueue_dma source(%dma_start3A_136 : memref<4096xi32, #tpu.memory_space<hbm>>) target(%arg11 : memref<4096xi32, #tpu.memory_space<vmem>>) target_semaphore(%arg13 : memref<!tpu.dma_semaphore, #tpu.memory_space<semaphore_mem>>)
    %add3A_137 = arith.constant 128 : i32
    %add3A_138 = arith.addi %add3A_137, %add3A_2 : i32
    %dma_start3A_139 = arith.constant 0 : i32
    %dma_start3A_140 = tpu.memref_slice %arg5[%add3A_138, %dma_start3A_139] : memref<12800x4096xf32, #tpu.memory_space<hbm>> -> memref<1x4096xf32, #tpu.memory_space<hbm>>
    %dma_start3A_141 = tpu.memref_squeeze %dma_start3A_140 : memref<1x4096xf32, #tpu.memory_space<hbm>> -> memref<4096xf32, #tpu.memory_space<hbm>>
    %dma_start3A_142 = arith.constant 0 : i32
    %dma_start3A_143 = tpu.memref_slice %arg5[%add3A_138, %dma_start3A_142] : memref<12800x4096xf32, #tpu.memory_space<hbm>> -> memref<1x4096xf32, #tpu.memory_space<hbm>>
    %dma_start3A_144 = tpu.memref_squeeze %dma_start3A_143 : memref<1x4096xf32, #tpu.memory_space<hbm>> -> memref<4096xf32, #tpu.memory_space<hbm>>
    tpu.enqueue_dma source(%arg9 : memref<4096xf32, #tpu.memory_space<vmem>>) target(%dma_start3A_144 : memref<4096xf32, #tpu.memory_space<hbm>>) target_semaphore(%arg21 : memref<!tpu.dma_semaphore, #tpu.memory_space<semaphore_mem>>)
    %add3A_145 = arith.constant 0 : i32
    %add3A_146 = arith.addi %add3A_145, %add3A_2 : i32
    %dma_wait3A_147 = arith.constant 0 : i32
    %dma_wait3A_148 = tpu.memref_slice %arg5[%add3A_146, %dma_wait3A_147] : memref<12800x4096xf32, #tpu.memory_space<hbm>> -> memref<1x4096xf32, #tpu.memory_space<hbm>>
    %dma_wait3A_149 = tpu.memref_squeeze %dma_wait3A_148 : memref<1x4096xf32, #tpu.memory_space<hbm>> -> memref<4096xf32, #tpu.memory_space<hbm>>
    %dma_wait3A_150 = arith.constant 0 : i32
    %dma_wait3A_151 = tpu.memref_slice %arg5[%add3A_146, %dma_wait3A_150] : memref<12800x4096xf32, #tpu.memory_space<hbm>> -> memref<1x4096xf32, #tpu.memory_space<hbm>>
    %dma_wait3A_152 = tpu.memref_squeeze %dma_wait3A_151 : memref<1x4096xf32, #tpu.memory_space<hbm>> -> memref<4096xf32, #tpu.memory_space<hbm>>
    tpu.wait_dma2 semaphore(%arg19 : memref<!tpu.dma_semaphore, #tpu.memory_space<semaphore_mem>>) src(%arg7 : memref<4096xf32, #tpu.memory_space<vmem>>) dst(%dma_wait3A_152 : memref<4096xf32, #tpu.memory_space<hbm>>)
    %add3A_153 = arith.constant 256 : i32
    %add3A_154 = arith.addi %add3A_153, %add3A_2 : i32
    %dma_start3A_155 = arith.constant 0 : i32
    %dma_start3A_156 = tpu.memref_slice %arg2[%add3A_154, %dma_start3A_155] : memref<12800x4096xf32, #tpu.memory_space<hbm>> -> memref<1x4096xf32, #tpu.memory_space<hbm>>
    %dma_start3A_157 = tpu.memref_squeeze %dma_start3A_156 : memref<1x4096xf32, #tpu.memory_space<hbm>> -> memref<4096xf32, #tpu.memory_space<hbm>>
    %dma_start3A_158 = arith.constant 0 : i32
    %dma_start3A_159 = tpu.memref_slice %arg2[%add3A_154, %dma_start3A_158] : memref<12800x4096xf32, #tpu.memory_space<hbm>> -> memref<1x4096xf32, #tpu.memory_space<hbm>>
    %dma_start3A_160 = tpu.memref_squeeze %dma_start3A_159 : memref<1x4096xf32, #tpu.memory_space<hbm>> -> memref<4096xf32, #tpu.memory_space<hbm>>
    tpu.enqueue_dma source(%dma_start3A_160 : memref<4096xf32, #tpu.memory_space<hbm>>) target(%arg7 : memref<4096xf32, #tpu.memory_space<vmem>>) target_semaphore(%arg15 : memref<!tpu.dma_semaphore, #tpu.memory_space<semaphore_mem>>)
    %dma_wait3A_161 = arith.constant 3 : i32
    %dma_wait3A_162 = arith.constant 0 : i32
    %dma_wait3A_163 = tpu.memref_slice %arg3[%dma_wait3A_161, %dma_wait3A_162] : memref<200x4096xi32, #tpu.memory_space<hbm>> -> memref<1x4096xi32, #tpu.memory_space<hbm>>
    %dma_wait3A_164 = tpu.memref_squeeze %dma_wait3A_163 : memref<1x4096xi32, #tpu.memory_space<hbm>> -> memref<4096xi32, #tpu.memory_space<hbm>>
    %dma_wait3A_165 = arith.constant 0 : i32
    %dma_wait3A_166 = tpu.memref_slice %arg3[%dma_wait3A_161, %dma_wait3A_165] : memref<200x4096xi32, #tpu.memory_space<hbm>> -> memref<1x4096xi32, #tpu.memory_space<hbm>>
    %dma_wait3A_167 = tpu.memref_squeeze %dma_wait3A_166 : memref<1x4096xi32, #tpu.memory_space<hbm>> -> memref<4096xi32, #tpu.memory_space<hbm>>
    tpu.wait_dma2 semaphore(%arg14 : memref<!tpu.dma_semaphore, #tpu.memory_space<semaphore_mem>>) src(%dma_wait3A_167 : memref<4096xi32, #tpu.memory_space<hbm>>) dst(%arg12 : memref<4096xi32, #tpu.memory_space<vmem>>)
    %add3A_168 = arith.constant 192 : i32
    %add3A_169 = arith.addi %add3A_168, %add3A_2 : i32
    %dma_wait3A_170 = arith.constant 0 : i32
    %dma_wait3A_171 = tpu.memref_slice %arg2[%add3A_169, %dma_wait3A_170] : memref<12800x4096xf32, #tpu.memory_space<hbm>> -> memref<1x4096xf32, #tpu.memory_space<hbm>>
    %dma_wait3A_172 = tpu.memref_squeeze %dma_wait3A_171 : memref<1x4096xf32, #tpu.memory_space<hbm>> -> memref<4096xf32, #tpu.memory_space<hbm>>
    %dma_wait3A_173 = arith.constant 0 : i32
    %dma_wait3A_174 = tpu.memref_slice %arg2[%add3A_169, %dma_wait3A_173] : memref<12800x4096xf32, #tpu.memory_space<hbm>> -> memref<1x4096xf32, #tpu.memory_space<hbm>>
    %dma_wait3A_175 = tpu.memref_squeeze %dma_wait3A_174 : memref<1x4096xf32, #tpu.memory_space<hbm>> -> memref<4096xf32, #tpu.memory_space<hbm>>
    tpu.wait_dma2 semaphore(%arg18 : memref<!tpu.dma_semaphore, #tpu.memory_space<semaphore_mem>>) src(%dma_wait3A_175 : memref<4096xf32, #tpu.memory_space<hbm>>) dst(%arg10 : memref<4096xf32, #tpu.memory_space<vmem>>)
    %parallel_loop3A_176 = arith.constant 0 : i32
    %parallel_loop3A_177 = arith.constant 4096 : i32
    %parallel_loop3A_178 = arith.constant 16 : i32
    scf.for %parallel_loop3A_797 = %parallel_loop3A_176 to %parallel_loop3A_177 step %parallel_loop3A_178  : i32 {
      %parallel_loop3A_798 = arith.index_cast %parallel_loop3A_797 : i32 to index
      %parallel_loop3A_799 = tpu.vector_load %arg12[%parallel_loop3A_798] {strides = array<i32>} : memref<4096xi32, #tpu.memory_space<vmem>>, vector<16xi32>,
      %parallel_loop3A_800 = tpu.vector_load_idx %arg6[%parallel_loop3A_799] : memref<100000xf32, #tpu.memory_space<vmem>>[vector<16xi32>], vector<16xf32>,
      %parallel_loop3A_801 = arith.index_cast %parallel_loop3A_797 : i32 to index
      %parallel_loop3A_802 = tpu.vector_load %arg10[%parallel_loop3A_801] {strides = array<i32>} : memref<4096xf32, #tpu.memory_space<vmem>>, vector<16xf32>,
      tpu.vector_store %arg10[%parallel_loop3A_801], %parallel_loop3A_800 {add = true, strides = array<i32>} : memref<4096xf32, #tpu.memory_space<vmem>>, vector<16xf32>,
    } {sc.loop_unroll_factor = 8 : i64, sc.parallel_access}
    %dma_start3A_179 = arith.constant 5 : i32
    %dma_start3A_180 = arith.constant 0 : i32
    %dma_start3A_181 = tpu.memref_slice %arg3[%dma_start3A_179, %dma_start3A_180] : memref<200x4096xi32, #tpu.memory_space<hbm>> -> memref<1x4096xi32, #tpu.memory_space<hbm>>
    %dma_start3A_182 = tpu.memref_squeeze %dma_start3A_181 : memref<1x4096xi32, #tpu.memory_space<hbm>> -> memref<4096xi32, #tpu.memory_space<hbm>>
    %dma_start3A_183 = arith.constant 0 : i32
    %dma_start3A_184 = tpu.memref_slice %arg3[%dma_start3A_179, %dma_start3A_183] : memref<200x4096xi32, #tpu.memory_space<hbm>> -> memref<1x4096xi32, #tpu.memory_space<hbm>>
    %dma_start3A_185 = tpu.memref_squeeze %dma_start3A_184 : memref<1x4096xi32, #tpu.memory_space<hbm>> -> memref<4096xi32, #tpu.memory_space<hbm>>
    tpu.enqueue_dma source(%dma_start3A_185 : memref<4096xi32, #tpu.memory_space<hbm>>) target(%arg12 : memref<4096xi32, #tpu.memory_space<vmem>>) target_semaphore(%arg14 : memref<!tpu.dma_semaphore, #tpu.memory_space<semaphore_mem>>)
    %add3A_186 = arith.constant 192 : i32
    %add3A_187 = arith.addi %add3A_186, %add3A_2 : i32
    %dma_start3A_188 = arith.constant 0 : i32
    %dma_start3A_189 = tpu.memref_slice %arg5[%add3A_187, %dma_start3A_188] : memref<12800x4096xf32, #tpu.memory_space<hbm>> -> memref<1x4096xf32, #tpu.memory_space<hbm>>
    %dma_start3A_190 = tpu.memref_squeeze %dma_start3A_189 : memref<1x4096xf32, #tpu.memory_space<hbm>> -> memref<4096xf32, #tpu.memory_space<hbm>>
    %dma_start3A_191 = arith.constant 0 : i32
    %dma_start3A_192 = tpu.memref_slice %arg5[%add3A_187, %dma_start3A_191] : memref<12800x4096xf32, #tpu.memory_space<hbm>> -> memref<1x4096xf32, #tpu.memory_space<hbm>>
    %dma_start3A_193 = tpu.memref_squeeze %dma_start3A_192 : memref<1x4096xf32, #tpu.memory_space<hbm>> -> memref<4096xf32, #tpu.memory_space<hbm>>
    tpu.enqueue_dma source(%arg10 : memref<4096xf32, #tpu.memory_space<vmem>>) target(%dma_start3A_193 : memref<4096xf32, #tpu.memory_space<hbm>>) target_semaphore(%arg22 : memref<!tpu.dma_semaphore, #tpu.memory_space<semaphore_mem>>)
    %add3A_194 = arith.constant 64 : i32
    %add3A_195 = arith.addi %add3A_194, %add3A_2 : i32
    %dma_wait3A_196 = arith.constant 0 : i32
    %dma_wait3A_197 = tpu.memref_slice %arg5[%add3A_195, %dma_wait3A_196] : memref<12800x4096xf32, #tpu.memory_space<hbm>> -> memref<1x4096xf32, #tpu.memory_space<hbm>>
    %dma_wait3A_198 = tpu.memref_squeeze %dma_wait3A_197 : memref<1x4096xf32, #tpu.memory_space<hbm>> -> memref<4096xf32, #tpu.memory_space<hbm>>
    %dma_wait3A_199 = arith.constant 0 : i32
    %dma_wait3A_200 = tpu.memref_slice %arg5[%add3A_195, %dma_wait3A_199] : memref<12800x4096xf32, #tpu.memory_space<hbm>> -> memref<1x4096xf32, #tpu.memory_space<hbm>>
    %dma_wait3A_201 = tpu.memref_squeeze %dma_wait3A_200 : memref<1x4096xf32, #tpu.memory_space<hbm>> -> memref<4096xf32, #tpu.memory_space<hbm>>
    tpu.wait_dma2 semaphore(%arg20 : memref<!tpu.dma_semaphore, #tpu.memory_space<semaphore_mem>>) src(%arg8 : memref<4096xf32, #tpu.memory_space<vmem>>) dst(%dma_wait3A_201 : memref<4096xf32, #tpu.memory_space<hbm>>)
    %add3A_202 = arith.constant 320 : i32
    %add3A_203 = arith.addi %add3A_202, %add3A_2 : i32
    %dma_start3A_204 = arith.constant 0 : i32
    %dma_start3A_205 = tpu.memref_slice %arg2[%add3A_203, %dma_start3A_204] : memref<12800x4096xf32, #tpu.memory_space<hbm>> -> memref<1x4096xf32, #tpu.memory_space<hbm>>
    %dma_start3A_206 = tpu.memref_squeeze %dma_start3A_205 : memref<1x4096xf32, #tpu.memory_space<hbm>> -> memref<4096xf32, #tpu.memory_space<hbm>>
    %dma_start3A_207 = arith.constant 0 : i32
    %dma_start3A_208 = tpu.memref_slice %arg2[%add3A_203, %dma_start3A_207] : memref<12800x4096xf32, #tpu.memory_space<hbm>> -> memref<1x4096xf32, #tpu.memory_space<hbm>>
    %dma_start3A_209 = tpu.memref_squeeze %dma_start3A_208 : memref<1x4096xf32, #tpu.memory_space<hbm>> -> memref<4096xf32, #tpu.memory_space<hbm>>
    tpu.enqueue_dma source(%dma_start3A_209 : memref<4096xf32, #tpu.memory_space<hbm>>) target(%arg8 : memref<4096xf32, #tpu.memory_space<vmem>>) target_semaphore(%arg16 : memref<!tpu.dma_semaphore, #tpu.memory_space<semaphore_mem>>)
    %scan3A = arith.constant 0 : i32
    %scan3A_210 = arith.constant 1 : i32
    %scan3A_211 = arith.constant 48 : i32
    %scan3A_212 = arith.addi %scan3A_210, %scan3A_211 : i32
    %scan3A_213 = arith.constant 1 : i32
    scf.for %scan3A_797 = %scan3A_210 to %scan3A_212 step %scan3A_213  : i32 {
      %mul3A_798 = arith.constant 4 : i32
      %mul3A_799 = arith.muli %mul3A_798, %scan3A_797 : i32
      %add3A_800 = arith.constant 0 : i32
      %add3A_801 = arith.addi %mul3A_799, %add3A_800 : i32
      %dma_wait3A_802 = arith.constant 0 : i32
      %dma_wait3A_803 = tpu.memref_slice %arg3[%add3A_801, %dma_wait3A_802] : memref<200x4096xi32, #tpu.memory_space<hbm>> -> memref<1x4096xi32, #tpu.memory_space<hbm>>
      %dma_wait3A_804 = tpu.memref_squeeze %dma_wait3A_803 : memref<1x4096xi32, #tpu.memory_space<hbm>> -> memref<4096xi32, #tpu.memory_space<hbm>>
      %dma_wait3A_805 = arith.constant 0 : i32
      %dma_wait3A_806 = tpu.memref_slice %arg3[%add3A_801, %dma_wait3A_805] : memref<200x4096xi32, #tpu.memory_space<hbm>> -> memref<1x4096xi32, #tpu.memory_space<hbm>>
      %dma_wait3A_807 = tpu.memref_squeeze %dma_wait3A_806 : memref<1x4096xi32, #tpu.memory_space<hbm>> -> memref<4096xi32, #tpu.memory_space<hbm>>
      tpu.wait_dma2 semaphore(%arg13 : memref<!tpu.dma_semaphore, #tpu.memory_space<semaphore_mem>>) src(%dma_wait3A_807 : memref<4096xi32, #tpu.memory_space<hbm>>) dst(%arg11 : memref<4096xi32, #tpu.memory_space<vmem>>)
      %mul3A_808 = arith.constant 64 : i32
      %mul3A_809 = arith.muli %add3A_801, %mul3A_808 : i32
      %add3A_810 = arith.addi %mul3A_809, %add3A_2 : i32
      %dma_wait3A_811 = arith.constant 0 : i32
      %dma_wait3A_812 = tpu.memref_slice %arg2[%add3A_810, %dma_wait3A_811] : memref<12800x4096xf32, #tpu.memory_space<hbm>> -> memref<1x4096xf32, #tpu.memory_space<hbm>>
      %dma_wait3A_813 = tpu.memref_squeeze %dma_wait3A_812 : memref<1x4096xf32, #tpu.memory_space<hbm>> -> memref<4096xf32, #tpu.memory_space<hbm>>
      %dma_wait3A_814 = arith.constant 0 : i32
      %dma_wait3A_815 = tpu.memref_slice %arg2[%add3A_810, %dma_wait3A_814] : memref<12800x4096xf32, #tpu.memory_space<hbm>> -> memref<1x4096xf32, #tpu.memory_space<hbm>>
      %dma_wait3A_816 = tpu.memref_squeeze %dma_wait3A_815 : memref<1x4096xf32, #tpu.memory_space<hbm>> -> memref<4096xf32, #tpu.memory_space<hbm>>
      tpu.wait_dma2 semaphore(%arg15 : memref<!tpu.dma_semaphore, #tpu.memory_space<semaphore_mem>>) src(%dma_wait3A_816 : memref<4096xf32, #tpu.memory_space<hbm>>) dst(%arg7 : memref<4096xf32, #tpu.memory_space<vmem>>)
      %parallel_loop3A_817 = arith.constant 0 : i32
      %parallel_loop3A_818 = arith.constant 4096 : i32
      %parallel_loop3A_819 = arith.constant 16 : i32
      scf.for %parallel_loop3A_1041 = %parallel_loop3A_817 to %parallel_loop3A_818 step %parallel_loop3A_819  : i32 {
        %parallel_loop3A_1042 = arith.index_cast %parallel_loop3A_1041 : i32 to index
        %parallel_loop3A_1043 = tpu.vector_load %arg11[%parallel_loop3A_1042] {strides = array<i32>} : memref<4096xi32, #tpu.memory_space<vmem>>, vector<16xi32>,
        %parallel_loop3A_1044 = tpu.vector_load_idx %arg6[%parallel_loop3A_1043] : memref<100000xf32, #tpu.memory_space<vmem>>[vector<16xi32>], vector<16xf32>,
        %parallel_loop3A_1045 = arith.index_cast %parallel_loop3A_1041 : i32 to index
        %parallel_loop3A_1046 = tpu.vector_load %arg7[%parallel_loop3A_1045] {strides = array<i32>} : memref<4096xf32, #tpu.memory_space<vmem>>, vector<16xf32>,
        tpu.vector_store %arg7[%parallel_loop3A_1045], %parallel_loop3A_1044 {add = true, strides = array<i32>} : memref<4096xf32, #tpu.memory_space<vmem>>, vector<16xf32>,
      } {sc.loop_unroll_factor = 8 : i64, sc.parallel_access}
      %add3A_820 = arith.constant 2 : i32
      %add3A_821 = arith.addi %add3A_801, %add3A_820 : i32
      %dma_start3A_822 = arith.constant 0 : i32
      %dma_start3A_823 = tpu.memref_slice %arg3[%add3A_821, %dma_start3A_822] : memref<200x4096xi32, #tpu.memory_space<hbm>> -> memref<1x4096xi32, #tpu.memory_space<hbm>>
      %dma_start3A_824 = tpu.memref_squeeze %dma_start3A_823 : memref<1x4096xi32, #tpu.memory_space<hbm>> -> memref<4096xi32, #tpu.memory_space<hbm>>
      %dma_start3A_825 = arith.constant 0 : i32
      %dma_start3A_826 = tpu.memref_slice %arg3[%add3A_821, %dma_start3A_825] : memref<200x4096xi32, #tpu.memory_space<hbm>> -> memref<1x4096xi32, #tpu.memory_space<hbm>>
      %dma_start3A_827 = tpu.memref_squeeze %dma_start3A_826 : memref<1x4096xi32, #tpu.memory_space<hbm>> -> memref<4096xi32, #tpu.memory_space<hbm>>
      tpu.enqueue_dma source(%dma_start3A_827 : memref<4096xi32, #tpu.memory_space<hbm>>) target(%arg11 : memref<4096xi32, #tpu.memory_space<vmem>>) target_semaphore(%arg13 : memref<!tpu.dma_semaphore, #tpu.memory_space<semaphore_mem>>)
      %mul3A_828 = arith.constant 64 : i32
      %mul3A_829 = arith.muli %add3A_801, %mul3A_828 : i32
      %add3A_830 = arith.addi %mul3A_829, %add3A_2 : i32
      %dma_start3A_831 = arith.constant 0 : i32
      %dma_start3A_832 = tpu.memref_slice %arg5[%add3A_830, %dma_start3A_831] : memref<12800x4096xf32, #tpu.memory_space<hbm>> -> memref<1x4096xf32, #tpu.memory_space<hbm>>
      %dma_start3A_833 = tpu.memref_squeeze %dma_start3A_832 : memref<1x4096xf32, #tpu.memory_space<hbm>> -> memref<4096xf32, #tpu.memory_space<hbm>>
      %dma_start3A_834 = arith.constant 0 : i32
      %dma_start3A_835 = tpu.memref_slice %arg5[%add3A_830, %dma_start3A_834] : memref<12800x4096xf32, #tpu.memory_space<hbm>> -> memref<1x4096xf32, #tpu.memory_space<hbm>>
      %dma_start3A_836 = tpu.memref_squeeze %dma_start3A_835 : memref<1x4096xf32, #tpu.memory_space<hbm>> -> memref<4096xf32, #tpu.memory_space<hbm>>
      tpu.enqueue_dma source(%arg7 : memref<4096xf32, #tpu.memory_space<vmem>>) target(%dma_start3A_836 : memref<4096xf32, #tpu.memory_space<hbm>>) target_semaphore(%arg19 : memref<!tpu.dma_semaphore, #tpu.memory_space<semaphore_mem>>)
      %sub3A = arith.constant 2 : i32
      %sub3A_837 = arith.subi %add3A_801, %sub3A : i32
      %mul3A_838 = arith.constant 64 : i32
      %mul3A_839 = arith.muli %sub3A_837, %mul3A_838 : i32
      %add3A_840 = arith.addi %mul3A_839, %add3A_2 : i32
      %dma_wait3A_841 = arith.constant 0 : i32
      %dma_wait3A_842 = tpu.memref_slice %arg5[%add3A_840, %dma_wait3A_841] : memref<12800x4096xf32, #tpu.memory_space<hbm>> -> memref<1x4096xf32, #tpu.memory_space<hbm>>
      %dma_wait3A_843 = tpu.memref_squeeze %dma_wait3A_842 : memref<1x4096xf32, #tpu.memory_space<hbm>> -> memref<4096xf32, #tpu.memory_space<hbm>>
      %dma_wait3A_844 = arith.constant 0 : i32
      %dma_wait3A_845 = tpu.memref_slice %arg5[%add3A_840, %dma_wait3A_844] : memref<12800x4096xf32, #tpu.memory_space<hbm>> -> memref<1x4096xf32, #tpu.memory_space<hbm>>
      %dma_wait3A_846 = tpu.memref_squeeze %dma_wait3A_845 : memref<1x4096xf32, #tpu.memory_space<hbm>> -> memref<4096xf32, #tpu.memory_space<hbm>>
      tpu.wait_dma2 semaphore(%arg21 : memref<!tpu.dma_semaphore, #tpu.memory_space<semaphore_mem>>) src(%arg9 : memref<4096xf32, #tpu.memory_space<vmem>>) dst(%dma_wait3A_846 : memref<4096xf32, #tpu.memory_space<hbm>>)
      %add3A_847 = arith.constant 2 : i32
      %add3A_848 = arith.addi %add3A_801, %add3A_847 : i32
      %mul3A_849 = arith.constant 64 : i32
      %mul3A_850 = arith.muli %add3A_848, %mul3A_849 : i32
      %add3A_851 = arith.addi %mul3A_850, %add3A_2 : i32
      %dma_start3A_852 = arith.constant 0 : i32
      %dma_start3A_853 = tpu.memref_slice %arg2[%add3A_851, %dma_start3A_852] : memref<12800x4096xf32, #tpu.memory_space<hbm>> -> memref<1x4096xf32, #tpu.memory_space<hbm>>
      %dma_start3A_854 = tpu.memref_squeeze %dma_start3A_853 : memref<1x4096xf32, #tpu.memory_space<hbm>> -> memref<4096xf32, #tpu.memory_space<hbm>>
      %dma_start3A_855 = arith.constant 0 : i32
      %dma_start3A_856 = tpu.memref_slice %arg2[%add3A_851, %dma_start3A_855] : memref<12800x4096xf32, #tpu.memory_space<hbm>> -> memref<1x4096xf32, #tpu.memory_space<hbm>>
      %dma_start3A_857 = tpu.memref_squeeze %dma_start3A_856 : memref<1x4096xf32, #tpu.memory_space<hbm>> -> memref<4096xf32, #tpu.memory_space<hbm>>
      tpu.enqueue_dma source(%dma_start3A_857 : memref<4096xf32, #tpu.memory_space<hbm>>) target(%arg9 : memref<4096xf32, #tpu.memory_space<vmem>>) target_semaphore(%arg17 : memref<!tpu.dma_semaphore, #tpu.memory_space<semaphore_mem>>)
      %mul3A_858 = arith.constant 4 : i32
      %mul3A_859 = arith.muli %mul3A_858, %scan3A_797 : i32
      %add3A_860 = arith.constant 1 : i32
      %add3A_861 = arith.addi %mul3A_859, %add3A_860 : i32
      %dma_wait3A_862 = arith.constant 0 : i32
      %dma_wait3A_863 = tpu.memref_slice %arg3[%add3A_861, %dma_wait3A_862] : memref<200x4096xi32, #tpu.memory_space<hbm>> -> memref<1x4096xi32, #tpu.memory_space<hbm>>
      %dma_wait3A_864 = tpu.memref_squeeze %dma_wait3A_863 : memref<1x4096xi32, #tpu.memory_space<hbm>> -> memref<4096xi32, #tpu.memory_space<hbm>>
      %dma_wait3A_865 = arith.constant 0 : i32
      %dma_wait3A_866 = tpu.memref_slice %arg3[%add3A_861, %dma_wait3A_865] : memref<200x4096xi32, #tpu.memory_space<hbm>> -> memref<1x4096xi32, #tpu.memory_space<hbm>>
      %dma_wait3A_867 = tpu.memref_squeeze %dma_wait3A_866 : memref<1x4096xi32, #tpu.memory_space<hbm>> -> memref<4096xi32, #tpu.memory_space<hbm>>
      tpu.wait_dma2 semaphore(%arg14 : memref<!tpu.dma_semaphore, #tpu.memory_space<semaphore_mem>>) src(%dma_wait3A_867 : memref<4096xi32, #tpu.memory_space<hbm>>) dst(%arg12 : memref<4096xi32, #tpu.memory_space<vmem>>)
      %mul3A_868 = arith.constant 64 : i32
      %mul3A_869 = arith.muli %add3A_861, %mul3A_868 : i32
      %add3A_870 = arith.addi %mul3A_869, %add3A_2 : i32
      %dma_wait3A_871 = arith.constant 0 : i32
      %dma_wait3A_872 = tpu.memref_slice %arg2[%add3A_870, %dma_wait3A_871] : memref<12800x4096xf32, #tpu.memory_space<hbm>> -> memref<1x4096xf32, #tpu.memory_space<hbm>>
      %dma_wait3A_873 = tpu.memref_squeeze %dma_wait3A_872 : memref<1x4096xf32, #tpu.memory_space<hbm>> -> memref<4096xf32, #tpu.memory_space<hbm>>
      %dma_wait3A_874 = arith.constant 0 : i32
      %dma_wait3A_875 = tpu.memref_slice %arg2[%add3A_870, %dma_wait3A_874] : memref<12800x4096xf32, #tpu.memory_space<hbm>> -> memref<1x4096xf32, #tpu.memory_space<hbm>>
      %dma_wait3A_876 = tpu.memref_squeeze %dma_wait3A_875 : memref<1x4096xf32, #tpu.memory_space<hbm>> -> memref<4096xf32, #tpu.memory_space<hbm>>
      tpu.wait_dma2 semaphore(%arg16 : memref<!tpu.dma_semaphore, #tpu.memory_space<semaphore_mem>>) src(%dma_wait3A_876 : memref<4096xf32, #tpu.memory_space<hbm>>) dst(%arg8 : memref<4096xf32, #tpu.memory_space<vmem>>)
      %parallel_loop3A_877 = arith.constant 0 : i32
      %parallel_loop3A_878 = arith.constant 4096 : i32
      %parallel_loop3A_879 = arith.constant 16 : i32
      scf.for %parallel_loop3A_1041 = %parallel_loop3A_877 to %parallel_loop3A_878 step %parallel_loop3A_879  : i32 {
        %parallel_loop3A_1042 = arith.index_cast %parallel_loop3A_1041 : i32 to index
        %parallel_loop3A_1043 = tpu.vector_load %arg12[%parallel_loop3A_1042] {strides = array<i32>} : memref<4096xi32, #tpu.memory_space<vmem>>, vector<16xi32>,
        %parallel_loop3A_1044 = tpu.vector_load_idx %arg6[%parallel_loop3A_1043] : memref<100000xf32, #tpu.memory_space<vmem>>[vector<16xi32>], vector<16xf32>,
        %parallel_loop3A_1045 = arith.index_cast %parallel_loop3A_1041 : i32 to index
        %parallel_loop3A_1046 = tpu.vector_load %arg8[%parallel_loop3A_1045] {strides = array<i32>} : memref<4096xf32, #tpu.memory_space<vmem>>, vector<16xf32>,
        tpu.vector_store %arg8[%parallel_loop3A_1045], %parallel_loop3A_1044 {add = true, strides = array<i32>} : memref<4096xf32, #tpu.memory_space<vmem>>, vector<16xf32>,
      } {sc.loop_unroll_factor = 8 : i64, sc.parallel_access}
      %add3A_880 = arith.constant 2 : i32
      %add3A_881 = arith.addi %add3A_861, %add3A_880 : i32
      %dma_start3A_882 = arith.constant 0 : i32
      %dma_start3A_883 = tpu.memref_slice %arg3[%add3A_881, %dma_start3A_882] : memref<200x4096xi32, #tpu.memory_space<hbm>> -> memref<1x4096xi32, #tpu.memory_space<hbm>>
      %dma_start3A_884 = tpu.memref_squeeze %dma_start3A_883 : memref<1x4096xi32, #tpu.memory_space<hbm>> -> memref<4096xi32, #tpu.memory_space<hbm>>
      %dma_start3A_885 = arith.constant 0 : i32
      %dma_start3A_886 = tpu.memref_slice %arg3[%add3A_881, %dma_start3A_885] : memref<200x4096xi32, #tpu.memory_space<hbm>> -> memref<1x4096xi32, #tpu.memory_space<hbm>>
      %dma_start3A_887 = tpu.memref_squeeze %dma_start3A_886 : memref<1x4096xi32, #tpu.memory_space<hbm>> -> memref<4096xi32, #tpu.memory_space<hbm>>
      tpu.enqueue_dma source(%dma_start3A_887 : memref<4096xi32, #tpu.memory_space<hbm>>) target(%arg12 : memref<4096xi32, #tpu.memory_space<vmem>>) target_semaphore(%arg14 : memref<!tpu.dma_semaphore, #tpu.memory_space<semaphore_mem>>)
      %mul3A_888 = arith.constant 64 : i32
      %mul3A_889 = arith.muli %add3A_861, %mul3A_888 : i32
      %add3A_890 = arith.addi %mul3A_889, %add3A_2 : i32
      %dma_start3A_891 = arith.constant 0 : i32
      %dma_start3A_892 = tpu.memref_slice %arg5[%add3A_890, %dma_start3A_891] : memref<12800x4096xf32, #tpu.memory_space<hbm>> -> memref<1x4096xf32, #tpu.memory_space<hbm>>
      %dma_start3A_893 = tpu.memref_squeeze %dma_start3A_892 : memref<1x4096xf32, #tpu.memory_space<hbm>> -> memref<4096xf32, #tpu.memory_space<hbm>>
      %dma_start3A_894 = arith.constant 0 : i32
      %dma_start3A_895 = tpu.memref_slice %arg5[%add3A_890, %dma_start3A_894] : memref<12800x4096xf32, #tpu.memory_space<hbm>> -> memref<1x4096xf32, #tpu.memory_space<hbm>>
      %dma_start3A_896 = tpu.memref_squeeze %dma_start3A_895 : memref<1x4096xf32, #tpu.memory_space<hbm>> -> memref<4096xf32, #tpu.memory_space<hbm>>
      tpu.enqueue_dma source(%arg8 : memref<4096xf32, #tpu.memory_space<vmem>>) target(%dma_start3A_896 : memref<4096xf32, #tpu.memory_space<hbm>>) target_semaphore(%arg20 : memref<!tpu.dma_semaphore, #tpu.memory_space<semaphore_mem>>)
      %sub3A_897 = arith.constant 2 : i32
      %sub3A_898 = arith.subi %add3A_861, %sub3A_897 : i32
      %mul3A_899 = arith.constant 64 : i32
      %mul3A_900 = arith.muli %sub3A_898, %mul3A_899 : i32
      %add3A_901 = arith.addi %mul3A_900, %add3A_2 : i32
      %dma_wait3A_902 = arith.constant 0 : i32
      %dma_wait3A_903 = tpu.memref_slice %arg5[%add3A_901, %dma_wait3A_902] : memref<12800x4096xf32, #tpu.memory_space<hbm>> -> memref<1x4096xf32, #tpu.memory_space<hbm>>
      %dma_wait3A_904 = tpu.memref_squeeze %dma_wait3A_903 : memref<1x4096xf32, #tpu.memory_space<hbm>> -> memref<4096xf32, #tpu.memory_space<hbm>>
      %dma_wait3A_905 = arith.constant 0 : i32
      %dma_wait3A_906 = tpu.memref_slice %arg5[%add3A_901, %dma_wait3A_905] : memref<12800x4096xf32, #tpu.memory_space<hbm>> -> memref<1x4096xf32, #tpu.memory_space<hbm>>
      %dma_wait3A_907 = tpu.memref_squeeze %dma_wait3A_906 : memref<1x4096xf32, #tpu.memory_space<hbm>> -> memref<4096xf32, #tpu.memory_space<hbm>>
      tpu.wait_dma2 semaphore(%arg22 : memref<!tpu.dma_semaphore, #tpu.memory_space<semaphore_mem>>) src(%arg10 : memref<4096xf32, #tpu.memory_space<vmem>>) dst(%dma_wait3A_907 : memref<4096xf32, #tpu.memory_space<hbm>>)
      %add3A_908 = arith.constant 2 : i32
      %add3A_909 = arith.addi %add3A_861, %add3A_908 : i32
      %mul3A_910 = arith.constant 64 : i32
      %mul3A_911 = arith.muli %add3A_909, %mul3A_910 : i32
      %add3A_912 = arith.addi %mul3A_911, %add3A_2 : i32
      %dma_start3A_913 = arith.constant 0 : i32
      %dma_start3A_914 = tpu.memref_slice %arg2[%add3A_912, %dma_start3A_913] : memref<12800x4096xf32, #tpu.memory_space<hbm>> -> memref<1x4096xf32, #tpu.memory_space<hbm>>
      %dma_start3A_915 = tpu.memref_squeeze %dma_start3A_914 : memref<1x4096xf32, #tpu.memory_space<hbm>> -> memref<4096xf32, #tpu.memory_space<hbm>>
      %dma_start3A_916 = arith.constant 0 : i32
      %dma_start3A_917 = tpu.memref_slice %arg2[%add3A_912, %dma_start3A_916] : memref<12800x4096xf32, #tpu.memory_space<hbm>> -> memref<1x4096xf32, #tpu.memory_space<hbm>>
      %dma_start3A_918 = tpu.memref_squeeze %dma_start3A_917 : memref<1x4096xf32, #tpu.memory_space<hbm>> -> memref<4096xf32, #tpu.memory_space<hbm>>
      tpu.enqueue_dma source(%dma_start3A_918 : memref<4096xf32, #tpu.memory_space<hbm>>) target(%arg10 : memref<4096xf32, #tpu.memory_space<vmem>>) target_semaphore(%arg18 : memref<!tpu.dma_semaphore, #tpu.memory_space<semaphore_mem>>)
      %mul3A_919 = arith.constant 4 : i32
      %mul3A_920 = arith.muli %mul3A_919, %scan3A_797 : i32
      %add3A_921 = arith.constant 2 : i32
      %add3A_922 = arith.addi %mul3A_920, %add3A_921 : i32
      %dma_wait3A_923 = arith.constant 0 : i32
      %dma_wait3A_924 = tpu.memref_slice %arg3[%add3A_922, %dma_wait3A_923] : memref<200x4096xi32, #tpu.memory_space<hbm>> -> memref<1x4096xi32, #tpu.memory_space<hbm>>
      %dma_wait3A_925 = tpu.memref_squeeze %dma_wait3A_924 : memref<1x4096xi32, #tpu.memory_space<hbm>> -> memref<4096xi32, #tpu.memory_space<hbm>>
      %dma_wait3A_926 = arith.constant 0 : i32
      %dma_wait3A_927 = tpu.memref_slice %arg3[%add3A_922, %dma_wait3A_926] : memref<200x4096xi32, #tpu.memory_space<hbm>> -> memref<1x4096xi32, #tpu.memory_space<hbm>>
      %dma_wait3A_928 = tpu.memref_squeeze %dma_wait3A_927 : memref<1x4096xi32, #tpu.memory_space<hbm>> -> memref<4096xi32, #tpu.memory_space<hbm>>
      tpu.wait_dma2 semaphore(%arg13 : memref<!tpu.dma_semaphore, #tpu.memory_space<semaphore_mem>>) src(%dma_wait3A_928 : memref<4096xi32, #tpu.memory_space<hbm>>) dst(%arg11 : memref<4096xi32, #tpu.memory_space<vmem>>)
      %mul3A_929 = arith.constant 64 : i32
      %mul3A_930 = arith.muli %add3A_922, %mul3A_929 : i32
      %add3A_931 = arith.addi %mul3A_930, %add3A_2 : i32
      %dma_wait3A_932 = arith.constant 0 : i32
      %dma_wait3A_933 = tpu.memref_slice %arg2[%add3A_931, %dma_wait3A_932] : memref<12800x4096xf32, #tpu.memory_space<hbm>> -> memref<1x4096xf32, #tpu.memory_space<hbm>>
      %dma_wait3A_934 = tpu.memref_squeeze %dma_wait3A_933 : memref<1x4096xf32, #tpu.memory_space<hbm>> -> memref<4096xf32, #tpu.memory_space<hbm>>
      %dma_wait3A_935 = arith.constant 0 : i32
      %dma_wait3A_936 = tpu.memref_slice %arg2[%add3A_931, %dma_wait3A_935] : memref<12800x4096xf32, #tpu.memory_space<hbm>> -> memref<1x4096xf32, #tpu.memory_space<hbm>>
      %dma_wait3A_937 = tpu.memref_squeeze %dma_wait3A_936 : memref<1x4096xf32, #tpu.memory_space<hbm>> -> memref<4096xf32, #tpu.memory_space<hbm>>
      tpu.wait_dma2 semaphore(%arg17 : memref<!tpu.dma_semaphore, #tpu.memory_space<semaphore_mem>>) src(%dma_wait3A_937 : memref<4096xf32, #tpu.memory_space<hbm>>) dst(%arg9 : memref<4096xf32, #tpu.memory_space<vmem>>)
      %parallel_loop3A_938 = arith.constant 0 : i32
      %parallel_loop3A_939 = arith.constant 4096 : i32
      %parallel_loop3A_940 = arith.constant 16 : i32
      scf.for %parallel_loop3A_1041 = %parallel_loop3A_938 to %parallel_loop3A_939 step %parallel_loop3A_940  : i32 {
        %parallel_loop3A_1042 = arith.index_cast %parallel_loop3A_1041 : i32 to index
        %parallel_loop3A_1043 = tpu.vector_load %arg11[%parallel_loop3A_1042] {strides = array<i32>} : memref<4096xi32, #tpu.memory_space<vmem>>, vector<16xi32>,
        %parallel_loop3A_1044 = tpu.vector_load_idx %arg6[%parallel_loop3A_1043] : memref<100000xf32, #tpu.memory_space<vmem>>[vector<16xi32>], vector<16xf32>,
        %parallel_loop3A_1045 = arith.index_cast %parallel_loop3A_1041 : i32 to index
        %parallel_loop3A_1046 = tpu.vector_load %arg9[%parallel_loop3A_1045] {strides = array<i32>} : memref<4096xf32, #tpu.memory_space<vmem>>, vector<16xf32>,
        tpu.vector_store %arg9[%parallel_loop3A_1045], %parallel_loop3A_1044 {add = true, strides = array<i32>} : memref<4096xf32, #tpu.memory_space<vmem>>, vector<16xf32>,
      } {sc.loop_unroll_factor = 8 : i64, sc.parallel_access}
      %add3A_941 = arith.constant 2 : i32
      %add3A_942 = arith.addi %add3A_922, %add3A_941 : i32
      %dma_start3A_943 = arith.constant 0 : i32
      %dma_start3A_944 = tpu.memref_slice %arg3[%add3A_942, %dma_start3A_943] : memref<200x4096xi32, #tpu.memory_space<hbm>> -> memref<1x4096xi32, #tpu.memory_space<hbm>>
      %dma_start3A_945 = tpu.memref_squeeze %dma_start3A_944 : memref<1x4096xi32, #tpu.memory_space<hbm>> -> memref<4096xi32, #tpu.memory_space<hbm>>
      %dma_start3A_946 = arith.constant 0 : i32
      %dma_start3A_947 = tpu.memref_slice %arg3[%add3A_942, %dma_start3A_946] : memref<200x4096xi32, #tpu.memory_space<hbm>> -> memref<1x4096xi32, #tpu.memory_space<hbm>>
      %dma_start3A_948 = tpu.memref_squeeze %dma_start3A_947 : memref<1x4096xi32, #tpu.memory_space<hbm>> -> memref<4096xi32, #tpu.memory_space<hbm>>
      tpu.enqueue_dma source(%dma_start3A_948 : memref<4096xi32, #tpu.memory_space<hbm>>) target(%arg11 : memref<4096xi32, #tpu.memory_space<vmem>>) target_semaphore(%arg13 : memref<!tpu.dma_semaphore, #tpu.memory_space<semaphore_mem>>)
      %mul3A_949 = arith.constant 64 : i32
      %mul3A_950 = arith.muli %add3A_922, %mul3A_949 : i32
      %add3A_951 = arith.addi %mul3A_950, %add3A_2 : i32
      %dma_start3A_952 = arith.constant 0 : i32
      %dma_start3A_953 = tpu.memref_slice %arg5[%add3A_951, %dma_start3A_952] : memref<12800x4096xf32, #tpu.memory_space<hbm>> -> memref<1x4096xf32, #tpu.memory_space<hbm>>
      %dma_start3A_954 = tpu.memref_squeeze %dma_start3A_953 : memref<1x4096xf32, #tpu.memory_space<hbm>> -> memref<4096xf32, #tpu.memory_space<hbm>>
      %dma_start3A_955 = arith.constant 0 : i32
      %dma_start3A_956 = tpu.memref_slice %arg5[%add3A_951, %dma_start3A_955] : memref<12800x4096xf32, #tpu.memory_space<hbm>> -> memref<1x4096xf32, #tpu.memory_space<hbm>>
      %dma_start3A_957 = tpu.memref_squeeze %dma_start3A_956 : memref<1x4096xf32, #tpu.memory_space<hbm>> -> memref<4096xf32, #tpu.memory_space<hbm>>
      tpu.enqueue_dma source(%arg9 : memref<4096xf32, #tpu.memory_space<vmem>>) target(%dma_start3A_957 : memref<4096xf32, #tpu.memory_space<hbm>>) target_semaphore(%arg21 : memref<!tpu.dma_semaphore, #tpu.memory_space<semaphore_mem>>)
      %sub3A_958 = arith.constant 2 : i32
      %sub3A_959 = arith.subi %add3A_922, %sub3A_958 : i32
      %mul3A_960 = arith.constant 64 : i32
      %mul3A_961 = arith.muli %sub3A_959, %mul3A_960 : i32
      %add3A_962 = arith.addi %mul3A_961, %add3A_2 : i32
      %dma_wait3A_963 = arith.constant 0 : i32
      %dma_wait3A_964 = tpu.memref_slice %arg5[%add3A_962, %dma_wait3A_963] : memref<12800x4096xf32, #tpu.memory_space<hbm>> -> memref<1x4096xf32, #tpu.memory_space<hbm>>
      %dma_wait3A_965 = tpu.memref_squeeze %dma_wait3A_964 : memref<1x4096xf32, #tpu.memory_space<hbm>> -> memref<4096xf32, #tpu.memory_space<hbm>>
      %dma_wait3A_966 = arith.constant 0 : i32
      %dma_wait3A_967 = tpu.memref_slice %arg5[%add3A_962, %dma_wait3A_966] : memref<12800x4096xf32, #tpu.memory_space<hbm>> -> memref<1x4096xf32, #tpu.memory_space<hbm>>
      %dma_wait3A_968 = tpu.memref_squeeze %dma_wait3A_967 : memref<1x4096xf32, #tpu.memory_space<hbm>> -> memref<4096xf32, #tpu.memory_space<hbm>>
      tpu.wait_dma2 semaphore(%arg19 : memref<!tpu.dma_semaphore, #tpu.memory_space<semaphore_mem>>) src(%arg7 : memref<4096xf32, #tpu.memory_space<vmem>>) dst(%dma_wait3A_968 : memref<4096xf32, #tpu.memory_space<hbm>>)
      %add3A_969 = arith.constant 2 : i32
      %add3A_970 = arith.addi %add3A_922, %add3A_969 : i32
      %mul3A_971 = arith.constant 64 : i32
      %mul3A_972 = arith.muli %add3A_970, %mul3A_971 : i32
      %add3A_973 = arith.addi %mul3A_972, %add3A_2 : i32
      %dma_start3A_974 = arith.constant 0 : i32
      %dma_start3A_975 = tpu.memref_slice %arg2[%add3A_973, %dma_start3A_974] : memref<12800x4096xf32, #tpu.memory_space<hbm>> -> memref<1x4096xf32, #tpu.memory_space<hbm>>
      %dma_start3A_976 = tpu.memref_squeeze %dma_start3A_975 : memref<1x4096xf32, #tpu.memory_space<hbm>> -> memref<4096xf32, #tpu.memory_space<hbm>>
      %dma_start3A_977 = arith.constant 0 : i32
      %dma_start3A_978 = tpu.memref_slice %arg2[%add3A_973, %dma_start3A_977] : memref<12800x4096xf32, #tpu.memory_space<hbm>> -> memref<1x4096xf32, #tpu.memory_space<hbm>>
      %dma_start3A_979 = tpu.memref_squeeze %dma_start3A_978 : memref<1x4096xf32, #tpu.memory_space<hbm>> -> memref<4096xf32, #tpu.memory_space<hbm>>
      tpu.enqueue_dma source(%dma_start3A_979 : memref<4096xf32, #tpu.memory_space<hbm>>) target(%arg7 : memref<4096xf32, #tpu.memory_space<vmem>>) target_semaphore(%arg15 : memref<!tpu.dma_semaphore, #tpu.memory_space<semaphore_mem>>)
      %mul3A_980 = arith.constant 4 : i32
      %mul3A_981 = arith.muli %mul3A_980, %scan3A_797 : i32
      %add3A_982 = arith.constant 3 : i32
      %add3A_983 = arith.addi %mul3A_981, %add3A_982 : i32
      %dma_wait3A_984 = arith.constant 0 : i32
      %dma_wait3A_985 = tpu.memref_slice %arg3[%add3A_983, %dma_wait3A_984] : memref<200x4096xi32, #tpu.memory_space<hbm>> -> memref<1x4096xi32, #tpu.memory_space<hbm>>
      %dma_wait3A_986 = tpu.memref_squeeze %dma_wait3A_985 : memref<1x4096xi32, #tpu.memory_space<hbm>> -> memref<4096xi32, #tpu.memory_space<hbm>>
      %dma_wait3A_987 = arith.constant 0 : i32
      %dma_wait3A_988 = tpu.memref_slice %arg3[%add3A_983, %dma_wait3A_987] : memref<200x4096xi32, #tpu.memory_space<hbm>> -> memref<1x4096xi32, #tpu.memory_space<hbm>>
      %dma_wait3A_989 = tpu.memref_squeeze %dma_wait3A_988 : memref<1x4096xi32, #tpu.memory_space<hbm>> -> memref<4096xi32, #tpu.memory_space<hbm>>
      tpu.wait_dma2 semaphore(%arg14 : memref<!tpu.dma_semaphore, #tpu.memory_space<semaphore_mem>>) src(%dma_wait3A_989 : memref<4096xi32, #tpu.memory_space<hbm>>) dst(%arg12 : memref<4096xi32, #tpu.memory_space<vmem>>)
      %mul3A_990 = arith.constant 64 : i32
      %mul3A_991 = arith.muli %add3A_983, %mul3A_990 : i32
      %add3A_992 = arith.addi %mul3A_991, %add3A_2 : i32
      %dma_wait3A_993 = arith.constant 0 : i32
      %dma_wait3A_994 = tpu.memref_slice %arg2[%add3A_992, %dma_wait3A_993] : memref<12800x4096xf32, #tpu.memory_space<hbm>> -> memref<1x4096xf32, #tpu.memory_space<hbm>>
      %dma_wait3A_995 = tpu.memref_squeeze %dma_wait3A_994 : memref<1x4096xf32, #tpu.memory_space<hbm>> -> memref<4096xf32, #tpu.memory_space<hbm>>
      %dma_wait3A_996 = arith.constant 0 : i32
      %dma_wait3A_997 = tpu.memref_slice %arg2[%add3A_992, %dma_wait3A_996] : memref<12800x4096xf32, #tpu.memory_space<hbm>> -> memref<1x4096xf32, #tpu.memory_space<hbm>>
      %dma_wait3A_998 = tpu.memref_squeeze %dma_wait3A_997 : memref<1x4096xf32, #tpu.memory_space<hbm>> -> memref<4096xf32, #tpu.memory_space<hbm>>
      tpu.wait_dma2 semaphore(%arg18 : memref<!tpu.dma_semaphore, #tpu.memory_space<semaphore_mem>>) src(%dma_wait3A_998 : memref<4096xf32, #tpu.memory_space<hbm>>) dst(%arg10 : memref<4096xf32, #tpu.memory_space<vmem>>)
      %parallel_loop3A_999 = arith.constant 0 : i32
      %parallel_loop3A_1000 = arith.constant 4096 : i32
      %parallel_loop3A_1001 = arith.constant 16 : i32
      scf.for %parallel_loop3A_1041 = %parallel_loop3A_999 to %parallel_loop3A_1000 step %parallel_loop3A_1001  : i32 {
        %parallel_loop3A_1042 = arith.index_cast %parallel_loop3A_1041 : i32 to index
        %parallel_loop3A_1043 = tpu.vector_load %arg12[%parallel_loop3A_1042] {strides = array<i32>} : memref<4096xi32, #tpu.memory_space<vmem>>, vector<16xi32>,
        %parallel_loop3A_1044 = tpu.vector_load_idx %arg6[%parallel_loop3A_1043] : memref<100000xf32, #tpu.memory_space<vmem>>[vector<16xi32>], vector<16xf32>,
        %parallel_loop3A_1045 = arith.index_cast %parallel_loop3A_1041 : i32 to index
        %parallel_loop3A_1046 = tpu.vector_load %arg10[%parallel_loop3A_1045] {strides = array<i32>} : memref<4096xf32, #tpu.memory_space<vmem>>, vector<16xf32>,
        tpu.vector_store %arg10[%parallel_loop3A_1045], %parallel_loop3A_1044 {add = true, strides = array<i32>} : memref<4096xf32, #tpu.memory_space<vmem>>, vector<16xf32>,
      } {sc.loop_unroll_factor = 8 : i64, sc.parallel_access}
      %add3A_1002 = arith.constant 2 : i32
      %add3A_1003 = arith.addi %add3A_983, %add3A_1002 : i32
      %dma_start3A_1004 = arith.constant 0 : i32
      %dma_start3A_1005 = tpu.memref_slice %arg3[%add3A_1003, %dma_start3A_1004] : memref<200x4096xi32, #tpu.memory_space<hbm>> -> memref<1x4096xi32, #tpu.memory_space<hbm>>
      %dma_start3A_1006 = tpu.memref_squeeze %dma_start3A_1005 : memref<1x4096xi32, #tpu.memory_space<hbm>> -> memref<4096xi32, #tpu.memory_space<hbm>>
      %dma_start3A_1007 = arith.constant 0 : i32
      %dma_start3A_1008 = tpu.memref_slice %arg3[%add3A_1003, %dma_start3A_1007] : memref<200x4096xi32, #tpu.memory_space<hbm>> -> memref<1x4096xi32, #tpu.memory_space<hbm>>
      %dma_start3A_1009 = tpu.memref_squeeze %dma_start3A_1008 : memref<1x4096xi32, #tpu.memory_space<hbm>> -> memref<4096xi32, #tpu.memory_space<hbm>>
      tpu.enqueue_dma source(%dma_start3A_1009 : memref<4096xi32, #tpu.memory_space<hbm>>) target(%arg12 : memref<4096xi32, #tpu.memory_space<vmem>>) target_semaphore(%arg14 : memref<!tpu.dma_semaphore, #tpu.memory_space<semaphore_mem>>)
      %mul3A_1010 = arith.constant 64 : i32
      %mul3A_1011 = arith.muli %add3A_983, %mul3A_1010 : i32
      %add3A_1012 = arith.addi %mul3A_1011, %add3A_2 : i32
      %dma_start3A_1013 = arith.constant 0 : i32
      %dma_start3A_1014 = tpu.memref_slice %arg5[%add3A_1012, %dma_start3A_1013] : memref<12800x4096xf32, #tpu.memory_space<hbm>> -> memref<1x4096xf32, #tpu.memory_space<hbm>>
      %dma_start3A_1015 = tpu.memref_squeeze %dma_start3A_1014 : memref<1x4096xf32, #tpu.memory_space<hbm>> -> memref<4096xf32, #tpu.memory_space<hbm>>
      %dma_start3A_1016 = arith.constant 0 : i32
      %dma_start3A_1017 = tpu.memref_slice %arg5[%add3A_1012, %dma_start3A_1016] : memref<12800x4096xf32, #tpu.memory_space<hbm>> -> memref<1x4096xf32, #tpu.memory_space<hbm>>
      %dma_start3A_1018 = tpu.memref_squeeze %dma_start3A_1017 : memref<1x4096xf32, #tpu.memory_space<hbm>> -> memref<4096xf32, #tpu.memory_space<hbm>>
      tpu.enqueue_dma source(%arg10 : memref<4096xf32, #tpu.memory_space<vmem>>) target(%dma_start3A_1018 : memref<4096xf32, #tpu.memory_space<hbm>>) target_semaphore(%arg22 : memref<!tpu.dma_semaphore, #tpu.memory_space<semaphore_mem>>)
      %sub3A_1019 = arith.constant 2 : i32
      %sub3A_1020 = arith.subi %add3A_983, %sub3A_1019 : i32
      %mul3A_1021 = arith.constant 64 : i32
      %mul3A_1022 = arith.muli %sub3A_1020, %mul3A_1021 : i32
      %add3A_1023 = arith.addi %mul3A_1022, %add3A_2 : i32
      %dma_wait3A_1024 = arith.constant 0 : i32
      %dma_wait3A_1025 = tpu.memref_slice %arg5[%add3A_1023, %dma_wait3A_1024] : memref<12800x4096xf32, #tpu.memory_space<hbm>> -> memref<1x4096xf32, #tpu.memory_space<hbm>>
      %dma_wait3A_1026 = tpu.memref_squeeze %dma_wait3A_1025 : memref<1x4096xf32, #tpu.memory_space<hbm>> -> memref<4096xf32, #tpu.memory_space<hbm>>
      %dma_wait3A_1027 = arith.constant 0 : i32
      %dma_wait3A_1028 = tpu.memref_slice %arg5[%add3A_1023, %dma_wait3A_1027] : memref<12800x4096xf32, #tpu.memory_space<hbm>> -> memref<1x4096xf32, #tpu.memory_space<hbm>>
      %dma_wait3A_1029 = tpu.memref_squeeze %dma_wait3A_1028 : memref<1x4096xf32, #tpu.memory_space<hbm>> -> memref<4096xf32, #tpu.memory_space<hbm>>
      tpu.wait_dma2 semaphore(%arg20 : memref<!tpu.dma_semaphore, #tpu.memory_space<semaphore_mem>>) src(%arg8 : memref<4096xf32, #tpu.memory_space<vmem>>) dst(%dma_wait3A_1029 : memref<4096xf32, #tpu.memory_space<hbm>>)
      %add3A_1030 = arith.constant 2 : i32
      %add3A_1031 = arith.addi %add3A_983, %add3A_1030 : i32
      %mul3A_1032 = arith.constant 64 : i32
      %mul3A_1033 = arith.muli %add3A_1031, %mul3A_1032 : i32
      %add3A_1034 = arith.addi %mul3A_1033, %add3A_2 : i32
      %dma_start3A_1035 = arith.constant 0 : i32
      %dma_start3A_1036 = tpu.memref_slice %arg2[%add3A_1034, %dma_start3A_1035] : memref<12800x4096xf32, #tpu.memory_space<hbm>> -> memref<1x4096xf32, #tpu.memory_space<hbm>>
      %dma_start3A_1037 = tpu.memref_squeeze %dma_start3A_1036 : memref<1x4096xf32, #tpu.memory_space<hbm>> -> memref<4096xf32, #tpu.memory_space<hbm>>
      %dma_start3A_1038 = arith.constant 0 : i32
      %dma_start3A_1039 = tpu.memref_slice %arg2[%add3A_1034, %dma_start3A_1038] : memref<12800x4096xf32, #tpu.memory_space<hbm>> -> memref<1x4096xf32, #tpu.memory_space<hbm>>
      %dma_start3A_1040 = tpu.memref_squeeze %dma_start3A_1039 : memref<1x4096xf32, #tpu.memory_space<hbm>> -> memref<4096xf32, #tpu.memory_space<hbm>>
      tpu.enqueue_dma source(%dma_start3A_1040 : memref<4096xf32, #tpu.memory_space<hbm>>) target(%arg8 : memref<4096xf32, #tpu.memory_space<vmem>>) target_semaphore(%arg16 : memref<!tpu.dma_semaphore, #tpu.memory_space<semaphore_mem>>)
    }
    %scan3A_214 = arith.constant 48 : i32
    %dma_wait3A_215 = arith.constant 196 : i32
    %dma_wait3A_216 = arith.constant 0 : i32
    %dma_wait3A_217 = tpu.memref_slice %arg3[%dma_wait3A_215, %dma_wait3A_216] : memref<200x4096xi32, #tpu.memory_space<hbm>> -> memref<1x4096xi32, #tpu.memory_space<hbm>>
    %dma_wait3A_218 = tpu.memref_squeeze %dma_wait3A_217 : memref<1x4096xi32, #tpu.memory_space<hbm>> -> memref<4096xi32, #tpu.memory_space<hbm>>
    %dma_wait3A_219 = arith.constant 0 : i32
    %dma_wait3A_220 = tpu.memref_slice %arg3[%dma_wait3A_215, %dma_wait3A_219] : memref<200x4096xi32, #tpu.memory_space<hbm>> -> memref<1x4096xi32, #tpu.memory_space<hbm>>
    %dma_wait3A_221 = tpu.memref_squeeze %dma_wait3A_220 : memref<1x4096xi32, #tpu.memory_space<hbm>> -> memref<4096xi32, #tpu.memory_space<hbm>>
    tpu.wait_dma2 semaphore(%arg13 : memref<!tpu.dma_semaphore, #tpu.memory_space<semaphore_mem>>) src(%dma_wait3A_221 : memref<4096xi32, #tpu.memory_space<hbm>>) dst(%arg11 : memref<4096xi32, #tpu.memory_space<vmem>>)
    %add3A_222 = arith.constant 12544 : i32
    %add3A_223 = arith.addi %add3A_222, %add3A_2 : i32
    %dma_wait3A_224 = arith.constant 0 : i32
    %dma_wait3A_225 = tpu.memref_slice %arg2[%add3A_223, %dma_wait3A_224] : memref<12800x4096xf32, #tpu.memory_space<hbm>> -> memref<1x4096xf32, #tpu.memory_space<hbm>>
    %dma_wait3A_226 = tpu.memref_squeeze %dma_wait3A_225 : memref<1x4096xf32, #tpu.memory_space<hbm>> -> memref<4096xf32, #tpu.memory_space<hbm>>
    %dma_wait3A_227 = arith.constant 0 : i32
    %dma_wait3A_228 = tpu.memref_slice %arg2[%add3A_223, %dma_wait3A_227] : memref<12800x4096xf32, #tpu.memory_space<hbm>> -> memref<1x4096xf32, #tpu.memory_space<hbm>>
    %dma_wait3A_229 = tpu.memref_squeeze %dma_wait3A_228 : memref<1x4096xf32, #tpu.memory_space<hbm>> -> memref<4096xf32, #tpu.memory_space<hbm>>
    tpu.wait_dma2 semaphore(%arg15 : memref<!tpu.dma_semaphore, #tpu.memory_space<semaphore_mem>>) src(%dma_wait3A_229 : memref<4096xf32, #tpu.memory_space<hbm>>) dst(%arg7 : memref<4096xf32, #tpu.memory_space<vmem>>)
    %parallel_loop3A_230 = arith.constant 0 : i32
    %parallel_loop3A_231 = arith.constant 4096 : i32
    %parallel_loop3A_232 = arith.constant 16 : i32
    scf.for %parallel_loop3A_797 = %parallel_loop3A_230 to %parallel_loop3A_231 step %parallel_loop3A_232  : i32 {
      %parallel_loop3A_798 = arith.index_cast %parallel_loop3A_797 : i32 to index
      %parallel_loop3A_799 = tpu.vector_load %arg11[%parallel_loop3A_798] {strides = array<i32>} : memref<4096xi32, #tpu.memory_space<vmem>>, vector<16xi32>,
      %parallel_loop3A_800 = tpu.vector_load_idx %arg6[%parallel_loop3A_799] : memref<100000xf32, #tpu.memory_space<vmem>>[vector<16xi32>], vector<16xf32>,
      %parallel_loop3A_801 = arith.index_cast %parallel_loop3A_797 : i32 to index
      %parallel_loop3A_802 = tpu.vector_load %arg7[%parallel_loop3A_801] {strides = array<i32>} : memref<4096xf32, #tpu.memory_space<vmem>>, vector<16xf32>,
      tpu.vector_store %arg7[%parallel_loop3A_801], %parallel_loop3A_800 {add = true, strides = array<i32>} : memref<4096xf32, #tpu.memory_space<vmem>>, vector<16xf32>,
    } {sc.loop_unroll_factor = 8 : i64, sc.parallel_access}
    %dma_start3A_233 = arith.constant 198 : i32
    %dma_start3A_234 = arith.constant 0 : i32
    %dma_start3A_235 = tpu.memref_slice %arg3[%dma_start3A_233, %dma_start3A_234] : memref<200x4096xi32, #tpu.memory_space<hbm>> -> memref<1x4096xi32, #tpu.memory_space<hbm>>
    %dma_start3A_236 = tpu.memref_squeeze %dma_start3A_235 : memref<1x4096xi32, #tpu.memory_space<hbm>> -> memref<4096xi32, #tpu.memory_space<hbm>>
    %dma_start3A_237 = arith.constant 0 : i32
    %dma_start3A_238 = tpu.memref_slice %arg3[%dma_start3A_233, %dma_start3A_237] : memref<200x4096xi32, #tpu.memory_space<hbm>> -> memref<1x4096xi32, #tpu.memory_space<hbm>>
    %dma_start3A_239 = tpu.memref_squeeze %dma_start3A_238 : memref<1x4096xi32, #tpu.memory_space<hbm>> -> memref<4096xi32, #tpu.memory_space<hbm>>
    tpu.enqueue_dma source(%dma_start3A_239 : memref<4096xi32, #tpu.memory_space<hbm>>) target(%arg11 : memref<4096xi32, #tpu.memory_space<vmem>>) target_semaphore(%arg13 : memref<!tpu.dma_semaphore, #tpu.memory_space<semaphore_mem>>)
    %add3A_240 = arith.constant 12544 : i32
    %add3A_241 = arith.addi %add3A_240, %add3A_2 : i32
    %dma_start3A_242 = arith.constant 0 : i32
    %dma_start3A_243 = tpu.memref_slice %arg5[%add3A_241, %dma_start3A_242] : memref<12800x4096xf32, #tpu.memory_space<hbm>> -> memref<1x4096xf32, #tpu.memory_space<hbm>>
    %dma_start3A_244 = tpu.memref_squeeze %dma_start3A_243 : memref<1x4096xf32, #tpu.memory_space<hbm>> -> memref<4096xf32, #tpu.memory_space<hbm>>
    %dma_start3A_245 = arith.constant 0 : i32
    %dma_start3A_246 = tpu.memref_slice %arg5[%add3A_241, %dma_start3A_245] : memref<12800x4096xf32, #tpu.memory_space<hbm>> -> memref<1x4096xf32, #tpu.memory_space<hbm>>
    %dma_start3A_247 = tpu.memref_squeeze %dma_start3A_246 : memref<1x4096xf32, #tpu.memory_space<hbm>> -> memref<4096xf32, #tpu.memory_space<hbm>>
    tpu.enqueue_dma source(%arg7 : memref<4096xf32, #tpu.memory_space<vmem>>) target(%dma_start3A_247 : memref<4096xf32, #tpu.memory_space<hbm>>) target_semaphore(%arg19 : memref<!tpu.dma_semaphore, #tpu.memory_space<semaphore_mem>>)
    %add3A_248 = arith.constant 12416 : i32
    %add3A_249 = arith.addi %add3A_248, %add3A_2 : i32
    %dma_wait3A_250 = arith.constant 0 : i32
    %dma_wait3A_251 = tpu.memref_slice %arg5[%add3A_249, %dma_wait3A_250] : memref<12800x4096xf32, #tpu.memory_space<hbm>> -> memref<1x4096xf32, #tpu.memory_space<hbm>>
    %dma_wait3A_252 = tpu.memref_squeeze %dma_wait3A_251 : memref<1x4096xf32, #tpu.memory_space<hbm>> -> memref<4096xf32, #tpu.memory_space<hbm>>
    %dma_wait3A_253 = arith.constant 0 : i32
    %dma_wait3A_254 = tpu.memref_slice %arg5[%add3A_249, %dma_wait3A_253] : memref<12800x4096xf32, #tpu.memory_space<hbm>> -> memref<1x4096xf32, #tpu.memory_space<hbm>>
    %dma_wait3A_255 = tpu.memref_squeeze %dma_wait3A_254 : memref<1x4096xf32, #tpu.memory_space<hbm>> -> memref<4096xf32, #tpu.memory_space<hbm>>
    tpu.wait_dma2 semaphore(%arg21 : memref<!tpu.dma_semaphore, #tpu.memory_space<semaphore_mem>>) src(%arg9 : memref<4096xf32, #tpu.memory_space<vmem>>) dst(%dma_wait3A_255 : memref<4096xf32, #tpu.memory_space<hbm>>)
    %add3A_256 = arith.constant 12672 : i32
    %add3A_257 = arith.addi %add3A_256, %add3A_2 : i32
    %dma_start3A_258 = arith.constant 0 : i32
    %dma_start3A_259 = tpu.memref_slice %arg2[%add3A_257, %dma_start3A_258] : memref<12800x4096xf32, #tpu.memory_space<hbm>> -> memref<1x4096xf32, #tpu.memory_space<hbm>>
    %dma_start3A_260 = tpu.memref_squeeze %dma_start3A_259 : memref<1x4096xf32, #tpu.memory_space<hbm>> -> memref<4096xf32, #tpu.memory_space<hbm>>
    %dma_start3A_261 = arith.constant 0 : i32
    %dma_start3A_262 = tpu.memref_slice %arg2[%add3A_257, %dma_start3A_261] : memref<12800x4096xf32, #tpu.memory_space<hbm>> -> memref<1x4096xf32, #tpu.memory_space<hbm>>
    %dma_start3A_263 = tpu.memref_squeeze %dma_start3A_262 : memref<1x4096xf32, #tpu.memory_space<hbm>> -> memref<4096xf32, #tpu.memory_space<hbm>>
    tpu.enqueue_dma source(%dma_start3A_263 : memref<4096xf32, #tpu.memory_space<hbm>>) target(%arg9 : memref<4096xf32, #tpu.memory_space<vmem>>) target_semaphore(%arg17 : memref<!tpu.dma_semaphore, #tpu.memory_space<semaphore_mem>>)
    %dma_wait3A_264 = arith.constant 197 : i32
    %dma_wait3A_265 = arith.constant 0 : i32
    %dma_wait3A_266 = tpu.memref_slice %arg3[%dma_wait3A_264, %dma_wait3A_265] : memref<200x4096xi32, #tpu.memory_space<hbm>> -> memref<1x4096xi32, #tpu.memory_space<hbm>>
    %dma_wait3A_267 = tpu.memref_squeeze %dma_wait3A_266 : memref<1x4096xi32, #tpu.memory_space<hbm>> -> memref<4096xi32, #tpu.memory_space<hbm>>
    %dma_wait3A_268 = arith.constant 0 : i32
    %dma_wait3A_269 = tpu.memref_slice %arg3[%dma_wait3A_264, %dma_wait3A_268] : memref<200x4096xi32, #tpu.memory_space<hbm>> -> memref<1x4096xi32, #tpu.memory_space<hbm>>
    %dma_wait3A_270 = tpu.memref_squeeze %dma_wait3A_269 : memref<1x4096xi32, #tpu.memory_space<hbm>> -> memref<4096xi32, #tpu.memory_space<hbm>>
    tpu.wait_dma2 semaphore(%arg14 : memref<!tpu.dma_semaphore, #tpu.memory_space<semaphore_mem>>) src(%dma_wait3A_270 : memref<4096xi32, #tpu.memory_space<hbm>>) dst(%arg12 : memref<4096xi32, #tpu.memory_space<vmem>>)
    %add3A_271 = arith.constant 12608 : i32
    %add3A_272 = arith.addi %add3A_271, %add3A_2 : i32
    %dma_wait3A_273 = arith.constant 0 : i32
    %dma_wait3A_274 = tpu.memref_slice %arg2[%add3A_272, %dma_wait3A_273] : memref<12800x4096xf32, #tpu.memory_space<hbm>> -> memref<1x4096xf32, #tpu.memory_space<hbm>>
    %dma_wait3A_275 = tpu.memref_squeeze %dma_wait3A_274 : memref<1x4096xf32, #tpu.memory_space<hbm>> -> memref<4096xf32, #tpu.memory_space<hbm>>
    %dma_wait3A_276 = arith.constant 0 : i32
    %dma_wait3A_277 = tpu.memref_slice %arg2[%add3A_272, %dma_wait3A_276] : memref<12800x4096xf32, #tpu.memory_space<hbm>> -> memref<1x4096xf32, #tpu.memory_space<hbm>>
    %dma_wait3A_278 = tpu.memref_squeeze %dma_wait3A_277 : memref<1x4096xf32, #tpu.memory_space<hbm>> -> memref<4096xf32, #tpu.memory_space<hbm>>
    tpu.wait_dma2 semaphore(%arg16 : memref<!tpu.dma_semaphore, #tpu.memory_space<semaphore_mem>>) src(%dma_wait3A_278 : memref<4096xf32, #tpu.memory_space<hbm>>) dst(%arg8 : memref<4096xf32, #tpu.memory_space<vmem>>)
    %parallel_loop3A_279 = arith.constant 0 : i32
    %parallel_loop3A_280 = arith.constant 4096 : i32
    %parallel_loop3A_281 = arith.constant 16 : i32
    scf.for %parallel_loop3A_797 = %parallel_loop3A_279 to %parallel_loop3A_280 step %parallel_loop3A_281  : i32 {
      %parallel_loop3A_798 = arith.index_cast %parallel_loop3A_797 : i32 to index
      %parallel_loop3A_799 = tpu.vector_load %arg12[%parallel_loop3A_798] {strides = array<i32>} : memref<4096xi32, #tpu.memory_space<vmem>>, vector<16xi32>,
      %parallel_loop3A_800 = tpu.vector_load_idx %arg6[%parallel_loop3A_799] : memref<100000xf32, #tpu.memory_space<vmem>>[vector<16xi32>], vector<16xf32>,
      %parallel_loop3A_801 = arith.index_cast %parallel_loop3A_797 : i32 to index
      %parallel_loop3A_802 = tpu.vector_load %arg8[%parallel_loop3A_801] {strides = array<i32>} : memref<4096xf32, #tpu.memory_space<vmem>>, vector<16xf32>,
      tpu.vector_store %arg8[%parallel_loop3A_801], %parallel_loop3A_800 {add = true, strides = array<i32>} : memref<4096xf32, #tpu.memory_space<vmem>>, vector<16xf32>,
    } {sc.loop_unroll_factor = 8 : i64, sc.parallel_access}
    %dma_start3A_282 = arith.constant 199 : i32
    %dma_start3A_283 = arith.constant 0 : i32
    %dma_start3A_284 = tpu.memref_slice %arg3[%dma_start3A_282, %dma_start3A_283] : memref<200x4096xi32, #tpu.memory_space<hbm>> -> memref<1x4096xi32, #tpu.memory_space<hbm>>
    %dma_start3A_285 = tpu.memref_squeeze %dma_start3A_284 : memref<1x4096xi32, #tpu.memory_space<hbm>> -> memref<4096xi32, #tpu.memory_space<hbm>>
    %dma_start3A_286 = arith.constant 0 : i32
    %dma_start3A_287 = tpu.memref_slice %arg3[%dma_start3A_282, %dma_start3A_286] : memref<200x4096xi32, #tpu.memory_space<hbm>> -> memref<1x4096xi32, #tpu.memory_space<hbm>>
    %dma_start3A_288 = tpu.memref_squeeze %dma_start3A_287 : memref<1x4096xi32, #tpu.memory_space<hbm>> -> memref<4096xi32, #tpu.memory_space<hbm>>
    tpu.enqueue_dma source(%dma_start3A_288 : memref<4096xi32, #tpu.memory_space<hbm>>) target(%arg12 : memref<4096xi32, #tpu.memory_space<vmem>>) target_semaphore(%arg14 : memref<!tpu.dma_semaphore, #tpu.memory_space<semaphore_mem>>)
    %add3A_289 = arith.constant 12608 : i32
    %add3A_290 = arith.addi %add3A_289, %add3A_2 : i32
    %dma_start3A_291 = arith.constant 0 : i32
    %dma_start3A_292 = tpu.memref_slice %arg5[%add3A_290, %dma_start3A_291] : memref<12800x4096xf32, #tpu.memory_space<hbm>> -> memref<1x4096xf32, #tpu.memory_space<hbm>>
    %dma_start3A_293 = tpu.memref_squeeze %dma_start3A_292 : memref<1x4096xf32, #tpu.memory_space<hbm>> -> memref<4096xf32, #tpu.memory_space<hbm>>
    %dma_start3A_294 = arith.constant 0 : i32
    %dma_start3A_295 = tpu.memref_slice %arg5[%add3A_290, %dma_start3A_294] : memref<12800x4096xf32, #tpu.memory_space<hbm>> -> memref<1x4096xf32, #tpu.memory_space<hbm>>
    %dma_start3A_296 = tpu.memref_squeeze %dma_start3A_295 : memref<1x4096xf32, #tpu.memory_space<hbm>> -> memref<4096xf32, #tpu.memory_space<hbm>>
    tpu.enqueue_dma source(%arg8 : memref<4096xf32, #tpu.memory_space<vmem>>) target(%dma_start3A_296 : memref<4096xf32, #tpu.memory_space<hbm>>) target_semaphore(%arg20 : memref<!tpu.dma_semaphore, #tpu.memory_space<semaphore_mem>>)
    %add3A_297 = arith.constant 12480 : i32
    %add3A_298 = arith.addi %add3A_297, %add3A_2 : i32
    %dma_wait3A_299 = arith.constant 0 : i32
    %dma_wait3A_300 = tpu.memref_slice %arg5[%add3A_298, %dma_wait3A_299] : memref<12800x4096xf32, #tpu.memory_space<hbm>> -> memref<1x4096xf32, #tpu.memory_space<hbm>>
    %dma_wait3A_301 = tpu.memref_squeeze %dma_wait3A_300 : memref<1x4096xf32, #tpu.memory_space<hbm>> -> memref<4096xf32, #tpu.memory_space<hbm>>
    %dma_wait3A_302 = arith.constant 0 : i32
    %dma_wait3A_303 = tpu.memref_slice %arg5[%add3A_298, %dma_wait3A_302] : memref<12800x4096xf32, #tpu.memory_space<hbm>> -> memref<1x4096xf32, #tpu.memory_space<hbm>>
    %dma_wait3A_304 = tpu.memref_squeeze %dma_wait3A_303 : memref<1x4096xf32, #tpu.memory_space<hbm>> -> memref<4096xf32, #tpu.memory_space<hbm>>
    tpu.wait_dma2 semaphore(%arg22 : memref<!tpu.dma_semaphore, #tpu.memory_space<semaphore_mem>>) src(%arg10 : memref<4096xf32, #tpu.memory_space<vmem>>) dst(%dma_wait3A_304 : memref<4096xf32, #tpu.memory_space<hbm>>)
    %add3A_305 = arith.constant 12736 : i32
    %add3A_306 = arith.addi %add3A_305, %add3A_2 : i32
    %dma_start3A_307 = arith.constant 0 : i32
    %dma_start3A_308 = tpu.memref_slice %arg2[%add3A_306, %dma_start3A_307] : memref<12800x4096xf32, #tpu.memory_space<hbm>> -> memref<1x4096xf32, #tpu.memory_space<hbm>>
    %dma_start3A_309 = tpu.memref_squeeze %dma_start3A_308 : memref<1x4096xf32, #tpu.memory_space<hbm>> -> memref<4096xf32, #tpu.memory_space<hbm>>
    %dma_start3A_310 = arith.constant 0 : i32
    %dma_start3A_311 = tpu.memref_slice %arg2[%add3A_306, %dma_start3A_310] : memref<12800x4096xf32, #tpu.memory_space<hbm>> -> memref<1x4096xf32, #tpu.memory_space<hbm>>
    %dma_start3A_312 = tpu.memref_squeeze %dma_start3A_311 : memref<1x4096xf32, #tpu.memory_space<hbm>> -> memref<4096xf32, #tpu.memory_space<hbm>>
    tpu.enqueue_dma source(%dma_start3A_312 : memref<4096xf32, #tpu.memory_space<hbm>>) target(%arg10 : memref<4096xf32, #tpu.memory_space<vmem>>) target_semaphore(%arg18 : memref<!tpu.dma_semaphore, #tpu.memory_space<semaphore_mem>>)
    %dma_wait3A_313 = arith.constant 198 : i32
    %dma_wait3A_314 = arith.constant 0 : i32
    %dma_wait3A_315 = tpu.memref_slice %arg3[%dma_wait3A_313, %dma_wait3A_314] : memref<200x4096xi32, #tpu.memory_space<hbm>> -> memref<1x4096xi32, #tpu.memory_space<hbm>>
    %dma_wait3A_316 = tpu.memref_squeeze %dma_wait3A_315 : memref<1x4096xi32, #tpu.memory_space<hbm>> -> memref<4096xi32, #tpu.memory_space<hbm>>
    %dma_wait3A_317 = arith.constant 0 : i32
    %dma_wait3A_318 = tpu.memref_slice %arg3[%dma_wait3A_313, %dma_wait3A_317] : memref<200x4096xi32, #tpu.memory_space<hbm>> -> memref<1x4096xi32, #tpu.memory_space<hbm>>
    %dma_wait3A_319 = tpu.memref_squeeze %dma_wait3A_318 : memref<1x4096xi32, #tpu.memory_space<hbm>> -> memref<4096xi32, #tpu.memory_space<hbm>>
    tpu.wait_dma2 semaphore(%arg13 : memref<!tpu.dma_semaphore, #tpu.memory_space<semaphore_mem>>) src(%dma_wait3A_319 : memref<4096xi32, #tpu.memory_space<hbm>>) dst(%arg11 : memref<4096xi32, #tpu.memory_space<vmem>>)
    %add3A_320 = arith.constant 12672 : i32
    %add3A_321 = arith.addi %add3A_320, %add3A_2 : i32
    %dma_wait3A_322 = arith.constant 0 : i32
    %dma_wait3A_323 = tpu.memref_slice %arg2[%add3A_321, %dma_wait3A_322] : memref<12800x4096xf32, #tpu.memory_space<hbm>> -> memref<1x4096xf32, #tpu.memory_space<hbm>>
    %dma_wait3A_324 = tpu.memref_squeeze %dma_wait3A_323 : memref<1x4096xf32, #tpu.memory_space<hbm>> -> memref<4096xf32, #tpu.memory_space<hbm>>
    %dma_wait3A_325 = arith.constant 0 : i32
    %dma_wait3A_326 = tpu.memref_slice %arg2[%add3A_321, %dma_wait3A_325] : memref<12800x4096xf32, #tpu.memory_space<hbm>> -> memref<1x4096xf32, #tpu.memory_space<hbm>>
    %dma_wait3A_327 = tpu.memref_squeeze %dma_wait3A_326 : memref<1x4096xf32, #tpu.memory_space<hbm>> -> memref<4096xf32, #tpu.memory_space<hbm>>
    tpu.wait_dma2 semaphore(%arg17 : memref<!tpu.dma_semaphore, #tpu.memory_space<semaphore_mem>>) src(%dma_wait3A_327 : memref<4096xf32, #tpu.memory_space<hbm>>) dst(%arg9 : memref<4096xf32, #tpu.memory_space<vmem>>)
    %parallel_loop3A_328 = arith.constant 0 : i32
    %parallel_loop3A_329 = arith.constant 4096 : i32
    %parallel_loop3A_330 = arith.constant 16 : i32
    scf.for %parallel_loop3A_797 = %parallel_loop3A_328 to %parallel_loop3A_329 step %parallel_loop3A_330  : i32 {
      %parallel_loop3A_798 = arith.index_cast %parallel_loop3A_797 : i32 to index
      %parallel_loop3A_799 = tpu.vector_load %arg11[%parallel_loop3A_798] {strides = array<i32>} : memref<4096xi32, #tpu.memory_space<vmem>>, vector<16xi32>,
      %parallel_loop3A_800 = tpu.vector_load_idx %arg6[%parallel_loop3A_799] : memref<100000xf32, #tpu.memory_space<vmem>>[vector<16xi32>], vector<16xf32>,
      %parallel_loop3A_801 = arith.index_cast %parallel_loop3A_797 : i32 to index
      %parallel_loop3A_802 = tpu.vector_load %arg9[%parallel_loop3A_801] {strides = array<i32>} : memref<4096xf32, #tpu.memory_space<vmem>>, vector<16xf32>,
      tpu.vector_store %arg9[%parallel_loop3A_801], %parallel_loop3A_800 {add = true, strides = array<i32>} : memref<4096xf32, #tpu.memory_space<vmem>>, vector<16xf32>,
    } {sc.loop_unroll_factor = 8 : i64, sc.parallel_access}
    %add3A_331 = arith.constant 12672 : i32
    %add3A_332 = arith.addi %add3A_331, %add3A_2 : i32
    %dma_start3A_333 = arith.constant 0 : i32
    %dma_start3A_334 = tpu.memref_slice %arg5[%add3A_332, %dma_start3A_333] : memref<12800x4096xf32, #tpu.memory_space<hbm>> -> memref<1x4096xf32, #tpu.memory_space<hbm>>
    %dma_start3A_335 = tpu.memref_squeeze %dma_start3A_334 : memref<1x4096xf32, #tpu.memory_space<hbm>> -> memref<4096xf32, #tpu.memory_space<hbm>>
    %dma_start3A_336 = arith.constant 0 : i32
    %dma_start3A_337 = tpu.memref_slice %arg5[%add3A_332, %dma_start3A_336] : memref<12800x4096xf32, #tpu.memory_space<hbm>> -> memref<1x4096xf32, #tpu.memory_space<hbm>>
    %dma_start3A_338 = tpu.memref_squeeze %dma_start3A_337 : memref<1x4096xf32, #tpu.memory_space<hbm>> -> memref<4096xf32, #tpu.memory_space<hbm>>
    tpu.enqueue_dma source(%arg9 : memref<4096xf32, #tpu.memory_space<vmem>>) target(%dma_start3A_338 : memref<4096xf32, #tpu.memory_space<hbm>>) target_semaphore(%arg21 : memref<!tpu.dma_semaphore, #tpu.memory_space<semaphore_mem>>)
    %add3A_339 = arith.constant 12544 : i32
    %add3A_340 = arith.addi %add3A_339, %add3A_2 : i32
    %dma_wait3A_341 = arith.constant 0 : i32
    %dma_wait3A_342 = tpu.memref_slice %arg5[%add3A_340, %dma_wait3A_341] : memref<12800x4096xf32, #tpu.memory_space<hbm>> -> memref<1x4096xf32, #tpu.memory_space<hbm>>
    %dma_wait3A_343 = tpu.memref_squeeze %dma_wait3A_342 : memref<1x4096xf32, #tpu.memory_space<hbm>> -> memref<4096xf32, #tpu.memory_space<hbm>>
    %dma_wait3A_344 = arith.constant 0 : i32
    %dma_wait3A_345 = tpu.memref_slice %arg5[%add3A_340, %dma_wait3A_344] : memref<12800x4096xf32, #tpu.memory_space<hbm>> -> memref<1x4096xf32, #tpu.memory_space<hbm>>
    %dma_wait3A_346 = tpu.memref_squeeze %dma_wait3A_345 : memref<1x4096xf32, #tpu.memory_space<hbm>> -> memref<4096xf32, #tpu.memory_space<hbm>>
    tpu.wait_dma2 semaphore(%arg19 : memref<!tpu.dma_semaphore, #tpu.memory_space<semaphore_mem>>) src(%arg7 : memref<4096xf32, #tpu.memory_space<vmem>>) dst(%dma_wait3A_346 : memref<4096xf32, #tpu.memory_space<hbm>>)
    %dma_wait3A_347 = arith.constant 199 : i32
    %dma_wait3A_348 = arith.constant 0 : i32
    %dma_wait3A_349 = tpu.memref_slice %arg3[%dma_wait3A_347, %dma_wait3A_348] : memref<200x4096xi32, #tpu.memory_space<hbm>> -> memref<1x4096xi32, #tpu.memory_space<hbm>>
    %dma_wait3A_350 = tpu.memref_squeeze %dma_wait3A_349 : memref<1x4096xi32, #tpu.memory_space<hbm>> -> memref<4096xi32, #tpu.memory_space<hbm>>
    %dma_wait3A_351 = arith.constant 0 : i32
    %dma_wait3A_352 = tpu.memref_slice %arg3[%dma_wait3A_347, %dma_wait3A_351] : memref<200x4096xi32, #tpu.memory_space<hbm>> -> memref<1x4096xi32, #tpu.memory_space<hbm>>
    %dma_wait3A_353 = tpu.memref_squeeze %dma_wait3A_352 : memref<1x4096xi32, #tpu.memory_space<hbm>> -> memref<4096xi32, #tpu.memory_space<hbm>>
    tpu.wait_dma2 semaphore(%arg14 : memref<!tpu.dma_semaphore, #tpu.memory_space<semaphore_mem>>) src(%dma_wait3A_353 : memref<4096xi32, #tpu.memory_space<hbm>>) dst(%arg12 : memref<4096xi32, #tpu.memory_space<vmem>>)
    %add3A_354 = arith.constant 12736 : i32
    %add3A_355 = arith.addi %add3A_354, %add3A_2 : i32
    %dma_wait3A_356 = arith.constant 0 : i32
    %dma_wait3A_357 = tpu.memref_slice %arg2[%add3A_355, %dma_wait3A_356] : memref<12800x4096xf32, #tpu.memory_space<hbm>> -> memref<1x4096xf32, #tpu.memory_space<hbm>>
    %dma_wait3A_358 = tpu.memref_squeeze %dma_wait3A_357 : memref<1x4096xf32, #tpu.memory_space<hbm>> -> memref<4096xf32, #tpu.memory_space<hbm>>
    %dma_wait3A_359 = arith.constant 0 : i32
    %dma_wait3A_360 = tpu.memref_slice %arg2[%add3A_355, %dma_wait3A_359] : memref<12800x4096xf32, #tpu.memory_space<hbm>> -> memref<1x4096xf32, #tpu.memory_space<hbm>>
    %dma_wait3A_361 = tpu.memref_squeeze %dma_wait3A_360 : memref<1x4096xf32, #tpu.memory_space<hbm>> -> memref<4096xf32, #tpu.memory_space<hbm>>
    tpu.wait_dma2 semaphore(%arg18 : memref<!tpu.dma_semaphore, #tpu.memory_space<semaphore_mem>>) src(%dma_wait3A_361 : memref<4096xf32, #tpu.memory_space<hbm>>) dst(%arg10 : memref<4096xf32, #tpu.memory_space<vmem>>)
    %parallel_loop3A_362 = arith.constant 0 : i32
    %parallel_loop3A_363 = arith.constant 4096 : i32
    %parallel_loop3A_364 = arith.constant 16 : i32
    scf.for %parallel_loop3A_797 = %parallel_loop3A_362 to %parallel_loop3A_363 step %parallel_loop3A_364  : i32 {
      %parallel_loop3A_798 = arith.index_cast %parallel_loop3A_797 : i32 to index
      %parallel_loop3A_799 = tpu.vector_load %arg12[%parallel_loop3A_798] {strides = array<i32>} : memref<4096xi32, #tpu.memory_space<vmem>>, vector<16xi32>,
      %parallel_loop3A_800 = tpu.vector_load_idx %arg6[%parallel_loop3A_799] : memref<100000xf32, #tpu.memory_space<vmem>>[vector<16xi32>], vector<16xf32>,
      %parallel_loop3A_801 = arith.index_cast %parallel_loop3A_797 : i32 to index
      %parallel_loop3A_802 = tpu.vector_load %arg10[%parallel_loop3A_801] {strides = array<i32>} : memref<4096xf32, #tpu.memory_space<vmem>>, vector<16xf32>,
      tpu.vector_store %arg10[%parallel_loop3A_801], %parallel_loop3A_800 {add = true, strides = array<i32>} : memref<4096xf32, #tpu.memory_space<vmem>>, vector<16xf32>,
    } {sc.loop_unroll_factor = 8 : i64, sc.parallel_access}
    %add3A_365 = arith.constant 12736 : i32
    %add3A_366 = arith.addi %add3A_365, %add3A_2 : i32
    %dma_start3A_367 = arith.constant 0 : i32
    %dma_start3A_368 = tpu.memref_slice %arg5[%add3A_366, %dma_start3A_367] : memref<12800x4096xf32, #tpu.memory_space<hbm>> -> memref<1x4096xf32, #tpu.memory_space<hbm>>
    %dma_start3A_369 = tpu.memref_squeeze %dma_start3A_368 : memref<1x4096xf32, #tpu.memory_space<hbm>> -> memref<4096xf32, #tpu.memory_space<hbm>>
    %dma_start3A_370 = arith.constant 0 : i32
    %dma_start3A_371 = tpu.memref_slice %arg5[%add3A_366, %dma_start3A_370] : memref<12800x4096xf32, #tpu.memory_space<hbm>> -> memref<1x4096xf32, #tpu.memory_space<hbm>>
    %dma_start3A_372 = tpu.memref_squeeze %dma_start3A_371 : memref<1x4096xf32, #tpu.memory_space<hbm>> -> memref<4096xf32, #tpu.memory_space<hbm>>
    tpu.enqueue_dma source(%arg10 : memref<4096xf32, #tpu.memory_space<vmem>>) target(%dma_start3A_372 : memref<4096xf32, #tpu.memory_space<hbm>>) target_semaphore(%arg22 : memref<!tpu.dma_semaphore, #tpu.memory_space<semaphore_mem>>)
    %add3A_373 = arith.constant 12608 : i32
    %add3A_374 = arith.addi %add3A_373, %add3A_2 : i32
    %dma_wait3A_375 = arith.constant 0 : i32
    %dma_wait3A_376 = tpu.memref_slice %arg5[%add3A_374, %dma_wait3A_375] : memref<12800x4096xf32, #tpu.memory_space<hbm>> -> memref<1x4096xf32, #tpu.memory_space<hbm>>
    %dma_wait3A_377 = tpu.memref_squeeze %dma_wait3A_376 : memref<1x4096xf32, #tpu.memory_space<hbm>> -> memref<4096xf32, #tpu.memory_space<hbm>>
    %dma_wait3A_378 = arith.constant 0 : i32
    %dma_wait3A_379 = tpu.memref_slice %arg5[%add3A_374, %dma_wait3A_378] : memref<12800x4096xf32, #tpu.memory_space<hbm>> -> memref<1x4096xf32, #tpu.memory_space<hbm>>
    %dma_wait3A_380 = tpu.memref_squeeze %dma_wait3A_379 : memref<1x4096xf32, #tpu.memory_space<hbm>> -> memref<4096xf32, #tpu.memory_space<hbm>>
    tpu.wait_dma2 semaphore(%arg20 : memref<!tpu.dma_semaphore, #tpu.memory_space<semaphore_mem>>) src(%arg8 : memref<4096xf32, #tpu.memory_space<vmem>>) dst(%dma_wait3A_380 : memref<4096xf32, #tpu.memory_space<hbm>>)
    %add3A_381 = arith.constant 12672 : i32
    %add3A_382 = arith.addi %add3A_381, %add3A_2 : i32
    %dma_wait3A_383 = arith.constant 0 : i32
    %dma_wait3A_384 = tpu.memref_slice %arg5[%add3A_382, %dma_wait3A_383] : memref<12800x4096xf32, #tpu.memory_space<hbm>> -> memref<1x4096xf32, #tpu.memory_space<hbm>>
    %dma_wait3A_385 = tpu.memref_squeeze %dma_wait3A_384 : memref<1x4096xf32, #tpu.memory_space<hbm>> -> memref<4096xf32, #tpu.memory_space<hbm>>
    %dma_wait3A_386 = arith.constant 0 : i32
    %dma_wait3A_387 = tpu.memref_slice %arg5[%add3A_382, %dma_wait3A_386] : memref<12800x4096xf32, #tpu.memory_space<hbm>> -> memref<1x4096xf32, #tpu.memory_space<hbm>>
    %dma_wait3A_388 = tpu.memref_squeeze %dma_wait3A_387 : memref<1x4096xf32, #tpu.memory_space<hbm>> -> memref<4096xf32, #tpu.memory_space<hbm>>
    tpu.wait_dma2 semaphore(%arg21 : memref<!tpu.dma_semaphore, #tpu.memory_space<semaphore_mem>>) src(%arg9 : memref<4096xf32, #tpu.memory_space<vmem>>) dst(%dma_wait3A_388 : memref<4096xf32, #tpu.memory_space<hbm>>)
    %add3A_389 = arith.constant 12736 : i32
    %add3A_390 = arith.addi %add3A_389, %add3A_2 : i32
    %dma_wait3A_391 = arith.constant 0 : i32
    %dma_wait3A_392 = tpu.memref_slice %arg5[%add3A_390, %dma_wait3A_391] : memref<12800x4096xf32, #tpu.memory_space<hbm>> -> memref<1x4096xf32, #tpu.memory_space<hbm>>
    %dma_wait3A_393 = tpu.memref_squeeze %dma_wait3A_392 : memref<1x4096xf32, #tpu.memory_space<hbm>> -> memref<4096xf32, #tpu.memory_space<hbm>>
    %dma_wait3A_394 = arith.constant 0 : i32
    %dma_wait3A_395 = tpu.memref_slice %arg5[%add3A_390, %dma_wait3A_394] : memref<12800x4096xf32, #tpu.memory_space<hbm>> -> memref<1x4096xf32, #tpu.memory_space<hbm>>
    %dma_wait3A_396 = tpu.memref_squeeze %dma_wait3A_395 : memref<1x4096xf32, #tpu.memory_space<hbm>> -> memref<4096xf32, #tpu.memory_space<hbm>>
    tpu.wait_dma2 semaphore(%arg22 : memref<!tpu.dma_semaphore, #tpu.memory_space<semaphore_mem>>) src(%arg10 : memref<4096xf32, #tpu.memory_space<vmem>>) dst(%dma_wait3A_396 : memref<4096xf32, #tpu.memory_space<hbm>>)
    %add3A_397 = arith.constant 32 : i32
    %add3A_398 = arith.addi %add3A, %add3A_397 : i32
    "tpu.region"() ({
      %run_scoped3A = tpu.sem_alloc : memref<!tpu.dma_semaphore, #tpu.memory_space<semaphore_mem>>
      %dma_start3A_797 = arith.constant 0 : i32
      %dma_start3A_798 = tpu.memref_slice %arg4[%add3A_398, %dma_start3A_797] : memref<64x100000xf32, #tpu.memory_space<hbm>> -> memref<1x100000xf32, #tpu.memory_space<hbm>>
      %dma_start3A_799 = tpu.memref_squeeze %dma_start3A_798 : memref<1x100000xf32, #tpu.memory_space<hbm>> -> memref<100000xf32, #tpu.memory_space<hbm>>
      %dma_start3A_800 = arith.constant 0 : i32
      %dma_start3A_801 = tpu.memref_slice %arg4[%add3A_398, %dma_start3A_800] : memref<64x100000xf32, #tpu.memory_space<hbm>> -> memref<1x100000xf32, #tpu.memory_space<hbm>>
      %dma_start3A_802 = tpu.memref_squeeze %dma_start3A_801 : memref<1x100000xf32, #tpu.memory_space<hbm>> -> memref<100000xf32, #tpu.memory_space<hbm>>
      tpu.enqueue_dma source(%dma_start3A_802 : memref<100000xf32, #tpu.memory_space<hbm>>) target(%arg6 : memref<100000xf32, #tpu.memory_space<vmem>>) target_semaphore(%run_scoped3A : memref<!tpu.dma_semaphore, #tpu.memory_space<semaphore_mem>>)
      %dma_wait3A_803 = arith.constant 0 : i32
      %dma_wait3A_804 = tpu.memref_slice %arg4[%add3A_398, %dma_wait3A_803] : memref<64x100000xf32, #tpu.memory_space<hbm>> -> memref<1x100000xf32, #tpu.memory_space<hbm>>
      %dma_wait3A_805 = tpu.memref_squeeze %dma_wait3A_804 : memref<1x100000xf32, #tpu.memory_space<hbm>> -> memref<100000xf32, #tpu.memory_space<hbm>>
      %dma_wait3A_806 = arith.constant 0 : i32
      %dma_wait3A_807 = tpu.memref_slice %arg4[%add3A_398, %dma_wait3A_806] : memref<64x100000xf32, #tpu.memory_space<hbm>> -> memref<1x100000xf32, #tpu.memory_space<hbm>>
      %dma_wait3A_808 = tpu.memref_squeeze %dma_wait3A_807 : memref<1x100000xf32, #tpu.memory_space<hbm>> -> memref<100000xf32, #tpu.memory_space<hbm>>
      tpu.wait_dma2 semaphore(%run_scoped3A : memref<!tpu.dma_semaphore, #tpu.memory_space<semaphore_mem>>) src(%dma_wait3A_808 : memref<100000xf32, #tpu.memory_space<hbm>>) dst(%arg6 : memref<100000xf32, #tpu.memory_space<vmem>>)
      tpu.yield
    }) : () -> ()
    %dma_start3A_399 = arith.constant 0 : i32
    %dma_start3A_400 = arith.constant 0 : i32
    %dma_start3A_401 = tpu.memref_slice %arg3[%dma_start3A_399, %dma_start3A_400] : memref<200x4096xi32, #tpu.memory_space<hbm>> -> memref<1x4096xi32, #tpu.memory_space<hbm>>
    %dma_start3A_402 = tpu.memref_squeeze %dma_start3A_401 : memref<1x4096xi32, #tpu.memory_space<hbm>> -> memref<4096xi32, #tpu.memory_space<hbm>>
    %dma_start3A_403 = arith.constant 0 : i32
    %dma_start3A_404 = tpu.memref_slice %arg3[%dma_start3A_399, %dma_start3A_403] : memref<200x4096xi32, #tpu.memory_space<hbm>> -> memref<1x4096xi32, #tpu.memory_space<hbm>>
    %dma_start3A_405 = tpu.memref_squeeze %dma_start3A_404 : memref<1x4096xi32, #tpu.memory_space<hbm>> -> memref<4096xi32, #tpu.memory_space<hbm>>
    tpu.enqueue_dma source(%dma_start3A_405 : memref<4096xi32, #tpu.memory_space<hbm>>) target(%arg11 : memref<4096xi32, #tpu.memory_space<vmem>>) target_semaphore(%arg13 : memref<!tpu.dma_semaphore, #tpu.memory_space<semaphore_mem>>)
    %dma_start3A_406 = arith.constant 1 : i32
    %dma_start3A_407 = arith.constant 0 : i32
    %dma_start3A_408 = tpu.memref_slice %arg3[%dma_start3A_406, %dma_start3A_407] : memref<200x4096xi32, #tpu.memory_space<hbm>> -> memref<1x4096xi32, #tpu.memory_space<hbm>>
    %dma_start3A_409 = tpu.memref_squeeze %dma_start3A_408 : memref<1x4096xi32, #tpu.memory_space<hbm>> -> memref<4096xi32, #tpu.memory_space<hbm>>
    %dma_start3A_410 = arith.constant 0 : i32
    %dma_start3A_411 = tpu.memref_slice %arg3[%dma_start3A_406, %dma_start3A_410] : memref<200x4096xi32, #tpu.memory_space<hbm>> -> memref<1x4096xi32, #tpu.memory_space<hbm>>
    %dma_start3A_412 = tpu.memref_squeeze %dma_start3A_411 : memref<1x4096xi32, #tpu.memory_space<hbm>> -> memref<4096xi32, #tpu.memory_space<hbm>>
    tpu.enqueue_dma source(%dma_start3A_412 : memref<4096xi32, #tpu.memory_space<hbm>>) target(%arg12 : memref<4096xi32, #tpu.memory_space<vmem>>) target_semaphore(%arg14 : memref<!tpu.dma_semaphore, #tpu.memory_space<semaphore_mem>>)
    %add3A_413 = arith.constant 0 : i32
    %add3A_414 = arith.addi %add3A_413, %add3A_398 : i32
    %dma_start3A_415 = arith.constant 0 : i32
    %dma_start3A_416 = tpu.memref_slice %arg2[%add3A_414, %dma_start3A_415] : memref<12800x4096xf32, #tpu.memory_space<hbm>> -> memref<1x4096xf32, #tpu.memory_space<hbm>>
    %dma_start3A_417 = tpu.memref_squeeze %dma_start3A_416 : memref<1x4096xf32, #tpu.memory_space<hbm>> -> memref<4096xf32, #tpu.memory_space<hbm>>
    %dma_start3A_418 = arith.constant 0 : i32
    %dma_start3A_419 = tpu.memref_slice %arg2[%add3A_414, %dma_start3A_418] : memref<12800x4096xf32, #tpu.memory_space<hbm>> -> memref<1x4096xf32, #tpu.memory_space<hbm>>
    %dma_start3A_420 = tpu.memref_squeeze %dma_start3A_419 : memref<1x4096xf32, #tpu.memory_space<hbm>> -> memref<4096xf32, #tpu.memory_space<hbm>>
    tpu.enqueue_dma source(%dma_start3A_420 : memref<4096xf32, #tpu.memory_space<hbm>>) target(%arg7 : memref<4096xf32, #tpu.memory_space<vmem>>) target_semaphore(%arg15 : memref<!tpu.dma_semaphore, #tpu.memory_space<semaphore_mem>>)
    %add3A_421 = arith.constant 64 : i32
    %add3A_422 = arith.addi %add3A_421, %add3A_398 : i32
    %dma_start3A_423 = arith.constant 0 : i32
    %dma_start3A_424 = tpu.memref_slice %arg2[%add3A_422, %dma_start3A_423] : memref<12800x4096xf32, #tpu.memory_space<hbm>> -> memref<1x4096xf32, #tpu.memory_space<hbm>>
    %dma_start3A_425 = tpu.memref_squeeze %dma_start3A_424 : memref<1x4096xf32, #tpu.memory_space<hbm>> -> memref<4096xf32, #tpu.memory_space<hbm>>
    %dma_start3A_426 = arith.constant 0 : i32
    %dma_start3A_427 = tpu.memref_slice %arg2[%add3A_422, %dma_start3A_426] : memref<12800x4096xf32, #tpu.memory_space<hbm>> -> memref<1x4096xf32, #tpu.memory_space<hbm>>
    %dma_start3A_428 = tpu.memref_squeeze %dma_start3A_427 : memref<1x4096xf32, #tpu.memory_space<hbm>> -> memref<4096xf32, #tpu.memory_space<hbm>>
    tpu.enqueue_dma source(%dma_start3A_428 : memref<4096xf32, #tpu.memory_space<hbm>>) target(%arg8 : memref<4096xf32, #tpu.memory_space<vmem>>) target_semaphore(%arg16 : memref<!tpu.dma_semaphore, #tpu.memory_space<semaphore_mem>>)
    %dma_wait3A_429 = arith.constant 0 : i32
    %dma_wait3A_430 = arith.constant 0 : i32
    %dma_wait3A_431 = tpu.memref_slice %arg3[%dma_wait3A_429, %dma_wait3A_430] : memref<200x4096xi32, #tpu.memory_space<hbm>> -> memref<1x4096xi32, #tpu.memory_space<hbm>>
    %dma_wait3A_432 = tpu.memref_squeeze %dma_wait3A_431 : memref<1x4096xi32, #tpu.memory_space<hbm>> -> memref<4096xi32, #tpu.memory_space<hbm>>
    %dma_wait3A_433 = arith.constant 0 : i32
    %dma_wait3A_434 = tpu.memref_slice %arg3[%dma_wait3A_429, %dma_wait3A_433] : memref<200x4096xi32, #tpu.memory_space<hbm>> -> memref<1x4096xi32, #tpu.memory_space<hbm>>
    %dma_wait3A_435 = tpu.memref_squeeze %dma_wait3A_434 : memref<1x4096xi32, #tpu.memory_space<hbm>> -> memref<4096xi32, #tpu.memory_space<hbm>>
    tpu.wait_dma2 semaphore(%arg13 : memref<!tpu.dma_semaphore, #tpu.memory_space<semaphore_mem>>) src(%dma_wait3A_435 : memref<4096xi32, #tpu.memory_space<hbm>>) dst(%arg11 : memref<4096xi32, #tpu.memory_space<vmem>>)
    %add3A_436 = arith.constant 0 : i32
    %add3A_437 = arith.addi %add3A_436, %add3A_398 : i32
    %dma_wait3A_438 = arith.constant 0 : i32
    %dma_wait3A_439 = tpu.memref_slice %arg2[%add3A_437, %dma_wait3A_438] : memref<12800x4096xf32, #tpu.memory_space<hbm>> -> memref<1x4096xf32, #tpu.memory_space<hbm>>
    %dma_wait3A_440 = tpu.memref_squeeze %dma_wait3A_439 : memref<1x4096xf32, #tpu.memory_space<hbm>> -> memref<4096xf32, #tpu.memory_space<hbm>>
    %dma_wait3A_441 = arith.constant 0 : i32
    %dma_wait3A_442 = tpu.memref_slice %arg2[%add3A_437, %dma_wait3A_441] : memref<12800x4096xf32, #tpu.memory_space<hbm>> -> memref<1x4096xf32, #tpu.memory_space<hbm>>
    %dma_wait3A_443 = tpu.memref_squeeze %dma_wait3A_442 : memref<1x4096xf32, #tpu.memory_space<hbm>> -> memref<4096xf32, #tpu.memory_space<hbm>>
    tpu.wait_dma2 semaphore(%arg15 : memref<!tpu.dma_semaphore, #tpu.memory_space<semaphore_mem>>) src(%dma_wait3A_443 : memref<4096xf32, #tpu.memory_space<hbm>>) dst(%arg7 : memref<4096xf32, #tpu.memory_space<vmem>>)
    %parallel_loop3A_444 = arith.constant 0 : i32
    %parallel_loop3A_445 = arith.constant 4096 : i32
    %parallel_loop3A_446 = arith.constant 16 : i32
    scf.for %parallel_loop3A_797 = %parallel_loop3A_444 to %parallel_loop3A_445 step %parallel_loop3A_446  : i32 {
      %parallel_loop3A_798 = arith.index_cast %parallel_loop3A_797 : i32 to index
      %parallel_loop3A_799 = tpu.vector_load %arg11[%parallel_loop3A_798] {strides = array<i32>} : memref<4096xi32, #tpu.memory_space<vmem>>, vector<16xi32>,
      %parallel_loop3A_800 = tpu.vector_load_idx %arg6[%parallel_loop3A_799] : memref<100000xf32, #tpu.memory_space<vmem>>[vector<16xi32>], vector<16xf32>,
      %parallel_loop3A_801 = arith.index_cast %parallel_loop3A_797 : i32 to index
      %parallel_loop3A_802 = tpu.vector_load %arg7[%parallel_loop3A_801] {strides = array<i32>} : memref<4096xf32, #tpu.memory_space<vmem>>, vector<16xf32>,
      tpu.vector_store %arg7[%parallel_loop3A_801], %parallel_loop3A_800 {add = true, strides = array<i32>} : memref<4096xf32, #tpu.memory_space<vmem>>, vector<16xf32>,
    } {sc.loop_unroll_factor = 8 : i64, sc.parallel_access}
    %dma_start3A_447 = arith.constant 2 : i32
    %dma_start3A_448 = arith.constant 0 : i32
    %dma_start3A_449 = tpu.memref_slice %arg3[%dma_start3A_447, %dma_start3A_448] : memref<200x4096xi32, #tpu.memory_space<hbm>> -> memref<1x4096xi32, #tpu.memory_space<hbm>>
    %dma_start3A_450 = tpu.memref_squeeze %dma_start3A_449 : memref<1x4096xi32, #tpu.memory_space<hbm>> -> memref<4096xi32, #tpu.memory_space<hbm>>
    %dma_start3A_451 = arith.constant 0 : i32
    %dma_start3A_452 = tpu.memref_slice %arg3[%dma_start3A_447, %dma_start3A_451] : memref<200x4096xi32, #tpu.memory_space<hbm>> -> memref<1x4096xi32, #tpu.memory_space<hbm>>
    %dma_start3A_453 = tpu.memref_squeeze %dma_start3A_452 : memref<1x4096xi32, #tpu.memory_space<hbm>> -> memref<4096xi32, #tpu.memory_space<hbm>>
    tpu.enqueue_dma source(%dma_start3A_453 : memref<4096xi32, #tpu.memory_space<hbm>>) target(%arg11 : memref<4096xi32, #tpu.memory_space<vmem>>) target_semaphore(%arg13 : memref<!tpu.dma_semaphore, #tpu.memory_space<semaphore_mem>>)
    %add3A_454 = arith.constant 0 : i32
    %add3A_455 = arith.addi %add3A_454, %add3A_398 : i32
    %dma_start3A_456 = arith.constant 0 : i32
    %dma_start3A_457 = tpu.memref_slice %arg5[%add3A_455, %dma_start3A_456] : memref<12800x4096xf32, #tpu.memory_space<hbm>> -> memref<1x4096xf32, #tpu.memory_space<hbm>>
    %dma_start3A_458 = tpu.memref_squeeze %dma_start3A_457 : memref<1x4096xf32, #tpu.memory_space<hbm>> -> memref<4096xf32, #tpu.memory_space<hbm>>
    %dma_start3A_459 = arith.constant 0 : i32
    %dma_start3A_460 = tpu.memref_slice %arg5[%add3A_455, %dma_start3A_459] : memref<12800x4096xf32, #tpu.memory_space<hbm>> -> memref<1x4096xf32, #tpu.memory_space<hbm>>
    %dma_start3A_461 = tpu.memref_squeeze %dma_start3A_460 : memref<1x4096xf32, #tpu.memory_space<hbm>> -> memref<4096xf32, #tpu.memory_space<hbm>>
    tpu.enqueue_dma source(%arg7 : memref<4096xf32, #tpu.memory_space<vmem>>) target(%dma_start3A_461 : memref<4096xf32, #tpu.memory_space<hbm>>) target_semaphore(%arg19 : memref<!tpu.dma_semaphore, #tpu.memory_space<semaphore_mem>>)
    %add3A_462 = arith.constant 128 : i32
    %add3A_463 = arith.addi %add3A_462, %add3A_398 : i32
    %dma_start3A_464 = arith.constant 0 : i32
    %dma_start3A_465 = tpu.memref_slice %arg2[%add3A_463, %dma_start3A_464] : memref<12800x4096xf32, #tpu.memory_space<hbm>> -> memref<1x4096xf32, #tpu.memory_space<hbm>>
    %dma_start3A_466 = tpu.memref_squeeze %dma_start3A_465 : memref<1x4096xf32, #tpu.memory_space<hbm>> -> memref<4096xf32, #tpu.memory_space<hbm>>
    %dma_start3A_467 = arith.constant 0 : i32
    %dma_start3A_468 = tpu.memref_slice %arg2[%add3A_463, %dma_start3A_467] : memref<12800x4096xf32, #tpu.memory_space<hbm>> -> memref<1x4096xf32, #tpu.memory_space<hbm>>
    %dma_start3A_469 = tpu.memref_squeeze %dma_start3A_468 : memref<1x4096xf32, #tpu.memory_space<hbm>> -> memref<4096xf32, #tpu.memory_space<hbm>>
    tpu.enqueue_dma source(%dma_start3A_469 : memref<4096xf32, #tpu.memory_space<hbm>>) target(%arg9 : memref<4096xf32, #tpu.memory_space<vmem>>) target_semaphore(%arg17 : memref<!tpu.dma_semaphore, #tpu.memory_space<semaphore_mem>>)
    %dma_wait3A_470 = arith.constant 1 : i32
    %dma_wait3A_471 = arith.constant 0 : i32
    %dma_wait3A_472 = tpu.memref_slice %arg3[%dma_wait3A_470, %dma_wait3A_471] : memref<200x4096xi32, #tpu.memory_space<hbm>> -> memref<1x4096xi32, #tpu.memory_space<hbm>>
    %dma_wait3A_473 = tpu.memref_squeeze %dma_wait3A_472 : memref<1x4096xi32, #tpu.memory_space<hbm>> -> memref<4096xi32, #tpu.memory_space<hbm>>
    %dma_wait3A_474 = arith.constant 0 : i32
    %dma_wait3A_475 = tpu.memref_slice %arg3[%dma_wait3A_470, %dma_wait3A_474] : memref<200x4096xi32, #tpu.memory_space<hbm>> -> memref<1x4096xi32, #tpu.memory_space<hbm>>
    %dma_wait3A_476 = tpu.memref_squeeze %dma_wait3A_475 : memref<1x4096xi32, #tpu.memory_space<hbm>> -> memref<4096xi32, #tpu.memory_space<hbm>>
    tpu.wait_dma2 semaphore(%arg14 : memref<!tpu.dma_semaphore, #tpu.memory_space<semaphore_mem>>) src(%dma_wait3A_476 : memref<4096xi32, #tpu.memory_space<hbm>>) dst(%arg12 : memref<4096xi32, #tpu.memory_space<vmem>>)
    %add3A_477 = arith.constant 64 : i32
    %add3A_478 = arith.addi %add3A_477, %add3A_398 : i32
    %dma_wait3A_479 = arith.constant 0 : i32
    %dma_wait3A_480 = tpu.memref_slice %arg2[%add3A_478, %dma_wait3A_479] : memref<12800x4096xf32, #tpu.memory_space<hbm>> -> memref<1x4096xf32, #tpu.memory_space<hbm>>
    %dma_wait3A_481 = tpu.memref_squeeze %dma_wait3A_480 : memref<1x4096xf32, #tpu.memory_space<hbm>> -> memref<4096xf32, #tpu.memory_space<hbm>>
    %dma_wait3A_482 = arith.constant 0 : i32
    %dma_wait3A_483 = tpu.memref_slice %arg2[%add3A_478, %dma_wait3A_482] : memref<12800x4096xf32, #tpu.memory_space<hbm>> -> memref<1x4096xf32, #tpu.memory_space<hbm>>
    %dma_wait3A_484 = tpu.memref_squeeze %dma_wait3A_483 : memref<1x4096xf32, #tpu.memory_space<hbm>> -> memref<4096xf32, #tpu.memory_space<hbm>>
    tpu.wait_dma2 semaphore(%arg16 : memref<!tpu.dma_semaphore, #tpu.memory_space<semaphore_mem>>) src(%dma_wait3A_484 : memref<4096xf32, #tpu.memory_space<hbm>>) dst(%arg8 : memref<4096xf32, #tpu.memory_space<vmem>>)
    %parallel_loop3A_485 = arith.constant 0 : i32
    %parallel_loop3A_486 = arith.constant 4096 : i32
    %parallel_loop3A_487 = arith.constant 16 : i32
    scf.for %parallel_loop3A_797 = %parallel_loop3A_485 to %parallel_loop3A_486 step %parallel_loop3A_487  : i32 {
      %parallel_loop3A_798 = arith.index_cast %parallel_loop3A_797 : i32 to index
      %parallel_loop3A_799 = tpu.vector_load %arg12[%parallel_loop3A_798] {strides = array<i32>} : memref<4096xi32, #tpu.memory_space<vmem>>, vector<16xi32>,
      %parallel_loop3A_800 = tpu.vector_load_idx %arg6[%parallel_loop3A_799] : memref<100000xf32, #tpu.memory_space<vmem>>[vector<16xi32>], vector<16xf32>,
      %parallel_loop3A_801 = arith.index_cast %parallel_loop3A_797 : i32 to index
      %parallel_loop3A_802 = tpu.vector_load %arg8[%parallel_loop3A_801] {strides = array<i32>} : memref<4096xf32, #tpu.memory_space<vmem>>, vector<16xf32>,
      tpu.vector_store %arg8[%parallel_loop3A_801], %parallel_loop3A_800 {add = true, strides = array<i32>} : memref<4096xf32, #tpu.memory_space<vmem>>, vector<16xf32>,
    } {sc.loop_unroll_factor = 8 : i64, sc.parallel_access}
    %dma_start3A_488 = arith.constant 3 : i32
    %dma_start3A_489 = arith.constant 0 : i32
    %dma_start3A_490 = tpu.memref_slice %arg3[%dma_start3A_488, %dma_start3A_489] : memref<200x4096xi32, #tpu.memory_space<hbm>> -> memref<1x4096xi32, #tpu.memory_space<hbm>>
    %dma_start3A_491 = tpu.memref_squeeze %dma_start3A_490 : memref<1x4096xi32, #tpu.memory_space<hbm>> -> memref<4096xi32, #tpu.memory_space<hbm>>
    %dma_start3A_492 = arith.constant 0 : i32
    %dma_start3A_493 = tpu.memref_slice %arg3[%dma_start3A_488, %dma_start3A_492] : memref<200x4096xi32, #tpu.memory_space<hbm>> -> memref<1x4096xi32, #tpu.memory_space<hbm>>
    %dma_start3A_494 = tpu.memref_squeeze %dma_start3A_493 : memref<1x4096xi32, #tpu.memory_space<hbm>> -> memref<4096xi32, #tpu.memory_space<hbm>>
    tpu.enqueue_dma source(%dma_start3A_494 : memref<4096xi32, #tpu.memory_space<hbm>>) target(%arg12 : memref<4096xi32, #tpu.memory_space<vmem>>) target_semaphore(%arg14 : memref<!tpu.dma_semaphore, #tpu.memory_space<semaphore_mem>>)
    %add3A_495 = arith.constant 64 : i32
    %add3A_496 = arith.addi %add3A_495, %add3A_398 : i32
    %dma_start3A_497 = arith.constant 0 : i32
    %dma_start3A_498 = tpu.memref_slice %arg5[%add3A_496, %dma_start3A_497] : memref<12800x4096xf32, #tpu.memory_space<hbm>> -> memref<1x4096xf32, #tpu.memory_space<hbm>>
    %dma_start3A_499 = tpu.memref_squeeze %dma_start3A_498 : memref<1x4096xf32, #tpu.memory_space<hbm>> -> memref<4096xf32, #tpu.memory_space<hbm>>
    %dma_start3A_500 = arith.constant 0 : i32
    %dma_start3A_501 = tpu.memref_slice %arg5[%add3A_496, %dma_start3A_500] : memref<12800x4096xf32, #tpu.memory_space<hbm>> -> memref<1x4096xf32, #tpu.memory_space<hbm>>
    %dma_start3A_502 = tpu.memref_squeeze %dma_start3A_501 : memref<1x4096xf32, #tpu.memory_space<hbm>> -> memref<4096xf32, #tpu.memory_space<hbm>>
    tpu.enqueue_dma source(%arg8 : memref<4096xf32, #tpu.memory_space<vmem>>) target(%dma_start3A_502 : memref<4096xf32, #tpu.memory_space<hbm>>) target_semaphore(%arg20 : memref<!tpu.dma_semaphore, #tpu.memory_space<semaphore_mem>>)
    %add3A_503 = arith.constant 192 : i32
    %add3A_504 = arith.addi %add3A_503, %add3A_398 : i32
    %dma_start3A_505 = arith.constant 0 : i32
    %dma_start3A_506 = tpu.memref_slice %arg2[%add3A_504, %dma_start3A_505] : memref<12800x4096xf32, #tpu.memory_space<hbm>> -> memref<1x4096xf32, #tpu.memory_space<hbm>>
    %dma_start3A_507 = tpu.memref_squeeze %dma_start3A_506 : memref<1x4096xf32, #tpu.memory_space<hbm>> -> memref<4096xf32, #tpu.memory_space<hbm>>
    %dma_start3A_508 = arith.constant 0 : i32
    %dma_start3A_509 = tpu.memref_slice %arg2[%add3A_504, %dma_start3A_508] : memref<12800x4096xf32, #tpu.memory_space<hbm>> -> memref<1x4096xf32, #tpu.memory_space<hbm>>
    %dma_start3A_510 = tpu.memref_squeeze %dma_start3A_509 : memref<1x4096xf32, #tpu.memory_space<hbm>> -> memref<4096xf32, #tpu.memory_space<hbm>>
    tpu.enqueue_dma source(%dma_start3A_510 : memref<4096xf32, #tpu.memory_space<hbm>>) target(%arg10 : memref<4096xf32, #tpu.memory_space<vmem>>) target_semaphore(%arg18 : memref<!tpu.dma_semaphore, #tpu.memory_space<semaphore_mem>>)
    %dma_wait3A_511 = arith.constant 2 : i32
    %dma_wait3A_512 = arith.constant 0 : i32
    %dma_wait3A_513 = tpu.memref_slice %arg3[%dma_wait3A_511, %dma_wait3A_512] : memref<200x4096xi32, #tpu.memory_space<hbm>> -> memref<1x4096xi32, #tpu.memory_space<hbm>>
    %dma_wait3A_514 = tpu.memref_squeeze %dma_wait3A_513 : memref<1x4096xi32, #tpu.memory_space<hbm>> -> memref<4096xi32, #tpu.memory_space<hbm>>
    %dma_wait3A_515 = arith.constant 0 : i32
    %dma_wait3A_516 = tpu.memref_slice %arg3[%dma_wait3A_511, %dma_wait3A_515] : memref<200x4096xi32, #tpu.memory_space<hbm>> -> memref<1x4096xi32, #tpu.memory_space<hbm>>
    %dma_wait3A_517 = tpu.memref_squeeze %dma_wait3A_516 : memref<1x4096xi32, #tpu.memory_space<hbm>> -> memref<4096xi32, #tpu.memory_space<hbm>>
    tpu.wait_dma2 semaphore(%arg13 : memref<!tpu.dma_semaphore, #tpu.memory_space<semaphore_mem>>) src(%dma_wait3A_517 : memref<4096xi32, #tpu.memory_space<hbm>>) dst(%arg11 : memref<4096xi32, #tpu.memory_space<vmem>>)
    %add3A_518 = arith.constant 128 : i32
    %add3A_519 = arith.addi %add3A_518, %add3A_398 : i32
    %dma_wait3A_520 = arith.constant 0 : i32
    %dma_wait3A_521 = tpu.memref_slice %arg2[%add3A_519, %dma_wait3A_520] : memref<12800x4096xf32, #tpu.memory_space<hbm>> -> memref<1x4096xf32, #tpu.memory_space<hbm>>
    %dma_wait3A_522 = tpu.memref_squeeze %dma_wait3A_521 : memref<1x4096xf32, #tpu.memory_space<hbm>> -> memref<4096xf32, #tpu.memory_space<hbm>>
    %dma_wait3A_523 = arith.constant 0 : i32
    %dma_wait3A_524 = tpu.memref_slice %arg2[%add3A_519, %dma_wait3A_523] : memref<12800x4096xf32, #tpu.memory_space<hbm>> -> memref<1x4096xf32, #tpu.memory_space<hbm>>
    %dma_wait3A_525 = tpu.memref_squeeze %dma_wait3A_524 : memref<1x4096xf32, #tpu.memory_space<hbm>> -> memref<4096xf32, #tpu.memory_space<hbm>>
    tpu.wait_dma2 semaphore(%arg17 : memref<!tpu.dma_semaphore, #tpu.memory_space<semaphore_mem>>) src(%dma_wait3A_525 : memref<4096xf32, #tpu.memory_space<hbm>>) dst(%arg9 : memref<4096xf32, #tpu.memory_space<vmem>>)
    %parallel_loop3A_526 = arith.constant 0 : i32
    %parallel_loop3A_527 = arith.constant 4096 : i32
    %parallel_loop3A_528 = arith.constant 16 : i32
    scf.for %parallel_loop3A_797 = %parallel_loop3A_526 to %parallel_loop3A_527 step %parallel_loop3A_528  : i32 {
      %parallel_loop3A_798 = arith.index_cast %parallel_loop3A_797 : i32 to index
      %parallel_loop3A_799 = tpu.vector_load %arg11[%parallel_loop3A_798] {strides = array<i32>} : memref<4096xi32, #tpu.memory_space<vmem>>, vector<16xi32>,
      %parallel_loop3A_800 = tpu.vector_load_idx %arg6[%parallel_loop3A_799] : memref<100000xf32, #tpu.memory_space<vmem>>[vector<16xi32>], vector<16xf32>,
      %parallel_loop3A_801 = arith.index_cast %parallel_loop3A_797 : i32 to index
      %parallel_loop3A_802 = tpu.vector_load %arg9[%parallel_loop3A_801] {strides = array<i32>} : memref<4096xf32, #tpu.memory_space<vmem>>, vector<16xf32>,
      tpu.vector_store %arg9[%parallel_loop3A_801], %parallel_loop3A_800 {add = true, strides = array<i32>} : memref<4096xf32, #tpu.memory_space<vmem>>, vector<16xf32>,
    } {sc.loop_unroll_factor = 8 : i64, sc.parallel_access}
    %dma_start3A_529 = arith.constant 4 : i32
    %dma_start3A_530 = arith.constant 0 : i32
    %dma_start3A_531 = tpu.memref_slice %arg3[%dma_start3A_529, %dma_start3A_530] : memref<200x4096xi32, #tpu.memory_space<hbm>> -> memref<1x4096xi32, #tpu.memory_space<hbm>>
    %dma_start3A_532 = tpu.memref_squeeze %dma_start3A_531 : memref<1x4096xi32, #tpu.memory_space<hbm>> -> memref<4096xi32, #tpu.memory_space<hbm>>
    %dma_start3A_533 = arith.constant 0 : i32
    %dma_start3A_534 = tpu.memref_slice %arg3[%dma_start3A_529, %dma_start3A_533] : memref<200x4096xi32, #tpu.memory_space<hbm>> -> memref<1x4096xi32, #tpu.memory_space<hbm>>
    %dma_start3A_535 = tpu.memref_squeeze %dma_start3A_534 : memref<1x4096xi32, #tpu.memory_space<hbm>> -> memref<4096xi32, #tpu.memory_space<hbm>>
    tpu.enqueue_dma source(%dma_start3A_535 : memref<4096xi32, #tpu.memory_space<hbm>>) target(%arg11 : memref<4096xi32, #tpu.memory_space<vmem>>) target_semaphore(%arg13 : memref<!tpu.dma_semaphore, #tpu.memory_space<semaphore_mem>>)
    %add3A_536 = arith.constant 128 : i32
    %add3A_537 = arith.addi %add3A_536, %add3A_398 : i32
    %dma_start3A_538 = arith.constant 0 : i32
    %dma_start3A_539 = tpu.memref_slice %arg5[%add3A_537, %dma_start3A_538] : memref<12800x4096xf32, #tpu.memory_space<hbm>> -> memref<1x4096xf32, #tpu.memory_space<hbm>>
    %dma_start3A_540 = tpu.memref_squeeze %dma_start3A_539 : memref<1x4096xf32, #tpu.memory_space<hbm>> -> memref<4096xf32, #tpu.memory_space<hbm>>
    %dma_start3A_541 = arith.constant 0 : i32
    %dma_start3A_542 = tpu.memref_slice %arg5[%add3A_537, %dma_start3A_541] : memref<12800x4096xf32, #tpu.memory_space<hbm>> -> memref<1x4096xf32, #tpu.memory_space<hbm>>
    %dma_start3A_543 = tpu.memref_squeeze %dma_start3A_542 : memref<1x4096xf32, #tpu.memory_space<hbm>> -> memref<4096xf32, #tpu.memory_space<hbm>>
    tpu.enqueue_dma source(%arg9 : memref<4096xf32, #tpu.memory_space<vmem>>) target(%dma_start3A_543 : memref<4096xf32, #tpu.memory_space<hbm>>) target_semaphore(%arg21 : memref<!tpu.dma_semaphore, #tpu.memory_space<semaphore_mem>>)
    %add3A_544 = arith.constant 0 : i32
    %add3A_545 = arith.addi %add3A_544, %add3A_398 : i32
    %dma_wait3A_546 = arith.constant 0 : i32
    %dma_wait3A_547 = tpu.memref_slice %arg5[%add3A_545, %dma_wait3A_546] : memref<12800x4096xf32, #tpu.memory_space<hbm>> -> memref<1x4096xf32, #tpu.memory_space<hbm>>
    %dma_wait3A_548 = tpu.memref_squeeze %dma_wait3A_547 : memref<1x4096xf32, #tpu.memory_space<hbm>> -> memref<4096xf32, #tpu.memory_space<hbm>>
    %dma_wait3A_549 = arith.constant 0 : i32
    %dma_wait3A_550 = tpu.memref_slice %arg5[%add3A_545, %dma_wait3A_549] : memref<12800x4096xf32, #tpu.memory_space<hbm>> -> memref<1x4096xf32, #tpu.memory_space<hbm>>
    %dma_wait3A_551 = tpu.memref_squeeze %dma_wait3A_550 : memref<1x4096xf32, #tpu.memory_space<hbm>> -> memref<4096xf32, #tpu.memory_space<hbm>>
    tpu.wait_dma2 semaphore(%arg19 : memref<!tpu.dma_semaphore, #tpu.memory_space<semaphore_mem>>) src(%arg7 : memref<4096xf32, #tpu.memory_space<vmem>>) dst(%dma_wait3A_551 : memref<4096xf32, #tpu.memory_space<hbm>>)
    %add3A_552 = arith.constant 256 : i32
    %add3A_553 = arith.addi %add3A_552, %add3A_398 : i32
    %dma_start3A_554 = arith.constant 0 : i32
    %dma_start3A_555 = tpu.memref_slice %arg2[%add3A_553, %dma_start3A_554] : memref<12800x4096xf32, #tpu.memory_space<hbm>> -> memref<1x4096xf32, #tpu.memory_space<hbm>>
    %dma_start3A_556 = tpu.memref_squeeze %dma_start3A_555 : memref<1x4096xf32, #tpu.memory_space<hbm>> -> memref<4096xf32, #tpu.memory_space<hbm>>
    %dma_start3A_557 = arith.constant 0 : i32
    %dma_start3A_558 = tpu.memref_slice %arg2[%add3A_553, %dma_start3A_557] : memref<12800x4096xf32, #tpu.memory_space<hbm>> -> memref<1x4096xf32, #tpu.memory_space<hbm>>
    %dma_start3A_559 = tpu.memref_squeeze %dma_start3A_558 : memref<1x4096xf32, #tpu.memory_space<hbm>> -> memref<4096xf32, #tpu.memory_space<hbm>>
    tpu.enqueue_dma source(%dma_start3A_559 : memref<4096xf32, #tpu.memory_space<hbm>>) target(%arg7 : memref<4096xf32, #tpu.memory_space<vmem>>) target_semaphore(%arg15 : memref<!tpu.dma_semaphore, #tpu.memory_space<semaphore_mem>>)
    %dma_wait3A_560 = arith.constant 3 : i32
    %dma_wait3A_561 = arith.constant 0 : i32
    %dma_wait3A_562 = tpu.memref_slice %arg3[%dma_wait3A_560, %dma_wait3A_561] : memref<200x4096xi32, #tpu.memory_space<hbm>> -> memref<1x4096xi32, #tpu.memory_space<hbm>>
    %dma_wait3A_563 = tpu.memref_squeeze %dma_wait3A_562 : memref<1x4096xi32, #tpu.memory_space<hbm>> -> memref<4096xi32, #tpu.memory_space<hbm>>
    %dma_wait3A_564 = arith.constant 0 : i32
    %dma_wait3A_565 = tpu.memref_slice %arg3[%dma_wait3A_560, %dma_wait3A_564] : memref<200x4096xi32, #tpu.memory_space<hbm>> -> memref<1x4096xi32, #tpu.memory_space<hbm>>
    %dma_wait3A_566 = tpu.memref_squeeze %dma_wait3A_565 : memref<1x4096xi32, #tpu.memory_space<hbm>> -> memref<4096xi32, #tpu.memory_space<hbm>>
    tpu.wait_dma2 semaphore(%arg14 : memref<!tpu.dma_semaphore, #tpu.memory_space<semaphore_mem>>) src(%dma_wait3A_566 : memref<4096xi32, #tpu.memory_space<hbm>>) dst(%arg12 : memref<4096xi32, #tpu.memory_space<vmem>>)
    %add3A_567 = arith.constant 192 : i32
    %add3A_568 = arith.addi %add3A_567, %add3A_398 : i32
    %dma_wait3A_569 = arith.constant 0 : i32
    %dma_wait3A_570 = tpu.memref_slice %arg2[%add3A_568, %dma_wait3A_569] : memref<12800x4096xf32, #tpu.memory_space<hbm>> -> memref<1x4096xf32, #tpu.memory_space<hbm>>
    %dma_wait3A_571 = tpu.memref_squeeze %dma_wait3A_570 : memref<1x4096xf32, #tpu.memory_space<hbm>> -> memref<4096xf32, #tpu.memory_space<hbm>>
    %dma_wait3A_572 = arith.constant 0 : i32
    %dma_wait3A_573 = tpu.memref_slice %arg2[%add3A_568, %dma_wait3A_572] : memref<12800x4096xf32, #tpu.memory_space<hbm>> -> memref<1x4096xf32, #tpu.memory_space<hbm>>
    %dma_wait3A_574 = tpu.memref_squeeze %dma_wait3A_573 : memref<1x4096xf32, #tpu.memory_space<hbm>> -> memref<4096xf32, #tpu.memory_space<hbm>>
    tpu.wait_dma2 semaphore(%arg18 : memref<!tpu.dma_semaphore, #tpu.memory_space<semaphore_mem>>) src(%dma_wait3A_574 : memref<4096xf32, #tpu.memory_space<hbm>>) dst(%arg10 : memref<4096xf32, #tpu.memory_space<vmem>>)
    %parallel_loop3A_575 = arith.constant 0 : i32
    %parallel_loop3A_576 = arith.constant 4096 : i32
    %parallel_loop3A_577 = arith.constant 16 : i32
    scf.for %parallel_loop3A_797 = %parallel_loop3A_575 to %parallel_loop3A_576 step %parallel_loop3A_577  : i32 {
      %parallel_loop3A_798 = arith.index_cast %parallel_loop3A_797 : i32 to index
      %parallel_loop3A_799 = tpu.vector_load %arg12[%parallel_loop3A_798] {strides = array<i32>} : memref<4096xi32, #tpu.memory_space<vmem>>, vector<16xi32>,
      %parallel_loop3A_800 = tpu.vector_load_idx %arg6[%parallel_loop3A_799] : memref<100000xf32, #tpu.memory_space<vmem>>[vector<16xi32>], vector<16xf32>,
      %parallel_loop3A_801 = arith.index_cast %parallel_loop3A_797 : i32 to index
      %parallel_loop3A_802 = tpu.vector_load %arg10[%parallel_loop3A_801] {strides = array<i32>} : memref<4096xf32, #tpu.memory_space<vmem>>, vector<16xf32>,
      tpu.vector_store %arg10[%parallel_loop3A_801], %parallel_loop3A_800 {add = true, strides = array<i32>} : memref<4096xf32, #tpu.memory_space<vmem>>, vector<16xf32>,
    } {sc.loop_unroll_factor = 8 : i64, sc.parallel_access}
    %dma_start3A_578 = arith.constant 5 : i32
    %dma_start3A_579 = arith.constant 0 : i32
    %dma_start3A_580 = tpu.memref_slice %arg3[%dma_start3A_578, %dma_start3A_579] : memref<200x4096xi32, #tpu.memory_space<hbm>> -> memref<1x4096xi32, #tpu.memory_space<hbm>>
    %dma_start3A_581 = tpu.memref_squeeze %dma_start3A_580 : memref<1x4096xi32, #tpu.memory_space<hbm>> -> memref<4096xi32, #tpu.memory_space<hbm>>
    %dma_start3A_582 = arith.constant 0 : i32
    %dma_start3A_583 = tpu.memref_slice %arg3[%dma_start3A_578, %dma_start3A_582] : memref<200x4096xi32, #tpu.memory_space<hbm>> -> memref<1x4096xi32, #tpu.memory_space<hbm>>
    %dma_start3A_584 = tpu.memref_squeeze %dma_start3A_583 : memref<1x4096xi32, #tpu.memory_space<hbm>> -> memref<4096xi32, #tpu.memory_space<hbm>>
    tpu.enqueue_dma source(%dma_start3A_584 : memref<4096xi32, #tpu.memory_space<hbm>>) target(%arg12 : memref<4096xi32, #tpu.memory_space<vmem>>) target_semaphore(%arg14 : memref<!tpu.dma_semaphore, #tpu.memory_space<semaphore_mem>>)
    %add3A_585 = arith.constant 192 : i32
    %add3A_586 = arith.addi %add3A_585, %add3A_398 : i32
    %dma_start3A_587 = arith.constant 0 : i32
    %dma_start3A_588 = tpu.memref_slice %arg5[%add3A_586, %dma_start3A_587] : memref<12800x4096xf32, #tpu.memory_space<hbm>> -> memref<1x4096xf32, #tpu.memory_space<hbm>>
    %dma_start3A_589 = tpu.memref_squeeze %dma_start3A_588 : memref<1x4096xf32, #tpu.memory_space<hbm>> -> memref<4096xf32, #tpu.memory_space<hbm>>
    %dma_start3A_590 = arith.constant 0 : i32
    %dma_start3A_591 = tpu.memref_slice %arg5[%add3A_586, %dma_start3A_590] : memref<12800x4096xf32, #tpu.memory_space<hbm>> -> memref<1x4096xf32, #tpu.memory_space<hbm>>
    %dma_start3A_592 = tpu.memref_squeeze %dma_start3A_591 : memref<1x4096xf32, #tpu.memory_space<hbm>> -> memref<4096xf32, #tpu.memory_space<hbm>>
    tpu.enqueue_dma source(%arg10 : memref<4096xf32, #tpu.memory_space<vmem>>) target(%dma_start3A_592 : memref<4096xf32, #tpu.memory_space<hbm>>) target_semaphore(%arg22 : memref<!tpu.dma_semaphore, #tpu.memory_space<semaphore_mem>>)
    %add3A_593 = arith.constant 64 : i32
    %add3A_594 = arith.addi %add3A_593, %add3A_398 : i32
    %dma_wait3A_595 = arith.constant 0 : i32
    %dma_wait3A_596 = tpu.memref_slice %arg5[%add3A_594, %dma_wait3A_595] : memref<12800x4096xf32, #tpu.memory_space<hbm>> -> memref<1x4096xf32, #tpu.memory_space<hbm>>
    %dma_wait3A_597 = tpu.memref_squeeze %dma_wait3A_596 : memref<1x4096xf32, #tpu.memory_space<hbm>> -> memref<4096xf32, #tpu.memory_space<hbm>>
    %dma_wait3A_598 = arith.constant 0 : i32
    %dma_wait3A_599 = tpu.memref_slice %arg5[%add3A_594, %dma_wait3A_598] : memref<12800x4096xf32, #tpu.memory_space<hbm>> -> memref<1x4096xf32, #tpu.memory_space<hbm>>
    %dma_wait3A_600 = tpu.memref_squeeze %dma_wait3A_599 : memref<1x4096xf32, #tpu.memory_space<hbm>> -> memref<4096xf32, #tpu.memory_space<hbm>>
    tpu.wait_dma2 semaphore(%arg20 : memref<!tpu.dma_semaphore, #tpu.memory_space<semaphore_mem>>) src(%arg8 : memref<4096xf32, #tpu.memory_space<vmem>>) dst(%dma_wait3A_600 : memref<4096xf32, #tpu.memory_space<hbm>>)
    %add3A_601 = arith.constant 320 : i32
    %add3A_602 = arith.addi %add3A_601, %add3A_398 : i32
    %dma_start3A_603 = arith.constant 0 : i32
    %dma_start3A_604 = tpu.memref_slice %arg2[%add3A_602, %dma_start3A_603] : memref<12800x4096xf32, #tpu.memory_space<hbm>> -> memref<1x4096xf32, #tpu.memory_space<hbm>>
    %dma_start3A_605 = tpu.memref_squeeze %dma_start3A_604 : memref<1x4096xf32, #tpu.memory_space<hbm>> -> memref<4096xf32, #tpu.memory_space<hbm>>
    %dma_start3A_606 = arith.constant 0 : i32
    %dma_start3A_607 = tpu.memref_slice %arg2[%add3A_602, %dma_start3A_606] : memref<12800x4096xf32, #tpu.memory_space<hbm>> -> memref<1x4096xf32, #tpu.memory_space<hbm>>
    %dma_start3A_608 = tpu.memref_squeeze %dma_start3A_607 : memref<1x4096xf32, #tpu.memory_space<hbm>> -> memref<4096xf32, #tpu.memory_space<hbm>>
    tpu.enqueue_dma source(%dma_start3A_608 : memref<4096xf32, #tpu.memory_space<hbm>>) target(%arg8 : memref<4096xf32, #tpu.memory_space<vmem>>) target_semaphore(%arg16 : memref<!tpu.dma_semaphore, #tpu.memory_space<semaphore_mem>>)
    %scan3A_609 = arith.constant 0 : i32
    %scan3A_610 = arith.constant 1 : i32
    %scan3A_611 = arith.constant 48 : i32
    %scan3A_612 = arith.addi %scan3A_610, %scan3A_611 : i32
    %scan3A_613 = arith.constant 1 : i32
    scf.for %scan3A_797 = %scan3A_610 to %scan3A_612 step %scan3A_613  : i32 {
      %mul3A_798 = arith.constant 4 : i32
      %mul3A_799 = arith.muli %mul3A_798, %scan3A_797 : i32
      %add3A_800 = arith.constant 0 : i32
      %add3A_801 = arith.addi %mul3A_799, %add3A_800 : i32
      %dma_wait3A_802 = arith.constant 0 : i32
      %dma_wait3A_803 = tpu.memref_slice %arg3[%add3A_801, %dma_wait3A_802] : memref<200x4096xi32, #tpu.memory_space<hbm>> -> memref<1x4096xi32, #tpu.memory_space<hbm>>
      %dma_wait3A_804 = tpu.memref_squeeze %dma_wait3A_803 : memref<1x4096xi32, #tpu.memory_space<hbm>> -> memref<4096xi32, #tpu.memory_space<hbm>>
      %dma_wait3A_805 = arith.constant 0 : i32
      %dma_wait3A_806 = tpu.memref_slice %arg3[%add3A_801, %dma_wait3A_805] : memref<200x4096xi32, #tpu.memory_space<hbm>> -> memref<1x4096xi32, #tpu.memory_space<hbm>>
      %dma_wait3A_807 = tpu.memref_squeeze %dma_wait3A_806 : memref<1x4096xi32, #tpu.memory_space<hbm>> -> memref<4096xi32, #tpu.memory_space<hbm>>
      tpu.wait_dma2 semaphore(%arg13 : memref<!tpu.dma_semaphore, #tpu.memory_space<semaphore_mem>>) src(%dma_wait3A_807 : memref<4096xi32, #tpu.memory_space<hbm>>) dst(%arg11 : memref<4096xi32, #tpu.memory_space<vmem>>)
      %mul3A_808 = arith.constant 64 : i32
      %mul3A_809 = arith.muli %add3A_801, %mul3A_808 : i32
      %add3A_810 = arith.addi %mul3A_809, %add3A_398 : i32
      %dma_wait3A_811 = arith.constant 0 : i32
      %dma_wait3A_812 = tpu.memref_slice %arg2[%add3A_810, %dma_wait3A_811] : memref<12800x4096xf32, #tpu.memory_space<hbm>> -> memref<1x4096xf32, #tpu.memory_space<hbm>>
      %dma_wait3A_813 = tpu.memref_squeeze %dma_wait3A_812 : memref<1x4096xf32, #tpu.memory_space<hbm>> -> memref<4096xf32, #tpu.memory_space<hbm>>
      %dma_wait3A_814 = arith.constant 0 : i32
      %dma_wait3A_815 = tpu.memref_slice %arg2[%add3A_810, %dma_wait3A_814] : memref<12800x4096xf32, #tpu.memory_space<hbm>> -> memref<1x4096xf32, #tpu.memory_space<hbm>>
      %dma_wait3A_816 = tpu.memref_squeeze %dma_wait3A_815 : memref<1x4096xf32, #tpu.memory_space<hbm>> -> memref<4096xf32, #tpu.memory_space<hbm>>
      tpu.wait_dma2 semaphore(%arg15 : memref<!tpu.dma_semaphore, #tpu.memory_space<semaphore_mem>>) src(%dma_wait3A_816 : memref<4096xf32, #tpu.memory_space<hbm>>) dst(%arg7 : memref<4096xf32, #tpu.memory_space<vmem>>)
      %parallel_loop3A_817 = arith.constant 0 : i32
      %parallel_loop3A_818 = arith.constant 4096 : i32
      %parallel_loop3A_819 = arith.constant 16 : i32
      scf.for %parallel_loop3A_1041 = %parallel_loop3A_817 to %parallel_loop3A_818 step %parallel_loop3A_819  : i32 {
        %parallel_loop3A_1042 = arith.index_cast %parallel_loop3A_1041 : i32 to index
        %parallel_loop3A_1043 = tpu.vector_load %arg11[%parallel_loop3A_1042] {strides = array<i32>} : memref<4096xi32, #tpu.memory_space<vmem>>, vector<16xi32>,
        %parallel_loop3A_1044 = tpu.vector_load_idx %arg6[%parallel_loop3A_1043] : memref<100000xf32, #tpu.memory_space<vmem>>[vector<16xi32>], vector<16xf32>,
        %parallel_loop3A_1045 = arith.index_cast %parallel_loop3A_1041 : i32 to index
        %parallel_loop3A_1046 = tpu.vector_load %arg7[%parallel_loop3A_1045] {strides = array<i32>} : memref<4096xf32, #tpu.memory_space<vmem>>, vector<16xf32>,
        tpu.vector_store %arg7[%parallel_loop3A_1045], %parallel_loop3A_1044 {add = true, strides = array<i32>} : memref<4096xf32, #tpu.memory_space<vmem>>, vector<16xf32>,
      } {sc.loop_unroll_factor = 8 : i64, sc.parallel_access}
      %add3A_820 = arith.constant 2 : i32
      %add3A_821 = arith.addi %add3A_801, %add3A_820 : i32
      %dma_start3A_822 = arith.constant 0 : i32
      %dma_start3A_823 = tpu.memref_slice %arg3[%add3A_821, %dma_start3A_822] : memref<200x4096xi32, #tpu.memory_space<hbm>> -> memref<1x4096xi32, #tpu.memory_space<hbm>>
      %dma_start3A_824 = tpu.memref_squeeze %dma_start3A_823 : memref<1x4096xi32, #tpu.memory_space<hbm>> -> memref<4096xi32, #tpu.memory_space<hbm>>
      %dma_start3A_825 = arith.constant 0 : i32
      %dma_start3A_826 = tpu.memref_slice %arg3[%add3A_821, %dma_start3A_825] : memref<200x4096xi32, #tpu.memory_space<hbm>> -> memref<1x4096xi32, #tpu.memory_space<hbm>>
      %dma_start3A_827 = tpu.memref_squeeze %dma_start3A_826 : memref<1x4096xi32, #tpu.memory_space<hbm>> -> memref<4096xi32, #tpu.memory_space<hbm>>
      tpu.enqueue_dma source(%dma_start3A_827 : memref<4096xi32, #tpu.memory_space<hbm>>) target(%arg11 : memref<4096xi32, #tpu.memory_space<vmem>>) target_semaphore(%arg13 : memref<!tpu.dma_semaphore, #tpu.memory_space<semaphore_mem>>)
      %mul3A_828 = arith.constant 64 : i32
      %mul3A_829 = arith.muli %add3A_801, %mul3A_828 : i32
      %add3A_830 = arith.addi %mul3A_829, %add3A_398 : i32
      %dma_start3A_831 = arith.constant 0 : i32
      %dma_start3A_832 = tpu.memref_slice %arg5[%add3A_830, %dma_start3A_831] : memref<12800x4096xf32, #tpu.memory_space<hbm>> -> memref<1x4096xf32, #tpu.memory_space<hbm>>
      %dma_start3A_833 = tpu.memref_squeeze %dma_start3A_832 : memref<1x4096xf32, #tpu.memory_space<hbm>> -> memref<4096xf32, #tpu.memory_space<hbm>>
      %dma_start3A_834 = arith.constant 0 : i32
      %dma_start3A_835 = tpu.memref_slice %arg5[%add3A_830, %dma_start3A_834] : memref<12800x4096xf32, #tpu.memory_space<hbm>> -> memref<1x4096xf32, #tpu.memory_space<hbm>>
      %dma_start3A_836 = tpu.memref_squeeze %dma_start3A_835 : memref<1x4096xf32, #tpu.memory_space<hbm>> -> memref<4096xf32, #tpu.memory_space<hbm>>
      tpu.enqueue_dma source(%arg7 : memref<4096xf32, #tpu.memory_space<vmem>>) target(%dma_start3A_836 : memref<4096xf32, #tpu.memory_space<hbm>>) target_semaphore(%arg19 : memref<!tpu.dma_semaphore, #tpu.memory_space<semaphore_mem>>)
      %sub3A = arith.constant 2 : i32
      %sub3A_837 = arith.subi %add3A_801, %sub3A : i32
      %mul3A_838 = arith.constant 64 : i32
      %mul3A_839 = arith.muli %sub3A_837, %mul3A_838 : i32
      %add3A_840 = arith.addi %mul3A_839, %add3A_398 : i32
      %dma_wait3A_841 = arith.constant 0 : i32
      %dma_wait3A_842 = tpu.memref_slice %arg5[%add3A_840, %dma_wait3A_841] : memref<12800x4096xf32, #tpu.memory_space<hbm>> -> memref<1x4096xf32, #tpu.memory_space<hbm>>
      %dma_wait3A_843 = tpu.memref_squeeze %dma_wait3A_842 : memref<1x4096xf32, #tpu.memory_space<hbm>> -> memref<4096xf32, #tpu.memory_space<hbm>>
      %dma_wait3A_844 = arith.constant 0 : i32
      %dma_wait3A_845 = tpu.memref_slice %arg5[%add3A_840, %dma_wait3A_844] : memref<12800x4096xf32, #tpu.memory_space<hbm>> -> memref<1x4096xf32, #tpu.memory_space<hbm>>
      %dma_wait3A_846 = tpu.memref_squeeze %dma_wait3A_845 : memref<1x4096xf32, #tpu.memory_space<hbm>> -> memref<4096xf32, #tpu.memory_space<hbm>>
      tpu.wait_dma2 semaphore(%arg21 : memref<!tpu.dma_semaphore, #tpu.memory_space<semaphore_mem>>) src(%arg9 : memref<4096xf32, #tpu.memory_space<vmem>>) dst(%dma_wait3A_846 : memref<4096xf32, #tpu.memory_space<hbm>>)
      %add3A_847 = arith.constant 2 : i32
      %add3A_848 = arith.addi %add3A_801, %add3A_847 : i32
      %mul3A_849 = arith.constant 64 : i32
      %mul3A_850 = arith.muli %add3A_848, %mul3A_849 : i32
      %add3A_851 = arith.addi %mul3A_850, %add3A_398 : i32
      %dma_start3A_852 = arith.constant 0 : i32
      %dma_start3A_853 = tpu.memref_slice %arg2[%add3A_851, %dma_start3A_852] : memref<12800x4096xf32, #tpu.memory_space<hbm>> -> memref<1x4096xf32, #tpu.memory_space<hbm>>
      %dma_start3A_854 = tpu.memref_squeeze %dma_start3A_853 : memref<1x4096xf32, #tpu.memory_space<hbm>> -> memref<4096xf32, #tpu.memory_space<hbm>>
      %dma_start3A_855 = arith.constant 0 : i32
      %dma_start3A_856 = tpu.memref_slice %arg2[%add3A_851, %dma_start3A_855] : memref<12800x4096xf32, #tpu.memory_space<hbm>> -> memref<1x4096xf32, #tpu.memory_space<hbm>>
      %dma_start3A_857 = tpu.memref_squeeze %dma_start3A_856 : memref<1x4096xf32, #tpu.memory_space<hbm>> -> memref<4096xf32, #tpu.memory_space<hbm>>
      tpu.enqueue_dma source(%dma_start3A_857 : memref<4096xf32, #tpu.memory_space<hbm>>) target(%arg9 : memref<4096xf32, #tpu.memory_space<vmem>>) target_semaphore(%arg17 : memref<!tpu.dma_semaphore, #tpu.memory_space<semaphore_mem>>)
      %mul3A_858 = arith.constant 4 : i32
      %mul3A_859 = arith.muli %mul3A_858, %scan3A_797 : i32
      %add3A_860 = arith.constant 1 : i32
      %add3A_861 = arith.addi %mul3A_859, %add3A_860 : i32
      %dma_wait3A_862 = arith.constant 0 : i32
      %dma_wait3A_863 = tpu.memref_slice %arg3[%add3A_861, %dma_wait3A_862] : memref<200x4096xi32, #tpu.memory_space<hbm>> -> memref<1x4096xi32, #tpu.memory_space<hbm>>
      %dma_wait3A_864 = tpu.memref_squeeze %dma_wait3A_863 : memref<1x4096xi32, #tpu.memory_space<hbm>> -> memref<4096xi32, #tpu.memory_space<hbm>>
      %dma_wait3A_865 = arith.constant 0 : i32
      %dma_wait3A_866 = tpu.memref_slice %arg3[%add3A_861, %dma_wait3A_865] : memref<200x4096xi32, #tpu.memory_space<hbm>> -> memref<1x4096xi32, #tpu.memory_space<hbm>>
      %dma_wait3A_867 = tpu.memref_squeeze %dma_wait3A_866 : memref<1x4096xi32, #tpu.memory_space<hbm>> -> memref<4096xi32, #tpu.memory_space<hbm>>
      tpu.wait_dma2 semaphore(%arg14 : memref<!tpu.dma_semaphore, #tpu.memory_space<semaphore_mem>>) src(%dma_wait3A_867 : memref<4096xi32, #tpu.memory_space<hbm>>) dst(%arg12 : memref<4096xi32, #tpu.memory_space<vmem>>)
      %mul3A_868 = arith.constant 64 : i32
      %mul3A_869 = arith.muli %add3A_861, %mul3A_868 : i32
      %add3A_870 = arith.addi %mul3A_869, %add3A_398 : i32
      %dma_wait3A_871 = arith.constant 0 : i32
      %dma_wait3A_872 = tpu.memref_slice %arg2[%add3A_870, %dma_wait3A_871] : memref<12800x4096xf32, #tpu.memory_space<hbm>> -> memref<1x4096xf32, #tpu.memory_space<hbm>>
      %dma_wait3A_873 = tpu.memref_squeeze %dma_wait3A_872 : memref<1x4096xf32, #tpu.memory_space<hbm>> -> memref<4096xf32, #tpu.memory_space<hbm>>
      %dma_wait3A_874 = arith.constant 0 : i32
      %dma_wait3A_875 = tpu.memref_slice %arg2[%add3A_870, %dma_wait3A_874] : memref<12800x4096xf32, #tpu.memory_space<hbm>> -> memref<1x4096xf32, #tpu.memory_space<hbm>>
      %dma_wait3A_876 = tpu.memref_squeeze %dma_wait3A_875 : memref<1x4096xf32, #tpu.memory_space<hbm>> -> memref<4096xf32, #tpu.memory_space<hbm>>
      tpu.wait_dma2 semaphore(%arg16 : memref<!tpu.dma_semaphore, #tpu.memory_space<semaphore_mem>>) src(%dma_wait3A_876 : memref<4096xf32, #tpu.memory_space<hbm>>) dst(%arg8 : memref<4096xf32, #tpu.memory_space<vmem>>)
      %parallel_loop3A_877 = arith.constant 0 : i32
      %parallel_loop3A_878 = arith.constant 4096 : i32
      %parallel_loop3A_879 = arith.constant 16 : i32
      scf.for %parallel_loop3A_1041 = %parallel_loop3A_877 to %parallel_loop3A_878 step %parallel_loop3A_879  : i32 {
        %parallel_loop3A_1042 = arith.index_cast %parallel_loop3A_1041 : i32 to index
        %parallel_loop3A_1043 = tpu.vector_load %arg12[%parallel_loop3A_1042] {strides = array<i32>} : memref<4096xi32, #tpu.memory_space<vmem>>, vector<16xi32>,
        %parallel_loop3A_1044 = tpu.vector_load_idx %arg6[%parallel_loop3A_1043] : memref<100000xf32, #tpu.memory_space<vmem>>[vector<16xi32>], vector<16xf32>,
        %parallel_loop3A_1045 = arith.index_cast %parallel_loop3A_1041 : i32 to index
        %parallel_loop3A_1046 = tpu.vector_load %arg8[%parallel_loop3A_1045] {strides = array<i32>} : memref<4096xf32, #tpu.memory_space<vmem>>, vector<16xf32>,
        tpu.vector_store %arg8[%parallel_loop3A_1045], %parallel_loop3A_1044 {add = true, strides = array<i32>} : memref<4096xf32, #tpu.memory_space<vmem>>, vector<16xf32>,
      } {sc.loop_unroll_factor = 8 : i64, sc.parallel_access}
      %add3A_880 = arith.constant 2 : i32
      %add3A_881 = arith.addi %add3A_861, %add3A_880 : i32
      %dma_start3A_882 = arith.constant 0 : i32
      %dma_start3A_883 = tpu.memref_slice %arg3[%add3A_881, %dma_start3A_882] : memref<200x4096xi32, #tpu.memory_space<hbm>> -> memref<1x4096xi32, #tpu.memory_space<hbm>>
      %dma_start3A_884 = tpu.memref_squeeze %dma_start3A_883 : memref<1x4096xi32, #tpu.memory_space<hbm>> -> memref<4096xi32, #tpu.memory_space<hbm>>
      %dma_start3A_885 = arith.constant 0 : i32
      %dma_start3A_886 = tpu.memref_slice %arg3[%add3A_881, %dma_start3A_885] : memref<200x4096xi32, #tpu.memory_space<hbm>> -> memref<1x4096xi32, #tpu.memory_space<hbm>>
      %dma_start3A_887 = tpu.memref_squeeze %dma_start3A_886 : memref<1x4096xi32, #tpu.memory_space<hbm>> -> memref<4096xi32, #tpu.memory_space<hbm>>
      tpu.enqueue_dma source(%dma_start3A_887 : memref<4096xi32, #tpu.memory_space<hbm>>) target(%arg12 : memref<4096xi32, #tpu.memory_space<vmem>>) target_semaphore(%arg14 : memref<!tpu.dma_semaphore, #tpu.memory_space<semaphore_mem>>)
      %mul3A_888 = arith.constant 64 : i32
      %mul3A_889 = arith.muli %add3A_861, %mul3A_888 : i32
      %add3A_890 = arith.addi %mul3A_889, %add3A_398 : i32
      %dma_start3A_891 = arith.constant 0 : i32
      %dma_start3A_892 = tpu.memref_slice %arg5[%add3A_890, %dma_start3A_891] : memref<12800x4096xf32, #tpu.memory_space<hbm>> -> memref<1x4096xf32, #tpu.memory_space<hbm>>
      %dma_start3A_893 = tpu.memref_squeeze %dma_start3A_892 : memref<1x4096xf32, #tpu.memory_space<hbm>> -> memref<4096xf32, #tpu.memory_space<hbm>>
      %dma_start3A_894 = arith.constant 0 : i32
      %dma_start3A_895 = tpu.memref_slice %arg5[%add3A_890, %dma_start3A_894] : memref<12800x4096xf32, #tpu.memory_space<hbm>> -> memref<1x4096xf32, #tpu.memory_space<hbm>>
      %dma_start3A_896 = tpu.memref_squeeze %dma_start3A_895 : memref<1x4096xf32, #tpu.memory_space<hbm>> -> memref<4096xf32, #tpu.memory_space<hbm>>
      tpu.enqueue_dma source(%arg8 : memref<4096xf32, #tpu.memory_space<vmem>>) target(%dma_start3A_896 : memref<4096xf32, #tpu.memory_space<hbm>>) target_semaphore(%arg20 : memref<!tpu.dma_semaphore, #tpu.memory_space<semaphore_mem>>)
      %sub3A_897 = arith.constant 2 : i32
      %sub3A_898 = arith.subi %add3A_861, %sub3A_897 : i32
      %mul3A_899 = arith.constant 64 : i32
      %mul3A_900 = arith.muli %sub3A_898, %mul3A_899 : i32
      %add3A_901 = arith.addi %mul3A_900, %add3A_398 : i32
      %dma_wait3A_902 = arith.constant 0 : i32
      %dma_wait3A_903 = tpu.memref_slice %arg5[%add3A_901, %dma_wait3A_902] : memref<12800x4096xf32, #tpu.memory_space<hbm>> -> memref<1x4096xf32, #tpu.memory_space<hbm>>
      %dma_wait3A_904 = tpu.memref_squeeze %dma_wait3A_903 : memref<1x4096xf32, #tpu.memory_space<hbm>> -> memref<4096xf32, #tpu.memory_space<hbm>>
      %dma_wait3A_905 = arith.constant 0 : i32
      %dma_wait3A_906 = tpu.memref_slice %arg5[%add3A_901, %dma_wait3A_905] : memref<12800x4096xf32, #tpu.memory_space<hbm>> -> memref<1x4096xf32, #tpu.memory_space<hbm>>
      %dma_wait3A_907 = tpu.memref_squeeze %dma_wait3A_906 : memref<1x4096xf32, #tpu.memory_space<hbm>> -> memref<4096xf32, #tpu.memory_space<hbm>>
      tpu.wait_dma2 semaphore(%arg22 : memref<!tpu.dma_semaphore, #tpu.memory_space<semaphore_mem>>) src(%arg10 : memref<4096xf32, #tpu.memory_space<vmem>>) dst(%dma_wait3A_907 : memref<4096xf32, #tpu.memory_space<hbm>>)
      %add3A_908 = arith.constant 2 : i32
      %add3A_909 = arith.addi %add3A_861, %add3A_908 : i32
      %mul3A_910 = arith.constant 64 : i32
      %mul3A_911 = arith.muli %add3A_909, %mul3A_910 : i32
      %add3A_912 = arith.addi %mul3A_911, %add3A_398 : i32
      %dma_start3A_913 = arith.constant 0 : i32
      %dma_start3A_914 = tpu.memref_slice %arg2[%add3A_912, %dma_start3A_913] : memref<12800x4096xf32, #tpu.memory_space<hbm>> -> memref<1x4096xf32, #tpu.memory_space<hbm>>
      %dma_start3A_915 = tpu.memref_squeeze %dma_start3A_914 : memref<1x4096xf32, #tpu.memory_space<hbm>> -> memref<4096xf32, #tpu.memory_space<hbm>>
      %dma_start3A_916 = arith.constant 0 : i32
      %dma_start3A_917 = tpu.memref_slice %arg2[%add3A_912, %dma_start3A_916] : memref<12800x4096xf32, #tpu.memory_space<hbm>> -> memref<1x4096xf32, #tpu.memory_space<hbm>>
      %dma_start3A_918 = tpu.memref_squeeze %dma_start3A_917 : memref<1x4096xf32, #tpu.memory_space<hbm>> -> memref<4096xf32, #tpu.memory_space<hbm>>
      tpu.enqueue_dma source(%dma_start3A_918 : memref<4096xf32, #tpu.memory_space<hbm>>) target(%arg10 : memref<4096xf32, #tpu.memory_space<vmem>>) target_semaphore(%arg18 : memref<!tpu.dma_semaphore, #tpu.memory_space<semaphore_mem>>)
      %mul3A_919 = arith.constant 4 : i32
      %mul3A_920 = arith.muli %mul3A_919, %scan3A_797 : i32
      %add3A_921 = arith.constant 2 : i32
      %add3A_922 = arith.addi %mul3A_920, %add3A_921 : i32
      %dma_wait3A_923 = arith.constant 0 : i32
      %dma_wait3A_924 = tpu.memref_slice %arg3[%add3A_922, %dma_wait3A_923] : memref<200x4096xi32, #tpu.memory_space<hbm>> -> memref<1x4096xi32, #tpu.memory_space<hbm>>
      %dma_wait3A_925 = tpu.memref_squeeze %dma_wait3A_924 : memref<1x4096xi32, #tpu.memory_space<hbm>> -> memref<4096xi32, #tpu.memory_space<hbm>>
      %dma_wait3A_926 = arith.constant 0 : i32
      %dma_wait3A_927 = tpu.memref_slice %arg3[%add3A_922, %dma_wait3A_926] : memref<200x4096xi32, #tpu.memory_space<hbm>> -> memref<1x4096xi32, #tpu.memory_space<hbm>>
      %dma_wait3A_928 = tpu.memref_squeeze %dma_wait3A_927 : memref<1x4096xi32, #tpu.memory_space<hbm>> -> memref<4096xi32, #tpu.memory_space<hbm>>
      tpu.wait_dma2 semaphore(%arg13 : memref<!tpu.dma_semaphore, #tpu.memory_space<semaphore_mem>>) src(%dma_wait3A_928 : memref<4096xi32, #tpu.memory_space<hbm>>) dst(%arg11 : memref<4096xi32, #tpu.memory_space<vmem>>)
      %mul3A_929 = arith.constant 64 : i32
      %mul3A_930 = arith.muli %add3A_922, %mul3A_929 : i32
      %add3A_931 = arith.addi %mul3A_930, %add3A_398 : i32
      %dma_wait3A_932 = arith.constant 0 : i32
      %dma_wait3A_933 = tpu.memref_slice %arg2[%add3A_931, %dma_wait3A_932] : memref<12800x4096xf32, #tpu.memory_space<hbm>> -> memref<1x4096xf32, #tpu.memory_space<hbm>>
      %dma_wait3A_934 = tpu.memref_squeeze %dma_wait3A_933 : memref<1x4096xf32, #tpu.memory_space<hbm>> -> memref<4096xf32, #tpu.memory_space<hbm>>
      %dma_wait3A_935 = arith.constant 0 : i32
      %dma_wait3A_936 = tpu.memref_slice %arg2[%add3A_931, %dma_wait3A_935] : memref<12800x4096xf32, #tpu.memory_space<hbm>> -> memref<1x4096xf32, #tpu.memory_space<hbm>>
      %dma_wait3A_937 = tpu.memref_squeeze %dma_wait3A_936 : memref<1x4096xf32, #tpu.memory_space<hbm>> -> memref<4096xf32, #tpu.memory_space<hbm>>
      tpu.wait_dma2 semaphore(%arg17 : memref<!tpu.dma_semaphore, #tpu.memory_space<semaphore_mem>>) src(%dma_wait3A_937 : memref<4096xf32, #tpu.memory_space<hbm>>) dst(%arg9 : memref<4096xf32, #tpu.memory_space<vmem>>)
      %parallel_loop3A_938 = arith.constant 0 : i32
      %parallel_loop3A_939 = arith.constant 4096 : i32
      %parallel_loop3A_940 = arith.constant 16 : i32
      scf.for %parallel_loop3A_1041 = %parallel_loop3A_938 to %parallel_loop3A_939 step %parallel_loop3A_940  : i32 {
        %parallel_loop3A_1042 = arith.index_cast %parallel_loop3A_1041 : i32 to index
        %parallel_loop3A_1043 = tpu.vector_load %arg11[%parallel_loop3A_1042] {strides = array<i32>} : memref<4096xi32, #tpu.memory_space<vmem>>, vector<16xi32>,
        %parallel_loop3A_1044 = tpu.vector_load_idx %arg6[%parallel_loop3A_1043] : memref<100000xf32, #tpu.memory_space<vmem>>[vector<16xi32>], vector<16xf32>,
        %parallel_loop3A_1045 = arith.index_cast %parallel_loop3A_1041 : i32 to index
        %parallel_loop3A_1046 = tpu.vector_load %arg9[%parallel_loop3A_1045] {strides = array<i32>} : memref<4096xf32, #tpu.memory_space<vmem>>, vector<16xf32>,
        tpu.vector_store %arg9[%parallel_loop3A_1045], %parallel_loop3A_1044 {add = true, strides = array<i32>} : memref<4096xf32, #tpu.memory_space<vmem>>, vector<16xf32>,
      } {sc.loop_unroll_factor = 8 : i64, sc.parallel_access}
      %add3A_941 = arith.constant 2 : i32
      %add3A_942 = arith.addi %add3A_922, %add3A_941 : i32
      %dma_start3A_943 = arith.constant 0 : i32
      %dma_start3A_944 = tpu.memref_slice %arg3[%add3A_942, %dma_start3A_943] : memref<200x4096xi32, #tpu.memory_space<hbm>> -> memref<1x4096xi32, #tpu.memory_space<hbm>>
      %dma_start3A_945 = tpu.memref_squeeze %dma_start3A_944 : memref<1x4096xi32, #tpu.memory_space<hbm>> -> memref<4096xi32, #tpu.memory_space<hbm>>
      %dma_start3A_946 = arith.constant 0 : i32
      %dma_start3A_947 = tpu.memref_slice %arg3[%add3A_942, %dma_start3A_946] : memref<200x4096xi32, #tpu.memory_space<hbm>> -> memref<1x4096xi32, #tpu.memory_space<hbm>>
      %dma_start3A_948 = tpu.memref_squeeze %dma_start3A_947 : memref<1x4096xi32, #tpu.memory_space<hbm>> -> memref<4096xi32, #tpu.memory_space<hbm>>
      tpu.enqueue_dma source(%dma_start3A_948 : memref<4096xi32, #tpu.memory_space<hbm>>) target(%arg11 : memref<4096xi32, #tpu.memory_space<vmem>>) target_semaphore(%arg13 : memref<!tpu.dma_semaphore, #tpu.memory_space<semaphore_mem>>)
      %mul3A_949 = arith.constant 64 : i32
      %mul3A_950 = arith.muli %add3A_922, %mul3A_949 : i32
      %add3A_951 = arith.addi %mul3A_950, %add3A_398 : i32
      %dma_start3A_952 = arith.constant 0 : i32
      %dma_start3A_953 = tpu.memref_slice %arg5[%add3A_951, %dma_start3A_952] : memref<12800x4096xf32, #tpu.memory_space<hbm>> -> memref<1x4096xf32, #tpu.memory_space<hbm>>
      %dma_start3A_954 = tpu.memref_squeeze %dma_start3A_953 : memref<1x4096xf32, #tpu.memory_space<hbm>> -> memref<4096xf32, #tpu.memory_space<hbm>>
      %dma_start3A_955 = arith.constant 0 : i32
      %dma_start3A_956 = tpu.memref_slice %arg5[%add3A_951, %dma_start3A_955] : memref<12800x4096xf32, #tpu.memory_space<hbm>> -> memref<1x4096xf32, #tpu.memory_space<hbm>>
      %dma_start3A_957 = tpu.memref_squeeze %dma_start3A_956 : memref<1x4096xf32, #tpu.memory_space<hbm>> -> memref<4096xf32, #tpu.memory_space<hbm>>
      tpu.enqueue_dma source(%arg9 : memref<4096xf32, #tpu.memory_space<vmem>>) target(%dma_start3A_957 : memref<4096xf32, #tpu.memory_space<hbm>>) target_semaphore(%arg21 : memref<!tpu.dma_semaphore, #tpu.memory_space<semaphore_mem>>)
      %sub3A_958 = arith.constant 2 : i32
      %sub3A_959 = arith.subi %add3A_922, %sub3A_958 : i32
      %mul3A_960 = arith.constant 64 : i32
      %mul3A_961 = arith.muli %sub3A_959, %mul3A_960 : i32
      %add3A_962 = arith.addi %mul3A_961, %add3A_398 : i32
      %dma_wait3A_963 = arith.constant 0 : i32
      %dma_wait3A_964 = tpu.memref_slice %arg5[%add3A_962, %dma_wait3A_963] : memref<12800x4096xf32, #tpu.memory_space<hbm>> -> memref<1x4096xf32, #tpu.memory_space<hbm>>
      %dma_wait3A_965 = tpu.memref_squeeze %dma_wait3A_964 : memref<1x4096xf32, #tpu.memory_space<hbm>> -> memref<4096xf32, #tpu.memory_space<hbm>>
      %dma_wait3A_966 = arith.constant 0 : i32
      %dma_wait3A_967 = tpu.memref_slice %arg5[%add3A_962, %dma_wait3A_966] : memref<12800x4096xf32, #tpu.memory_space<hbm>> -> memref<1x4096xf32, #tpu.memory_space<hbm>>
      %dma_wait3A_968 = tpu.memref_squeeze %dma_wait3A_967 : memref<1x4096xf32, #tpu.memory_space<hbm>> -> memref<4096xf32, #tpu.memory_space<hbm>>
      tpu.wait_dma2 semaphore(%arg19 : memref<!tpu.dma_semaphore, #tpu.memory_space<semaphore_mem>>) src(%arg7 : memref<4096xf32, #tpu.memory_space<vmem>>) dst(%dma_wait3A_968 : memref<4096xf32, #tpu.memory_space<hbm>>)
      %add3A_969 = arith.constant 2 : i32
      %add3A_970 = arith.addi %add3A_922, %add3A_969 : i32
      %mul3A_971 = arith.constant 64 : i32
      %mul3A_972 = arith.muli %add3A_970, %mul3A_971 : i32
      %add3A_973 = arith.addi %mul3A_972, %add3A_398 : i32
      %dma_start3A_974 = arith.constant 0 : i32
      %dma_start3A_975 = tpu.memref_slice %arg2[%add3A_973, %dma_start3A_974] : memref<12800x4096xf32, #tpu.memory_space<hbm>> -> memref<1x4096xf32, #tpu.memory_space<hbm>>
      %dma_start3A_976 = tpu.memref_squeeze %dma_start3A_975 : memref<1x4096xf32, #tpu.memory_space<hbm>> -> memref<4096xf32, #tpu.memory_space<hbm>>
      %dma_start3A_977 = arith.constant 0 : i32
      %dma_start3A_978 = tpu.memref_slice %arg2[%add3A_973, %dma_start3A_977] : memref<12800x4096xf32, #tpu.memory_space<hbm>> -> memref<1x4096xf32, #tpu.memory_space<hbm>>
      %dma_start3A_979 = tpu.memref_squeeze %dma_start3A_978 : memref<1x4096xf32, #tpu.memory_space<hbm>> -> memref<4096xf32, #tpu.memory_space<hbm>>
      tpu.enqueue_dma source(%dma_start3A_979 : memref<4096xf32, #tpu.memory_space<hbm>>) target(%arg7 : memref<4096xf32, #tpu.memory_space<vmem>>) target_semaphore(%arg15 : memref<!tpu.dma_semaphore, #tpu.memory_space<semaphore_mem>>)
      %mul3A_980 = arith.constant 4 : i32
      %mul3A_981 = arith.muli %mul3A_980, %scan3A_797 : i32
      %add3A_982 = arith.constant 3 : i32
      %add3A_983 = arith.addi %mul3A_981, %add3A_982 : i32
      %dma_wait3A_984 = arith.constant 0 : i32
      %dma_wait3A_985 = tpu.memref_slice %arg3[%add3A_983, %dma_wait3A_984] : memref<200x4096xi32, #tpu.memory_space<hbm>> -> memref<1x4096xi32, #tpu.memory_space<hbm>>
      %dma_wait3A_986 = tpu.memref_squeeze %dma_wait3A_985 : memref<1x4096xi32, #tpu.memory_space<hbm>> -> memref<4096xi32, #tpu.memory_space<hbm>>
      %dma_wait3A_987 = arith.constant 0 : i32
      %dma_wait3A_988 = tpu.memref_slice %arg3[%add3A_983, %dma_wait3A_987] : memref<200x4096xi32, #tpu.memory_space<hbm>> -> memref<1x4096xi32, #tpu.memory_space<hbm>>
      %dma_wait3A_989 = tpu.memref_squeeze %dma_wait3A_988 : memref<1x4096xi32, #tpu.memory_space<hbm>> -> memref<4096xi32, #tpu.memory_space<hbm>>
      tpu.wait_dma2 semaphore(%arg14 : memref<!tpu.dma_semaphore, #tpu.memory_space<semaphore_mem>>) src(%dma_wait3A_989 : memref<4096xi32, #tpu.memory_space<hbm>>) dst(%arg12 : memref<4096xi32, #tpu.memory_space<vmem>>)
      %mul3A_990 = arith.constant 64 : i32
      %mul3A_991 = arith.muli %add3A_983, %mul3A_990 : i32
      %add3A_992 = arith.addi %mul3A_991, %add3A_398 : i32
      %dma_wait3A_993 = arith.constant 0 : i32
      %dma_wait3A_994 = tpu.memref_slice %arg2[%add3A_992, %dma_wait3A_993] : memref<12800x4096xf32, #tpu.memory_space<hbm>> -> memref<1x4096xf32, #tpu.memory_space<hbm>>
      %dma_wait3A_995 = tpu.memref_squeeze %dma_wait3A_994 : memref<1x4096xf32, #tpu.memory_space<hbm>> -> memref<4096xf32, #tpu.memory_space<hbm>>
      %dma_wait3A_996 = arith.constant 0 : i32
      %dma_wait3A_997 = tpu.memref_slice %arg2[%add3A_992, %dma_wait3A_996] : memref<12800x4096xf32, #tpu.memory_space<hbm>> -> memref<1x4096xf32, #tpu.memory_space<hbm>>
      %dma_wait3A_998 = tpu.memref_squeeze %dma_wait3A_997 : memref<1x4096xf32, #tpu.memory_space<hbm>> -> memref<4096xf32, #tpu.memory_space<hbm>>
      tpu.wait_dma2 semaphore(%arg18 : memref<!tpu.dma_semaphore, #tpu.memory_space<semaphore_mem>>) src(%dma_wait3A_998 : memref<4096xf32, #tpu.memory_space<hbm>>) dst(%arg10 : memref<4096xf32, #tpu.memory_space<vmem>>)
      %parallel_loop3A_999 = arith.constant 0 : i32
      %parallel_loop3A_1000 = arith.constant 4096 : i32
      %parallel_loop3A_1001 = arith.constant 16 : i32
      scf.for %parallel_loop3A_1041 = %parallel_loop3A_999 to %parallel_loop3A_1000 step %parallel_loop3A_1001  : i32 {
        %parallel_loop3A_1042 = arith.index_cast %parallel_loop3A_1041 : i32 to index
        %parallel_loop3A_1043 = tpu.vector_load %arg12[%parallel_loop3A_1042] {strides = array<i32>} : memref<4096xi32, #tpu.memory_space<vmem>>, vector<16xi32>,
        %parallel_loop3A_1044 = tpu.vector_load_idx %arg6[%parallel_loop3A_1043] : memref<100000xf32, #tpu.memory_space<vmem>>[vector<16xi32>], vector<16xf32>,
        %parallel_loop3A_1045 = arith.index_cast %parallel_loop3A_1041 : i32 to index
        %parallel_loop3A_1046 = tpu.vector_load %arg10[%parallel_loop3A_1045] {strides = array<i32>} : memref<4096xf32, #tpu.memory_space<vmem>>, vector<16xf32>,
        tpu.vector_store %arg10[%parallel_loop3A_1045], %parallel_loop3A_1044 {add = true, strides = array<i32>} : memref<4096xf32, #tpu.memory_space<vmem>>, vector<16xf32>,
      } {sc.loop_unroll_factor = 8 : i64, sc.parallel_access}
      %add3A_1002 = arith.constant 2 : i32
      %add3A_1003 = arith.addi %add3A_983, %add3A_1002 : i32
      %dma_start3A_1004 = arith.constant 0 : i32
      %dma_start3A_1005 = tpu.memref_slice %arg3[%add3A_1003, %dma_start3A_1004] : memref<200x4096xi32, #tpu.memory_space<hbm>> -> memref<1x4096xi32, #tpu.memory_space<hbm>>
      %dma_start3A_1006 = tpu.memref_squeeze %dma_start3A_1005 : memref<1x4096xi32, #tpu.memory_space<hbm>> -> memref<4096xi32, #tpu.memory_space<hbm>>
      %dma_start3A_1007 = arith.constant 0 : i32
      %dma_start3A_1008 = tpu.memref_slice %arg3[%add3A_1003, %dma_start3A_1007] : memref<200x4096xi32, #tpu.memory_space<hbm>> -> memref<1x4096xi32, #tpu.memory_space<hbm>>
      %dma_start3A_1009 = tpu.memref_squeeze %dma_start3A_1008 : memref<1x4096xi32, #tpu.memory_space<hbm>> -> memref<4096xi32, #tpu.memory_space<hbm>>
      tpu.enqueue_dma source(%dma_start3A_1009 : memref<4096xi32, #tpu.memory_space<hbm>>) target(%arg12 : memref<4096xi32, #tpu.memory_space<vmem>>) target_semaphore(%arg14 : memref<!tpu.dma_semaphore, #tpu.memory_space<semaphore_mem>>)
      %mul3A_1010 = arith.constant 64 : i32
      %mul3A_1011 = arith.muli %add3A_983, %mul3A_1010 : i32
      %add3A_1012 = arith.addi %mul3A_1011, %add3A_398 : i32
      %dma_start3A_1013 = arith.constant 0 : i32
      %dma_start3A_1014 = tpu.memref_slice %arg5[%add3A_1012, %dma_start3A_1013] : memref<12800x4096xf32, #tpu.memory_space<hbm>> -> memref<1x4096xf32, #tpu.memory_space<hbm>>
      %dma_start3A_1015 = tpu.memref_squeeze %dma_start3A_1014 : memref<1x4096xf32, #tpu.memory_space<hbm>> -> memref<4096xf32, #tpu.memory_space<hbm>>
      %dma_start3A_1016 = arith.constant 0 : i32
      %dma_start3A_1017 = tpu.memref_slice %arg5[%add3A_1012, %dma_start3A_1016] : memref<12800x4096xf32, #tpu.memory_space<hbm>> -> memref<1x4096xf32, #tpu.memory_space<hbm>>
      %dma_start3A_1018 = tpu.memref_squeeze %dma_start3A_1017 : memref<1x4096xf32, #tpu.memory_space<hbm>> -> memref<4096xf32, #tpu.memory_space<hbm>>
      tpu.enqueue_dma source(%arg10 : memref<4096xf32, #tpu.memory_space<vmem>>) target(%dma_start3A_1018 : memref<4096xf32, #tpu.memory_space<hbm>>) target_semaphore(%arg22 : memref<!tpu.dma_semaphore, #tpu.memory_space<semaphore_mem>>)
      %sub3A_1019 = arith.constant 2 : i32
      %sub3A_1020 = arith.subi %add3A_983, %sub3A_1019 : i32
      %mul3A_1021 = arith.constant 64 : i32
      %mul3A_1022 = arith.muli %sub3A_1020, %mul3A_1021 : i32
      %add3A_1023 = arith.addi %mul3A_1022, %add3A_398 : i32
      %dma_wait3A_1024 = arith.constant 0 : i32
      %dma_wait3A_1025 = tpu.memref_slice %arg5[%add3A_1023, %dma_wait3A_1024] : memref<12800x4096xf32, #tpu.memory_space<hbm>> -> memref<1x4096xf32, #tpu.memory_space<hbm>>
      %dma_wait3A_1026 = tpu.memref_squeeze %dma_wait3A_1025 : memref<1x4096xf32, #tpu.memory_space<hbm>> -> memref<4096xf32, #tpu.memory_space<hbm>>
      %dma_wait3A_1027 = arith.constant 0 : i32
      %dma_wait3A_1028 = tpu.memref_slice %arg5[%add3A_1023, %dma_wait3A_1027] : memref<12800x4096xf32, #tpu.memory_space<hbm>> -> memref<1x4096xf32, #tpu.memory_space<hbm>>
      %dma_wait3A_1029 = tpu.memref_squeeze %dma_wait3A_1028 : memref<1x4096xf32, #tpu.memory_space<hbm>> -> memref<4096xf32, #tpu.memory_space<hbm>>
      tpu.wait_dma2 semaphore(%arg20 : memref<!tpu.dma_semaphore, #tpu.memory_space<semaphore_mem>>) src(%arg8 : memref<4096xf32, #tpu.memory_space<vmem>>) dst(%dma_wait3A_1029 : memref<4096xf32, #tpu.memory_space<hbm>>)
      %add3A_1030 = arith.constant 2 : i32
      %add3A_1031 = arith.addi %add3A_983, %add3A_1030 : i32
      %mul3A_1032 = arith.constant 64 : i32
      %mul3A_1033 = arith.muli %add3A_1031, %mul3A_1032 : i32
      %add3A_1034 = arith.addi %mul3A_1033, %add3A_398 : i32
      %dma_start3A_1035 = arith.constant 0 : i32
      %dma_start3A_1036 = tpu.memref_slice %arg2[%add3A_1034, %dma_start3A_1035] : memref<12800x4096xf32, #tpu.memory_space<hbm>> -> memref<1x4096xf32, #tpu.memory_space<hbm>>
      %dma_start3A_1037 = tpu.memref_squeeze %dma_start3A_1036 : memref<1x4096xf32, #tpu.memory_space<hbm>> -> memref<4096xf32, #tpu.memory_space<hbm>>
      %dma_start3A_1038 = arith.constant 0 : i32
      %dma_start3A_1039 = tpu.memref_slice %arg2[%add3A_1034, %dma_start3A_1038] : memref<12800x4096xf32, #tpu.memory_space<hbm>> -> memref<1x4096xf32, #tpu.memory_space<hbm>>
      %dma_start3A_1040 = tpu.memref_squeeze %dma_start3A_1039 : memref<1x4096xf32, #tpu.memory_space<hbm>> -> memref<4096xf32, #tpu.memory_space<hbm>>
      tpu.enqueue_dma source(%dma_start3A_1040 : memref<4096xf32, #tpu.memory_space<hbm>>) target(%arg8 : memref<4096xf32, #tpu.memory_space<vmem>>) target_semaphore(%arg16 : memref<!tpu.dma_semaphore, #tpu.memory_space<semaphore_mem>>)
    }
    %scan3A_614 = arith.constant 48 : i32
    %dma_wait3A_615 = arith.constant 196 : i32
    %dma_wait3A_616 = arith.constant 0 : i32
    %dma_wait3A_617 = tpu.memref_slice %arg3[%dma_wait3A_615, %dma_wait3A_616] : memref<200x4096xi32, #tpu.memory_space<hbm>> -> memref<1x4096xi32, #tpu.memory_space<hbm>>
    %dma_wait3A_618 = tpu.memref_squeeze %dma_wait3A_617 : memref<1x4096xi32, #tpu.memory_space<hbm>> -> memref<4096xi32, #tpu.memory_space<hbm>>
    %dma_wait3A_619 = arith.constant 0 : i32
    %dma_wait3A_620 = tpu.memref_slice %arg3[%dma_wait3A_615, %dma_wait3A_619] : memref<200x4096xi32, #tpu.memory_space<hbm>> -> memref<1x4096xi32, #tpu.memory_space<hbm>>
    %dma_wait3A_621 = tpu.memref_squeeze %dma_wait3A_620 : memref<1x4096xi32, #tpu.memory_space<hbm>> -> memref<4096xi32, #tpu.memory_space<hbm>>
    tpu.wait_dma2 semaphore(%arg13 : memref<!tpu.dma_semaphore, #tpu.memory_space<semaphore_mem>>) src(%dma_wait3A_621 : memref<4096xi32, #tpu.memory_space<hbm>>) dst(%arg11 : memref<4096xi32, #tpu.memory_space<vmem>>)
    %add3A_622 = arith.constant 12544 : i32
    %add3A_623 = arith.addi %add3A_622, %add3A_398 : i32
    %dma_wait3A_624 = arith.constant 0 : i32
    %dma_wait3A_625 = tpu.memref_slice %arg2[%add3A_623, %dma_wait3A_624] : memref<12800x4096xf32, #tpu.memory_space<hbm>> -> memref<1x4096xf32, #tpu.memory_space<hbm>>
    %dma_wait3A_626 = tpu.memref_squeeze %dma_wait3A_625 : memref<1x4096xf32, #tpu.memory_space<hbm>> -> memref<4096xf32, #tpu.memory_space<hbm>>
    %dma_wait3A_627 = arith.constant 0 : i32
    %dma_wait3A_628 = tpu.memref_slice %arg2[%add3A_623, %dma_wait3A_627] : memref<12800x4096xf32, #tpu.memory_space<hbm>> -> memref<1x4096xf32, #tpu.memory_space<hbm>>
    %dma_wait3A_629 = tpu.memref_squeeze %dma_wait3A_628 : memref<1x4096xf32, #tpu.memory_space<hbm>> -> memref<4096xf32, #tpu.memory_space<hbm>>
    tpu.wait_dma2 semaphore(%arg15 : memref<!tpu.dma_semaphore, #tpu.memory_space<semaphore_mem>>) src(%dma_wait3A_629 : memref<4096xf32, #tpu.memory_space<hbm>>) dst(%arg7 : memref<4096xf32, #tpu.memory_space<vmem>>)
    %parallel_loop3A_630 = arith.constant 0 : i32
    %parallel_loop3A_631 = arith.constant 4096 : i32
    %parallel_loop3A_632 = arith.constant 16 : i32
    scf.for %parallel_loop3A_797 = %parallel_loop3A_630 to %parallel_loop3A_631 step %parallel_loop3A_632  : i32 {
      %parallel_loop3A_798 = arith.index_cast %parallel_loop3A_797 : i32 to index
      %parallel_loop3A_799 = tpu.vector_load %arg11[%parallel_loop3A_798] {strides = array<i32>} : memref<4096xi32, #tpu.memory_space<vmem>>, vector<16xi32>,
      %parallel_loop3A_800 = tpu.vector_load_idx %arg6[%parallel_loop3A_799] : memref<100000xf32, #tpu.memory_space<vmem>>[vector<16xi32>], vector<16xf32>,
      %parallel_loop3A_801 = arith.index_cast %parallel_loop3A_797 : i32 to index
      %parallel_loop3A_802 = tpu.vector_load %arg7[%parallel_loop3A_801] {strides = array<i32>} : memref<4096xf32, #tpu.memory_space<vmem>>, vector<16xf32>,
      tpu.vector_store %arg7[%parallel_loop3A_801], %parallel_loop3A_800 {add = true, strides = array<i32>} : memref<4096xf32, #tpu.memory_space<vmem>>, vector<16xf32>,
    } {sc.loop_unroll_factor = 8 : i64, sc.parallel_access}
    %dma_start3A_633 = arith.constant 198 : i32
    %dma_start3A_634 = arith.constant 0 : i32
    %dma_start3A_635 = tpu.memref_slice %arg3[%dma_start3A_633, %dma_start3A_634] : memref<200x4096xi32, #tpu.memory_space<hbm>> -> memref<1x4096xi32, #tpu.memory_space<hbm>>
    %dma_start3A_636 = tpu.memref_squeeze %dma_start3A_635 : memref<1x4096xi32, #tpu.memory_space<hbm>> -> memref<4096xi32, #tpu.memory_space<hbm>>
    %dma_start3A_637 = arith.constant 0 : i32
    %dma_start3A_638 = tpu.memref_slice %arg3[%dma_start3A_633, %dma_start3A_637] : memref<200x4096xi32, #tpu.memory_space<hbm>> -> memref<1x4096xi32, #tpu.memory_space<hbm>>
    %dma_start3A_639 = tpu.memref_squeeze %dma_start3A_638 : memref<1x4096xi32, #tpu.memory_space<hbm>> -> memref<4096xi32, #tpu.memory_space<hbm>>
    tpu.enqueue_dma source(%dma_start3A_639 : memref<4096xi32, #tpu.memory_space<hbm>>) target(%arg11 : memref<4096xi32, #tpu.memory_space<vmem>>) target_semaphore(%arg13 : memref<!tpu.dma_semaphore, #tpu.memory_space<semaphore_mem>>)
    %add3A_640 = arith.constant 12544 : i32
    %add3A_641 = arith.addi %add3A_640, %add3A_398 : i32
    %dma_start3A_642 = arith.constant 0 : i32
    %dma_start3A_643 = tpu.memref_slice %arg5[%add3A_641, %dma_start3A_642] : memref<12800x4096xf32, #tpu.memory_space<hbm>> -> memref<1x4096xf32, #tpu.memory_space<hbm>>
    %dma_start3A_644 = tpu.memref_squeeze %dma_start3A_643 : memref<1x4096xf32, #tpu.memory_space<hbm>> -> memref<4096xf32, #tpu.memory_space<hbm>>
    %dma_start3A_645 = arith.constant 0 : i32
    %dma_start3A_646 = tpu.memref_slice %arg5[%add3A_641, %dma_start3A_645] : memref<12800x4096xf32, #tpu.memory_space<hbm>> -> memref<1x4096xf32, #tpu.memory_space<hbm>>
    %dma_start3A_647 = tpu.memref_squeeze %dma_start3A_646 : memref<1x4096xf32, #tpu.memory_space<hbm>> -> memref<4096xf32, #tpu.memory_space<hbm>>
    tpu.enqueue_dma source(%arg7 : memref<4096xf32, #tpu.memory_space<vmem>>) target(%dma_start3A_647 : memref<4096xf32, #tpu.memory_space<hbm>>) target_semaphore(%arg19 : memref<!tpu.dma_semaphore, #tpu.memory_space<semaphore_mem>>)
    %add3A_648 = arith.constant 12416 : i32
    %add3A_649 = arith.addi %add3A_648, %add3A_398 : i32
    %dma_wait3A_650 = arith.constant 0 : i32
    %dma_wait3A_651 = tpu.memref_slice %arg5[%add3A_649, %dma_wait3A_650] : memref<12800x4096xf32, #tpu.memory_space<hbm>> -> memref<1x4096xf32, #tpu.memory_space<hbm>>
    %dma_wait3A_652 = tpu.memref_squeeze %dma_wait3A_651 : memref<1x4096xf32, #tpu.memory_space<hbm>> -> memref<4096xf32, #tpu.memory_space<hbm>>
    %dma_wait3A_653 = arith.constant 0 : i32
    %dma_wait3A_654 = tpu.memref_slice %arg5[%add3A_649, %dma_wait3A_653] : memref<12800x4096xf32, #tpu.memory_space<hbm>> -> memref<1x4096xf32, #tpu.memory_space<hbm>>
    %dma_wait3A_655 = tpu.memref_squeeze %dma_wait3A_654 : memref<1x4096xf32, #tpu.memory_space<hbm>> -> memref<4096xf32, #tpu.memory_space<hbm>>
    tpu.wait_dma2 semaphore(%arg21 : memref<!tpu.dma_semaphore, #tpu.memory_space<semaphore_mem>>) src(%arg9 : memref<4096xf32, #tpu.memory_space<vmem>>) dst(%dma_wait3A_655 : memref<4096xf32, #tpu.memory_space<hbm>>)
    %add3A_656 = arith.constant 12672 : i32
    %add3A_657 = arith.addi %add3A_656, %add3A_398 : i32
    %dma_start3A_658 = arith.constant 0 : i32
    %dma_start3A_659 = tpu.memref_slice %arg2[%add3A_657, %dma_start3A_658] : memref<12800x4096xf32, #tpu.memory_space<hbm>> -> memref<1x4096xf32, #tpu.memory_space<hbm>>
    %dma_start3A_660 = tpu.memref_squeeze %dma_start3A_659 : memref<1x4096xf32, #tpu.memory_space<hbm>> -> memref<4096xf32, #tpu.memory_space<hbm>>
    %dma_start3A_661 = arith.constant 0 : i32
    %dma_start3A_662 = tpu.memref_slice %arg2[%add3A_657, %dma_start3A_661] : memref<12800x4096xf32, #tpu.memory_space<hbm>> -> memref<1x4096xf32, #tpu.memory_space<hbm>>
    %dma_start3A_663 = tpu.memref_squeeze %dma_start3A_662 : memref<1x4096xf32, #tpu.memory_space<hbm>> -> memref<4096xf32, #tpu.memory_space<hbm>>
    tpu.enqueue_dma source(%dma_start3A_663 : memref<4096xf32, #tpu.memory_space<hbm>>) target(%arg9 : memref<4096xf32, #tpu.memory_space<vmem>>) target_semaphore(%arg17 : memref<!tpu.dma_semaphore, #tpu.memory_space<semaphore_mem>>)
    %dma_wait3A_664 = arith.constant 197 : i32
    %dma_wait3A_665 = arith.constant 0 : i32
    %dma_wait3A_666 = tpu.memref_slice %arg3[%dma_wait3A_664, %dma_wait3A_665] : memref<200x4096xi32, #tpu.memory_space<hbm>> -> memref<1x4096xi32, #tpu.memory_space<hbm>>
    %dma_wait3A_667 = tpu.memref_squeeze %dma_wait3A_666 : memref<1x4096xi32, #tpu.memory_space<hbm>> -> memref<4096xi32, #tpu.memory_space<hbm>>
    %dma_wait3A_668 = arith.constant 0 : i32
    %dma_wait3A_669 = tpu.memref_slice %arg3[%dma_wait3A_664, %dma_wait3A_668] : memref<200x4096xi32, #tpu.memory_space<hbm>> -> memref<1x4096xi32, #tpu.memory_space<hbm>>
    %dma_wait3A_670 = tpu.memref_squeeze %dma_wait3A_669 : memref<1x4096xi32, #tpu.memory_space<hbm>> -> memref<4096xi32, #tpu.memory_space<hbm>>
    tpu.wait_dma2 semaphore(%arg14 : memref<!tpu.dma_semaphore, #tpu.memory_space<semaphore_mem>>) src(%dma_wait3A_670 : memref<4096xi32, #tpu.memory_space<hbm>>) dst(%arg12 : memref<4096xi32, #tpu.memory_space<vmem>>)
    %add3A_671 = arith.constant 12608 : i32
    %add3A_672 = arith.addi %add3A_671, %add3A_398 : i32
    %dma_wait3A_673 = arith.constant 0 : i32
    %dma_wait3A_674 = tpu.memref_slice %arg2[%add3A_672, %dma_wait3A_673] : memref<12800x4096xf32, #tpu.memory_space<hbm>> -> memref<1x4096xf32, #tpu.memory_space<hbm>>
    %dma_wait3A_675 = tpu.memref_squeeze %dma_wait3A_674 : memref<1x4096xf32, #tpu.memory_space<hbm>> -> memref<4096xf32, #tpu.memory_space<hbm>>
    %dma_wait3A_676 = arith.constant 0 : i32
    %dma_wait3A_677 = tpu.memref_slice %arg2[%add3A_672, %dma_wait3A_676] : memref<12800x4096xf32, #tpu.memory_space<hbm>> -> memref<1x4096xf32, #tpu.memory_space<hbm>>
    %dma_wait3A_678 = tpu.memref_squeeze %dma_wait3A_677 : memref<1x4096xf32, #tpu.memory_space<hbm>> -> memref<4096xf32, #tpu.memory_space<hbm>>
    tpu.wait_dma2 semaphore(%arg16 : memref<!tpu.dma_semaphore, #tpu.memory_space<semaphore_mem>>) src(%dma_wait3A_678 : memref<4096xf32, #tpu.memory_space<hbm>>) dst(%arg8 : memref<4096xf32, #tpu.memory_space<vmem>>)
    %parallel_loop3A_679 = arith.constant 0 : i32
    %parallel_loop3A_680 = arith.constant 4096 : i32
    %parallel_loop3A_681 = arith.constant 16 : i32
    scf.for %parallel_loop3A_797 = %parallel_loop3A_679 to %parallel_loop3A_680 step %parallel_loop3A_681  : i32 {
      %parallel_loop3A_798 = arith.index_cast %parallel_loop3A_797 : i32 to index
      %parallel_loop3A_799 = tpu.vector_load %arg12[%parallel_loop3A_798] {strides = array<i32>} : memref<4096xi32, #tpu.memory_space<vmem>>, vector<16xi32>,
      %parallel_loop3A_800 = tpu.vector_load_idx %arg6[%parallel_loop3A_799] : memref<100000xf32, #tpu.memory_space<vmem>>[vector<16xi32>], vector<16xf32>,
      %parallel_loop3A_801 = arith.index_cast %parallel_loop3A_797 : i32 to index
      %parallel_loop3A_802 = tpu.vector_load %arg8[%parallel_loop3A_801] {strides = array<i32>} : memref<4096xf32, #tpu.memory_space<vmem>>, vector<16xf32>,
      tpu.vector_store %arg8[%parallel_loop3A_801], %parallel_loop3A_800 {add = true, strides = array<i32>} : memref<4096xf32, #tpu.memory_space<vmem>>, vector<16xf32>,
    } {sc.loop_unroll_factor = 8 : i64, sc.parallel_access}
    %dma_start3A_682 = arith.constant 199 : i32
    %dma_start3A_683 = arith.constant 0 : i32
    %dma_start3A_684 = tpu.memref_slice %arg3[%dma_start3A_682, %dma_start3A_683] : memref<200x4096xi32, #tpu.memory_space<hbm>> -> memref<1x4096xi32, #tpu.memory_space<hbm>>
    %dma_start3A_685 = tpu.memref_squeeze %dma_start3A_684 : memref<1x4096xi32, #tpu.memory_space<hbm>> -> memref<4096xi32, #tpu.memory_space<hbm>>
    %dma_start3A_686 = arith.constant 0 : i32
    %dma_start3A_687 = tpu.memref_slice %arg3[%dma_start3A_682, %dma_start3A_686] : memref<200x4096xi32, #tpu.memory_space<hbm>> -> memref<1x4096xi32, #tpu.memory_space<hbm>>
    %dma_start3A_688 = tpu.memref_squeeze %dma_start3A_687 : memref<1x4096xi32, #tpu.memory_space<hbm>> -> memref<4096xi32, #tpu.memory_space<hbm>>
    tpu.enqueue_dma source(%dma_start3A_688 : memref<4096xi32, #tpu.memory_space<hbm>>) target(%arg12 : memref<4096xi32, #tpu.memory_space<vmem>>) target_semaphore(%arg14 : memref<!tpu.dma_semaphore, #tpu.memory_space<semaphore_mem>>)
    %add3A_689 = arith.constant 12608 : i32
    %add3A_690 = arith.addi %add3A_689, %add3A_398 : i32
    %dma_start3A_691 = arith.constant 0 : i32
    %dma_start3A_692 = tpu.memref_slice %arg5[%add3A_690, %dma_start3A_691] : memref<12800x4096xf32, #tpu.memory_space<hbm>> -> memref<1x4096xf32, #tpu.memory_space<hbm>>
    %dma_start3A_693 = tpu.memref_squeeze %dma_start3A_692 : memref<1x4096xf32, #tpu.memory_space<hbm>> -> memref<4096xf32, #tpu.memory_space<hbm>>
    %dma_start3A_694 = arith.constant 0 : i32
    %dma_start3A_695 = tpu.memref_slice %arg5[%add3A_690, %dma_start3A_694] : memref<12800x4096xf32, #tpu.memory_space<hbm>> -> memref<1x4096xf32, #tpu.memory_space<hbm>>
    %dma_start3A_696 = tpu.memref_squeeze %dma_start3A_695 : memref<1x4096xf32, #tpu.memory_space<hbm>> -> memref<4096xf32, #tpu.memory_space<hbm>>
    tpu.enqueue_dma source(%arg8 : memref<4096xf32, #tpu.memory_space<vmem>>) target(%dma_start3A_696 : memref<4096xf32, #tpu.memory_space<hbm>>) target_semaphore(%arg20 : memref<!tpu.dma_semaphore, #tpu.memory_space<semaphore_mem>>)
    %add3A_697 = arith.constant 12480 : i32
    %add3A_698 = arith.addi %add3A_697, %add3A_398 : i32
    %dma_wait3A_699 = arith.constant 0 : i32
    %dma_wait3A_700 = tpu.memref_slice %arg5[%add3A_698, %dma_wait3A_699] : memref<12800x4096xf32, #tpu.memory_space<hbm>> -> memref<1x4096xf32, #tpu.memory_space<hbm>>
    %dma_wait3A_701 = tpu.memref_squeeze %dma_wait3A_700 : memref<1x4096xf32, #tpu.memory_space<hbm>> -> memref<4096xf32, #tpu.memory_space<hbm>>
    %dma_wait3A_702 = arith.constant 0 : i32
    %dma_wait3A_703 = tpu.memref_slice %arg5[%add3A_698, %dma_wait3A_702] : memref<12800x4096xf32, #tpu.memory_space<hbm>> -> memref<1x4096xf32, #tpu.memory_space<hbm>>
    %dma_wait3A_704 = tpu.memref_squeeze %dma_wait3A_703 : memref<1x4096xf32, #tpu.memory_space<hbm>> -> memref<4096xf32, #tpu.memory_space<hbm>>
    tpu.wait_dma2 semaphore(%arg22 : memref<!tpu.dma_semaphore, #tpu.memory_space<semaphore_mem>>) src(%arg10 : memref<4096xf32, #tpu.memory_space<vmem>>) dst(%dma_wait3A_704 : memref<4096xf32, #tpu.memory_space<hbm>>)
    %add3A_705 = arith.constant 12736 : i32
    %add3A_706 = arith.addi %add3A_705, %add3A_398 : i32
    %dma_start3A_707 = arith.constant 0 : i32
    %dma_start3A_708 = tpu.memref_slice %arg2[%add3A_706, %dma_start3A_707] : memref<12800x4096xf32, #tpu.memory_space<hbm>> -> memref<1x4096xf32, #tpu.memory_space<hbm>>
    %dma_start3A_709 = tpu.memref_squeeze %dma_start3A_708 : memref<1x4096xf32, #tpu.memory_space<hbm>> -> memref<4096xf32, #tpu.memory_space<hbm>>
    %dma_start3A_710 = arith.constant 0 : i32
    %dma_start3A_711 = tpu.memref_slice %arg2[%add3A_706, %dma_start3A_710] : memref<12800x4096xf32, #tpu.memory_space<hbm>> -> memref<1x4096xf32, #tpu.memory_space<hbm>>
    %dma_start3A_712 = tpu.memref_squeeze %dma_start3A_711 : memref<1x4096xf32, #tpu.memory_space<hbm>> -> memref<4096xf32, #tpu.memory_space<hbm>>
    tpu.enqueue_dma source(%dma_start3A_712 : memref<4096xf32, #tpu.memory_space<hbm>>) target(%arg10 : memref<4096xf32, #tpu.memory_space<vmem>>) target_semaphore(%arg18 : memref<!tpu.dma_semaphore, #tpu.memory_space<semaphore_mem>>)
    %dma_wait3A_713 = arith.constant 198 : i32
    %dma_wait3A_714 = arith.constant 0 : i32
    %dma_wait3A_715 = tpu.memref_slice %arg3[%dma_wait3A_713, %dma_wait3A_714] : memref<200x4096xi32, #tpu.memory_space<hbm>> -> memref<1x4096xi32, #tpu.memory_space<hbm>>
    %dma_wait3A_716 = tpu.memref_squeeze %dma_wait3A_715 : memref<1x4096xi32, #tpu.memory_space<hbm>> -> memref<4096xi32, #tpu.memory_space<hbm>>
    %dma_wait3A_717 = arith.constant 0 : i32
    %dma_wait3A_718 = tpu.memref_slice %arg3[%dma_wait3A_713, %dma_wait3A_717] : memref<200x4096xi32, #tpu.memory_space<hbm>> -> memref<1x4096xi32, #tpu.memory_space<hbm>>
    %dma_wait3A_719 = tpu.memref_squeeze %dma_wait3A_718 : memref<1x4096xi32, #tpu.memory_space<hbm>> -> memref<4096xi32, #tpu.memory_space<hbm>>
    tpu.wait_dma2 semaphore(%arg13 : memref<!tpu.dma_semaphore, #tpu.memory_space<semaphore_mem>>) src(%dma_wait3A_719 : memref<4096xi32, #tpu.memory_space<hbm>>) dst(%arg11 : memref<4096xi32, #tpu.memory_space<vmem>>)
    %add3A_720 = arith.constant 12672 : i32
    %add3A_721 = arith.addi %add3A_720, %add3A_398 : i32
    %dma_wait3A_722 = arith.constant 0 : i32
    %dma_wait3A_723 = tpu.memref_slice %arg2[%add3A_721, %dma_wait3A_722] : memref<12800x4096xf32, #tpu.memory_space<hbm>> -> memref<1x4096xf32, #tpu.memory_space<hbm>>
    %dma_wait3A_724 = tpu.memref_squeeze %dma_wait3A_723 : memref<1x4096xf32, #tpu.memory_space<hbm>> -> memref<4096xf32, #tpu.memory_space<hbm>>
    %dma_wait3A_725 = arith.constant 0 : i32
    %dma_wait3A_726 = tpu.memref_slice %arg2[%add3A_721, %dma_wait3A_725] : memref<12800x4096xf32, #tpu.memory_space<hbm>> -> memref<1x4096xf32, #tpu.memory_space<hbm>>
    %dma_wait3A_727 = tpu.memref_squeeze %dma_wait3A_726 : memref<1x4096xf32, #tpu.memory_space<hbm>> -> memref<4096xf32, #tpu.memory_space<hbm>>
    tpu.wait_dma2 semaphore(%arg17 : memref<!tpu.dma_semaphore, #tpu.memory_space<semaphore_mem>>) src(%dma_wait3A_727 : memref<4096xf32, #tpu.memory_space<hbm>>) dst(%arg9 : memref<4096xf32, #tpu.memory_space<vmem>>)
    %parallel_loop3A_728 = arith.constant 0 : i32
    %parallel_loop3A_729 = arith.constant 4096 : i32
    %parallel_loop3A_730 = arith.constant 16 : i32
    scf.for %parallel_loop3A_797 = %parallel_loop3A_728 to %parallel_loop3A_729 step %parallel_loop3A_730  : i32 {
      %parallel_loop3A_798 = arith.index_cast %parallel_loop3A_797 : i32 to index
      %parallel_loop3A_799 = tpu.vector_load %arg11[%parallel_loop3A_798] {strides = array<i32>} : memref<4096xi32, #tpu.memory_space<vmem>>, vector<16xi32>,
      %parallel_loop3A_800 = tpu.vector_load_idx %arg6[%parallel_loop3A_799] : memref<100000xf32, #tpu.memory_space<vmem>>[vector<16xi32>], vector<16xf32>,
      %parallel_loop3A_801 = arith.index_cast %parallel_loop3A_797 : i32 to index
      %parallel_loop3A_802 = tpu.vector_load %arg9[%parallel_loop3A_801] {strides = array<i32>} : memref<4096xf32, #tpu.memory_space<vmem>>, vector<16xf32>,
      tpu.vector_store %arg9[%parallel_loop3A_801], %parallel_loop3A_800 {add = true, strides = array<i32>} : memref<4096xf32, #tpu.memory_space<vmem>>, vector<16xf32>,
    } {sc.loop_unroll_factor = 8 : i64, sc.parallel_access}
    %add3A_731 = arith.constant 12672 : i32
    %add3A_732 = arith.addi %add3A_731, %add3A_398 : i32
    %dma_start3A_733 = arith.constant 0 : i32
    %dma_start3A_734 = tpu.memref_slice %arg5[%add3A_732, %dma_start3A_733] : memref<12800x4096xf32, #tpu.memory_space<hbm>> -> memref<1x4096xf32, #tpu.memory_space<hbm>>
    %dma_start3A_735 = tpu.memref_squeeze %dma_start3A_734 : memref<1x4096xf32, #tpu.memory_space<hbm>> -> memref<4096xf32, #tpu.memory_space<hbm>>
    %dma_start3A_736 = arith.constant 0 : i32
    %dma_start3A_737 = tpu.memref_slice %arg5[%add3A_732, %dma_start3A_736] : memref<12800x4096xf32, #tpu.memory_space<hbm>> -> memref<1x4096xf32, #tpu.memory_space<hbm>>
    %dma_start3A_738 = tpu.memref_squeeze %dma_start3A_737 : memref<1x4096xf32, #tpu.memory_space<hbm>> -> memref<4096xf32, #tpu.memory_space<hbm>>
    tpu.enqueue_dma source(%arg9 : memref<4096xf32, #tpu.memory_space<vmem>>) target(%dma_start3A_738 : memref<4096xf32, #tpu.memory_space<hbm>>) target_semaphore(%arg21 : memref<!tpu.dma_semaphore, #tpu.memory_space<semaphore_mem>>)
    %add3A_739 = arith.constant 12544 : i32
    %add3A_740 = arith.addi %add3A_739, %add3A_398 : i32
    %dma_wait3A_741 = arith.constant 0 : i32
    %dma_wait3A_742 = tpu.memref_slice %arg5[%add3A_740, %dma_wait3A_741] : memref<12800x4096xf32, #tpu.memory_space<hbm>> -> memref<1x4096xf32, #tpu.memory_space<hbm>>
    %dma_wait3A_743 = tpu.memref_squeeze %dma_wait3A_742 : memref<1x4096xf32, #tpu.memory_space<hbm>> -> memref<4096xf32, #tpu.memory_space<hbm>>
    %dma_wait3A_744 = arith.constant 0 : i32
    %dma_wait3A_745 = tpu.memref_slice %arg5[%add3A_740, %dma_wait3A_744] : memref<12800x4096xf32, #tpu.memory_space<hbm>> -> memref<1x4096xf32, #tpu.memory_space<hbm>>
    %dma_wait3A_746 = tpu.memref_squeeze %dma_wait3A_745 : memref<1x4096xf32, #tpu.memory_space<hbm>> -> memref<4096xf32, #tpu.memory_space<hbm>>
    tpu.wait_dma2 semaphore(%arg19 : memref<!tpu.dma_semaphore, #tpu.memory_space<semaphore_mem>>) src(%arg7 : memref<4096xf32, #tpu.memory_space<vmem>>) dst(%dma_wait3A_746 : memref<4096xf32, #tpu.memory_space<hbm>>)
    %dma_wait3A_747 = arith.constant 199 : i32
    %dma_wait3A_748 = arith.constant 0 : i32
    %dma_wait3A_749 = tpu.memref_slice %arg3[%dma_wait3A_747, %dma_wait3A_748] : memref<200x4096xi32, #tpu.memory_space<hbm>> -> memref<1x4096xi32, #tpu.memory_space<hbm>>
    %dma_wait3A_750 = tpu.memref_squeeze %dma_wait3A_749 : memref<1x4096xi32, #tpu.memory_space<hbm>> -> memref<4096xi32, #tpu.memory_space<hbm>>
    %dma_wait3A_751 = arith.constant 0 : i32
    %dma_wait3A_752 = tpu.memref_slice %arg3[%dma_wait3A_747, %dma_wait3A_751] : memref<200x4096xi32, #tpu.memory_space<hbm>> -> memref<1x4096xi32, #tpu.memory_space<hbm>>
    %dma_wait3A_753 = tpu.memref_squeeze %dma_wait3A_752 : memref<1x4096xi32, #tpu.memory_space<hbm>> -> memref<4096xi32, #tpu.memory_space<hbm>>
    tpu.wait_dma2 semaphore(%arg14 : memref<!tpu.dma_semaphore, #tpu.memory_space<semaphore_mem>>) src(%dma_wait3A_753 : memref<4096xi32, #tpu.memory_space<hbm>>) dst(%arg12 : memref<4096xi32, #tpu.memory_space<vmem>>)
    %add3A_754 = arith.constant 12736 : i32
    %add3A_755 = arith.addi %add3A_754, %add3A_398 : i32
    %dma_wait3A_756 = arith.constant 0 : i32
    %dma_wait3A_757 = tpu.memref_slice %arg2[%add3A_755, %dma_wait3A_756] : memref<12800x4096xf32, #tpu.memory_space<hbm>> -> memref<1x4096xf32, #tpu.memory_space<hbm>>
    %dma_wait3A_758 = tpu.memref_squeeze %dma_wait3A_757 : memref<1x4096xf32, #tpu.memory_space<hbm>> -> memref<4096xf32, #tpu.memory_space<hbm>>
    %dma_wait3A_759 = arith.constant 0 : i32
    %dma_wait3A_760 = tpu.memref_slice %arg2[%add3A_755, %dma_wait3A_759] : memref<12800x4096xf32, #tpu.memory_space<hbm>> -> memref<1x4096xf32, #tpu.memory_space<hbm>>
    %dma_wait3A_761 = tpu.memref_squeeze %dma_wait3A_760 : memref<1x4096xf32, #tpu.memory_space<hbm>> -> memref<4096xf32, #tpu.memory_space<hbm>>
    tpu.wait_dma2 semaphore(%arg18 : memref<!tpu.dma_semaphore, #tpu.memory_space<semaphore_mem>>) src(%dma_wait3A_761 : memref<4096xf32, #tpu.memory_space<hbm>>) dst(%arg10 : memref<4096xf32, #tpu.memory_space<vmem>>)
    %parallel_loop3A_762 = arith.constant 0 : i32
    %parallel_loop3A_763 = arith.constant 4096 : i32
    %parallel_loop3A_764 = arith.constant 16 : i32
    scf.for %parallel_loop3A_797 = %parallel_loop3A_762 to %parallel_loop3A_763 step %parallel_loop3A_764  : i32 {
      %parallel_loop3A_798 = arith.index_cast %parallel_loop3A_797 : i32 to index
      %parallel_loop3A_799 = tpu.vector_load %arg12[%parallel_loop3A_798] {strides = array<i32>} : memref<4096xi32, #tpu.memory_space<vmem>>, vector<16xi32>,
      %parallel_loop3A_800 = tpu.vector_load_idx %arg6[%parallel_loop3A_799] : memref<100000xf32, #tpu.memory_space<vmem>>[vector<16xi32>], vector<16xf32>,
      %parallel_loop3A_801 = arith.index_cast %parallel_loop3A_797 : i32 to index
      %parallel_loop3A_802 = tpu.vector_load %arg10[%parallel_loop3A_801] {strides = array<i32>} : memref<4096xf32, #tpu.memory_space<vmem>>, vector<16xf32>,
      tpu.vector_store %arg10[%parallel_loop3A_801], %parallel_loop3A_800 {add = true, strides = array<i32>} : memref<4096xf32, #tpu.memory_space<vmem>>, vector<16xf32>,
    } {sc.loop_unroll_factor = 8 : i64, sc.parallel_access}
    %add3A_765 = arith.constant 12736 : i32
    %add3A_766 = arith.addi %add3A_765, %add3A_398 : i32
    %dma_start3A_767 = arith.constant 0 : i32
    %dma_start3A_768 = tpu.memref_slice %arg5[%add3A_766, %dma_start3A_767] : memref<12800x4096xf32, #tpu.memory_space<hbm>> -> memref<1x4096xf32, #tpu.memory_space<hbm>>
    %dma_start3A_769 = tpu.memref_squeeze %dma_start3A_768 : memref<1x4096xf32, #tpu.memory_space<hbm>> -> memref<4096xf32, #tpu.memory_space<hbm>>
    %dma_start3A_770 = arith.constant 0 : i32
    %dma_start3A_771 = tpu.memref_slice %arg5[%add3A_766, %dma_start3A_770] : memref<12800x4096xf32, #tpu.memory_space<hbm>> -> memref<1x4096xf32, #tpu.memory_space<hbm>>
    %dma_start3A_772 = tpu.memref_squeeze %dma_start3A_771 : memref<1x4096xf32, #tpu.memory_space<hbm>> -> memref<4096xf32, #tpu.memory_space<hbm>>
    tpu.enqueue_dma source(%arg10 : memref<4096xf32, #tpu.memory_space<vmem>>) target(%dma_start3A_772 : memref<4096xf32, #tpu.memory_space<hbm>>) target_semaphore(%arg22 : memref<!tpu.dma_semaphore, #tpu.memory_space<semaphore_mem>>)
    %add3A_773 = arith.constant 12608 : i32
    %add3A_774 = arith.addi %add3A_773, %add3A_398 : i32
    %dma_wait3A_775 = arith.constant 0 : i32
    %dma_wait3A_776 = tpu.memref_slice %arg5[%add3A_774, %dma_wait3A_775] : memref<12800x4096xf32, #tpu.memory_space<hbm>> -> memref<1x4096xf32, #tpu.memory_space<hbm>>
    %dma_wait3A_777 = tpu.memref_squeeze %dma_wait3A_776 : memref<1x4096xf32, #tpu.memory_space<hbm>> -> memref<4096xf32, #tpu.memory_space<hbm>>
    %dma_wait3A_778 = arith.constant 0 : i32
    %dma_wait3A_779 = tpu.memref_slice %arg5[%add3A_774, %dma_wait3A_778] : memref<12800x4096xf32, #tpu.memory_space<hbm>> -> memref<1x4096xf32, #tpu.memory_space<hbm>>
    %dma_wait3A_780 = tpu.memref_squeeze %dma_wait3A_779 : memref<1x4096xf32, #tpu.memory_space<hbm>> -> memref<4096xf32, #tpu.memory_space<hbm>>
    tpu.wait_dma2 semaphore(%arg20 : memref<!tpu.dma_semaphore, #tpu.memory_space<semaphore_mem>>) src(%arg8 : memref<4096xf32, #tpu.memory_space<vmem>>) dst(%dma_wait3A_780 : memref<4096xf32, #tpu.memory_space<hbm>>)
    %add3A_781 = arith.constant 12672 : i32
    %add3A_782 = arith.addi %add3A_781, %add3A_398 : i32
    %dma_wait3A_783 = arith.constant 0 : i32
    %dma_wait3A_784 = tpu.memref_slice %arg5[%add3A_782, %dma_wait3A_783] : memref<12800x4096xf32, #tpu.memory_space<hbm>> -> memref<1x4096xf32, #tpu.memory_space<hbm>>
    %dma_wait3A_785 = tpu.memref_squeeze %dma_wait3A_784 : memref<1x4096xf32, #tpu.memory_space<hbm>> -> memref<4096xf32, #tpu.memory_space<hbm>>
    %dma_wait3A_786 = arith.constant 0 : i32
    %dma_wait3A_787 = tpu.memref_slice %arg5[%add3A_782, %dma_wait3A_786] : memref<12800x4096xf32, #tpu.memory_space<hbm>> -> memref<1x4096xf32, #tpu.memory_space<hbm>>
    %dma_wait3A_788 = tpu.memref_squeeze %dma_wait3A_787 : memref<1x4096xf32, #tpu.memory_space<hbm>> -> memref<4096xf32, #tpu.memory_space<hbm>>
    tpu.wait_dma2 semaphore(%arg21 : memref<!tpu.dma_semaphore, #tpu.memory_space<semaphore_mem>>) src(%arg9 : memref<4096xf32, #tpu.memory_space<vmem>>) dst(%dma_wait3A_788 : memref<4096xf32, #tpu.memory_space<hbm>>)
    %add3A_789 = arith.constant 12736 : i32
    %add3A_790 = arith.addi %add3A_789, %add3A_398 : i32
    %dma_wait3A_791 = arith.constant 0 : i32
    %dma_wait3A_792 = tpu.memref_slice %arg5[%add3A_790, %dma_wait3A_791] : memref<12800x4096xf32, #tpu.memory_space<hbm>> -> memref<1x4096xf32, #tpu.memory_space<hbm>>
    %dma_wait3A_793 = tpu.memref_squeeze %dma_wait3A_792 : memref<1x4096xf32, #tpu.memory_space<hbm>> -> memref<4096xf32, #tpu.memory_space<hbm>>
    %dma_wait3A_794 = arith.constant 0 : i32
    %dma_wait3A_795 = tpu.memref_slice %arg5[%add3A_790, %dma_wait3A_794] : memref<12800x4096xf32, #tpu.memory_space<hbm>> -> memref<1x4096xf32, #tpu.memory_space<hbm>>
    %dma_wait3A_796 = tpu.memref_squeeze %dma_wait3A_795 : memref<1x4096xf32, #tpu.memory_space<hbm>> -> memref<4096xf32, #tpu.memory_space<hbm>>
    tpu.wait_dma2 semaphore(%arg22 : memref<!tpu.dma_semaphore, #tpu.memory_space<semaphore_mem>>) src(%arg10 : memref<4096xf32, #tpu.memory_space<vmem>>) dst(%dma_wait3A_796 : memref<4096xf32, #tpu.memory_space<hbm>>)
    return
  }
}

</mosaic_0001>

<sc_bundles>
// kernel: kernel.3.cloned.1.call-start
scs
__scs_entry_jumppad:
0x0: {  	(pc) =	sbr.rel $0x88, $3  }
0x1: {  	(tag) =	ssettag $0x0;
	lr =	simm.s32 $0x1  }
0x2: {  	[smem:$0x3F9E] =	sst lr;
	_ =	strace $0xD0000000  }
0x3: {  	_ = 	snop  }
0x4: {  	_ = 	snop  }
0x5: {  	_ = 	snop  }
0x6: {  	_ = 	snop  }
0x7: {  	_ = 	snop  }
__scs_overlays_trampoline_lowered:
0x8: {  	[smem:$0x3FAD] =	sst s0  }
0x9: {  	[smem:$0x3FAE] =	sst s1  }
0xa: {  	[smem:$0x3FAF] =	sst s2  }
0xb: {  	[smem:$0x3FB0] =	sst s3  }
0xc: {  	[smem:$0x3FB1] =	sst s4  }
0xd: {  	[smem:$0x3FB2] =	sst s5  }
0xe: {  	[smem:$0x3FB3] =	sst s6  }
0xf: {  	[smem:$0x3FB4] =	sst s7  }
0x10: {  	[smem:$0x3FB5] =	sst s8  }
0x11: {  	[smem:$0x3FB6] =	sst s9;
	s0 =	simm.s32 @!p0 $0x0  }
0x12: {  	s1 =	sld [smem:$0x3F9C];
	s0 =	simm.s32 @p0 $0x1  }
0x13: {  	[smem:$0x3FB7] =	sst s0;
	s0 =	simm.s32 @!p1 $0x0  }
0x14: {  	s2 =	sld [smem:$0x3F9B];
	s0 =	simm.s32 @p1 $0x1  }
0x15: {  	[smem:$0x3FB8] =	sst s0;
	s0 =	simm.s32 @!p2 $0x0  }
0x16: {  	s3 =	sld [smem:$0x3FDB];
	s0 =	simm.s32 @p2 $0x1  }
0x17: {  	s4 =	simm.s32 $0x1BF5;
	[smem:$0x3FBA] =	sst s0  }
0x18: {  	s0 =	sld [smem:$0x3F9D];
	_ =	swait.ge [sflag:s4], $0x0  }
0x19: {  	s7 =	sld [smem:$0x3F9E]  }
0x1a: {  	s8 =	sadd.s32 $0xFFFFE003, lr  }
0x1b: {  	s9 =	sadd.s32 $0xFFFFFEF7, lr;
	s5 =	simm.s32 $0xFFFFFFFF;
	p2 =	slt.u32 s8, $0xFFFFF086  }
0x1c: {  	p1 =	slt.u32 s9, $0xF7A;
	s5 =	simm.s32 @!p2 $0x0  }
0x1d: {  	s5 =	simm.s32 @p1 $0x1;
	p0 =	seq.s32 s7, s2  }
0x1e: {  	s7 =	smul.u32 @!p0 $0xF7A, s2;
	p2 =	seq.s32 @!p0 s5, $0x0  }
0x1f: {  	s9 =	smul.u32 $0xF7A, s1;
	s8 =	simm.s32 @!p0 $0x1BF5;
	p2 =	por !p2, p0  }
0x20: {  	[sflag:s8] =	ssyncset.s32 @!p0 $0xFFFFF086;
	s6 =	sadd.s32 @!p0 s3, s7;
	s7 =	simm.s32 @!p0 $0x108  }
0x21: {  	s3 =	sadd.s32 s3, s9;
	s6 =	sadd.s32 @!p0 $0x88, s6;
	s7 =	simm.s32 @p2 $0x1082  }
0x22: {  	[simem:s7], [sflag:s8] =	dma.local @!p0 [hbm:s6], $0xF7A  }
0x23: {  	s9 =	sor.u32 $0xD0000000, s2;
	s6 =	simm.s32 $0x108;
	_ =	swait.ge @!p0 [sflag:s8], $0x0  }
0x24: {  	s3 =	sadd.s32 $0x88, s3;
	s6 =	simm.s32 @!p1 $0x1082;
	[sflag:s4] =	ssyncset.s32 $0xFFFFF086  }
0x25: {  	[simem:s6], [sflag:s4] =	dma.local [hbm:s3], $0xF7A  }
0x26: {  	[smem:$0x3F9E] =	sst s1;
	(tag) =	ssettag s2;
	_ =	strace s9  }
0x27: {  	s1 =	sld [smem:$0x3FAE]  }
0x28: {  	s2 =	sld [smem:$0x3FAF]  }
0x29: {  	s4 =	sld [smem:$0x3FB1]  }
0x2a: {  	p0 =	seq.s32 s5, $0x0;
	s5 =	sld [smem:$0x3FB2]  }
0x2b: {  	s6 =	sld [smem:$0x3FB3]  }
0x2c: {  	s7 =	sld [smem:$0x3FB4]  }
0x2d: {  	s3 =	simm.s32 $0x108;
	s8 =	sld [smem:$0x3FB5]  }
0x2e: {  	s3 =	simm.s32 @!p0 $0x1082;
	s9 =	sld [smem:$0x3FB6]  }
0x2f: {  	lr =	sadd.s32 s0, s3;
	s0 =	sld [smem:$0x3FAD]  }
0x30: {  	s3 =	sld [smem:$0x3FB0]  }
0x31: {  	[smem:$0x3FB9] =	sst s10  }
0x32: {  	s10 =	sld [smem:$0x3FB7];
	_ =	sdelay $0x3  }
0x33: {  	p0 =	seq.s32 s10, $0x1;
	s10 =	sld [smem:$0x3FB9];
	_ =	sdelay $0x3  }
0x34: {  	[smem:$0x3FB9] =	sst s10  }
0x35: {  	s10 =	sld [smem:$0x3FB8];
	_ =	sdelay $0x3  }
0x36: {  	p1 =	seq.s32 s10, $0x1;
	s10 =	sld [smem:$0x3FB9];
	_ =	sdelay $0x3  }
0x37: {  	[smem:$0x3FB9] =	sst s10  }
0x38: {  	s10 =	sld [smem:$0x3FBA]  }
0x39: {  	_ = 	snop;
	(pc) =	sbr.ind lr, $3  }
0x3a: {  	_ = 	snop  }
0x3b: {  	_ = 	snop  }
0x3c: {  	p2 =	seq.s32 s10, $0x1;
	s10 =	sld [smem:$0x3FB9]  }
0x3d: {  	_ =	shalt  }
0x3e: {  	_ =	shalt  }
0x3f: {  	_ =	shalt  }
0x40: {  	_ =	shalt  }
0x41: {  	_ =	shalt  }
0x42: {  	_ =	shalt  }
0x43: {  	_ =	shalt  }
0x44: {  	_ =	shalt  }
0x45: {  	_ =	shalt  }
0x46: {  	_ =	shalt  }
0x47: {  	_ =	shalt  }
0x48: {  	_ =	shalt  }
0x49: {  	_ =	shalt  }
0x4a: {  	_ =	shalt  }
0x4b: {  	_ =	shalt  }
0x4c: {  	_ =	shalt  }
0x4d: {  	_ =	shalt  }
0x4e: {  	_ =	shalt  }
0x4f: {  	_ =	shalt  }
0x50: {  	_ =	shalt  }
0x51: {  	_ =	shalt  }
0x52: {  	_ =	shalt  }
0x53: {  	_ =	shalt  }
0x54: {  	_ =	shalt  }
0x55: {  	_ =	shalt  }
0x56: {  	_ =	shalt  }
0x57: {  	_ =	shalt  }
0x58: {  	_ =	shalt  }
0x59: {  	_ =	shalt  }
0x5a: {  	_ =	shalt  }
0x5b: {  	_ =	shalt  }
0x5c: {  	_ =	shalt  }
0x5d: {  	_ =	shalt  }
0x5e: {  	_ =	shalt  }
0x5f: {  	_ =	shalt  }
0x60: {  	_ =	shalt  }
0x61: {  	_ =	shalt  }
0x62: {  	_ =	shalt  }
0x63: {  	_ =	shalt  }
0x64: {  	_ =	shalt  }
0x65: {  	_ =	shalt  }
0x66: {  	_ =	shalt  }
0x67: {  	_ =	shalt  }
0x68: {  	_ =	shalt  }
0x69: {  	_ =	shalt  }
0x6a: {  	_ =	shalt  }
0x6b: {  	_ =	shalt  }
0x6c: {  	_ =	shalt  }
0x6d: {  	_ =	shalt  }
0x6e: {  	_ =	shalt  }
0x6f: {  	_ =	shalt  }
0x70: {  	_ =	shalt  }
0x71: {  	_ =	shalt  }
0x72: {  	_ =	shalt  }
0x73: {  	_ =	shalt  }
0x74: {  	_ =	shalt  }
0x75: {  	_ =	shalt  }
0x76: {  	_ =	shalt  }
0x77: {  	_ =	shalt  }
0x78: {  	_ =	shalt  }
0x79: {  	_ =	shalt  }
0x7a: {  	_ =	shalt  }
0x7b: {  	_ =	shalt  }
0x7c: {  	_ =	shalt  }
0x7d: {  	_ =	shalt  }
0x7e: {  	_ =	shalt  }
0x7f: {  	_ =	shalt  }
0x80: {  	_ =	shalt  }
0x81: {  	_ =	shalt  }
0x82: {  	_ =	shalt  }
0x83: {  	_ =	shalt  }
0x84: {  	_ =	shalt  }
0x85: {  	_ =	shalt  }
0x86: {  	_ =	shalt  }
0x87: {  	_ =	shalt  }
.Lfunc_end0:
.L_simem_size_0:
called_computation_lowered:
.L_overlay_start_0:
0x88: {  	s2 =	sld [smem:$0x3FD9]  }
0x89: {  	s3 =	sld [smem:$0x3FFE];
	_ =	sdelay $0x1  }
0x8a: {  	s1 =	srdreg.scid  }
0x8b: {  	s0 =	sand.u32 $0x1, s1  }
0x8c: {  	s18 =	sshll.u32 s0, $0xA;
	s2 =	sadd.s32 s3, s2  }
0x8d: {  	s2 =	sadd.s32 s2, s18  }
0x8e: {  	[smem:$0x3FC5] =	sst s2  }
0x8f: {  	_ = 	snop  }
0x90: {  	s2 =	sld [smem:$0x3FC9]  }
0x91: {  	s19 =	sld [smem:$0x3FC8]  }
0x92: {  	s4 =	sld [smem:$0x3FC7]  }
0x93: {  	s5 =	sld [smem:$0x3FD0];
	(tm) =	ssettm $0x1  }
0x94: {  	s6 =	sld [smem:$0x3FFB];
	_ =	sdelay $0x3  }
0x95: {  	_ =	strace s6  }
0x96: {  	s6 =	sld [smem:$0x3FFC];
	_ =	sdelay $0x3  }
0x97: {  	_ =	strace s6  }
0x98: {  	s6 =	sld [smem:$0x3FFD];
	_ =	sdelay $0x3  }
0x99: {  	_ =	strace s6  }
0x9a: {  	_ =	strace $0x8FFFFFFF  }
0x9b: {  	s20 =	sld [smem:$0x3FDB];
	_ =	sdelay $0x1  }
0x9c: {  	s7 =	simm.s32 $_scs_section_size  }
0x9d: {  	s8 =	simm.s32 $_size__tile_overlayer_lowered;
	s9 =	simm.s32 $_tile_overlayer_lowered  }
0x9e: {  	s23 =	simm.s32 $0x1BFF;
	s22 =	sshll.u32 s9, $0x1;
	s6 =	sadd.s32 s7, s20  }
0x9f: {  	s10 =	simm.s32 $0x0;
	s21 =	sshll.u32 s8, $0x1;
	s8 =	sadd.s32 s22, s6  }
0xa0: {  	[timem:s10], [sflag:s23] =	dma.local [hbm:s8], s21  }
0xa1: {  	_ =	swait.ge [sflag:s23], s21  }
0xa2: {  	s7 =	ssub.s32 $0x0, s21;
	[sflag:s23] =	ssyncset.done $0x0  }
0xa3: {  	[sflag:s23] =	ssyncadd.s32 s7;
	_ =	sdelay $0x1  }
0xa4: {  	s24 =	simm.s32 $0x1B8B  }
0xa5: {  	_ =	swait.ge [sflag:s24], $0x1  }
0xa6: {  	[sflag:s24] =	ssyncset.done $0x0  }
0xa7: {  	s25 =	simm.s32 $0x1B8E;
	[sflag:s24] =	ssyncadd.s32 $0xFFFFFFFF  }
0xa8: {  	s26 =	simm.s32 $execute0_lowered;
	[smem:$0x3FD2] =	sst s25  }
0xa9: {  	s7 =	sshll.u32 s26, $0x1;
	_ =	strace $0x80000046;
	[dreg:$0x1] =	wrdreg $0xFFFFFFFF  }
0xaa: {  	s28 =	simm.s32 $_size_execute0_lowered;
	s6 =	sadd.s32 s6, s7;
	[dreg:$0x0] =	wrdreg $0x0  }
0xab: {  	s7 =	sshll.u32 s28, $0x1;
	[dreg:$0x2] =	wrdreg s6  }
0xac: {  	[dreg:$0x3] =	wrdreg s7  }
0xad: {  	[dreg:$0x4] =	wrdreg $0xC0  }
0xae: {  	_ =	task [dreg:s10], $0x5FFFF  }
0xaf: {  	[dreg:$0x1] =	wrdreg $0xFFFFFFFF  }
0xb0: {  	[dreg:$0x0] =	wrdreg $0x60  }
0xb1: {  	[dreg:$0x2] =	wrdreg s2  }
0xb2: {  	[dreg:$0x3] =	wrdreg s19  }
0xb3: {  	[dreg:$0x4] =	wrdreg s4  }
0xb4: {  	[dreg:$0x5] =	wrdreg s5  }
0xb5: {  	[dreg:$0x6] =	wrdreg $0x9  }
0xb6: {  	_ =	task.clear_ibuf [dreg:s10], $0x7FFFF;
	_ =	strace $0x90000046  }
0xb7: {  	s29 =	simm.s32 $0x9;
	_ =	strace $0x80000048  }
0xb8: {  	_ =	swait.ge [sflag:s29], $0x1  }
0xb9: {  	[sflag:s29] =	ssyncadd.s32 $0xFFFFFFFF  }
0xba: {  	_ =	strace $0x90000048  }
0xbb: {  	_ =	sfence  }
0xbc: {  	s30 =	sld [smem:$0x0];
	_ =	sdelay $0x2  }
0xbd: {  	s31 =	sshll.u32 s1, $0xD;
	s1 =	sshrl.u32 s1, $0x2  }
0xbe: {  	s3 =	sand.u32 $0x4000, s31;
	s1 =	sadd.s32 s1, s30  }
0xbf: {  	s0 =	sor.u32 s3, s0;
	s1 =	sshll.u32 s1, $0x11  }
0xc0: {  	s0 =	sor.u32 s1, s0  }
0xc1: {  	s0 =	sadd.s32 $0x8F2B, s0  }
0xc2: {  	[sflag:s0] =	ssyncadd.remote.s32 $0x1  }
0xc3: {  	_ =	sfence.sel $0xFFFF  }
0xc4: {  	[dreg:$0x0] =	wrdreg $0xFFFFFFFF;
	(pc) =	sbr.abs _section_cstart, $3  }
0xc5: {  	[dreg:$0x1] =	wrdreg $0xFFFFFFFF  }
0xc6: {  	_ =	task.clear_ibuf [dreg:s10], $0x2FFFF;
	_ =	strace $0x9FFFFFFF  }
0xc7: {  	(tm) =	ssettm $0x7FFFFFFF  }
tec
execute0_lowered:
.L_overlay_start_1:
0x0: {  	(tag) =	ssettag $0x1  }
0x1: {  	s14 =	rddreg [dreg:$0x0]  }
0x2: {  	s2 =	rddreg [dreg:$0x1]  }
0x3: {  	s4 =	rddreg [dreg:$0x2]  }
0x4: {  	s3 =	rddreg [dreg:$0x3]  }
0x5: {  	s5 =	simm.s32 $0x0;
	s0 =	srdreg.scid;
	s12 =	stileid.u32  }
0x6: {  	[smem:$0x7FF] =	sst s5;
	s0 =	sand.u32 $0x1, s0;
	s6 =	sshll.u32 s12, $0x1  }
0x7: {  	s8 =	sshrl.u32 s12, $0x2;
	s10 =	sshll.u32 s12, $0xD;
	s12 =	sshll.u32 s12, $0xA  }
0x8: {  	_ =	strace $0x80000047;
	s1 =	ssub.s32 $0x2, s0;
	s6 =	sor.u32 s0, s6  }
0x9: {  	s11 =	smul.u32 $0xC3800, s8;
	s8 =	sshll.u32 s8, $0xF;
	s26 =	sand.u32 $0x3000, s12  }
0xa: {  	s7 =	sshrl.u32 s1, $0x1;
	s9 =	sshll.u32 s6, $0x7;
	s22 =	sor.u32 $0x20, s6  }
0xb: {  	s6 =	sshll.u32 s6, $0x4;
	s12 =	sadd.s32 s14, s26;
	s0 =	ssub.s32 s1, s7  }
0xc: {  	s15 =	sor.u32 s10, s9;
	s16 =	sand.u32 $0x380, s9;
	s24 =	sshrl.u32 s22, $0x3  }
0xd: {  	s6 =	sand.u32 $0x70, s6;
	s9 =	sor.u32 s11, s16;
	s1 =	sand.u32 $0x18380, s15  }
0xe: {  	s8 =	sor.u32 s8, s16;
	s25 =	smul.u32 $0xC3800, s24;
	s28 =	sadd.s32 s6, s12  }
0xf: {  	s0 =	smax.u32 s0, $0x1;
	s9 =	sshrl.u32 s9, $0x3;
	[dreg:$0xe] =	wrdreg s28  }
0x10: {  	s8 =	sshrl.u32 s8, $0x3;
	[smem:$0x7F5] =	sst s0;
	s9 =	sadd.s32 s4, s9  }
0x11: {  	s1 =	sshrl.u32 s1, $0x3;
	s18 =	sadd.s32 s14, s8;
	[dreg:$0x5] =	wrdreg s9  }
0x12: {  	s17 =	sor.u32 $0x8000, s1;
	s8 =	sadd.s32 s3, s8;
	[dreg:$0x6] =	wrdreg s18  }
0x13: {  	s20 =	sor.u32 $0x10000, s1;
	s19 =	sadd.s32 s14, s17;
	[dreg:$0x8] =	wrdreg s8  }
0x14: {  	s23 =	sor.u32 $0x18000, s1;
	s21 =	sadd.s32 s14, s20;
	[dreg:$0x7] =	wrdreg s19  }
0x15: {  	s30 =	sor.u32 $0x630000, s1;
	s9 =	sadd.s32 s3, s17;
	[dreg:$0x9] =	wrdreg s21  }
0x16: {  	s28 =	sor.u32 $0x1C000, s1;
	s13 =	sadd.s32 s14, s23;
	[dreg:$0xa] =	wrdreg s9  }
0x17: {  	s10 =	sadd.s32 s3, s20;
	s17 =	sadd.s32 s3, s30;
	[dreg:$0xb] =	wrdreg s13  }
0x18: {  	[dreg:$0xc] =	wrdreg s10;
	s13 =	sor.u32 s16, s25;
	s9 =	sadd.s32 s3, s23  }
0x19: {  	[dreg:$0x12] =	wrdreg s17;
	s23 =	sor.u32 $0xC000, s1;
	s25 =	sor.u32 $0x14000, s1  }
0x1a: {  	[dreg:$0xd] =	wrdreg s9;
	s29 =	sshrl.u32 s13, $0x3;
	s13 =	sadd.s32 s14, s30  }
0x1b: {  	s9 =	sshll.u32 s24, $0xF;
	s24 =	sadd.s32 s14, s23;
	[dreg:$0x10] =	wrdreg s13  }
0x1c: {  	s19 =	sor.u32 s6, s26;
	s26 =	sadd.s32 s14, s25;
	[dreg:$0x17] =	wrdreg s24  }
0x1d: {  	s30 =	sadd.s32 s14, s28;
	[dreg:$0x19] =	wrdreg s26  }
0x1e: {  	s12 =	sadd.s32 s1, s3;
	s4 =	sadd.s32 s4, s29;
	[dreg:$0x1b] =	wrdreg s30  }
0x1f: {  	s13 =	sadd.s32 $0x620000, s12;
	[dreg:$0xf] =	wrdreg s4  }
0x20: {  	s8 =	sshll.u32 s22, $0x9;
	s24 =	sadd.s32 $0x30, s2;
	[smem:$0x7ED] =	sst s13  }
0x21: {  	s7 =	sor.u32 s16, s9;
	s26 =	sadd.s32 $0x50, s2;
	[smem:$0x7F8] =	sst s24  }
0x22: {  	s16 =	sor.u32 $0x638000, s1;
	s30 =	sadd.s32 $0x18070, s2;
	[smem:$0x7FA] =	sst s26  }
0x23: {  	s29 =	sadd.s32 s1, s14;
	s21 =	sadd.s32 s14, s16;
	[smem:$0x7FD] =	sst s30  }
0x24: {  	s4 =	sand.u32 $0x7000, s8;
	s8 =	sadd.s32 $0x20000, s29;
	[dreg:$0x13] =	wrdreg s21  }
0x25: {  	s31 =	simm.s32 $0x80;
	s9 =	sadd.s32 $0x28000, s29;
	[dreg:$0x1d] =	wrdreg s8  }
0x26: {  	s11 =	sadd.s32 s14, s6;
	s10 =	sadd.s32 $0x24000, s29;
	[dreg:$0x1e] =	wrdreg s9  }
0x27: {  	s18 =	sshrl.u32 s7, $0x3;
	s15 =	sadd.s32 s4, s11;
	[dreg:$0x1f] =	wrdreg s10  }
0x28: {  	s20 =	sor.u32 s6, s4;
	s4 =	sadd.s32 s3, s16;
	[dreg:$0x11] =	wrdreg s15  }
0x29: {  	s0 =	simm.s32 $0x400;
	s22 =	sadd.s32 s14, s18;
	[dreg:$0x14] =	wrdreg s4  }
0x2a: {  	s17 =	sor.u32 $0x634000, s1;
	s6 =	sadd.s32 s3, s18;
	[dreg:$0x15] =	wrdreg s22  }
0x2b: {  	s1 =	sor.u32 $0x63C000, s1;
	s11 =	sadd.s32 $0x2C000, s29;
	[dreg:$0x16] =	wrdreg s6  }
0x2c: {  	s7 =	simm.s32 $0x1D700;
	s16 =	sadd.s32 $0x624000, s12;
	[smem:$0x7EC] =	sst s11  }
0x2d: {  	s13 =	simm.s32 $0x2;
	s18 =	sadd.s32 s14, s17;
	[smem:$0x7EF] =	sst s16  }
0x2e: {  	s24 =	simm.s32 $0x9;
	s21 =	sadd.s32 s14, s1;
	[smem:$0x7F1] =	sst s18  }
0x2f: {  	s1 =	sadd.s32 s3, s1;
	s29 =	sadd.s32 $0x18060, s2;
	[smem:$0x7F3] =	sst s21  }
0x30: {  	s8 =	simm.s32 $0x18700;
	s9 =	simm.s32 $0x19700;
	[smem:$0x7F4] =	sst s1  }
0x31: {  	s10 =	simm.s32 $0x1;
	s4 =	sadd.s32 s3, s23;
	[smem:$0x7FC] =	sst s29  }
0x32: {  	s14 =	simm.s32 $0x4;
	s6 =	sadd.s32 s3, s25;
	[dreg:$0x18] =	wrdreg s4  }
0x33: {  	s15 =	sadd.s32 $0x628000, s12;
	s22 =	sadd.s32 $0x10, s2;
	[dreg:$0x1a] =	wrdreg s6  }
0x34: {  	s23 =	sadd.s32 $0x20, s2;
	s25 =	sadd.s32 $0x40, s2;
	[smem:$0x7EE] =	sst s15  }
0x35: {  	s11 =	simm.s32 $0x3;
	s16 =	simm.s32 $0x1B700;
	[smem:$0x7F6] =	sst s22  }
0x36: {  	s21 =	simm.s32 $0x7;
	s4 =	sadd.s32 s3, s28;
	[smem:$0x7F7] =	sst s23  }
0x37: {  	[smem:$0x7F9] =	sst s25;
	s28 =	sadd.s32 $0x8000, s3;
	s6 =	simm.s32 $0x1C700  }
0x38: {  	s22 =	simm.s32 $0x6;
	s23 =	simm.s32 $0x8;
	[dreg:$0x1c] =	wrdreg s4  }
0x39: {  	s25 =	simm.s32 $0xA;
	s4 =	sadd.s32 $0x62C000, s12;
	[smem:$0x7FB] =	sst s28  }
0x3a: {  	s12 =	simm.s32 $0x1A700;
	[smem:$0x7F0] =	sst s4;
	s4 =	sadd.s32 s3, s17  }
0x3b: {  	s17 =	simm.s32 $0x5;
	[smem:$0x7F2] =	sst s4;
	s4 =	simm.s32 $0x0  }
.LBB2_1:
0x3c: {  	[smem:$0x7EB] =	sst s4  }
0x3d: {  	s1 =	rddreg [dreg:$0x5];
	s26 =	simm.s32 $0xB  }
0x3e: {  	[tilespmem:s5], [sflag:$0xB] =	stream.strided.gather [hbm4b:s1+s31], $0x18700, s0, s31, $0x38;
	[tilespmem:$0x1E700] =	vst v63  }
0x3f: {  	_ =	swait.ge [sflag:s26], $0x18700  }
0x40: {  	[sflag:s26] =	ssyncset.done $0x0  }
0x41: {  	s28 =	sld [smem:$0x7F6];
	[sflag:s26] =	ssyncadd.s32 $0xFFFE7900  }
0x42: {  	[tilespmem:s6], [sflag:$0x1] =	stream.strided.gather [hbm4b:s2+s31], $0x1000, s0, s31, $0x38;
	[tilespmem:$0x1E700] =	vst v63  }
0x43: {  	_ = 	snop  }
0x44: {  	[tilespmem:s7], [sflag:$0x2] =	stream.strided.gather [hbm4b:s28+s31], $0x1000, s0, s31, $0x38;
	[tilespmem:$0x1E700] =	vst v63  }
0x45: {  	s29 =	rddreg [dreg:$0x6]  }
0x46: {  	[tilespmem:s8], [sflag:$0x3] =	stream.strided.gather [hbm4b:s29+s31], $0x1000, s0, s31, $0x38;
	[tilespmem:$0x1E700] =	vst v63  }
0x47: {  	s30 =	rddreg [dreg:$0x7]  }
0x48: {  	[tilespmem:s9], [sflag:$0x4] =	stream.strided.gather [hbm4b:s30+s31], $0x1000, s0, s31, $0x38;
	[tilespmem:$0x1E700] =	vst v63  }
0x49: {  	_ =	swait.ge [sflag:s10], $0x1000  }
0x4a: {  	[sflag:s10] =	ssyncset.done $0x0  }
0x4b: {  	[sflag:s10] =	ssyncadd.s32 $0xFFFFF000  }
0x4c: {  	_ =	swait.ge [sflag:s11], $0x1000  }
0x4d: {  	[sflag:s11] =	ssyncset.done $0x0  }
0x4e: {  	s1 =	simm.s32 $0x0;
	[sflag:s11] =	ssyncadd.s32 $0xFFFFF000  }
0x4f: {  	v0 =	vld [tilespmem:s1+$0x1C770]  }
0x50: {  	v1 =	vld [tilespmem:s1+$0x1C700]  }
0x51: {  	v2 =	vld [tilespmem:s1+$0x1C710]  }
0x52: {  	v3 =	vld [tilespmem:s1+$0x1C720]  }
0x53: {  	v4 =	vld [tilespmem:s1+$0x1C730]  }
0x54: {  	v5 =	vld [tilespmem:s1+$0x1C740]  }
0x55: {  	v6 =	vld [tilespmem:s1+$0x1C750]  }
0x56: {  	v7 =	vld [tilespmem:s1+$0x1C760]  }
0x57: {  	v0 =	vld.idx.msk [tilespmem:v0+s5+$0x0], $0xffff  }
0x58: {  	v1 =	vld.idx.msk [tilespmem:v1+s5+$0x0], $0xffff  }
0x59: {  	v2 =	vld.idx.msk [tilespmem:v2+s5+$0x0], $0xffff  }
0x5a: {  	v3 =	vld.idx.msk [tilespmem:v3+s5+$0x0], $0xffff  }
0x5b: {  	v4 =	vld.idx.msk [tilespmem:v4+s5+$0x0], $0xffff  }
0x5c: {  	v5 =	vld.idx.msk [tilespmem:v5+s5+$0x0], $0xffff  }
0x5d: {  	v6 =	vld.idx.msk [tilespmem:v6+s5+$0x0], $0xffff  }
0x5e: {  	[tilespmem:s1+$0x18770] =	vst.add.f32.msk $0xffff, v0  }
0x5f: {  	v0 =	vld.idx.msk [tilespmem:v7+s5+$0x0], $0xffff  }
0x60: {  	[tilespmem:s1+$0x18700] =	vst.add.f32.msk $0xffff, v1  }
0x61: {  	[tilespmem:s1+$0x18710] =	vst.add.f32.msk $0xffff, v2  }
0x62: {  	[tilespmem:s1+$0x18720] =	vst.add.f32.msk $0xffff, v3  }
0x63: {  	[tilespmem:s1+$0x18730] =	vst.add.f32.msk $0xffff, v4  }
0x64: {  	[tilespmem:s1+$0x18740] =	vst.add.f32.msk $0xffff, v5  }
0x65: {  	s4 =	simm.s32 $0x0;
	s15 =	simm.s32 $0x200;
	[tilespmem:s1+$0x18750] =	vst.add.f32.msk $0xffff, v6  }
.LBB2_2:
0x66: {  	s4 =	sadd.s32 $0x80, s4;
	[tilespmem:s1+$0x18760] =	vst.add.f32.msk $0xffff, v0;
	s1 =	sshra.s32 s15, $0x2  }
0x67: {  	v0 =	vld [tilespmem:s1+$0x1C770];
	p0 =	slt.u32 s4, $0xF80  }
0x68: {  	v1 =	vld [tilespmem:s1+$0x1C700]  }
0x69: {  	v2 =	vld [tilespmem:s1+$0x1C710]  }
0x6a: {  	v3 =	vld [tilespmem:s1+$0x1C720]  }
0x6b: {  	v4 =	vld [tilespmem:s1+$0x1C730]  }
0x6c: {  	v5 =	vld [tilespmem:s1+$0x1C740]  }
0x6d: {  	v6 =	vld [tilespmem:s1+$0x1C750]  }
0x6e: {  	v7 =	vld [tilespmem:s1+$0x1C760]  }
0x6f: {  	v0 =	vld.idx.msk [tilespmem:v0+s5+$0x0], $0xffff  }
0x70: {  	v1 =	vld.idx.msk [tilespmem:v1+s5+$0x0], $0xffff  }
0x71: {  	v2 =	vld.idx.msk [tilespmem:v2+s5+$0x0], $0xffff  }
0x72: {  	v3 =	vld.idx.msk [tilespmem:v3+s5+$0x0], $0xffff  }
0x73: {  	v4 =	vld.idx.msk [tilespmem:v4+s5+$0x0], $0xffff  }
0x74: {  	v5 =	vld.idx.msk [tilespmem:v5+s5+$0x0], $0xffff  }
0x75: {  	[tilespmem:s1+$0x18770] =	vst.add.f32.msk $0xffff, v0  }
0x76: {  	v6 =	vld.idx.msk [tilespmem:v6+s5+$0x0], $0xffff  }
0x77: {  	v0 =	vld.idx.msk [tilespmem:v7+s5+$0x0], $0xffff  }
0x78: {  	[tilespmem:s1+$0x18700] =	vst.add.f32.msk $0xffff, v1  }
.Ltmp0:
0x79: {  	[tilespmem:s1+$0x18710] =	vst.add.f32.msk $0xffff, v2;
	(pc) =	sbr.rel @p0 .LBB2_2-.Ltmp0, $4  }
0x7a: {  	[tilespmem:s1+$0x18720] =	vst.add.f32.msk $0xffff, v3  }
0x7b: {  	[tilespmem:s1+$0x18730] =	vst.add.f32.msk $0xffff, v4  }
0x7c: {  	[tilespmem:s1+$0x18740] =	vst.add.f32.msk $0xffff, v5  }
0x7d: {  	s15 =	sadd.s32 $0x200, s15;
	[tilespmem:s1+$0x18750] =	vst.add.f32.msk $0xffff, v6  }
0x7e: {  	[tilespmem:s1+$0x18760] =	vst.add.f32.msk $0xffff, v0  }
0x7f: {  	s1 =	sld [smem:$0x7F7];
	_ =	sdelay $0x2  }
0x80: {  	[tilespmem:s6], [sflag:$0x1] =	stream.strided.gather [hbm4b:s1+s31], $0x1000, s0, s31, $0x38;
	[tilespmem:$0x1E700] =	vst v63  }
0x81: {  	s29 =	rddreg [dreg:$0x8]  }
0x82: {  	[hbm4b:s29+s31] =	stream.strided.scatter [tilespmem:s8], [sflag:$0x7], $0x1000, s0, s31, $0x38;
	[tilespmem:$0x1E700] =	vst v63  }
0x83: {  	s30 =	rddreg [dreg:$0x9]  }
0x84: {  	[tilespmem:s12], [sflag:$0x5] =	stream.strided.gather [hbm4b:s30+s31], $0x1000, s0, s31, $0x38;
	[tilespmem:$0x1E700] =	vst v63  }
0x85: {  	_ =	swait.ge [sflag:s13], $0x1000  }
0x86: {  	[sflag:s13] =	ssyncset.done $0x0  }
0x87: {  	[sflag:s13] =	ssyncadd.s32 $0xFFFFF000  }
0x88: {  	_ =	swait.ge [sflag:s14], $0x1000  }
0x89: {  	[sflag:s14] =	ssyncset.done $0x0  }
0x8a: {  	s1 =	simm.s32 $0x0;
	[sflag:s14] =	ssyncadd.s32 $0xFFFFF000  }
0x8b: {  	v0 =	vld [tilespmem:s1+$0x1D770]  }
0x8c: {  	v1 =	vld [tilespmem:s1+$0x1D700]  }
0x8d: {  	v2 =	vld [tilespmem:s1+$0x1D710]  }
0x8e: {  	v3 =	vld [tilespmem:s1+$0x1D720]  }
0x8f: {  	v4 =	vld [tilespmem:s1+$0x1D730]  }
0x90: {  	v5 =	vld [tilespmem:s1+$0x1D740]  }
0x91: {  	v6 =	vld [tilespmem:s1+$0x1D750]  }
0x92: {  	v7 =	vld [tilespmem:s1+$0x1D760]  }
0x93: {  	v0 =	vld.idx.msk [tilespmem:v0+s5+$0x0], $0xffff  }
0x94: {  	v1 =	vld.idx.msk [tilespmem:v1+s5+$0x0], $0xffff  }
0x95: {  	v2 =	vld.idx.msk [tilespmem:v2+s5+$0x0], $0xffff  }
0x96: {  	v3 =	vld.idx.msk [tilespmem:v3+s5+$0x0], $0xffff  }
0x97: {  	v4 =	vld.idx.msk [tilespmem:v4+s5+$0x0], $0xffff  }
0x98: {  	v5 =	vld.idx.msk [tilespmem:v5+s5+$0x0], $0xffff  }
0x99: {  	v6 =	vld.idx.msk [tilespmem:v6+s5+$0x0], $0xffff  }
0x9a: {  	[tilespmem:s1+$0x19770] =	vst.add.f32.msk $0xffff, v0  }
0x9b: {  	v0 =	vld.idx.msk [tilespmem:v7+s5+$0x0], $0xffff  }
0x9c: {  	[tilespmem:s1+$0x19700] =	vst.add.f32.msk $0xffff, v1  }
0x9d: {  	[tilespmem:s1+$0x19710] =	vst.add.f32.msk $0xffff, v2  }
0x9e: {  	[tilespmem:s1+$0x19720] =	vst.add.f32.msk $0xffff, v3  }
0x9f: {  	[tilespmem:s1+$0x19730] =	vst.add.f32.msk $0xffff, v4  }
0xa0: {  	[tilespmem:s1+$0x19740] =	vst.add.f32.msk $0xffff, v5  }
0xa1: {  	s4 =	simm.s32 $0x0;
	s15 =	simm.s32 $0x200;
	[tilespmem:s1+$0x19750] =	vst.add.f32.msk $0xffff, v6  }
.LBB2_4:
0xa2: {  	s4 =	sadd.s32 $0x80, s4;
	[tilespmem:s1+$0x19760] =	vst.add.f32.msk $0xffff, v0;
	s1 =	sshra.s32 s15, $0x2  }
0xa3: {  	v0 =	vld [tilespmem:s1+$0x1D770];
	p0 =	slt.u32 s4, $0xF80  }
0xa4: {  	v1 =	vld [tilespmem:s1+$0x1D700]  }
0xa5: {  	v2 =	vld [tilespmem:s1+$0x1D710]  }
0xa6: {  	v3 =	vld [tilespmem:s1+$0x1D720]  }
0xa7: {  	v4 =	vld [tilespmem:s1+$0x1D730]  }
0xa8: {  	v5 =	vld [tilespmem:s1+$0x1D740]  }
0xa9: {  	v6 =	vld [tilespmem:s1+$0x1D750]  }
0xaa: {  	v7 =	vld [tilespmem:s1+$0x1D760]  }
0xab: {  	v0 =	vld.idx.msk [tilespmem:v0+s5+$0x0], $0xffff  }
0xac: {  	v1 =	vld.idx.msk [tilespmem:v1+s5+$0x0], $0xffff  }
0xad: {  	v2 =	vld.idx.msk [tilespmem:v2+s5+$0x0], $0xffff  }
0xae: {  	v3 =	vld.idx.msk [tilespmem:v3+s5+$0x0], $0xffff  }
0xaf: {  	v4 =	vld.idx.msk [tilespmem:v4+s5+$0x0], $0xffff  }
0xb0: {  	v5 =	vld.idx.msk [tilespmem:v5+s5+$0x0], $0xffff  }
0xb1: {  	[tilespmem:s1+$0x19770] =	vst.add.f32.msk $0xffff, v0  }
0xb2: {  	v6 =	vld.idx.msk [tilespmem:v6+s5+$0x0], $0xffff  }
0xb3: {  	v0 =	vld.idx.msk [tilespmem:v7+s5+$0x0], $0xffff  }
0xb4: {  	[tilespmem:s1+$0x19700] =	vst.add.f32.msk $0xffff, v1  }
.Ltmp1:
0xb5: {  	[tilespmem:s1+$0x19710] =	vst.add.f32.msk $0xffff, v2;
	(pc) =	sbr.rel @p0 .LBB2_4-.Ltmp1, $4  }
0xb6: {  	[tilespmem:s1+$0x19720] =	vst.add.f32.msk $0xffff, v3  }
0xb7: {  	[tilespmem:s1+$0x19730] =	vst.add.f32.msk $0xffff, v4  }
0xb8: {  	[tilespmem:s1+$0x19740] =	vst.add.f32.msk $0xffff, v5  }
0xb9: {  	s15 =	sadd.s32 $0x200, s15;
	[tilespmem:s1+$0x19750] =	vst.add.f32.msk $0xffff, v6  }
0xba: {  	[tilespmem:s1+$0x19760] =	vst.add.f32.msk $0xffff, v0  }
0xbb: {  	s1 =	sld [smem:$0x7F8];
	_ =	sdelay $0x2  }
0xbc: {  	[tilespmem:s7], [sflag:$0x2] =	stream.strided.gather [hbm4b:s1+s31], $0x1000, s0, s31, $0x38;
	[tilespmem:$0x1E700] =	vst v63  }
0xbd: {  	s29 =	rddreg [dreg:$0xa]  }
0xbe: {  	[hbm4b:s29+s31] =	stream.strided.scatter [tilespmem:s9], [sflag:$0x8], $0x1000, s0, s31, $0x38;
	[tilespmem:$0x1E700] =	vst v63  }
0xbf: {  	s30 =	rddreg [dreg:$0xb]  }
0xc0: {  	[tilespmem:s16], [sflag:$0x6] =	stream.strided.gather [hbm4b:s30+s31], $0x1000, s0, s31, $0x38;
	[tilespmem:$0x1E700] =	vst v63  }
0xc1: {  	_ =	swait.ge [sflag:s10], $0x1000  }
0xc2: {  	[sflag:s10] =	ssyncset.done $0x0  }
0xc3: {  	[sflag:s10] =	ssyncadd.s32 $0xFFFFF000  }
0xc4: {  	_ =	swait.ge [sflag:s17], $0x1000  }
0xc5: {  	[sflag:s17] =	ssyncset.done $0x0  }
0xc6: {  	s1 =	simm.s32 $0x0;
	[sflag:s17] =	ssyncadd.s32 $0xFFFFF000  }
0xc7: {  	v0 =	vld [tilespmem:s1+$0x1C770]  }
0xc8: {  	v1 =	vld [tilespmem:s1+$0x1C700]  }
0xc9: {  	v2 =	vld [tilespmem:s1+$0x1C710]  }
0xca: {  	v3 =	vld [tilespmem:s1+$0x1C720]  }
0xcb: {  	v4 =	vld [tilespmem:s1+$0x1C730]  }
0xcc: {  	v5 =	vld [tilespmem:s1+$0x1C740]  }
0xcd: {  	v6 =	vld [tilespmem:s1+$0x1C750]  }
0xce: {  	v7 =	vld [tilespmem:s1+$0x1C760]  }
0xcf: {  	v0 =	vld.idx.msk [tilespmem:v0+s5+$0x0], $0xffff  }
0xd0: {  	v1 =	vld.idx.msk [tilespmem:v1+s5+$0x0], $0xffff  }
0xd1: {  	v2 =	vld.idx.msk [tilespmem:v2+s5+$0x0], $0xffff  }
0xd2: {  	v3 =	vld.idx.msk [tilespmem:v3+s5+$0x0], $0xffff  }
0xd3: {  	v4 =	vld.idx.msk [tilespmem:v4+s5+$0x0], $0xffff  }
0xd4: {  	v5 =	vld.idx.msk [tilespmem:v5+s5+$0x0], $0xffff  }
0xd5: {  	v6 =	vld.idx.msk [tilespmem:v6+s5+$0x0], $0xffff  }
0xd6: {  	[tilespmem:s1+$0x1A770] =	vst.add.f32.msk $0xffff, v0  }
0xd7: {  	v0 =	vld.idx.msk [tilespmem:v7+s5+$0x0], $0xffff  }
0xd8: {  	[tilespmem:s1+$0x1A700] =	vst.add.f32.msk $0xffff, v1  }
0xd9: {  	[tilespmem:s1+$0x1A710] =	vst.add.f32.msk $0xffff, v2  }
0xda: {  	[tilespmem:s1+$0x1A720] =	vst.add.f32.msk $0xffff, v3  }
0xdb: {  	[tilespmem:s1+$0x1A730] =	vst.add.f32.msk $0xffff, v4  }
0xdc: {  	[tilespmem:s1+$0x1A740] =	vst.add.f32.msk $0xffff, v5  }
0xdd: {  	s4 =	simm.s32 $0x0;
	s15 =	simm.s32 $0x200;
	[tilespmem:s1+$0x1A750] =	vst.add.f32.msk $0xffff, v6  }
.LBB2_6:
0xde: {  	s4 =	sadd.s32 $0x80, s4;
	[tilespmem:s1+$0x1A760] =	vst.add.f32.msk $0xffff, v0;
	s1 =	sshra.s32 s15, $0x2  }
0xdf: {  	v0 =	vld [tilespmem:s1+$0x1C770];
	p0 =	slt.u32 s4, $0xF80  }
0xe0: {  	v1 =	vld [tilespmem:s1+$0x1C700]  }
0xe1: {  	v2 =	vld [tilespmem:s1+$0x1C710]  }
0xe2: {  	v3 =	vld [tilespmem:s1+$0x1C720]  }
0xe3: {  	v4 =	vld [tilespmem:s1+$0x1C730]  }
0xe4: {  	v5 =	vld [tilespmem:s1+$0x1C740]  }
0xe5: {  	v6 =	vld [tilespmem:s1+$0x1C750]  }
0xe6: {  	v7 =	vld [tilespmem:s1+$0x1C760]  }
0xe7: {  	v0 =	vld.idx.msk [tilespmem:v0+s5+$0x0], $0xffff  }
0xe8: {  	v1 =	vld.idx.msk [tilespmem:v1+s5+$0x0], $0xffff  }
0xe9: {  	v2 =	vld.idx.msk [tilespmem:v2+s5+$0x0], $0xffff  }
0xea: {  	v3 =	vld.idx.msk [tilespmem:v3+s5+$0x0], $0xffff  }
0xeb: {  	v4 =	vld.idx.msk [tilespmem:v4+s5+$0x0], $0xffff  }
0xec: {  	v5 =	vld.idx.msk [tilespmem:v5+s5+$0x0], $0xffff  }
0xed: {  	[tilespmem:s1+$0x1A770] =	vst.add.f32.msk $0xffff, v0  }
0xee: {  	v6 =	vld.idx.msk [tilespmem:v6+s5+$0x0], $0xffff  }
0xef: {  	v0 =	vld.idx.msk [tilespmem:v7+s5+$0x0], $0xffff  }
0xf0: {  	[tilespmem:s1+$0x1A700] =	vst.add.f32.msk $0xffff, v1  }
.Ltmp2:
0xf1: {  	[tilespmem:s1+$0x1A710] =	vst.add.f32.msk $0xffff, v2;
	(pc) =	sbr.rel @p0 .LBB2_6-.Ltmp2, $4  }
0xf2: {  	[tilespmem:s1+$0x1A720] =	vst.add.f32.msk $0xffff, v3  }
0xf3: {  	[tilespmem:s1+$0x1A730] =	vst.add.f32.msk $0xffff, v4  }
0xf4: {  	[tilespmem:s1+$0x1A740] =	vst.add.f32.msk $0xffff, v5  }
0xf5: {  	s15 =	sadd.s32 $0x200, s15;
	[tilespmem:s1+$0x1A750] =	vst.add.f32.msk $0xffff, v6  }
0xf6: {  	[tilespmem:s1+$0x1A760] =	vst.add.f32.msk $0xffff, v0  }
0xf7: {  	s1 =	sld [smem:$0x7F9];
	_ =	sdelay $0x2  }
0xf8: {  	[tilespmem:s6], [sflag:$0x1] =	stream.strided.gather [hbm4b:s1+s31], $0x1000, s0, s31, $0x38;
	[tilespmem:$0x1E700] =	vst v63  }
0xf9: {  	s29 =	rddreg [dreg:$0xc]  }
0xfa: {  	[hbm4b:s29+s31] =	stream.strided.scatter [tilespmem:s12], [sflag:$0x9], $0x1000, s0, s31, $0x38;
	[tilespmem:$0x1E700] =	vst v63  }
0xfb: {  	_ =	swait.ge [sflag:s21], $0x1000  }
0xfc: {  	[sflag:s21] =	ssyncset.done $0x0  }
0xfd: {  	s30 =	rddreg [dreg:$0x1d];
	[sflag:s21] =	ssyncadd.s32 $0xFFFFF000  }
0xfe: {  	[tilespmem:s8], [sflag:$0x3] =	stream.strided.gather [hbm4b:s30+s31], $0x1000, s0, s31, $0x38;
	[tilespmem:$0x1E700] =	vst v63  }
0xff: {  	_ =	swait.ge [sflag:s13], $0x1000  }
0x100: {  	[sflag:s13] =	ssyncset.done $0x0  }
0x101: {  	[sflag:s13] =	ssyncadd.s32 $0xFFFFF000  }
0x102: {  	_ =	swait.ge [sflag:s22], $0x1000  }
0x103: {  	[sflag:s22] =	ssyncset.done $0x0  }
0x104: {  	s1 =	simm.s32 $0x0;
	[sflag:s22] =	ssyncadd.s32 $0xFFFFF000  }
0x105: {  	v0 =	vld [tilespmem:s1+$0x1D770]  }
0x106: {  	v1 =	vld [tilespmem:s1+$0x1D700]  }
0x107: {  	v2 =	vld [tilespmem:s1+$0x1D710]  }
0x108: {  	v3 =	vld [tilespmem:s1+$0x1D720]  }
0x109: {  	v4 =	vld [tilespmem:s1+$0x1D730]  }
0x10a: {  	v5 =	vld [tilespmem:s1+$0x1D740]  }
0x10b: {  	v6 =	vld [tilespmem:s1+$0x1D750]  }
0x10c: {  	v7 =	vld [tilespmem:s1+$0x1D760]  }
0x10d: {  	v0 =	vld.idx.msk [tilespmem:v0+s5+$0x0], $0xffff  }
0x10e: {  	v1 =	vld.idx.msk [tilespmem:v1+s5+$0x0], $0xffff  }
0x10f: {  	v2 =	vld.idx.msk [tilespmem:v2+s5+$0x0], $0xffff  }
0x110: {  	v3 =	vld.idx.msk [tilespmem:v3+s5+$0x0], $0xffff  }
0x111: {  	v4 =	vld.idx.msk [tilespmem:v4+s5+$0x0], $0xffff  }
0x112: {  	v5 =	vld.idx.msk [tilespmem:v5+s5+$0x0], $0xffff  }
0x113: {  	v6 =	vld.idx.msk [tilespmem:v6+s5+$0x0], $0xffff  }
0x114: {  	[tilespmem:s1+$0x1B770] =	vst.add.f32.msk $0xffff, v0  }
0x115: {  	v0 =	vld.idx.msk [tilespmem:v7+s5+$0x0], $0xffff  }
0x116: {  	[tilespmem:s1+$0x1B700] =	vst.add.f32.msk $0xffff, v1  }
0x117: {  	[tilespmem:s1+$0x1B710] =	vst.add.f32.msk $0xffff, v2  }
0x118: {  	[tilespmem:s1+$0x1B720] =	vst.add.f32.msk $0xffff, v3  }
0x119: {  	[tilespmem:s1+$0x1B730] =	vst.add.f32.msk $0xffff, v4  }
0x11a: {  	[tilespmem:s1+$0x1B740] =	vst.add.f32.msk $0xffff, v5  }
0x11b: {  	s4 =	simm.s32 $0x0;
	s15 =	simm.s32 $0x200;
	[tilespmem:s1+$0x1B750] =	vst.add.f32.msk $0xffff, v6  }
.LBB2_8:
0x11c: {  	s4 =	sadd.s32 $0x80, s4;
	[tilespmem:s1+$0x1B760] =	vst.add.f32.msk $0xffff, v0;
	s1 =	sshra.s32 s15, $0x2  }
0x11d: {  	v0 =	vld [tilespmem:s1+$0x1D770];
	p0 =	slt.u32 s4, $0xF80  }
0x11e: {  	v1 =	vld [tilespmem:s1+$0x1D700]  }
0x11f: {  	v2 =	vld [tilespmem:s1+$0x1D710]  }
0x120: {  	v3 =	vld [tilespmem:s1+$0x1D720]  }
0x121: {  	v4 =	vld [tilespmem:s1+$0x1D730]  }
0x122: {  	v5 =	vld [tilespmem:s1+$0x1D740]  }
0x123: {  	v6 =	vld [tilespmem:s1+$0x1D750]  }
0x124: {  	v7 =	vld [tilespmem:s1+$0x1D760]  }
0x125: {  	v0 =	vld.idx.msk [tilespmem:v0+s5+$0x0], $0xffff  }
0x126: {  	v1 =	vld.idx.msk [tilespmem:v1+s5+$0x0], $0xffff  }
0x127: {  	v2 =	vld.idx.msk [tilespmem:v2+s5+$0x0], $0xffff  }
0x128: {  	v3 =	vld.idx.msk [tilespmem:v3+s5+$0x0], $0xffff  }
0x129: {  	v4 =	vld.idx.msk [tilespmem:v4+s5+$0x0], $0xffff  }
0x12a: {  	v5 =	vld.idx.msk [tilespmem:v5+s5+$0x0], $0xffff  }
0x12b: {  	[tilespmem:s1+$0x1B770] =	vst.add.f32.msk $0xffff, v0  }
0x12c: {  	v6 =	vld.idx.msk [tilespmem:v6+s5+$0x0], $0xffff  }
0x12d: {  	v0 =	vld.idx.msk [tilespmem:v7+s5+$0x0], $0xffff  }
0x12e: {  	[tilespmem:s1+$0x1B700] =	vst.add.f32.msk $0xffff, v1  }
.Ltmp3:
0x12f: {  	[tilespmem:s1+$0x1B710] =	vst.add.f32.msk $0xffff, v2;
	(pc) =	sbr.rel @p0 .LBB2_8-.Ltmp3, $4  }
0x130: {  	[tilespmem:s1+$0x1B720] =	vst.add.f32.msk $0xffff, v3  }
0x131: {  	[tilespmem:s1+$0x1B730] =	vst.add.f32.msk $0xffff, v4  }
0x132: {  	[tilespmem:s1+$0x1B740] =	vst.add.f32.msk $0xffff, v5  }
0x133: {  	s15 =	sadd.s32 $0x200, s15;
	[tilespmem:s1+$0x1B750] =	vst.add.f32.msk $0xffff, v6  }
0x134: {  	[tilespmem:s1+$0x1B760] =	vst.add.f32.msk $0xffff, v0  }
0x135: {  	s1 =	sld [smem:$0x7FA];
	_ =	sdelay $0x2  }
0x136: {  	[tilespmem:s7], [sflag:$0x2] =	stream.strided.gather [hbm4b:s1+s31], $0x1000, s0, s31, $0x38;
	[tilespmem:$0x1E700] =	vst v63  }
0x137: {  	s28 =	rddreg [dreg:$0xd]  }
0x138: {  	[hbm4b:s28+s31] =	stream.strided.scatter [tilespmem:s16], [sflag:$0xA], $0x1000, s0, s31, $0x38;
	[tilespmem:$0x1E700] =	vst v63  }
0x139: {  	_ =	swait.ge [sflag:s23], $0x1000  }
0x13a: {  	[sflag:s23] =	ssyncset.done $0x0  }
0x13b: {  	s29 =	simm.s32 $0x1;
	s30 =	rddreg [dreg:$0x1e];
	[sflag:s23] =	ssyncadd.s32 $0xFFFFF000  }
0x13c: {  	[tilespmem:s9], [sflag:$0x4] =	stream.strided.gather [hbm4b:s30+s31], $0x1000, s0, s31, $0x38;
	[tilespmem:$0x1E700] =	vst v63  }
.LBB2_10:
0x13d: {  	_ =	swait.ge [sflag:s10], $0x1000  }
0x13e: {  	[sflag:s10] =	ssyncset.done $0x0  }
0x13f: {  	[sflag:s10] =	ssyncadd.s32 $0xFFFFF000  }
0x140: {  	_ =	swait.ge [sflag:s11], $0x1000  }
0x141: {  	[sflag:s11] =	ssyncset.done $0x0  }
0x142: {  	s4 =	simm.s32 $0x0;
	[sflag:s11] =	ssyncadd.s32 $0xFFFFF000  }
0x143: {  	v0 =	vld [tilespmem:s4+$0x1C770]  }
0x144: {  	v1 =	vld [tilespmem:s4+$0x1C700]  }
0x145: {  	v2 =	vld [tilespmem:s4+$0x1C710]  }
0x146: {  	v3 =	vld [tilespmem:s4+$0x1C720]  }
0x147: {  	v4 =	vld [tilespmem:s4+$0x1C730]  }
0x148: {  	v5 =	vld [tilespmem:s4+$0x1C740]  }
0x149: {  	v6 =	vld [tilespmem:s4+$0x1C750]  }
0x14a: {  	v7 =	vld [tilespmem:s4+$0x1C760]  }
0x14b: {  	v0 =	vld.idx.msk [tilespmem:v0+s5+$0x0], $0xffff  }
0x14c: {  	v1 =	vld.idx.msk [tilespmem:v1+s5+$0x0], $0xffff  }
0x14d: {  	v2 =	vld.idx.msk [tilespmem:v2+s5+$0x0], $0xffff  }
0x14e: {  	v3 =	vld.idx.msk [tilespmem:v3+s5+$0x0], $0xffff  }
0x14f: {  	v4 =	vld.idx.msk [tilespmem:v4+s5+$0x0], $0xffff  }
0x150: {  	v5 =	vld.idx.msk [tilespmem:v5+s5+$0x0], $0xffff  }
0x151: {  	v6 =	vld.idx.msk [tilespmem:v6+s5+$0x0], $0xffff  }
0x152: {  	[tilespmem:s4+$0x18770] =	vst.add.f32.msk $0xffff, v0  }
0x153: {  	v0 =	vld.idx.msk [tilespmem:v7+s5+$0x0], $0xffff  }
0x154: {  	[tilespmem:s4+$0x18700] =	vst.add.f32.msk $0xffff, v1  }
0x155: {  	[tilespmem:s4+$0x18710] =	vst.add.f32.msk $0xffff, v2  }
0x156: {  	[tilespmem:s4+$0x18720] =	vst.add.f32.msk $0xffff, v3  }
0x157: {  	[tilespmem:s4+$0x18730] =	vst.add.f32.msk $0xffff, v4  }
0x158: {  	[tilespmem:s4+$0x18740] =	vst.add.f32.msk $0xffff, v5  }
0x159: {  	s1 =	simm.s32 $0x0;
	s15 =	simm.s32 $0x200;
	[tilespmem:s4+$0x18750] =	vst.add.f32.msk $0xffff, v6  }
.LBB2_11:
0x15a: {  	s1 =	sadd.s32 $0x80, s1;
	[tilespmem:s4+$0x18760] =	vst.add.f32.msk $0xffff, v0;
	s4 =	sshra.s32 s15, $0x2  }
0x15b: {  	v0 =	vld [tilespmem:s4+$0x1C770];
	p0 =	slt.u32 s1, $0xF80  }
0x15c: {  	v1 =	vld [tilespmem:s4+$0x1C700]  }
0x15d: {  	v2 =	vld [tilespmem:s4+$0x1C710]  }
0x15e: {  	v3 =	vld [tilespmem:s4+$0x1C720]  }
0x15f: {  	v4 =	vld [tilespmem:s4+$0x1C730]  }
0x160: {  	v5 =	vld [tilespmem:s4+$0x1C740]  }
0x161: {  	v6 =	vld [tilespmem:s4+$0x1C750]  }
0x162: {  	v7 =	vld [tilespmem:s4+$0x1C760]  }
0x163: {  	v0 =	vld.idx.msk [tilespmem:v0+s5+$0x0], $0xffff  }
0x164: {  	v1 =	vld.idx.msk [tilespmem:v1+s5+$0x0], $0xffff  }
0x165: {  	v2 =	vld.idx.msk [tilespmem:v2+s5+$0x0], $0xffff  }
0x166: {  	v3 =	vld.idx.msk [tilespmem:v3+s5+$0x0], $0xffff  }
0x167: {  	v4 =	vld.idx.msk [tilespmem:v4+s5+$0x0], $0xffff  }
0x168: {  	v5 =	vld.idx.msk [tilespmem:v5+s5+$0x0], $0xffff  }
0x169: {  	[tilespmem:s4+$0x18770] =	vst.add.f32.msk $0xffff, v0  }
0x16a: {  	v6 =	vld.idx.msk [tilespmem:v6+s5+$0x0], $0xffff  }
0x16b: {  	v0 =	vld.idx.msk [tilespmem:v7+s5+$0x0], $0xffff  }
0x16c: {  	[tilespmem:s4+$0x18700] =	vst.add.f32.msk $0xffff, v1  }
.Ltmp4:
0x16d: {  	[tilespmem:s4+$0x18710] =	vst.add.f32.msk $0xffff, v2;
	(pc) =	sbr.rel @p0 .LBB2_11-.Ltmp4, $4  }
0x16e: {  	[tilespmem:s4+$0x18720] =	vst.add.f32.msk $0xffff, v3  }
0x16f: {  	[tilespmem:s4+$0x18730] =	vst.add.f32.msk $0xffff, v4  }
0x170: {  	[tilespmem:s4+$0x18740] =	vst.add.f32.msk $0xffff, v5  }
0x171: {  	s15 =	sadd.s32 $0x200, s15;
	[tilespmem:s4+$0x18750] =	vst.add.f32.msk $0xffff, v6  }
0x172: {  	s30 =	sshll.u32 s29, $0x2  }
0x173: {  	s1 =	sshll.u32 s29, $0xB;
	s15 =	sor.u32 $0x2, s30  }
0x174: {  	s1 =	sand.u32 $0x1F000, s1;
	s18 =	sshll.u32 s15, $0x4  }
0x175: {  	s26 =	sshll.u32 s29, $0x11;
	s1 =	sadd.s32 s2, s1;
	s18 =	sand.u32 $0x60, s18  }
0x176: {  	[tilespmem:s4+$0x18760] =	vst.add.f32.msk $0xffff, v0;
	s4 =	sor.u32 s19, s26;
	s18 =	sadd.s32 s18, s1  }
0x177: {  	[tilespmem:s6], [sflag:$0x1] =	stream.strided.gather [hbm4b:s18+s31], $0x1000, s0, s31, $0x38;
	[tilespmem:$0x1E700] =	vst v63  }
0x178: {  	s26 =	sadd.s32 s3, s4  }
0x179: {  	[hbm4b:s26+s31] =	stream.strided.scatter [tilespmem:s8], [sflag:$0x7], $0x1000, s0, s31, $0x38;
	[tilespmem:$0x1E700] =	vst v63  }
0x17a: {  	_ =	swait.ge [sflag:s24], $0x1000  }
0x17b: {  	[sflag:s24] =	ssyncset.done $0x0  }
0x17c: {  	s15 =	sshll.u32 s15, $0xF;
	[sflag:s24] =	ssyncadd.s32 $0xFFFFF000  }
0x17d: {  	s26 =	sor.u32 s19, s15;
	s18 =	rddreg [dreg:$0x0]  }
0x17e: {  	s15 =	sadd.s32 s18, s26  }
0x17f: {  	[tilespmem:s12], [sflag:$0x5] =	stream.strided.gather [hbm4b:s15+s31], $0x1000, s0, s31, $0x38;
	[tilespmem:$0x1E700] =	vst v63  }
0x180: {  	_ =	swait.ge [sflag:s13], $0x1000  }
0x181: {  	[sflag:s13] =	ssyncset.done $0x0  }
0x182: {  	[sflag:s13] =	ssyncadd.s32 $0xFFFFF000  }
0x183: {  	_ =	swait.ge [sflag:s14], $0x1000  }
0x184: {  	[sflag:s14] =	ssyncset.done $0x0  }
0x185: {  	s15 =	simm.s32 $0x0;
	[sflag:s14] =	ssyncadd.s32 $0xFFFFF000  }
0x186: {  	v0 =	vld [tilespmem:s15+$0x1D770]  }
0x187: {  	v1 =	vld [tilespmem:s15+$0x1D700]  }
0x188: {  	v2 =	vld [tilespmem:s15+$0x1D710]  }
0x189: {  	v3 =	vld [tilespmem:s15+$0x1D720]  }
0x18a: {  	v4 =	vld [tilespmem:s15+$0x1D730]  }
0x18b: {  	v5 =	vld [tilespmem:s15+$0x1D740]  }
0x18c: {  	v6 =	vld [tilespmem:s15+$0x1D750]  }
0x18d: {  	v7 =	vld [tilespmem:s15+$0x1D760]  }
0x18e: {  	v0 =	vld.idx.msk [tilespmem:v0+s5+$0x0], $0xffff  }
0x18f: {  	v1 =	vld.idx.msk [tilespmem:v1+s5+$0x0], $0xffff  }
0x190: {  	v2 =	vld.idx.msk [tilespmem:v2+s5+$0x0], $0xffff  }
0x191: {  	v3 =	vld.idx.msk [tilespmem:v3+s5+$0x0], $0xffff  }
0x192: {  	v4 =	vld.idx.msk [tilespmem:v4+s5+$0x0], $0xffff  }
0x193: {  	v5 =	vld.idx.msk [tilespmem:v5+s5+$0x0], $0xffff  }
0x194: {  	v6 =	vld.idx.msk [tilespmem:v6+s5+$0x0], $0xffff  }
0x195: {  	[tilespmem:s15+$0x19770] =	vst.add.f32.msk $0xffff, v0  }
0x196: {  	v0 =	vld.idx.msk [tilespmem:v7+s5+$0x0], $0xffff  }
0x197: {  	[tilespmem:s15+$0x19700] =	vst.add.f32.msk $0xffff, v1  }
0x198: {  	[tilespmem:s15+$0x19710] =	vst.add.f32.msk $0xffff, v2  }
0x199: {  	[tilespmem:s15+$0x19720] =	vst.add.f32.msk $0xffff, v3  }
0x19a: {  	[tilespmem:s15+$0x19730] =	vst.add.f32.msk $0xffff, v4  }
0x19b: {  	[tilespmem:s15+$0x19740] =	vst.add.f32.msk $0xffff, v5  }
0x19c: {  	s28 =	simm.s32 $0x200;
	s18 =	simm.s32 $0x0;
	[tilespmem:s15+$0x19750] =	vst.add.f32.msk $0xffff, v6  }
.LBB2_13:
0x19d: {  	s18 =	sadd.s32 $0x80, s18;
	[tilespmem:s15+$0x19760] =	vst.add.f32.msk $0xffff, v0;
	s15 =	sshra.s32 s28, $0x2  }
0x19e: {  	v0 =	vld [tilespmem:s15+$0x1D770];
	p0 =	slt.u32 s18, $0xF80  }
0x19f: {  	v1 =	vld [tilespmem:s15+$0x1D700]  }
0x1a0: {  	v2 =	vld [tilespmem:s15+$0x1D710]  }
0x1a1: {  	v3 =	vld [tilespmem:s15+$0x1D720]  }
0x1a2: {  	v4 =	vld [tilespmem:s15+$0x1D730]  }
0x1a3: {  	v5 =	vld [tilespmem:s15+$0x1D740]  }
0x1a4: {  	v6 =	vld [tilespmem:s15+$0x1D750]  }
0x1a5: {  	v7 =	vld [tilespmem:s15+$0x1D760]  }
0x1a6: {  	v0 =	vld.idx.msk [tilespmem:v0+s5+$0x0], $0xffff  }
0x1a7: {  	v1 =	vld.idx.msk [tilespmem:v1+s5+$0x0], $0xffff  }
0x1a8: {  	v2 =	vld.idx.msk [tilespmem:v2+s5+$0x0], $0xffff  }
0x1a9: {  	v3 =	vld.idx.msk [tilespmem:v3+s5+$0x0], $0xffff  }
0x1aa: {  	v4 =	vld.idx.msk [tilespmem:v4+s5+$0x0], $0xffff  }
0x1ab: {  	v5 =	vld.idx.msk [tilespmem:v5+s5+$0x0], $0xffff  }
0x1ac: {  	[tilespmem:s15+$0x19770] =	vst.add.f32.msk $0xffff, v0  }
0x1ad: {  	v6 =	vld.idx.msk [tilespmem:v6+s5+$0x0], $0xffff  }
0x1ae: {  	v0 =	vld.idx.msk [tilespmem:v7+s5+$0x0], $0xffff  }
0x1af: {  	[tilespmem:s15+$0x19700] =	vst.add.f32.msk $0xffff, v1  }
.Ltmp5:
0x1b0: {  	[tilespmem:s15+$0x19710] =	vst.add.f32.msk $0xffff, v2;
	(pc) =	sbr.rel @p0 .LBB2_13-.Ltmp5, $4  }
0x1b1: {  	[tilespmem:s15+$0x19720] =	vst.add.f32.msk $0xffff, v3  }
0x1b2: {  	[tilespmem:s15+$0x19730] =	vst.add.f32.msk $0xffff, v4  }
0x1b3: {  	[tilespmem:s15+$0x19740] =	vst.add.f32.msk $0xffff, v5  }
0x1b4: {  	s28 =	sadd.s32 $0x200, s28;
	[tilespmem:s15+$0x19750] =	vst.add.f32.msk $0xffff, v6  }
0x1b5: {  	s18 =	sor.u32 $0x3, s30  }
0x1b6: {  	[tilespmem:s15+$0x19760] =	vst.add.f32.msk $0xffff, v0;
	s28 =	sshll.u32 s18, $0x4  }
0x1b7: {  	s15 =	sld [smem:$0x7FB];
	s28 =	sand.u32 $0x70, s28  }
0x1b8: {  	s1 =	sadd.s32 s28, s1  }
0x1b9: {  	[tilespmem:s7], [sflag:$0x2] =	stream.strided.gather [hbm4b:s1+s31], $0x1000, s0, s31, $0x38;
	[tilespmem:$0x1E700] =	vst v63  }
0x1ba: {  	s1 =	sadd.s32 s4, s15  }
0x1bb: {  	[hbm4b:s1+s31] =	stream.strided.scatter [tilespmem:s9], [sflag:$0x8], $0x1000, s0, s31, $0x38;
	[tilespmem:$0x1E700] =	vst v63  }
0x1bc: {  	_ =	swait.ge [sflag:s25], $0x1000  }
0x1bd: {  	[sflag:s25] =	ssyncset.done $0x0  }
0x1be: {  	s18 =	sshll.u32 s18, $0xF;
	[sflag:s25] =	ssyncadd.s32 $0xFFFFF000  }
0x1bf: {  	s4 =	sor.u32 s19, s18;
	s28 =	rddreg [dreg:$0x0]  }
0x1c0: {  	s1 =	sadd.s32 s28, s4  }
0x1c1: {  	[tilespmem:s16], [sflag:$0x6] =	stream.strided.gather [hbm4b:s1+s31], $0x1000, s0, s31, $0x38;
	[tilespmem:$0x1E700] =	vst v63  }
0x1c2: {  	_ =	swait.ge [sflag:s10], $0x1000  }
0x1c3: {  	[sflag:s10] =	ssyncset.done $0x0  }
0x1c4: {  	[sflag:s10] =	ssyncadd.s32 $0xFFFFF000  }
0x1c5: {  	_ =	swait.ge [sflag:s17], $0x1000  }
0x1c6: {  	[sflag:s17] =	ssyncset.done $0x0  }
0x1c7: {  	s1 =	simm.s32 $0x0;
	[sflag:s17] =	ssyncadd.s32 $0xFFFFF000  }
0x1c8: {  	v0 =	vld [tilespmem:s1+$0x1C770]  }
0x1c9: {  	v1 =	vld [tilespmem:s1+$0x1C700]  }
0x1ca: {  	v2 =	vld [tilespmem:s1+$0x1C710]  }
0x1cb: {  	v3 =	vld [tilespmem:s1+$0x1C720]  }
0x1cc: {  	v4 =	vld [tilespmem:s1+$0x1C730]  }
0x1cd: {  	v5 =	vld [tilespmem:s1+$0x1C740]  }
0x1ce: {  	v6 =	vld [tilespmem:s1+$0x1C750]  }
0x1cf: {  	v7 =	vld [tilespmem:s1+$0x1C760]  }
0x1d0: {  	v0 =	vld.idx.msk [tilespmem:v0+s5+$0x0], $0xffff  }
0x1d1: {  	v1 =	vld.idx.msk [tilespmem:v1+s5+$0x0], $0xffff  }
0x1d2: {  	v2 =	vld.idx.msk [tilespmem:v2+s5+$0x0], $0xffff  }
0x1d3: {  	v3 =	vld.idx.msk [tilespmem:v3+s5+$0x0], $0xffff  }
0x1d4: {  	v4 =	vld.idx.msk [tilespmem:v4+s5+$0x0], $0xffff  }
0x1d5: {  	v5 =	vld.idx.msk [tilespmem:v5+s5+$0x0], $0xffff  }
0x1d6: {  	v6 =	vld.idx.msk [tilespmem:v6+s5+$0x0], $0xffff  }
0x1d7: {  	[tilespmem:s1+$0x1A770] =	vst.add.f32.msk $0xffff, v0  }
0x1d8: {  	v0 =	vld.idx.msk [tilespmem:v7+s5+$0x0], $0xffff  }
0x1d9: {  	[tilespmem:s1+$0x1A700] =	vst.add.f32.msk $0xffff, v1  }
0x1da: {  	[tilespmem:s1+$0x1A710] =	vst.add.f32.msk $0xffff, v2  }
0x1db: {  	[tilespmem:s1+$0x1A720] =	vst.add.f32.msk $0xffff, v3  }
0x1dc: {  	[tilespmem:s1+$0x1A730] =	vst.add.f32.msk $0xffff, v4  }
0x1dd: {  	[tilespmem:s1+$0x1A740] =	vst.add.f32.msk $0xffff, v5  }
0x1de: {  	s15 =	simm.s32 $0x0;
	s18 =	simm.s32 $0x200;
	[tilespmem:s1+$0x1A750] =	vst.add.f32.msk $0xffff, v6  }
.LBB2_15:
0x1df: {  	s15 =	sadd.s32 $0x80, s15;
	[tilespmem:s1+$0x1A760] =	vst.add.f32.msk $0xffff, v0;
	s1 =	sshra.s32 s18, $0x2  }
0x1e0: {  	v0 =	vld [tilespmem:s1+$0x1C770];
	p0 =	slt.u32 s15, $0xF80  }
0x1e1: {  	v1 =	vld [tilespmem:s1+$0x1C700]  }
0x1e2: {  	v2 =	vld [tilespmem:s1+$0x1C710]  }
0x1e3: {  	v3 =	vld [tilespmem:s1+$0x1C720]  }
0x1e4: {  	v4 =	vld [tilespmem:s1+$0x1C730]  }
0x1e5: {  	v5 =	vld [tilespmem:s1+$0x1C740]  }
0x1e6: {  	v6 =	vld [tilespmem:s1+$0x1C750]  }
0x1e7: {  	v7 =	vld [tilespmem:s1+$0x1C760]  }
0x1e8: {  	v0 =	vld.idx.msk [tilespmem:v0+s5+$0x0], $0xffff  }
0x1e9: {  	v1 =	vld.idx.msk [tilespmem:v1+s5+$0x0], $0xffff  }
0x1ea: {  	v2 =	vld.idx.msk [tilespmem:v2+s5+$0x0], $0xffff  }
0x1eb: {  	v3 =	vld.idx.msk [tilespmem:v3+s5+$0x0], $0xffff  }
0x1ec: {  	v4 =	vld.idx.msk [tilespmem:v4+s5+$0x0], $0xffff  }
0x1ed: {  	v5 =	vld.idx.msk [tilespmem:v5+s5+$0x0], $0xffff  }
0x1ee: {  	[tilespmem:s1+$0x1A770] =	vst.add.f32.msk $0xffff, v0  }
0x1ef: {  	v6 =	vld.idx.msk [tilespmem:v6+s5+$0x0], $0xffff  }
0x1f0: {  	v0 =	vld.idx.msk [tilespmem:v7+s5+$0x0], $0xffff  }
0x1f1: {  	[tilespmem:s1+$0x1A700] =	vst.add.f32.msk $0xffff, v1  }
.Ltmp6:
0x1f2: {  	[tilespmem:s1+$0x1A710] =	vst.add.f32.msk $0xffff, v2;
	(pc) =	sbr.rel @p0 .LBB2_15-.Ltmp6, $4  }
0x1f3: {  	[tilespmem:s1+$0x1A720] =	vst.add.f32.msk $0xffff, v3  }
0x1f4: {  	[tilespmem:s1+$0x1A730] =	vst.add.f32.msk $0xffff, v4  }
0x1f5: {  	[tilespmem:s1+$0x1A740] =	vst.add.f32.msk $0xffff, v5  }
0x1f6: {  	s18 =	sadd.s32 $0x200, s18;
	[tilespmem:s1+$0x1A750] =	vst.add.f32.msk $0xffff, v6  }
0x1f7: {  	s15 =	sadd.s32 $0x4, s30  }
0x1f8: {  	s18 =	sshll.u32 s15, $0x4  }
0x1f9: {  	s28 =	sshll.u32 s15, $0x9;
	s18 =	sand.u32 $0x40, s18  }
0x1fa: {  	s28 =	sand.u32 $0x3F000, s28;
	s18 =	sadd.s32 s2, s18  }
0x1fb: {  	[tilespmem:s1+$0x1A760] =	vst.add.f32.msk $0xffff, v0;
	s28 =	sadd.s32 s28, s18  }
0x1fc: {  	[tilespmem:s6], [sflag:$0x1] =	stream.strided.gather [hbm4b:s28+s31], $0x1000, s0, s31, $0x38;
	[tilespmem:$0x1E700] =	vst v63  }
0x1fd: {  	s18 =	sadd.s32 s3, s26  }
0x1fe: {  	[hbm4b:s18+s31] =	stream.strided.scatter [tilespmem:s12], [sflag:$0x9], $0x1000, s0, s31, $0x38;
	[tilespmem:$0x1E700] =	vst v63  }
0x1ff: {  	_ =	swait.ge [sflag:s21], $0x1000  }
0x200: {  	s26 =	sshll.u32 s15, $0xF;
	[sflag:s21] =	ssyncset.done $0x0;
	s28 =	rddreg [dreg:$0xe]  }
0x201: {  	[sflag:s21] =	ssyncadd.s32 $0xFFFFF000;
	s1 =	sadd.s32 s26, s28  }
0x202: {  	[tilespmem:s8], [sflag:$0x3] =	stream.strided.gather [hbm4b:s1+s31], $0x1000, s0, s31, $0x38;
	[tilespmem:$0x1E700] =	vst v63  }
0x203: {  	_ =	swait.ge [sflag:s13], $0x1000  }
0x204: {  	[sflag:s13] =	ssyncset.done $0x0  }
0x205: {  	[sflag:s13] =	ssyncadd.s32 $0xFFFFF000  }
0x206: {  	_ =	swait.ge [sflag:s22], $0x1000  }
0x207: {  	[sflag:s22] =	ssyncset.done $0x0  }
0x208: {  	s1 =	simm.s32 $0x0;
	[sflag:s22] =	ssyncadd.s32 $0xFFFFF000  }
0x209: {  	v0 =	vld [tilespmem:s1+$0x1D770]  }
0x20a: {  	v1 =	vld [tilespmem:s1+$0x1D700]  }
0x20b: {  	v2 =	vld [tilespmem:s1+$0x1D710]  }
0x20c: {  	v3 =	vld [tilespmem:s1+$0x1D720]  }
0x20d: {  	v4 =	vld [tilespmem:s1+$0x1D730]  }
0x20e: {  	v5 =	vld [tilespmem:s1+$0x1D740]  }
0x20f: {  	v6 =	vld [tilespmem:s1+$0x1D750]  }
0x210: {  	v7 =	vld [tilespmem:s1+$0x1D760]  }
0x211: {  	v0 =	vld.idx.msk [tilespmem:v0+s5+$0x0], $0xffff  }
0x212: {  	v1 =	vld.idx.msk [tilespmem:v1+s5+$0x0], $0xffff  }
0x213: {  	v2 =	vld.idx.msk [tilespmem:v2+s5+$0x0], $0xffff  }
0x214: {  	v3 =	vld.idx.msk [tilespmem:v3+s5+$0x0], $0xffff  }
0x215: {  	v4 =	vld.idx.msk [tilespmem:v4+s5+$0x0], $0xffff  }
0x216: {  	v5 =	vld.idx.msk [tilespmem:v5+s5+$0x0], $0xffff  }
0x217: {  	v6 =	vld.idx.msk [tilespmem:v6+s5+$0x0], $0xffff  }
0x218: {  	[tilespmem:s1+$0x1B770] =	vst.add.f32.msk $0xffff, v0  }
0x219: {  	v0 =	vld.idx.msk [tilespmem:v7+s5+$0x0], $0xffff  }
0x21a: {  	[tilespmem:s1+$0x1B700] =	vst.add.f32.msk $0xffff, v1  }
0x21b: {  	[tilespmem:s1+$0x1B710] =	vst.add.f32.msk $0xffff, v2  }
0x21c: {  	[tilespmem:s1+$0x1B720] =	vst.add.f32.msk $0xffff, v3  }
0x21d: {  	[tilespmem:s1+$0x1B730] =	vst.add.f32.msk $0xffff, v4  }
0x21e: {  	[tilespmem:s1+$0x1B740] =	vst.add.f32.msk $0xffff, v5  }
0x21f: {  	s15 =	simm.s32 $0x0;
	s18 =	simm.s32 $0x200;
	[tilespmem:s1+$0x1B750] =	vst.add.f32.msk $0xffff, v6  }
.LBB2_17:
0x220: {  	s15 =	sadd.s32 $0x80, s15;
	[tilespmem:s1+$0x1B760] =	vst.add.f32.msk $0xffff, v0;
	s1 =	sshra.s32 s18, $0x2  }
0x221: {  	v0 =	vld [tilespmem:s1+$0x1D770];
	p0 =	slt.u32 s15, $0xF80  }
0x222: {  	v1 =	vld [tilespmem:s1+$0x1D700]  }
0x223: {  	v2 =	vld [tilespmem:s1+$0x1D710]  }
0x224: {  	v3 =	vld [tilespmem:s1+$0x1D720]  }
0x225: {  	v4 =	vld [tilespmem:s1+$0x1D730]  }
0x226: {  	v5 =	vld [tilespmem:s1+$0x1D740]  }
0x227: {  	v6 =	vld [tilespmem:s1+$0x1D750]  }
0x228: {  	v7 =	vld [tilespmem:s1+$0x1D760]  }
0x229: {  	v0 =	vld.idx.msk [tilespmem:v0+s5+$0x0], $0xffff  }
0x22a: {  	v1 =	vld.idx.msk [tilespmem:v1+s5+$0x0], $0xffff  }
0x22b: {  	v2 =	vld.idx.msk [tilespmem:v2+s5+$0x0], $0xffff  }
0x22c: {  	v3 =	vld.idx.msk [tilespmem:v3+s5+$0x0], $0xffff  }
0x22d: {  	v4 =	vld.idx.msk [tilespmem:v4+s5+$0x0], $0xffff  }
0x22e: {  	v5 =	vld.idx.msk [tilespmem:v5+s5+$0x0], $0xffff  }
0x22f: {  	[tilespmem:s1+$0x1B770] =	vst.add.f32.msk $0xffff, v0  }
0x230: {  	v6 =	vld.idx.msk [tilespmem:v6+s5+$0x0], $0xffff  }
0x231: {  	v0 =	vld.idx.msk [tilespmem:v7+s5+$0x0], $0xffff  }
0x232: {  	[tilespmem:s1+$0x1B700] =	vst.add.f32.msk $0xffff, v1  }
.Ltmp7:
0x233: {  	[tilespmem:s1+$0x1B710] =	vst.add.f32.msk $0xffff, v2;
	(pc) =	sbr.rel @p0 .LBB2_17-.Ltmp7, $4  }
0x234: {  	[tilespmem:s1+$0x1B720] =	vst.add.f32.msk $0xffff, v3  }
0x235: {  	[tilespmem:s1+$0x1B730] =	vst.add.f32.msk $0xffff, v4  }
0x236: {  	[tilespmem:s1+$0x1B740] =	vst.add.f32.msk $0xffff, v5  }
0x237: {  	s18 =	sadd.s32 $0x200, s18;
	[tilespmem:s1+$0x1B750] =	vst.add.f32.msk $0xffff, v6  }
0x238: {  	s15 =	sadd.s32 $0x5, s30  }
0x239: {  	s18 =	sshll.u32 s15, $0x4  }
0x23a: {  	s26 =	sshll.u32 s15, $0x9;
	s18 =	sand.u32 $0x50, s18  }
0x23b: {  	s26 =	sand.u32 $0x3F000, s26;
	s18 =	sadd.s32 s2, s18  }
0x23c: {  	[tilespmem:s1+$0x1B760] =	vst.add.f32.msk $0xffff, v0;
	s29 =	sadd.s32 $0x1, s29;
	s18 =	sadd.s32 s26, s18  }
0x23d: {  	[tilespmem:s7], [sflag:$0x2] =	stream.strided.gather [hbm4b:s18+s31], $0x1000, s0, s31, $0x38;
	[tilespmem:$0x1E700] =	vst v63  }
0x23e: {  	p0 =	sne.s32 s29, $0x31;
	s26 =	sadd.s32 s3, s4  }
0x23f: {  	[hbm4b:s26+s31] =	stream.strided.scatter [tilespmem:s16], [sflag:$0xA], $0x1000, s0, s31, $0x38;
	[tilespmem:$0x1E700] =	vst v63  }
.Ltmp8:
0x240: {  	_ = 	snop;
	(pc) =	sbr.rel @p0 .LBB2_10-.Ltmp8, $4  }
0x241: {  	_ =	swait.ge [sflag:s23], $0x1000  }
0x242: {  	s28 =	sshll.u32 s15, $0xF;
	[sflag:s23] =	ssyncset.done $0x0;
	s30 =	rddreg [dreg:$0xe]  }
0x243: {  	[sflag:s23] =	ssyncadd.s32 $0xFFFFF000;
	s1 =	sadd.s32 s28, s30  }
0x244: {  	[tilespmem:s9], [sflag:$0x4] =	stream.strided.gather [hbm4b:s1+s31], $0x1000, s0, s31, $0x38;
	[tilespmem:$0x1E700] =	vst v63  }
0x245: {  	_ =	swait.ge [sflag:s10], $0x1000  }
0x246: {  	[sflag:s10] =	ssyncset.done $0x0  }
0x247: {  	[sflag:s10] =	ssyncadd.s32 $0xFFFFF000  }
0x248: {  	_ =	swait.ge [sflag:s11], $0x1000  }
0x249: {  	[sflag:s11] =	ssyncset.done $0x0  }
0x24a: {  	s1 =	simm.s32 $0x0;
	[sflag:s11] =	ssyncadd.s32 $0xFFFFF000  }
0x24b: {  	v0 =	vld [tilespmem:s1+$0x1C770]  }
0x24c: {  	v1 =	vld [tilespmem:s1+$0x1C700]  }
0x24d: {  	v2 =	vld [tilespmem:s1+$0x1C710]  }
0x24e: {  	v3 =	vld [tilespmem:s1+$0x1C720]  }
0x24f: {  	v4 =	vld [tilespmem:s1+$0x1C730]  }
0x250: {  	v5 =	vld [tilespmem:s1+$0x1C740]  }
0x251: {  	v6 =	vld [tilespmem:s1+$0x1C750]  }
0x252: {  	v7 =	vld [tilespmem:s1+$0x1C760]  }
0x253: {  	v0 =	vld.idx.msk [tilespmem:v0+s5+$0x0], $0xffff  }
0x254: {  	v1 =	vld.idx.msk [tilespmem:v1+s5+$0x0], $0xffff  }
0x255: {  	v2 =	vld.idx.msk [tilespmem:v2+s5+$0x0], $0xffff  }
0x256: {  	v3 =	vld.idx.msk [tilespmem:v3+s5+$0x0], $0xffff  }
0x257: {  	v4 =	vld.idx.msk [tilespmem:v4+s5+$0x0], $0xffff  }
0x258: {  	v5 =	vld.idx.msk [tilespmem:v5+s5+$0x0], $0xffff  }
0x259: {  	v6 =	vld.idx.msk [tilespmem:v6+s5+$0x0], $0xffff  }
0x25a: {  	[tilespmem:s1+$0x18770] =	vst.add.f32.msk $0xffff, v0  }
0x25b: {  	v0 =	vld.idx.msk [tilespmem:v7+s5+$0x0], $0xffff  }
0x25c: {  	[tilespmem:s1+$0x18700] =	vst.add.f32.msk $0xffff, v1  }
0x25d: {  	[tilespmem:s1+$0x18710] =	vst.add.f32.msk $0xffff, v2  }
0x25e: {  	[tilespmem:s1+$0x18720] =	vst.add.f32.msk $0xffff, v3  }
0x25f: {  	[tilespmem:s1+$0x18730] =	vst.add.f32.msk $0xffff, v4  }
0x260: {  	[tilespmem:s1+$0x18740] =	vst.add.f32.msk $0xffff, v5  }
0x261: {  	s4 =	simm.s32 $0x0;
	s15 =	simm.s32 $0x200;
	[tilespmem:s1+$0x18750] =	vst.add.f32.msk $0xffff, v6  }
.LBB2_20:
0x262: {  	s4 =	sadd.s32 $0x80, s4;
	[tilespmem:s1+$0x18760] =	vst.add.f32.msk $0xffff, v0;
	s1 =	sshra.s32 s15, $0x2  }
0x263: {  	v0 =	vld [tilespmem:s1+$0x1C770];
	p0 =	slt.u32 s4, $0xF80  }
0x264: {  	v1 =	vld [tilespmem:s1+$0x1C700]  }
0x265: {  	v2 =	vld [tilespmem:s1+$0x1C710]  }
0x266: {  	v3 =	vld [tilespmem:s1+$0x1C720]  }
0x267: {  	v4 =	vld [tilespmem:s1+$0x1C730]  }
0x268: {  	v5 =	vld [tilespmem:s1+$0x1C740]  }
0x269: {  	v6 =	vld [tilespmem:s1+$0x1C750]  }
0x26a: {  	v7 =	vld [tilespmem:s1+$0x1C760]  }
0x26b: {  	v0 =	vld.idx.msk [tilespmem:v0+s5+$0x0], $0xffff  }
0x26c: {  	v1 =	vld.idx.msk [tilespmem:v1+s5+$0x0], $0xffff  }
0x26d: {  	v2 =	vld.idx.msk [tilespmem:v2+s5+$0x0], $0xffff  }
0x26e: {  	v3 =	vld.idx.msk [tilespmem:v3+s5+$0x0], $0xffff  }
0x26f: {  	v4 =	vld.idx.msk [tilespmem:v4+s5+$0x0], $0xffff  }
0x270: {  	v5 =	vld.idx.msk [tilespmem:v5+s5+$0x0], $0xffff  }
0x271: {  	[tilespmem:s1+$0x18770] =	vst.add.f32.msk $0xffff, v0  }
0x272: {  	v6 =	vld.idx.msk [tilespmem:v6+s5+$0x0], $0xffff  }
0x273: {  	v0 =	vld.idx.msk [tilespmem:v7+s5+$0x0], $0xffff  }
0x274: {  	[tilespmem:s1+$0x18700] =	vst.add.f32.msk $0xffff, v1  }
.Ltmp9:
0x275: {  	[tilespmem:s1+$0x18710] =	vst.add.f32.msk $0xffff, v2;
	(pc) =	sbr.rel @p0 .LBB2_20-.Ltmp9, $4  }
0x276: {  	[tilespmem:s1+$0x18720] =	vst.add.f32.msk $0xffff, v3  }
0x277: {  	[tilespmem:s1+$0x18730] =	vst.add.f32.msk $0xffff, v4  }
0x278: {  	[tilespmem:s1+$0x18740] =	vst.add.f32.msk $0xffff, v5  }
0x279: {  	s15 =	sadd.s32 $0x200, s15;
	[tilespmem:s1+$0x18750] =	vst.add.f32.msk $0xffff, v6  }
0x27a: {  	[tilespmem:s1+$0x18760] =	vst.add.f32.msk $0xffff, v0  }
0x27b: {  	s1 =	sld [smem:$0x7FC];
	_ =	sdelay $0x1  }
0x27c: {  	s29 =	sld [smem:$0x7ED]  }
0x27d: {  	[tilespmem:s6], [sflag:$0x1] =	stream.strided.gather [hbm4b:s1+s31], $0x1000, s0, s31, $0x38;
	[tilespmem:$0x1E700] =	vst v63  }
0x27e: {  	_ = 	snop  }
0x27f: {  	[hbm4b:s29+s31] =	stream.strided.scatter [tilespmem:s8], [sflag:$0x7], $0x1000, s0, s31, $0x38;
	[tilespmem:$0x1E700] =	vst v63  }
0x280: {  	_ =	swait.ge [sflag:s24], $0x1000  }
0x281: {  	[sflag:s24] =	ssyncset.done $0x0  }
0x282: {  	s30 =	rddreg [dreg:$0x10];
	[sflag:s24] =	ssyncadd.s32 $0xFFFFF000  }
0x283: {  	[tilespmem:s12], [sflag:$0x5] =	stream.strided.gather [hbm4b:s30+s31], $0x1000, s0, s31, $0x38;
	[tilespmem:$0x1E700] =	vst v63  }
0x284: {  	_ =	swait.ge [sflag:s13], $0x1000  }
0x285: {  	[sflag:s13] =	ssyncset.done $0x0  }
0x286: {  	[sflag:s13] =	ssyncadd.s32 $0xFFFFF000  }
0x287: {  	_ =	swait.ge [sflag:s14], $0x1000  }
0x288: {  	[sflag:s14] =	ssyncset.done $0x0  }
0x289: {  	s1 =	simm.s32 $0x0;
	[sflag:s14] =	ssyncadd.s32 $0xFFFFF000  }
0x28a: {  	v0 =	vld [tilespmem:s1+$0x1D770]  }
0x28b: {  	v1 =	vld [tilespmem:s1+$0x1D700]  }
0x28c: {  	v2 =	vld [tilespmem:s1+$0x1D710]  }
0x28d: {  	v3 =	vld [tilespmem:s1+$0x1D720]  }
0x28e: {  	v4 =	vld [tilespmem:s1+$0x1D730]  }
0x28f: {  	v5 =	vld [tilespmem:s1+$0x1D740]  }
0x290: {  	v6 =	vld [tilespmem:s1+$0x1D750]  }
0x291: {  	v7 =	vld [tilespmem:s1+$0x1D760]  }
0x292: {  	v0 =	vld.idx.msk [tilespmem:v0+s5+$0x0], $0xffff  }
0x293: {  	v1 =	vld.idx.msk [tilespmem:v1+s5+$0x0], $0xffff  }
0x294: {  	v2 =	vld.idx.msk [tilespmem:v2+s5+$0x0], $0xffff  }
0x295: {  	v3 =	vld.idx.msk [tilespmem:v3+s5+$0x0], $0xffff  }
0x296: {  	v4 =	vld.idx.msk [tilespmem:v4+s5+$0x0], $0xffff  }
0x297: {  	v5 =	vld.idx.msk [tilespmem:v5+s5+$0x0], $0xffff  }
0x298: {  	v6 =	vld.idx.msk [tilespmem:v6+s5+$0x0], $0xffff  }
0x299: {  	[tilespmem:s1+$0x19770] =	vst.add.f32.msk $0xffff, v0  }
0x29a: {  	v0 =	vld.idx.msk [tilespmem:v7+s5+$0x0], $0xffff  }
0x29b: {  	[tilespmem:s1+$0x19700] =	vst.add.f32.msk $0xffff, v1  }
0x29c: {  	[tilespmem:s1+$0x19710] =	vst.add.f32.msk $0xffff, v2  }
0x29d: {  	[tilespmem:s1+$0x19720] =	vst.add.f32.msk $0xffff, v3  }
0x29e: {  	[tilespmem:s1+$0x19730] =	vst.add.f32.msk $0xffff, v4  }
0x29f: {  	[tilespmem:s1+$0x19740] =	vst.add.f32.msk $0xffff, v5  }
0x2a0: {  	s4 =	simm.s32 $0x0;
	s15 =	simm.s32 $0x200;
	[tilespmem:s1+$0x19750] =	vst.add.f32.msk $0xffff, v6  }
.LBB2_22:
0x2a1: {  	s4 =	sadd.s32 $0x80, s4;
	[tilespmem:s1+$0x19760] =	vst.add.f32.msk $0xffff, v0;
	s1 =	sshra.s32 s15, $0x2  }
0x2a2: {  	v0 =	vld [tilespmem:s1+$0x1D770];
	p0 =	slt.u32 s4, $0xF80  }
0x2a3: {  	v1 =	vld [tilespmem:s1+$0x1D700]  }
0x2a4: {  	v2 =	vld [tilespmem:s1+$0x1D710]  }
0x2a5: {  	v3 =	vld [tilespmem:s1+$0x1D720]  }
0x2a6: {  	v4 =	vld [tilespmem:s1+$0x1D730]  }
0x2a7: {  	v5 =	vld [tilespmem:s1+$0x1D740]  }
0x2a8: {  	v6 =	vld [tilespmem:s1+$0x1D750]  }
0x2a9: {  	v7 =	vld [tilespmem:s1+$0x1D760]  }
0x2aa: {  	v0 =	vld.idx.msk [tilespmem:v0+s5+$0x0], $0xffff  }
0x2ab: {  	v1 =	vld.idx.msk [tilespmem:v1+s5+$0x0], $0xffff  }
0x2ac: {  	v2 =	vld.idx.msk [tilespmem:v2+s5+$0x0], $0xffff  }
0x2ad: {  	v3 =	vld.idx.msk [tilespmem:v3+s5+$0x0], $0xffff  }
0x2ae: {  	v4 =	vld.idx.msk [tilespmem:v4+s5+$0x0], $0xffff  }
0x2af: {  	v5 =	vld.idx.msk [tilespmem:v5+s5+$0x0], $0xffff  }
0x2b0: {  	[tilespmem:s1+$0x19770] =	vst.add.f32.msk $0xffff, v0  }
0x2b1: {  	v6 =	vld.idx.msk [tilespmem:v6+s5+$0x0], $0xffff  }
0x2b2: {  	v0 =	vld.idx.msk [tilespmem:v7+s5+$0x0], $0xffff  }
0x2b3: {  	[tilespmem:s1+$0x19700] =	vst.add.f32.msk $0xffff, v1  }
.Ltmp10:
0x2b4: {  	[tilespmem:s1+$0x19710] =	vst.add.f32.msk $0xffff, v2;
	(pc) =	sbr.rel @p0 .LBB2_22-.Ltmp10, $4  }
0x2b5: {  	[tilespmem:s1+$0x19720] =	vst.add.f32.msk $0xffff, v3  }
0x2b6: {  	[tilespmem:s1+$0x19730] =	vst.add.f32.msk $0xffff, v4  }
0x2b7: {  	[tilespmem:s1+$0x19740] =	vst.add.f32.msk $0xffff, v5  }
0x2b8: {  	s15 =	sadd.s32 $0x200, s15;
	[tilespmem:s1+$0x19750] =	vst.add.f32.msk $0xffff, v6  }
0x2b9: {  	[tilespmem:s1+$0x19760] =	vst.add.f32.msk $0xffff, v0  }
0x2ba: {  	s1 =	sld [smem:$0x7FD];
	_ =	sdelay $0x1  }
0x2bb: {  	s29 =	sld [smem:$0x7EE]  }
0x2bc: {  	[tilespmem:s7], [sflag:$0x2] =	stream.strided.gather [hbm4b:s1+s31], $0x1000, s0, s31, $0x38;
	[tilespmem:$0x1E700] =	vst v63  }
0x2bd: {  	_ = 	snop  }
0x2be: {  	[hbm4b:s29+s31] =	stream.strided.scatter [tilespmem:s9], [sflag:$0x8], $0x1000, s0, s31, $0x38;
	[tilespmem:$0x1E700] =	vst v63  }
0x2bf: {  	_ =	swait.ge [sflag:s25], $0x1000  }
0x2c0: {  	[sflag:s25] =	ssyncset.done $0x0  }
0x2c1: {  	s30 =	rddreg [dreg:$0x13];
	[sflag:s25] =	ssyncadd.s32 $0xFFFFF000  }
0x2c2: {  	[tilespmem:s16], [sflag:$0x6] =	stream.strided.gather [hbm4b:s30+s31], $0x1000, s0, s31, $0x38;
	[tilespmem:$0x1E700] =	vst v63  }
0x2c3: {  	_ =	swait.ge [sflag:s10], $0x1000  }
0x2c4: {  	[sflag:s10] =	ssyncset.done $0x0  }
0x2c5: {  	[sflag:s10] =	ssyncadd.s32 $0xFFFFF000  }
0x2c6: {  	_ =	swait.ge [sflag:s17], $0x1000  }
0x2c7: {  	[sflag:s17] =	ssyncset.done $0x0  }
0x2c8: {  	s1 =	simm.s32 $0x0;
	[sflag:s17] =	ssyncadd.s32 $0xFFFFF000  }
0x2c9: {  	v0 =	vld [tilespmem:s1+$0x1C770]  }
0x2ca: {  	v1 =	vld [tilespmem:s1+$0x1C700]  }
0x2cb: {  	v2 =	vld [tilespmem:s1+$0x1C710]  }
0x2cc: {  	v3 =	vld [tilespmem:s1+$0x1C720]  }
0x2cd: {  	v4 =	vld [tilespmem:s1+$0x1C730]  }
0x2ce: {  	v5 =	vld [tilespmem:s1+$0x1C740]  }
0x2cf: {  	v6 =	vld [tilespmem:s1+$0x1C750]  }
0x2d0: {  	v7 =	vld [tilespmem:s1+$0x1C760]  }
0x2d1: {  	v0 =	vld.idx.msk [tilespmem:v0+s5+$0x0], $0xffff  }
0x2d2: {  	v1 =	vld.idx.msk [tilespmem:v1+s5+$0x0], $0xffff  }
0x2d3: {  	v2 =	vld.idx.msk [tilespmem:v2+s5+$0x0], $0xffff  }
0x2d4: {  	v3 =	vld.idx.msk [tilespmem:v3+s5+$0x0], $0xffff  }
0x2d5: {  	v4 =	vld.idx.msk [tilespmem:v4+s5+$0x0], $0xffff  }
0x2d6: {  	v5 =	vld.idx.msk [tilespmem:v5+s5+$0x0], $0xffff  }
0x2d7: {  	v6 =	vld.idx.msk [tilespmem:v6+s5+$0x0], $0xffff  }
0x2d8: {  	[tilespmem:s1+$0x1A770] =	vst.add.f32.msk $0xffff, v0  }
0x2d9: {  	v0 =	vld.idx.msk [tilespmem:v7+s5+$0x0], $0xffff  }
0x2da: {  	[tilespmem:s1+$0x1A700] =	vst.add.f32.msk $0xffff, v1  }
0x2db: {  	[tilespmem:s1+$0x1A710] =	vst.add.f32.msk $0xffff, v2  }
0x2dc: {  	[tilespmem:s1+$0x1A720] =	vst.add.f32.msk $0xffff, v3  }
0x2dd: {  	[tilespmem:s1+$0x1A730] =	vst.add.f32.msk $0xffff, v4  }
0x2de: {  	[tilespmem:s1+$0x1A740] =	vst.add.f32.msk $0xffff, v5  }
0x2df: {  	s4 =	simm.s32 $0x0;
	s15 =	simm.s32 $0x200;
	[tilespmem:s1+$0x1A750] =	vst.add.f32.msk $0xffff, v6  }
.LBB2_24:
0x2e0: {  	s4 =	sadd.s32 $0x80, s4;
	[tilespmem:s1+$0x1A760] =	vst.add.f32.msk $0xffff, v0;
	s1 =	sshra.s32 s15, $0x2  }
0x2e1: {  	v0 =	vld [tilespmem:s1+$0x1C770];
	p0 =	slt.u32 s4, $0xF80  }
0x2e2: {  	v1 =	vld [tilespmem:s1+$0x1C700]  }
0x2e3: {  	v2 =	vld [tilespmem:s1+$0x1C710]  }
0x2e4: {  	v3 =	vld [tilespmem:s1+$0x1C720]  }
0x2e5: {  	v4 =	vld [tilespmem:s1+$0x1C730]  }
0x2e6: {  	v5 =	vld [tilespmem:s1+$0x1C740]  }
0x2e7: {  	v6 =	vld [tilespmem:s1+$0x1C750]  }
0x2e8: {  	v7 =	vld [tilespmem:s1+$0x1C760]  }
0x2e9: {  	v0 =	vld.idx.msk [tilespmem:v0+s5+$0x0], $0xffff  }
0x2ea: {  	v1 =	vld.idx.msk [tilespmem:v1+s5+$0x0], $0xffff  }
0x2eb: {  	v2 =	vld.idx.msk [tilespmem:v2+s5+$0x0], $0xffff  }
0x2ec: {  	v3 =	vld.idx.msk [tilespmem:v3+s5+$0x0], $0xffff  }
0x2ed: {  	v4 =	vld.idx.msk [tilespmem:v4+s5+$0x0], $0xffff  }
0x2ee: {  	v5 =	vld.idx.msk [tilespmem:v5+s5+$0x0], $0xffff  }
0x2ef: {  	[tilespmem:s1+$0x1A770] =	vst.add.f32.msk $0xffff, v0  }
0x2f0: {  	v6 =	vld.idx.msk [tilespmem:v6+s5+$0x0], $0xffff  }
0x2f1: {  	v0 =	vld.idx.msk [tilespmem:v7+s5+$0x0], $0xffff  }
0x2f2: {  	[tilespmem:s1+$0x1A700] =	vst.add.f32.msk $0xffff, v1  }
.Ltmp11:
0x2f3: {  	[tilespmem:s1+$0x1A710] =	vst.add.f32.msk $0xffff, v2;
	(pc) =	sbr.rel @p0 .LBB2_24-.Ltmp11, $4  }
0x2f4: {  	[tilespmem:s1+$0x1A720] =	vst.add.f32.msk $0xffff, v3  }
0x2f5: {  	[tilespmem:s1+$0x1A730] =	vst.add.f32.msk $0xffff, v4  }
0x2f6: {  	[tilespmem:s1+$0x1A740] =	vst.add.f32.msk $0xffff, v5  }
0x2f7: {  	s15 =	sadd.s32 $0x200, s15;
	[tilespmem:s1+$0x1A750] =	vst.add.f32.msk $0xffff, v6  }
0x2f8: {  	[tilespmem:s1+$0x1A760] =	vst.add.f32.msk $0xffff, v0  }
0x2f9: {  	s1 =	rddreg [dreg:$0x12]  }
0x2fa: {  	[hbm4b:s1+s31] =	stream.strided.scatter [tilespmem:s12], [sflag:$0x9], $0x1000, s0, s31, $0x38;
	[tilespmem:$0x1E700] =	vst v63  }
0x2fb: {  	_ =	swait.ge [sflag:s21], $0x1000  }
0x2fc: {  	[sflag:s21] =	ssyncset.done $0x0  }
0x2fd: {  	[sflag:s21] =	ssyncadd.s32 $0xFFFFF000  }
0x2fe: {  	_ =	swait.ge [sflag:s13], $0x1000  }
0x2ff: {  	[sflag:s13] =	ssyncset.done $0x0  }
0x300: {  	[sflag:s13] =	ssyncadd.s32 $0xFFFFF000  }
0x301: {  	_ =	swait.ge [sflag:s22], $0x1000  }
0x302: {  	[sflag:s22] =	ssyncset.done $0x0  }
0x303: {  	s1 =	simm.s32 $0x0;
	[sflag:s22] =	ssyncadd.s32 $0xFFFFF000  }
0x304: {  	v0 =	vld [tilespmem:s1+$0x1D770]  }
0x305: {  	v1 =	vld [tilespmem:s1+$0x1D700]  }
0x306: {  	v2 =	vld [tilespmem:s1+$0x1D710]  }
0x307: {  	v3 =	vld [tilespmem:s1+$0x1D720]  }
0x308: {  	v4 =	vld [tilespmem:s1+$0x1D730]  }
0x309: {  	v5 =	vld [tilespmem:s1+$0x1D740]  }
0x30a: {  	v6 =	vld [tilespmem:s1+$0x1D750]  }
0x30b: {  	v7 =	vld [tilespmem:s1+$0x1D760]  }
0x30c: {  	v0 =	vld.idx.msk [tilespmem:v0+s5+$0x0], $0xffff  }
0x30d: {  	v1 =	vld.idx.msk [tilespmem:v1+s5+$0x0], $0xffff  }
0x30e: {  	v2 =	vld.idx.msk [tilespmem:v2+s5+$0x0], $0xffff  }
0x30f: {  	v3 =	vld.idx.msk [tilespmem:v3+s5+$0x0], $0xffff  }
0x310: {  	v4 =	vld.idx.msk [tilespmem:v4+s5+$0x0], $0xffff  }
0x311: {  	v5 =	vld.idx.msk [tilespmem:v5+s5+$0x0], $0xffff  }
0x312: {  	v6 =	vld.idx.msk [tilespmem:v6+s5+$0x0], $0xffff  }
0x313: {  	[tilespmem:s1+$0x1B770] =	vst.add.f32.msk $0xffff, v0  }
0x314: {  	v0 =	vld.idx.msk [tilespmem:v7+s5+$0x0], $0xffff  }
0x315: {  	[tilespmem:s1+$0x1B700] =	vst.add.f32.msk $0xffff, v1  }
0x316: {  	[tilespmem:s1+$0x1B710] =	vst.add.f32.msk $0xffff, v2  }
0x317: {  	[tilespmem:s1+$0x1B720] =	vst.add.f32.msk $0xffff, v3  }
0x318: {  	[tilespmem:s1+$0x1B730] =	vst.add.f32.msk $0xffff, v4  }
0x319: {  	[tilespmem:s1+$0x1B740] =	vst.add.f32.msk $0xffff, v5  }
0x31a: {  	s4 =	simm.s32 $0x0;
	s15 =	simm.s32 $0x200;
	[tilespmem:s1+$0x1B750] =	vst.add.f32.msk $0xffff, v6  }
.LBB2_26:
0x31b: {  	s4 =	sadd.s32 $0x80, s4;
	[tilespmem:s1+$0x1B760] =	vst.add.f32.msk $0xffff, v0;
	s1 =	sshra.s32 s15, $0x2  }
0x31c: {  	v0 =	vld [tilespmem:s1+$0x1D770];
	p0 =	slt.u32 s4, $0xF80  }
0x31d: {  	v1 =	vld [tilespmem:s1+$0x1D700]  }
0x31e: {  	v2 =	vld [tilespmem:s1+$0x1D710]  }
0x31f: {  	v3 =	vld [tilespmem:s1+$0x1D720]  }
0x320: {  	v4 =	vld [tilespmem:s1+$0x1D730]  }
0x321: {  	v5 =	vld [tilespmem:s1+$0x1D740]  }
0x322: {  	v6 =	vld [tilespmem:s1+$0x1D750]  }
0x323: {  	v7 =	vld [tilespmem:s1+$0x1D760]  }
0x324: {  	v0 =	vld.idx.msk [tilespmem:v0+s5+$0x0], $0xffff  }
0x325: {  	v1 =	vld.idx.msk [tilespmem:v1+s5+$0x0], $0xffff  }
0x326: {  	v2 =	vld.idx.msk [tilespmem:v2+s5+$0x0], $0xffff  }
0x327: {  	v3 =	vld.idx.msk [tilespmem:v3+s5+$0x0], $0xffff  }
0x328: {  	v4 =	vld.idx.msk [tilespmem:v4+s5+$0x0], $0xffff  }
0x329: {  	v5 =	vld.idx.msk [tilespmem:v5+s5+$0x0], $0xffff  }
0x32a: {  	[tilespmem:s1+$0x1B770] =	vst.add.f32.msk $0xffff, v0  }
0x32b: {  	v6 =	vld.idx.msk [tilespmem:v6+s5+$0x0], $0xffff  }
0x32c: {  	v0 =	vld.idx.msk [tilespmem:v7+s5+$0x0], $0xffff  }
0x32d: {  	[tilespmem:s1+$0x1B700] =	vst.add.f32.msk $0xffff, v1  }
.Ltmp12:
0x32e: {  	[tilespmem:s1+$0x1B710] =	vst.add.f32.msk $0xffff, v2;
	(pc) =	sbr.rel @p0 .LBB2_26-.Ltmp12, $4  }
0x32f: {  	[tilespmem:s1+$0x1B720] =	vst.add.f32.msk $0xffff, v3  }
0x330: {  	[tilespmem:s1+$0x1B730] =	vst.add.f32.msk $0xffff, v4  }
0x331: {  	[tilespmem:s1+$0x1B740] =	vst.add.f32.msk $0xffff, v5  }
0x332: {  	s15 =	sadd.s32 $0x200, s15;
	[tilespmem:s1+$0x1B750] =	vst.add.f32.msk $0xffff, v6  }
0x333: {  	[tilespmem:s1+$0x1B760] =	vst.add.f32.msk $0xffff, v0  }
0x334: {  	s1 =	rddreg [dreg:$0x14]  }
0x335: {  	[hbm4b:s1+s31] =	stream.strided.scatter [tilespmem:s16], [sflag:$0xA], $0x1000, s0, s31, $0x38;
	[tilespmem:$0x1E700] =	vst v63  }
0x336: {  	_ =	swait.ge [sflag:s23], $0x1000  }
0x337: {  	[sflag:s23] =	ssyncset.done $0x0  }
0x338: {  	[sflag:s23] =	ssyncadd.s32 $0xFFFFF000  }
0x339: {  	_ =	swait.ge [sflag:s24], $0x1000  }
0x33a: {  	[sflag:s24] =	ssyncset.done $0x0  }
0x33b: {  	[sflag:s24] =	ssyncadd.s32 $0xFFFFF000  }
0x33c: {  	_ =	swait.ge [sflag:s25], $0x1000  }
0x33d: {  	s18 =	simm.s32 $0x0;
	[sflag:s25] =	ssyncset.done $0x0  }
0x33e: {  	s26 =	simm.s32 $0xB;
	s4 =	rddreg [dreg:$0xf];
	[sflag:s25] =	ssyncadd.s32 $0xFFFFF000  }
0x33f: {  	[tilespmem:s18], [sflag:$0xB] =	stream.strided.gather [hbm4b:s4+s31], $0x18700, s0, s31, $0x38;
	[tilespmem:$0x1E700] =	vst v63  }
0x340: {  	_ =	swait.ge [sflag:s26], $0x18700  }
0x341: {  	[sflag:s26] =	ssyncset.done $0x0  }
0x342: {  	s28 =	sld [smem:$0x7F6];
	[sflag:s26] =	ssyncadd.s32 $0xFFFE7900  }
0x343: {  	[tilespmem:s6], [sflag:$0x1] =	stream.strided.gather [hbm4b:s2+s31], $0x1000, s0, s31, $0x38;
	[tilespmem:$0x1E700] =	vst v63  }
0x344: {  	_ = 	snop  }
0x345: {  	[tilespmem:s7], [sflag:$0x2] =	stream.strided.gather [hbm4b:s28+s31], $0x1000, s0, s31, $0x38;
	[tilespmem:$0x1E700] =	vst v63  }
0x346: {  	s29 =	rddreg [dreg:$0x15]  }
0x347: {  	[tilespmem:s8], [sflag:$0x3] =	stream.strided.gather [hbm4b:s29+s31], $0x1000, s0, s31, $0x38;
	[tilespmem:$0x1E700] =	vst v63  }
0x348: {  	s30 =	rddreg [dreg:$0x17]  }
0x349: {  	[tilespmem:s9], [sflag:$0x4] =	stream.strided.gather [hbm4b:s30+s31], $0x1000, s0, s31, $0x38;
	[tilespmem:$0x1E700] =	vst v63  }
0x34a: {  	_ =	swait.ge [sflag:s10], $0x1000  }
0x34b: {  	[sflag:s10] =	ssyncset.done $0x0  }
0x34c: {  	[sflag:s10] =	ssyncadd.s32 $0xFFFFF000  }
0x34d: {  	_ =	swait.ge [sflag:s11], $0x1000  }
0x34e: {  	[sflag:s11] =	ssyncset.done $0x0  }
0x34f: {  	s1 =	simm.s32 $0x0;
	[sflag:s11] =	ssyncadd.s32 $0xFFFFF000  }
0x350: {  	v0 =	vld [tilespmem:s1+$0x1C770]  }
0x351: {  	v1 =	vld [tilespmem:s1+$0x1C700]  }
0x352: {  	v2 =	vld [tilespmem:s1+$0x1C710]  }
0x353: {  	v3 =	vld [tilespmem:s1+$0x1C720]  }
0x354: {  	v4 =	vld [tilespmem:s1+$0x1C730]  }
0x355: {  	v5 =	vld [tilespmem:s1+$0x1C740]  }
0x356: {  	v6 =	vld [tilespmem:s1+$0x1C750]  }
0x357: {  	v7 =	vld [tilespmem:s1+$0x1C760]  }
0x358: {  	v0 =	vld.idx.msk [tilespmem:v0+s5+$0x0], $0xffff  }
0x359: {  	v1 =	vld.idx.msk [tilespmem:v1+s5+$0x0], $0xffff  }
0x35a: {  	v2 =	vld.idx.msk [tilespmem:v2+s5+$0x0], $0xffff  }
0x35b: {  	v3 =	vld.idx.msk [tilespmem:v3+s5+$0x0], $0xffff  }
0x35c: {  	v4 =	vld.idx.msk [tilespmem:v4+s5+$0x0], $0xffff  }
0x35d: {  	v5 =	vld.idx.msk [tilespmem:v5+s5+$0x0], $0xffff  }
0x35e: {  	v6 =	vld.idx.msk [tilespmem:v6+s5+$0x0], $0xffff  }
0x35f: {  	[tilespmem:s1+$0x18770] =	vst.add.f32.msk $0xffff, v0  }
0x360: {  	v0 =	vld.idx.msk [tilespmem:v7+s5+$0x0], $0xffff  }
0x361: {  	[tilespmem:s1+$0x18700] =	vst.add.f32.msk $0xffff, v1  }
0x362: {  	[tilespmem:s1+$0x18710] =	vst.add.f32.msk $0xffff, v2  }
0x363: {  	[tilespmem:s1+$0x18720] =	vst.add.f32.msk $0xffff, v3  }
0x364: {  	[tilespmem:s1+$0x18730] =	vst.add.f32.msk $0xffff, v4  }
0x365: {  	[tilespmem:s1+$0x18740] =	vst.add.f32.msk $0xffff, v5  }
0x366: {  	s15 =	simm.s32 $0x200;
	s4 =	simm.s32 $0x0;
	[tilespmem:s1+$0x18750] =	vst.add.f32.msk $0xffff, v6  }
.LBB2_28:
0x367: {  	s4 =	sadd.s32 $0x80, s4;
	[tilespmem:s1+$0x18760] =	vst.add.f32.msk $0xffff, v0;
	s1 =	sshra.s32 s15, $0x2  }
0x368: {  	v0 =	vld [tilespmem:s1+$0x1C770];
	p0 =	slt.u32 s4, $0xF80  }
0x369: {  	v1 =	vld [tilespmem:s1+$0x1C700]  }
0x36a: {  	v2 =	vld [tilespmem:s1+$0x1C710]  }
0x36b: {  	v3 =	vld [tilespmem:s1+$0x1C720]  }
0x36c: {  	v4 =	vld [tilespmem:s1+$0x1C730]  }
0x36d: {  	v5 =	vld [tilespmem:s1+$0x1C740]  }
0x36e: {  	v6 =	vld [tilespmem:s1+$0x1C750]  }
0x36f: {  	v7 =	vld [tilespmem:s1+$0x1C760]  }
0x370: {  	v0 =	vld.idx.msk [tilespmem:v0+s5+$0x0], $0xffff  }
0x371: {  	v1 =	vld.idx.msk [tilespmem:v1+s5+$0x0], $0xffff  }
0x372: {  	v2 =	vld.idx.msk [tilespmem:v2+s5+$0x0], $0xffff  }
0x373: {  	v3 =	vld.idx.msk [tilespmem:v3+s5+$0x0], $0xffff  }
0x374: {  	v4 =	vld.idx.msk [tilespmem:v4+s5+$0x0], $0xffff  }
0x375: {  	v5 =	vld.idx.msk [tilespmem:v5+s5+$0x0], $0xffff  }
0x376: {  	[tilespmem:s1+$0x18770] =	vst.add.f32.msk $0xffff, v0  }
0x377: {  	v6 =	vld.idx.msk [tilespmem:v6+s5+$0x0], $0xffff  }
0x378: {  	v0 =	vld.idx.msk [tilespmem:v7+s5+$0x0], $0xffff  }
0x379: {  	[tilespmem:s1+$0x18700] =	vst.add.f32.msk $0xffff, v1  }
.Ltmp13:
0x37a: {  	[tilespmem:s1+$0x18710] =	vst.add.f32.msk $0xffff, v2;
	(pc) =	sbr.rel @p0 .LBB2_28-.Ltmp13, $4  }
0x37b: {  	[tilespmem:s1+$0x18720] =	vst.add.f32.msk $0xffff, v3  }
0x37c: {  	[tilespmem:s1+$0x18730] =	vst.add.f32.msk $0xffff, v4  }
0x37d: {  	[tilespmem:s1+$0x18740] =	vst.add.f32.msk $0xffff, v5  }
0x37e: {  	s15 =	sadd.s32 $0x200, s15;
	[tilespmem:s1+$0x18750] =	vst.add.f32.msk $0xffff, v6  }
0x37f: {  	[tilespmem:s1+$0x18760] =	vst.add.f32.msk $0xffff, v0  }
0x380: {  	s1 =	sld [smem:$0x7F7];
	_ =	sdelay $0x2  }
0x381: {  	[tilespmem:s6], [sflag:$0x1] =	stream.strided.gather [hbm4b:s1+s31], $0x1000, s0, s31, $0x38;
	[tilespmem:$0x1E700] =	vst v63  }
0x382: {  	s29 =	rddreg [dreg:$0x16]  }
0x383: {  	[hbm4b:s29+s31] =	stream.strided.scatter [tilespmem:s8], [sflag:$0x7], $0x1000, s0, s31, $0x38;
	[tilespmem:$0x1E700] =	vst v63  }
0x384: {  	s30 =	rddreg [dreg:$0x19]  }
0x385: {  	[tilespmem:s12], [sflag:$0x5] =	stream.strided.gather [hbm4b:s30+s31], $0x1000, s0, s31, $0x38;
	[tilespmem:$0x1E700] =	vst v63  }
0x386: {  	_ =	swait.ge [sflag:s13], $0x1000  }
0x387: {  	[sflag:s13] =	ssyncset.done $0x0  }
0x388: {  	[sflag:s13] =	ssyncadd.s32 $0xFFFFF000  }
0x389: {  	_ =	swait.ge [sflag:s14], $0x1000  }
0x38a: {  	[sflag:s14] =	ssyncset.done $0x0  }
0x38b: {  	s1 =	simm.s32 $0x0;
	[sflag:s14] =	ssyncadd.s32 $0xFFFFF000  }
0x38c: {  	v0 =	vld [tilespmem:s1+$0x1D770]  }
0x38d: {  	v1 =	vld [tilespmem:s1+$0x1D700]  }
0x38e: {  	v2 =	vld [tilespmem:s1+$0x1D710]  }
0x38f: {  	v3 =	vld [tilespmem:s1+$0x1D720]  }
0x390: {  	v4 =	vld [tilespmem:s1+$0x1D730]  }
0x391: {  	v5 =	vld [tilespmem:s1+$0x1D740]  }
0x392: {  	v6 =	vld [tilespmem:s1+$0x1D750]  }
0x393: {  	v7 =	vld [tilespmem:s1+$0x1D760]  }
0x394: {  	v0 =	vld.idx.msk [tilespmem:v0+s5+$0x0], $0xffff  }
0x395: {  	v1 =	vld.idx.msk [tilespmem:v1+s5+$0x0], $0xffff  }
0x396: {  	v2 =	vld.idx.msk [tilespmem:v2+s5+$0x0], $0xffff  }
0x397: {  	v3 =	vld.idx.msk [tilespmem:v3+s5+$0x0], $0xffff  }
0x398: {  	v4 =	vld.idx.msk [tilespmem:v4+s5+$0x0], $0xffff  }
0x399: {  	v5 =	vld.idx.msk [tilespmem:v5+s5+$0x0], $0xffff  }
0x39a: {  	v6 =	vld.idx.msk [tilespmem:v6+s5+$0x0], $0xffff  }
0x39b: {  	[tilespmem:s1+$0x19770] =	vst.add.f32.msk $0xffff, v0  }
0x39c: {  	v0 =	vld.idx.msk [tilespmem:v7+s5+$0x0], $0xffff  }
0x39d: {  	[tilespmem:s1+$0x19700] =	vst.add.f32.msk $0xffff, v1  }
0x39e: {  	[tilespmem:s1+$0x19710] =	vst.add.f32.msk $0xffff, v2  }
0x39f: {  	[tilespmem:s1+$0x19720] =	vst.add.f32.msk $0xffff, v3  }
0x3a0: {  	[tilespmem:s1+$0x19730] =	vst.add.f32.msk $0xffff, v4  }
0x3a1: {  	[tilespmem:s1+$0x19740] =	vst.add.f32.msk $0xffff, v5  }
0x3a2: {  	s4 =	simm.s32 $0x0;
	s15 =	simm.s32 $0x200;
	[tilespmem:s1+$0x19750] =	vst.add.f32.msk $0xffff, v6  }
.LBB2_30:
0x3a3: {  	s4 =	sadd.s32 $0x80, s4;
	[tilespmem:s1+$0x19760] =	vst.add.f32.msk $0xffff, v0;
	s1 =	sshra.s32 s15, $0x2  }
0x3a4: {  	v0 =	vld [tilespmem:s1+$0x1D770];
	p0 =	slt.u32 s4, $0xF80  }
0x3a5: {  	v1 =	vld [tilespmem:s1+$0x1D700]  }
0x3a6: {  	v2 =	vld [tilespmem:s1+$0x1D710]  }
0x3a7: {  	v3 =	vld [tilespmem:s1+$0x1D720]  }
0x3a8: {  	v4 =	vld [tilespmem:s1+$0x1D730]  }
0x3a9: {  	v5 =	vld [tilespmem:s1+$0x1D740]  }
0x3aa: {  	v6 =	vld [tilespmem:s1+$0x1D750]  }
0x3ab: {  	v7 =	vld [tilespmem:s1+$0x1D760]  }
0x3ac: {  	v0 =	vld.idx.msk [tilespmem:v0+s5+$0x0], $0xffff  }
0x3ad: {  	v1 =	vld.idx.msk [tilespmem:v1+s5+$0x0], $0xffff  }
0x3ae: {  	v2 =	vld.idx.msk [tilespmem:v2+s5+$0x0], $0xffff  }
0x3af: {  	v3 =	vld.idx.msk [tilespmem:v3+s5+$0x0], $0xffff  }
0x3b0: {  	v4 =	vld.idx.msk [tilespmem:v4+s5+$0x0], $0xffff  }
0x3b1: {  	v5 =	vld.idx.msk [tilespmem:v5+s5+$0x0], $0xffff  }
0x3b2: {  	[tilespmem:s1+$0x19770] =	vst.add.f32.msk $0xffff, v0  }
0x3b3: {  	v6 =	vld.idx.msk [tilespmem:v6+s5+$0x0], $0xffff  }
0x3b4: {  	v0 =	vld.idx.msk [tilespmem:v7+s5+$0x0], $0xffff  }
0x3b5: {  	[tilespmem:s1+$0x19700] =	vst.add.f32.msk $0xffff, v1  }
.Ltmp14:
0x3b6: {  	[tilespmem:s1+$0x19710] =	vst.add.f32.msk $0xffff, v2;
	(pc) =	sbr.rel @p0 .LBB2_30-.Ltmp14, $4  }
0x3b7: {  	[tilespmem:s1+$0x19720] =	vst.add.f32.msk $0xffff, v3  }
0x3b8: {  	[tilespmem:s1+$0x19730] =	vst.add.f32.msk $0xffff, v4  }
0x3b9: {  	[tilespmem:s1+$0x19740] =	vst.add.f32.msk $0xffff, v5  }
0x3ba: {  	s15 =	sadd.s32 $0x200, s15;
	[tilespmem:s1+$0x19750] =	vst.add.f32.msk $0xffff, v6  }
0x3bb: {  	[tilespmem:s1+$0x19760] =	vst.add.f32.msk $0xffff, v0  }
0x3bc: {  	s1 =	sld [smem:$0x7F8];
	_ =	sdelay $0x2  }
0x3bd: {  	[tilespmem:s7], [sflag:$0x2] =	stream.strided.gather [hbm4b:s1+s31], $0x1000, s0, s31, $0x38;
	[tilespmem:$0x1E700] =	vst v63  }
0x3be: {  	s29 =	rddreg [dreg:$0x18]  }
0x3bf: {  	[hbm4b:s29+s31] =	stream.strided.scatter [tilespmem:s9], [sflag:$0x8], $0x1000, s0, s31, $0x38;
	[tilespmem:$0x1E700] =	vst v63  }
0x3c0: {  	s30 =	rddreg [dreg:$0x1b]  }
0x3c1: {  	[tilespmem:s16], [sflag:$0x6] =	stream.strided.gather [hbm4b:s30+s31], $0x1000, s0, s31, $0x38;
	[tilespmem:$0x1E700] =	vst v63  }
0x3c2: {  	_ =	swait.ge [sflag:s10], $0x1000  }
0x3c3: {  	[sflag:s10] =	ssyncset.done $0x0  }
0x3c4: {  	[sflag:s10] =	ssyncadd.s32 $0xFFFFF000  }
0x3c5: {  	_ =	swait.ge [sflag:s17], $0x1000  }
0x3c6: {  	[sflag:s17] =	ssyncset.done $0x0  }
0x3c7: {  	s1 =	simm.s32 $0x0;
	[sflag:s17] =	ssyncadd.s32 $0xFFFFF000  }
0x3c8: {  	v0 =	vld [tilespmem:s1+$0x1C770]  }
0x3c9: {  	v1 =	vld [tilespmem:s1+$0x1C700]  }
0x3ca: {  	v2 =	vld [tilespmem:s1+$0x1C710]  }
0x3cb: {  	v3 =	vld [tilespmem:s1+$0x1C720]  }
0x3cc: {  	v4 =	vld [tilespmem:s1+$0x1C730]  }
0x3cd: {  	v5 =	vld [tilespmem:s1+$0x1C740]  }
0x3ce: {  	v6 =	vld [tilespmem:s1+$0x1C750]  }
0x3cf: {  	v7 =	vld [tilespmem:s1+$0x1C760]  }
0x3d0: {  	v0 =	vld.idx.msk [tilespmem:v0+s5+$0x0], $0xffff  }
0x3d1: {  	v1 =	vld.idx.msk [tilespmem:v1+s5+$0x0], $0xffff  }
0x3d2: {  	v2 =	vld.idx.msk [tilespmem:v2+s5+$0x0], $0xffff  }
0x3d3: {  	v3 =	vld.idx.msk [tilespmem:v3+s5+$0x0], $0xffff  }
0x3d4: {  	v4 =	vld.idx.msk [tilespmem:v4+s5+$0x0], $0xffff  }
0x3d5: {  	v5 =	vld.idx.msk [tilespmem:v5+s5+$0x0], $0xffff  }
0x3d6: {  	v6 =	vld.idx.msk [tilespmem:v6+s5+$0x0], $0xffff  }
0x3d7: {  	[tilespmem:s1+$0x1A770] =	vst.add.f32.msk $0xffff, v0  }
0x3d8: {  	v0 =	vld.idx.msk [tilespmem:v7+s5+$0x0], $0xffff  }
0x3d9: {  	[tilespmem:s1+$0x1A700] =	vst.add.f32.msk $0xffff, v1  }
0x3da: {  	[tilespmem:s1+$0x1A710] =	vst.add.f32.msk $0xffff, v2  }
0x3db: {  	[tilespmem:s1+$0x1A720] =	vst.add.f32.msk $0xffff, v3  }
0x3dc: {  	[tilespmem:s1+$0x1A730] =	vst.add.f32.msk $0xffff, v4  }
0x3dd: {  	[tilespmem:s1+$0x1A740] =	vst.add.f32.msk $0xffff, v5  }
0x3de: {  	s4 =	simm.s32 $0x0;
	s15 =	simm.s32 $0x200;
	[tilespmem:s1+$0x1A750] =	vst.add.f32.msk $0xffff, v6  }
.LBB2_32:
0x3df: {  	s4 =	sadd.s32 $0x80, s4;
	[tilespmem:s1+$0x1A760] =	vst.add.f32.msk $0xffff, v0;
	s1 =	sshra.s32 s15, $0x2  }
0x3e0: {  	v0 =	vld [tilespmem:s1+$0x1C770];
	p0 =	slt.u32 s4, $0xF80  }
0x3e1: {  	v1 =	vld [tilespmem:s1+$0x1C700]  }
0x3e2: {  	v2 =	vld [tilespmem:s1+$0x1C710]  }
0x3e3: {  	v3 =	vld [tilespmem:s1+$0x1C720]  }
0x3e4: {  	v4 =	vld [tilespmem:s1+$0x1C730]  }
0x3e5: {  	v5 =	vld [tilespmem:s1+$0x1C740]  }
0x3e6: {  	v6 =	vld [tilespmem:s1+$0x1C750]  }
0x3e7: {  	v7 =	vld [tilespmem:s1+$0x1C760]  }
0x3e8: {  	v0 =	vld.idx.msk [tilespmem:v0+s5+$0x0], $0xffff  }
0x3e9: {  	v1 =	vld.idx.msk [tilespmem:v1+s5+$0x0], $0xffff  }
0x3ea: {  	v2 =	vld.idx.msk [tilespmem:v2+s5+$0x0], $0xffff  }
0x3eb: {  	v3 =	vld.idx.msk [tilespmem:v3+s5+$0x0], $0xffff  }
0x3ec: {  	v4 =	vld.idx.msk [tilespmem:v4+s5+$0x0], $0xffff  }
0x3ed: {  	v5 =	vld.idx.msk [tilespmem:v5+s5+$0x0], $0xffff  }
0x3ee: {  	[tilespmem:s1+$0x1A770] =	vst.add.f32.msk $0xffff, v0  }
0x3ef: {  	v6 =	vld.idx.msk [tilespmem:v6+s5+$0x0], $0xffff  }
0x3f0: {  	v0 =	vld.idx.msk [tilespmem:v7+s5+$0x0], $0xffff  }
0x3f1: {  	[tilespmem:s1+$0x1A700] =	vst.add.f32.msk $0xffff, v1  }
.Ltmp15:
0x3f2: {  	[tilespmem:s1+$0x1A710] =	vst.add.f32.msk $0xffff, v2;
	(pc) =	sbr.rel @p0 .LBB2_32-.Ltmp15, $4  }
0x3f3: {  	[tilespmem:s1+$0x1A720] =	vst.add.f32.msk $0xffff, v3  }
0x3f4: {  	[tilespmem:s1+$0x1A730] =	vst.add.f32.msk $0xffff, v4  }
0x3f5: {  	[tilespmem:s1+$0x1A740] =	vst.add.f32.msk $0xffff, v5  }
0x3f6: {  	s15 =	sadd.s32 $0x200, s15;
	[tilespmem:s1+$0x1A750] =	vst.add.f32.msk $0xffff, v6  }
0x3f7: {  	[tilespmem:s1+$0x1A760] =	vst.add.f32.msk $0xffff, v0  }
0x3f8: {  	s1 =	sld [smem:$0x7F9];
	_ =	sdelay $0x2  }
0x3f9: {  	[tilespmem:s6], [sflag:$0x1] =	stream.strided.gather [hbm4b:s1+s31], $0x1000, s0, s31, $0x38;
	[tilespmem:$0x1E700] =	vst v63  }
0x3fa: {  	s29 =	rddreg [dreg:$0x1a]  }
0x3fb: {  	[hbm4b:s29+s31] =	stream.strided.scatter [tilespmem:s12], [sflag:$0x9], $0x1000, s0, s31, $0x38;
	[tilespmem:$0x1E700] =	vst v63  }
0x3fc: {  	_ =	swait.ge [sflag:s21], $0x1000  }
0x3fd: {  	[sflag:s21] =	ssyncset.done $0x0  }
0x3fe: {  	s30 =	rddreg [dreg:$0x1f];
	[sflag:s21] =	ssyncadd.s32 $0xFFFFF000  }
0x3ff: {  	[tilespmem:s8], [sflag:$0x3] =	stream.strided.gather [hbm4b:s30+s31], $0x1000, s0, s31, $0x38;
	[tilespmem:$0x1E700] =	vst v63  }
0x400: {  	_ =	swait.ge [sflag:s13], $0x1000  }
0x401: {  	[sflag:s13] =	ssyncset.done $0x0  }
0x402: {  	[sflag:s13] =	ssyncadd.s32 $0xFFFFF000  }
0x403: {  	_ =	swait.ge [sflag:s22], $0x1000  }
0x404: {  	[sflag:s22] =	ssyncset.done $0x0  }
0x405: {  	s1 =	simm.s32 $0x0;
	[sflag:s22] =	ssyncadd.s32 $0xFFFFF000  }
0x406: {  	v0 =	vld [tilespmem:s1+$0x1D770]  }
0x407: {  	v1 =	vld [tilespmem:s1+$0x1D700]  }
0x408: {  	v2 =	vld [tilespmem:s1+$0x1D710]  }
0x409: {  	v3 =	vld [tilespmem:s1+$0x1D720]  }
0x40a: {  	v4 =	vld [tilespmem:s1+$0x1D730]  }
0x40b: {  	v5 =	vld [tilespmem:s1+$0x1D740]  }
0x40c: {  	v6 =	vld [tilespmem:s1+$0x1D750]  }
0x40d: {  	v7 =	vld [tilespmem:s1+$0x1D760]  }
0x40e: {  	v0 =	vld.idx.msk [tilespmem:v0+s5+$0x0], $0xffff  }
0x40f: {  	v1 =	vld.idx.msk [tilespmem:v1+s5+$0x0], $0xffff  }
0x410: {  	v2 =	vld.idx.msk [tilespmem:v2+s5+$0x0], $0xffff  }
0x411: {  	v3 =	vld.idx.msk [tilespmem:v3+s5+$0x0], $0xffff  }
0x412: {  	v4 =	vld.idx.msk [tilespmem:v4+s5+$0x0], $0xffff  }
0x413: {  	v5 =	vld.idx.msk [tilespmem:v5+s5+$0x0], $0xffff  }
0x414: {  	v6 =	vld.idx.msk [tilespmem:v6+s5+$0x0], $0xffff  }
0x415: {  	[tilespmem:s1+$0x1B770] =	vst.add.f32.msk $0xffff, v0  }
0x416: {  	v0 =	vld.idx.msk [tilespmem:v7+s5+$0x0], $0xffff  }
0x417: {  	[tilespmem:s1+$0x1B700] =	vst.add.f32.msk $0xffff, v1  }
0x418: {  	[tilespmem:s1+$0x1B710] =	vst.add.f32.msk $0xffff, v2  }
0x419: {  	[tilespmem:s1+$0x1B720] =	vst.add.f32.msk $0xffff, v3  }
0x41a: {  	[tilespmem:s1+$0x1B730] =	vst.add.f32.msk $0xffff, v4  }
0x41b: {  	[tilespmem:s1+$0x1B740] =	vst.add.f32.msk $0xffff, v5  }
0x41c: {  	s4 =	simm.s32 $0x0;
	s15 =	simm.s32 $0x200;
	[tilespmem:s1+$0x1B750] =	vst.add.f32.msk $0xffff, v6  }
.LBB2_34:
0x41d: {  	s4 =	sadd.s32 $0x80, s4;
	[tilespmem:s1+$0x1B760] =	vst.add.f32.msk $0xffff, v0;
	s1 =	sshra.s32 s15, $0x2  }
0x41e: {  	v0 =	vld [tilespmem:s1+$0x1D770];
	p0 =	slt.u32 s4, $0xF80  }
0x41f: {  	v1 =	vld [tilespmem:s1+$0x1D700]  }
0x420: {  	v2 =	vld [tilespmem:s1+$0x1D710]  }
0x421: {  	v3 =	vld [tilespmem:s1+$0x1D720]  }
0x422: {  	v4 =	vld [tilespmem:s1+$0x1D730]  }
0x423: {  	v5 =	vld [tilespmem:s1+$0x1D740]  }
0x424: {  	v6 =	vld [tilespmem:s1+$0x1D750]  }
0x425: {  	v7 =	vld [tilespmem:s1+$0x1D760]  }
0x426: {  	v0 =	vld.idx.msk [tilespmem:v0+s5+$0x0], $0xffff  }
0x427: {  	v1 =	vld.idx.msk [tilespmem:v1+s5+$0x0], $0xffff  }
0x428: {  	v2 =	vld.idx.msk [tilespmem:v2+s5+$0x0], $0xffff  }
0x429: {  	v3 =	vld.idx.msk [tilespmem:v3+s5+$0x0], $0xffff  }
0x42a: {  	v4 =	vld.idx.msk [tilespmem:v4+s5+$0x0], $0xffff  }
0x42b: {  	v5 =	vld.idx.msk [tilespmem:v5+s5+$0x0], $0xffff  }
0x42c: {  	[tilespmem:s1+$0x1B770] =	vst.add.f32.msk $0xffff, v0  }
0x42d: {  	v6 =	vld.idx.msk [tilespmem:v6+s5+$0x0], $0xffff  }
0x42e: {  	v0 =	vld.idx.msk [tilespmem:v7+s5+$0x0], $0xffff  }
0x42f: {  	[tilespmem:s1+$0x1B700] =	vst.add.f32.msk $0xffff, v1  }
.Ltmp16:
0x430: {  	[tilespmem:s1+$0x1B710] =	vst.add.f32.msk $0xffff, v2;
	(pc) =	sbr.rel @p0 .LBB2_34-.Ltmp16, $4  }
0x431: {  	[tilespmem:s1+$0x1B720] =	vst.add.f32.msk $0xffff, v3  }
0x432: {  	[tilespmem:s1+$0x1B730] =	vst.add.f32.msk $0xffff, v4  }
0x433: {  	[tilespmem:s1+$0x1B740] =	vst.add.f32.msk $0xffff, v5  }
0x434: {  	s15 =	sadd.s32 $0x200, s15;
	[tilespmem:s1+$0x1B750] =	vst.add.f32.msk $0xffff, v6  }
0x435: {  	[tilespmem:s1+$0x1B760] =	vst.add.f32.msk $0xffff, v0  }
0x436: {  	s1 =	sld [smem:$0x7FA];
	_ =	sdelay $0x2  }
0x437: {  	[tilespmem:s7], [sflag:$0x2] =	stream.strided.gather [hbm4b:s1+s31], $0x1000, s0, s31, $0x38;
	[tilespmem:$0x1E700] =	vst v63  }
0x438: {  	s28 =	rddreg [dreg:$0x1c]  }
0x439: {  	[hbm4b:s28+s31] =	stream.strided.scatter [tilespmem:s16], [sflag:$0xA], $0x1000, s0, s31, $0x38;
	[tilespmem:$0x1E700] =	vst v63  }
0x43a: {  	_ =	swait.ge [sflag:s23], $0x1000  }
0x43b: {  	s30 =	sld [smem:$0x7EC]  }
0x43c: {  	[sflag:s23] =	ssyncset.done $0x0  }
0x43d: {  	s29 =	simm.s32 $0x1;
	[sflag:s23] =	ssyncadd.s32 $0xFFFFF000  }
0x43e: {  	[tilespmem:s9], [sflag:$0x4] =	stream.strided.gather [hbm4b:s30+s31], $0x1000, s0, s31, $0x38;
	[tilespmem:$0x1E700] =	vst v63  }
.LBB2_36:
0x43f: {  	_ =	swait.ge [sflag:s10], $0x1000  }
0x440: {  	[sflag:s10] =	ssyncset.done $0x0  }
0x441: {  	[sflag:s10] =	ssyncadd.s32 $0xFFFFF000  }
0x442: {  	_ =	swait.ge [sflag:s11], $0x1000  }
0x443: {  	[sflag:s11] =	ssyncset.done $0x0  }
0x444: {  	s1 =	simm.s32 $0x0;
	[sflag:s11] =	ssyncadd.s32 $0xFFFFF000  }
0x445: {  	v0 =	vld [tilespmem:s1+$0x1C770]  }
0x446: {  	v1 =	vld [tilespmem:s1+$0x1C700]  }
0x447: {  	v2 =	vld [tilespmem:s1+$0x1C710]  }
0x448: {  	v3 =	vld [tilespmem:s1+$0x1C720]  }
0x449: {  	v4 =	vld [tilespmem:s1+$0x1C730]  }
0x44a: {  	v5 =	vld [tilespmem:s1+$0x1C740]  }
0x44b: {  	v6 =	vld [tilespmem:s1+$0x1C750]  }
0x44c: {  	v7 =	vld [tilespmem:s1+$0x1C760]  }
0x44d: {  	v0 =	vld.idx.msk [tilespmem:v0+s5+$0x0], $0xffff  }
0x44e: {  	v1 =	vld.idx.msk [tilespmem:v1+s5+$0x0], $0xffff  }
0x44f: {  	v2 =	vld.idx.msk [tilespmem:v2+s5+$0x0], $0xffff  }
0x450: {  	v3 =	vld.idx.msk [tilespmem:v3+s5+$0x0], $0xffff  }
0x451: {  	v4 =	vld.idx.msk [tilespmem:v4+s5+$0x0], $0xffff  }
0x452: {  	v5 =	vld.idx.msk [tilespmem:v5+s5+$0x0], $0xffff  }
0x453: {  	v6 =	vld.idx.msk [tilespmem:v6+s5+$0x0], $0xffff  }
0x454: {  	[tilespmem:s1+$0x18770] =	vst.add.f32.msk $0xffff, v0  }
0x455: {  	v0 =	vld.idx.msk [tilespmem:v7+s5+$0x0], $0xffff  }
0x456: {  	[tilespmem:s1+$0x18700] =	vst.add.f32.msk $0xffff, v1  }
0x457: {  	[tilespmem:s1+$0x18710] =	vst.add.f32.msk $0xffff, v2  }
0x458: {  	[tilespmem:s1+$0x18720] =	vst.add.f32.msk $0xffff, v3  }
0x459: {  	[tilespmem:s1+$0x18730] =	vst.add.f32.msk $0xffff, v4  }
0x45a: {  	[tilespmem:s1+$0x18740] =	vst.add.f32.msk $0xffff, v5  }
0x45b: {  	s4 =	simm.s32 $0x0;
	s15 =	simm.s32 $0x200;
	[tilespmem:s1+$0x18750] =	vst.add.f32.msk $0xffff, v6  }
.LBB2_37:
0x45c: {  	s4 =	sadd.s32 $0x80, s4;
	[tilespmem:s1+$0x18760] =	vst.add.f32.msk $0xffff, v0;
	s1 =	sshra.s32 s15, $0x2  }
0x45d: {  	v0 =	vld [tilespmem:s1+$0x1C770];
	p0 =	slt.u32 s4, $0xF80  }
0x45e: {  	v1 =	vld [tilespmem:s1+$0x1C700]  }
0x45f: {  	v2 =	vld [tilespmem:s1+$0x1C710]  }
0x460: {  	v3 =	vld [tilespmem:s1+$0x1C720]  }
0x461: {  	v4 =	vld [tilespmem:s1+$0x1C730]  }
0x462: {  	v5 =	vld [tilespmem:s1+$0x1C740]  }
0x463: {  	v6 =	vld [tilespmem:s1+$0x1C750]  }
0x464: {  	v7 =	vld [tilespmem:s1+$0x1C760]  }
0x465: {  	v0 =	vld.idx.msk [tilespmem:v0+s5+$0x0], $0xffff  }
0x466: {  	v1 =	vld.idx.msk [tilespmem:v1+s5+$0x0], $0xffff  }
0x467: {  	v2 =	vld.idx.msk [tilespmem:v2+s5+$0x0], $0xffff  }
0x468: {  	v3 =	vld.idx.msk [tilespmem:v3+s5+$0x0], $0xffff  }
0x469: {  	v4 =	vld.idx.msk [tilespmem:v4+s5+$0x0], $0xffff  }
0x46a: {  	v5 =	vld.idx.msk [tilespmem:v5+s5+$0x0], $0xffff  }
0x46b: {  	[tilespmem:s1+$0x18770] =	vst.add.f32.msk $0xffff, v0  }
0x46c: {  	v6 =	vld.idx.msk [tilespmem:v6+s5+$0x0], $0xffff  }
0x46d: {  	v0 =	vld.idx.msk [tilespmem:v7+s5+$0x0], $0xffff  }
0x46e: {  	[tilespmem:s1+$0x18700] =	vst.add.f32.msk $0xffff, v1  }
.Ltmp17:
0x46f: {  	[tilespmem:s1+$0x18710] =	vst.add.f32.msk $0xffff, v2;
	(pc) =	sbr.rel @p0 .LBB2_37-.Ltmp17, $4  }
0x470: {  	[tilespmem:s1+$0x18720] =	vst.add.f32.msk $0xffff, v3  }
0x471: {  	[tilespmem:s1+$0x18730] =	vst.add.f32.msk $0xffff, v4  }
0x472: {  	[tilespmem:s1+$0x18740] =	vst.add.f32.msk $0xffff, v5  }
0x473: {  	s15 =	sadd.s32 $0x200, s15;
	[tilespmem:s1+$0x18750] =	vst.add.f32.msk $0xffff, v6  }
0x474: {  	s30 =	sshll.u32 s29, $0x2  }
0x475: {  	s4 =	sshll.u32 s29, $0xB;
	s15 =	sor.u32 $0x2, s30  }
0x476: {  	s4 =	sand.u32 $0x1F000, s4;
	s18 =	sshll.u32 s15, $0x4  }
0x477: {  	s26 =	sshll.u32 s29, $0x11;
	s4 =	sadd.s32 s2, s4;
	s18 =	sand.u32 $0x60, s18  }
0x478: {  	[tilespmem:s1+$0x18760] =	vst.add.f32.msk $0xffff, v0;
	s1 =	sor.u32 s20, s26;
	s18 =	sadd.s32 s18, s4  }
0x479: {  	[tilespmem:s6], [sflag:$0x1] =	stream.strided.gather [hbm4b:s18+s31], $0x1000, s0, s31, $0x38;
	[tilespmem:$0x1E700] =	vst v63  }
0x47a: {  	s26 =	sadd.s32 s3, s1  }
0x47b: {  	[hbm4b:s26+s31] =	stream.strided.scatter [tilespmem:s8], [sflag:$0x7], $0x1000, s0, s31, $0x38;
	[tilespmem:$0x1E700] =	vst v63  }
0x47c: {  	_ =	swait.ge [sflag:s24], $0x1000  }
0x47d: {  	[sflag:s24] =	ssyncset.done $0x0  }
0x47e: {  	s15 =	sshll.u32 s15, $0xF;
	[sflag:s24] =	ssyncadd.s32 $0xFFFFF000  }
0x47f: {  	s26 =	sor.u32 s20, s15;
	s18 =	rddreg [dreg:$0x0]  }
0x480: {  	s15 =	sadd.s32 s18, s26  }
0x481: {  	[tilespmem:s12], [sflag:$0x5] =	stream.strided.gather [hbm4b:s15+s31], $0x1000, s0, s31, $0x38;
	[tilespmem:$0x1E700] =	vst v63  }
0x482: {  	_ =	swait.ge [sflag:s13], $0x1000  }
0x483: {  	[sflag:s13] =	ssyncset.done $0x0  }
0x484: {  	[sflag:s13] =	ssyncadd.s32 $0xFFFFF000  }
0x485: {  	_ =	swait.ge [sflag:s14], $0x1000  }
0x486: {  	[sflag:s14] =	ssyncset.done $0x0  }
0x487: {  	s15 =	simm.s32 $0x0;
	[sflag:s14] =	ssyncadd.s32 $0xFFFFF000  }
0x488: {  	v0 =	vld [tilespmem:s15+$0x1D770]  }
0x489: {  	v1 =	vld [tilespmem:s15+$0x1D700]  }
0x48a: {  	v2 =	vld [tilespmem:s15+$0x1D710]  }
0x48b: {  	v3 =	vld [tilespmem:s15+$0x1D720]  }
0x48c: {  	v4 =	vld [tilespmem:s15+$0x1D730]  }
0x48d: {  	v5 =	vld [tilespmem:s15+$0x1D740]  }
0x48e: {  	v6 =	vld [tilespmem:s15+$0x1D750]  }
0x48f: {  	v7 =	vld [tilespmem:s15+$0x1D760]  }
0x490: {  	v0 =	vld.idx.msk [tilespmem:v0+s5+$0x0], $0xffff  }
0x491: {  	v1 =	vld.idx.msk [tilespmem:v1+s5+$0x0], $0xffff  }
0x492: {  	v2 =	vld.idx.msk [tilespmem:v2+s5+$0x0], $0xffff  }
0x493: {  	v3 =	vld.idx.msk [tilespmem:v3+s5+$0x0], $0xffff  }
0x494: {  	v4 =	vld.idx.msk [tilespmem:v4+s5+$0x0], $0xffff  }
0x495: {  	v5 =	vld.idx.msk [tilespmem:v5+s5+$0x0], $0xffff  }
0x496: {  	v6 =	vld.idx.msk [tilespmem:v6+s5+$0x0], $0xffff  }
0x497: {  	[tilespmem:s15+$0x19770] =	vst.add.f32.msk $0xffff, v0  }
0x498: {  	v0 =	vld.idx.msk [tilespmem:v7+s5+$0x0], $0xffff  }
0x499: {  	[tilespmem:s15+$0x19700] =	vst.add.f32.msk $0xffff, v1  }
0x49a: {  	[tilespmem:s15+$0x19710] =	vst.add.f32.msk $0xffff, v2  }
0x49b: {  	[tilespmem:s15+$0x19720] =	vst.add.f32.msk $0xffff, v3  }
0x49c: {  	[tilespmem:s15+$0x19730] =	vst.add.f32.msk $0xffff, v4  }
0x49d: {  	[tilespmem:s15+$0x19740] =	vst.add.f32.msk $0xffff, v5  }
0x49e: {  	s28 =	simm.s32 $0x200;
	s18 =	simm.s32 $0x0;
	[tilespmem:s15+$0x19750] =	vst.add.f32.msk $0xffff, v6  }
.LBB2_39:
0x49f: {  	s18 =	sadd.s32 $0x80, s18;
	[tilespmem:s15+$0x19760] =	vst.add.f32.msk $0xffff, v0;
	s15 =	sshra.s32 s28, $0x2  }
0x4a0: {  	v0 =	vld [tilespmem:s15+$0x1D770];
	p0 =	slt.u32 s18, $0xF80  }
0x4a1: {  	v1 =	vld [tilespmem:s15+$0x1D700]  }
0x4a2: {  	v2 =	vld [tilespmem:s15+$0x1D710]  }
0x4a3: {  	v3 =	vld [tilespmem:s15+$0x1D720]  }
0x4a4: {  	v4 =	vld [tilespmem:s15+$0x1D730]  }
0x4a5: {  	v5 =	vld [tilespmem:s15+$0x1D740]  }
0x4a6: {  	v6 =	vld [tilespmem:s15+$0x1D750]  }
0x4a7: {  	v7 =	vld [tilespmem:s15+$0x1D760]  }
0x4a8: {  	v0 =	vld.idx.msk [tilespmem:v0+s5+$0x0], $0xffff  }
0x4a9: {  	v1 =	vld.idx.msk [tilespmem:v1+s5+$0x0], $0xffff  }
0x4aa: {  	v2 =	vld.idx.msk [tilespmem:v2+s5+$0x0], $0xffff  }
0x4ab: {  	v3 =	vld.idx.msk [tilespmem:v3+s5+$0x0], $0xffff  }
0x4ac: {  	v4 =	vld.idx.msk [tilespmem:v4+s5+$0x0], $0xffff  }
0x4ad: {  	v5 =	vld.idx.msk [tilespmem:v5+s5+$0x0], $0xffff  }
0x4ae: {  	[tilespmem:s15+$0x19770] =	vst.add.f32.msk $0xffff, v0  }
0x4af: {  	v6 =	vld.idx.msk [tilespmem:v6+s5+$0x0], $0xffff  }
0x4b0: {  	v0 =	vld.idx.msk [tilespmem:v7+s5+$0x0], $0xffff  }
0x4b1: {  	[tilespmem:s15+$0x19700] =	vst.add.f32.msk $0xffff, v1  }
.Ltmp18:
0x4b2: {  	[tilespmem:s15+$0x19710] =	vst.add.f32.msk $0xffff, v2;
	(pc) =	sbr.rel @p0 .LBB2_39-.Ltmp18, $4  }
0x4b3: {  	[tilespmem:s15+$0x19720] =	vst.add.f32.msk $0xffff, v3  }
0x4b4: {  	[tilespmem:s15+$0x19730] =	vst.add.f32.msk $0xffff, v4  }
0x4b5: {  	[tilespmem:s15+$0x19740] =	vst.add.f32.msk $0xffff, v5  }
0x4b6: {  	s28 =	sadd.s32 $0x200, s28;
	[tilespmem:s15+$0x19750] =	vst.add.f32.msk $0xffff, v6  }
0x4b7: {  	s18 =	sor.u32 $0x3, s30  }
0x4b8: {  	[tilespmem:s15+$0x19760] =	vst.add.f32.msk $0xffff, v0;
	s28 =	sshll.u32 s18, $0x4  }
0x4b9: {  	s15 =	sld [smem:$0x7FB];
	s28 =	sand.u32 $0x70, s28  }
0x4ba: {  	s4 =	sadd.s32 s28, s4  }
0x4bb: {  	[tilespmem:s7], [sflag:$0x2] =	stream.strided.gather [hbm4b:s4+s31], $0x1000, s0, s31, $0x38;
	[tilespmem:$0x1E700] =	vst v63  }
0x4bc: {  	s1 =	sadd.s32 s1, s15  }
0x4bd: {  	[hbm4b:s1+s31] =	stream.strided.scatter [tilespmem:s9], [sflag:$0x8], $0x1000, s0, s31, $0x38;
	[tilespmem:$0x1E700] =	vst v63  }
0x4be: {  	_ =	swait.ge [sflag:s25], $0x1000  }
0x4bf: {  	[sflag:s25] =	ssyncset.done $0x0  }
0x4c0: {  	s18 =	sshll.u32 s18, $0xF;
	[sflag:s25] =	ssyncadd.s32 $0xFFFFF000  }
0x4c1: {  	s4 =	sor.u32 s20, s18;
	s28 =	rddreg [dreg:$0x0]  }
0x4c2: {  	s1 =	sadd.s32 s28, s4  }
0x4c3: {  	[tilespmem:s16], [sflag:$0x6] =	stream.strided.gather [hbm4b:s1+s31], $0x1000, s0, s31, $0x38;
	[tilespmem:$0x1E700] =	vst v63  }
0x4c4: {  	_ =	swait.ge [sflag:s10], $0x1000  }
0x4c5: {  	[sflag:s10] =	ssyncset.done $0x0  }
0x4c6: {  	[sflag:s10] =	ssyncadd.s32 $0xFFFFF000  }
0x4c7: {  	_ =	swait.ge [sflag:s17], $0x1000  }
0x4c8: {  	[sflag:s17] =	ssyncset.done $0x0  }
0x4c9: {  	s1 =	simm.s32 $0x0;
	[sflag:s17] =	ssyncadd.s32 $0xFFFFF000  }
0x4ca: {  	v0 =	vld [tilespmem:s1+$0x1C770]  }
0x4cb: {  	v1 =	vld [tilespmem:s1+$0x1C700]  }
0x4cc: {  	v2 =	vld [tilespmem:s1+$0x1C710]  }
0x4cd: {  	v3 =	vld [tilespmem:s1+$0x1C720]  }
0x4ce: {  	v4 =	vld [tilespmem:s1+$0x1C730]  }
0x4cf: {  	v5 =	vld [tilespmem:s1+$0x1C740]  }
0x4d0: {  	v6 =	vld [tilespmem:s1+$0x1C750]  }
0x4d1: {  	v7 =	vld [tilespmem:s1+$0x1C760]  }
0x4d2: {  	v0 =	vld.idx.msk [tilespmem:v0+s5+$0x0], $0xffff  }
0x4d3: {  	v1 =	vld.idx.msk [tilespmem:v1+s5+$0x0], $0xffff  }
0x4d4: {  	v2 =	vld.idx.msk [tilespmem:v2+s5+$0x0], $0xffff  }
0x4d5: {  	v3 =	vld.idx.msk [tilespmem:v3+s5+$0x0], $0xffff  }
0x4d6: {  	v4 =	vld.idx.msk [tilespmem:v4+s5+$0x0], $0xffff  }
0x4d7: {  	v5 =	vld.idx.msk [tilespmem:v5+s5+$0x0], $0xffff  }
0x4d8: {  	v6 =	vld.idx.msk [tilespmem:v6+s5+$0x0], $0xffff  }
0x4d9: {  	[tilespmem:s1+$0x1A770] =	vst.add.f32.msk $0xffff, v0  }
0x4da: {  	v0 =	vld.idx.msk [tilespmem:v7+s5+$0x0], $0xffff  }
0x4db: {  	[tilespmem:s1+$0x1A700] =	vst.add.f32.msk $0xffff, v1  }
0x4dc: {  	[tilespmem:s1+$0x1A710] =	vst.add.f32.msk $0xffff, v2  }
0x4dd: {  	[tilespmem:s1+$0x1A720] =	vst.add.f32.msk $0xffff, v3  }
0x4de: {  	[tilespmem:s1+$0x1A730] =	vst.add.f32.msk $0xffff, v4  }
0x4df: {  	[tilespmem:s1+$0x1A740] =	vst.add.f32.msk $0xffff, v5  }
0x4e0: {  	s15 =	simm.s32 $0x0;
	s18 =	simm.s32 $0x200;
	[tilespmem:s1+$0x1A750] =	vst.add.f32.msk $0xffff, v6  }
.LBB2_41:
0x4e1: {  	s15 =	sadd.s32 $0x80, s15;
	[tilespmem:s1+$0x1A760] =	vst.add.f32.msk $0xffff, v0;
	s1 =	sshra.s32 s18, $0x2  }
0x4e2: {  	v0 =	vld [tilespmem:s1+$0x1C770];
	p0 =	slt.u32 s15, $0xF80  }
0x4e3: {  	v1 =	vld [tilespmem:s1+$0x1C700]  }
0x4e4: {  	v2 =	vld [tilespmem:s1+$0x1C710]  }
0x4e5: {  	v3 =	vld [tilespmem:s1+$0x1C720]  }
0x4e6: {  	v4 =	vld [tilespmem:s1+$0x1C730]  }
0x4e7: {  	v5 =	vld [tilespmem:s1+$0x1C740]  }
0x4e8: {  	v6 =	vld [tilespmem:s1+$0x1C750]  }
0x4e9: {  	v7 =	vld [tilespmem:s1+$0x1C760]  }
0x4ea: {  	v0 =	vld.idx.msk [tilespmem:v0+s5+$0x0], $0xffff  }
0x4eb: {  	v1 =	vld.idx.msk [tilespmem:v1+s5+$0x0], $0xffff  }
0x4ec: {  	v2 =	vld.idx.msk [tilespmem:v2+s5+$0x0], $0xffff  }
0x4ed: {  	v3 =	vld.idx.msk [tilespmem:v3+s5+$0x0], $0xffff  }
0x4ee: {  	v4 =	vld.idx.msk [tilespmem:v4+s5+$0x0], $0xffff  }
0x4ef: {  	v5 =	vld.idx.msk [tilespmem:v5+s5+$0x0], $0xffff  }
0x4f0: {  	[tilespmem:s1+$0x1A770] =	vst.add.f32.msk $0xffff, v0  }
0x4f1: {  	v6 =	vld.idx.msk [tilespmem:v6+s5+$0x0], $0xffff  }
0x4f2: {  	v0 =	vld.idx.msk [tilespmem:v7+s5+$0x0], $0xffff  }
0x4f3: {  	[tilespmem:s1+$0x1A700] =	vst.add.f32.msk $0xffff, v1  }
.Ltmp19:
0x4f4: {  	[tilespmem:s1+$0x1A710] =	vst.add.f32.msk $0xffff, v2;
	(pc) =	sbr.rel @p0 .LBB2_41-.Ltmp19, $4  }
0x4f5: {  	[tilespmem:s1+$0x1A720] =	vst.add.f32.msk $0xffff, v3  }
0x4f6: {  	[tilespmem:s1+$0x1A730] =	vst.add.f32.msk $0xffff, v4  }
0x4f7: {  	[tilespmem:s1+$0x1A740] =	vst.add.f32.msk $0xffff, v5  }
0x4f8: {  	s18 =	sadd.s32 $0x200, s18;
	[tilespmem:s1+$0x1A750] =	vst.add.f32.msk $0xffff, v6  }
0x4f9: {  	s15 =	sadd.s32 $0x4, s30  }
0x4fa: {  	s18 =	sshll.u32 s15, $0x4  }
0x4fb: {  	s28 =	sshll.u32 s15, $0x9;
	s18 =	sand.u32 $0x40, s18  }
0x4fc: {  	s28 =	sand.u32 $0x3F000, s28;
	s18 =	sadd.s32 s2, s18  }
0x4fd: {  	[tilespmem:s1+$0x1A760] =	vst.add.f32.msk $0xffff, v0;
	s28 =	sadd.s32 s28, s18  }
0x4fe: {  	[tilespmem:s6], [sflag:$0x1] =	stream.strided.gather [hbm4b:s28+s31], $0x1000, s0, s31, $0x38;
	[tilespmem:$0x1E700] =	vst v63  }
0x4ff: {  	s18 =	sadd.s32 s3, s26  }
0x500: {  	[hbm4b:s18+s31] =	stream.strided.scatter [tilespmem:s12], [sflag:$0x9], $0x1000, s0, s31, $0x38;
	[tilespmem:$0x1E700] =	vst v63  }
0x501: {  	_ =	swait.ge [sflag:s21], $0x1000  }
0x502: {  	s26 =	sshll.u32 s15, $0xF;
	[sflag:s21] =	ssyncset.done $0x0;
	s28 =	rddreg [dreg:$0x11]  }
0x503: {  	[sflag:s21] =	ssyncadd.s32 $0xFFFFF000;
	s1 =	sadd.s32 s26, s28  }
0x504: {  	[tilespmem:s8], [sflag:$0x3] =	stream.strided.gather [hbm4b:s1+s31], $0x1000, s0, s31, $0x38;
	[tilespmem:$0x1E700] =	vst v63  }
0x505: {  	_ =	swait.ge [sflag:s13], $0x1000  }
0x506: {  	[sflag:s13] =	ssyncset.done $0x0  }
0x507: {  	[sflag:s13] =	ssyncadd.s32 $0xFFFFF000  }
0x508: {  	_ =	swait.ge [sflag:s22], $0x1000  }
0x509: {  	[sflag:s22] =	ssyncset.done $0x0  }
0x50a: {  	s1 =	simm.s32 $0x0;
	[sflag:s22] =	ssyncadd.s32 $0xFFFFF000  }
0x50b: {  	v0 =	vld [tilespmem:s1+$0x1D770]  }
0x50c: {  	v1 =	vld [tilespmem:s1+$0x1D700]  }
0x50d: {  	v2 =	vld [tilespmem:s1+$0x1D710]  }
0x50e: {  	v3 =	vld [tilespmem:s1+$0x1D720]  }
0x50f: {  	v4 =	vld [tilespmem:s1+$0x1D730]  }
0x510: {  	v5 =	vld [tilespmem:s1+$0x1D740]  }
0x511: {  	v6 =	vld [tilespmem:s1+$0x1D750]  }
0x512: {  	v7 =	vld [tilespmem:s1+$0x1D760]  }
0x513: {  	v0 =	vld.idx.msk [tilespmem:v0+s5+$0x0], $0xffff  }
0x514: {  	v1 =	vld.idx.msk [tilespmem:v1+s5+$0x0], $0xffff  }
0x515: {  	v2 =	vld.idx.msk [tilespmem:v2+s5+$0x0], $0xffff  }
0x516: {  	v3 =	vld.idx.msk [tilespmem:v3+s5+$0x0], $0xffff  }
0x517: {  	v4 =	vld.idx.msk [tilespmem:v4+s5+$0x0], $0xffff  }
0x518: {  	v5 =	vld.idx.msk [tilespmem:v5+s5+$0x0], $0xffff  }
0x519: {  	v6 =	vld.idx.msk [tilespmem:v6+s5+$0x0], $0xffff  }
0x51a: {  	[tilespmem:s1+$0x1B770] =	vst.add.f32.msk $0xffff, v0  }
0x51b: {  	v0 =	vld.idx.msk [tilespmem:v7+s5+$0x0], $0xffff  }
0x51c: {  	[tilespmem:s1+$0x1B700] =	vst.add.f32.msk $0xffff, v1  }
0x51d: {  	[tilespmem:s1+$0x1B710] =	vst.add.f32.msk $0xffff, v2  }
0x51e: {  	[tilespmem:s1+$0x1B720] =	vst.add.f32.msk $0xffff, v3  }
0x51f: {  	[tilespmem:s1+$0x1B730] =	vst.add.f32.msk $0xffff, v4  }
0x520: {  	[tilespmem:s1+$0x1B740] =	vst.add.f32.msk $0xffff, v5  }
0x521: {  	s15 =	simm.s32 $0x0;
	s18 =	simm.s32 $0x200;
	[tilespmem:s1+$0x1B750] =	vst.add.f32.msk $0xffff, v6  }
.LBB2_43:
0x522: {  	s15 =	sadd.s32 $0x80, s15;
	[tilespmem:s1+$0x1B760] =	vst.add.f32.msk $0xffff, v0;
	s1 =	sshra.s32 s18, $0x2  }
0x523: {  	v0 =	vld [tilespmem:s1+$0x1D770];
	p0 =	slt.u32 s15, $0xF80  }
0x524: {  	v1 =	vld [tilespmem:s1+$0x1D700]  }
0x525: {  	v2 =	vld [tilespmem:s1+$0x1D710]  }
0x526: {  	v3 =	vld [tilespmem:s1+$0x1D720]  }
0x527: {  	v4 =	vld [tilespmem:s1+$0x1D730]  }
0x528: {  	v5 =	vld [tilespmem:s1+$0x1D740]  }
0x529: {  	v6 =	vld [tilespmem:s1+$0x1D750]  }
0x52a: {  	v7 =	vld [tilespmem:s1+$0x1D760]  }
0x52b: {  	v0 =	vld.idx.msk [tilespmem:v0+s5+$0x0], $0xffff  }
0x52c: {  	v1 =	vld.idx.msk [tilespmem:v1+s5+$0x0], $0xffff  }
0x52d: {  	v2 =	vld.idx.msk [tilespmem:v2+s5+$0x0], $0xffff  }
0x52e: {  	v3 =	vld.idx.msk [tilespmem:v3+s5+$0x0], $0xffff  }
0x52f: {  	v4 =	vld.idx.msk [tilespmem:v4+s5+$0x0], $0xffff  }
0x530: {  	v5 =	vld.idx.msk [tilespmem:v5+s5+$0x0], $0xffff  }
0x531: {  	[tilespmem:s1+$0x1B770] =	vst.add.f32.msk $0xffff, v0  }
0x532: {  	v6 =	vld.idx.msk [tilespmem:v6+s5+$0x0], $0xffff  }
0x533: {  	v0 =	vld.idx.msk [tilespmem:v7+s5+$0x0], $0xffff  }
0x534: {  	[tilespmem:s1+$0x1B700] =	vst.add.f32.msk $0xffff, v1  }
.Ltmp20:
0x535: {  	[tilespmem:s1+$0x1B710] =	vst.add.f32.msk $0xffff, v2;
	(pc) =	sbr.rel @p0 .LBB2_43-.Ltmp20, $4  }
0x536: {  	[tilespmem:s1+$0x1B720] =	vst.add.f32.msk $0xffff, v3  }
0x537: {  	[tilespmem:s1+$0x1B730] =	vst.add.f32.msk $0xffff, v4  }
0x538: {  	[tilespmem:s1+$0x1B740] =	vst.add.f32.msk $0xffff, v5  }
0x539: {  	s18 =	sadd.s32 $0x200, s18;
	[tilespmem:s1+$0x1B750] =	vst.add.f32.msk $0xffff, v6  }
0x53a: {  	s15 =	sadd.s32 $0x5, s30  }
0x53b: {  	s18 =	sshll.u32 s15, $0x4  }
0x53c: {  	s26 =	sshll.u32 s15, $0x9;
	s18 =	sand.u32 $0x50, s18  }
0x53d: {  	s26 =	sand.u32 $0x3F000, s26;
	s18 =	sadd.s32 s2, s18  }
0x53e: {  	[tilespmem:s1+$0x1B760] =	vst.add.f32.msk $0xffff, v0;
	s29 =	sadd.s32 $0x1, s29;
	s18 =	sadd.s32 s26, s18  }
0x53f: {  	[tilespmem:s7], [sflag:$0x2] =	stream.strided.gather [hbm4b:s18+s31], $0x1000, s0, s31, $0x38;
	[tilespmem:$0x1E700] =	vst v63  }
0x540: {  	p0 =	sne.s32 s29, $0x31;
	s26 =	sadd.s32 s3, s4  }
0x541: {  	[hbm4b:s26+s31] =	stream.strided.scatter [tilespmem:s16], [sflag:$0xA], $0x1000, s0, s31, $0x38;
	[tilespmem:$0x1E700] =	vst v63  }
.Ltmp21:
0x542: {  	_ = 	snop;
	(pc) =	sbr.rel @p0 .LBB2_36-.Ltmp21, $4  }
0x543: {  	_ =	swait.ge [sflag:s23], $0x1000  }
0x544: {  	s28 =	sshll.u32 s15, $0xF;
	[sflag:s23] =	ssyncset.done $0x0;
	s30 =	rddreg [dreg:$0x11]  }
0x545: {  	[sflag:s23] =	ssyncadd.s32 $0xFFFFF000;
	s1 =	sadd.s32 s28, s30  }
0x546: {  	[tilespmem:s9], [sflag:$0x4] =	stream.strided.gather [hbm4b:s1+s31], $0x1000, s0, s31, $0x38;
	[tilespmem:$0x1E700] =	vst v63  }
0x547: {  	_ =	swait.ge [sflag:s10], $0x1000  }
0x548: {  	[sflag:s10] =	ssyncset.done $0x0  }
0x549: {  	[sflag:s10] =	ssyncadd.s32 $0xFFFFF000  }
0x54a: {  	_ =	swait.ge [sflag:s11], $0x1000  }
0x54b: {  	[sflag:s11] =	ssyncset.done $0x0  }
0x54c: {  	s1 =	simm.s32 $0x0;
	[sflag:s11] =	ssyncadd.s32 $0xFFFFF000  }
0x54d: {  	v0 =	vld [tilespmem:s1+$0x1C770]  }
0x54e: {  	v1 =	vld [tilespmem:s1+$0x1C700]  }
0x54f: {  	v2 =	vld [tilespmem:s1+$0x1C710]  }
0x550: {  	v3 =	vld [tilespmem:s1+$0x1C720]  }
0x551: {  	v4 =	vld [tilespmem:s1+$0x1C730]  }
0x552: {  	v5 =	vld [tilespmem:s1+$0x1C740]  }
0x553: {  	v6 =	vld [tilespmem:s1+$0x1C750]  }
0x554: {  	v7 =	vld [tilespmem:s1+$0x1C760]  }
0x555: {  	v0 =	vld.idx.msk [tilespmem:v0+s5+$0x0], $0xffff  }
0x556: {  	v1 =	vld.idx.msk [tilespmem:v1+s5+$0x0], $0xffff  }
0x557: {  	v2 =	vld.idx.msk [tilespmem:v2+s5+$0x0], $0xffff  }
0x558: {  	v3 =	vld.idx.msk [tilespmem:v3+s5+$0x0], $0xffff  }
0x559: {  	v4 =	vld.idx.msk [tilespmem:v4+s5+$0x0], $0xffff  }
0x55a: {  	v5 =	vld.idx.msk [tilespmem:v5+s5+$0x0], $0xffff  }
0x55b: {  	v6 =	vld.idx.msk [tilespmem:v6+s5+$0x0], $0xffff  }
0x55c: {  	[tilespmem:s1+$0x18770] =	vst.add.f32.msk $0xffff, v0  }
0x55d: {  	v0 =	vld.idx.msk [tilespmem:v7+s5+$0x0], $0xffff  }
0x55e: {  	[tilespmem:s1+$0x18700] =	vst.add.f32.msk $0xffff, v1  }
0x55f: {  	[tilespmem:s1+$0x18710] =	vst.add.f32.msk $0xffff, v2  }
0x560: {  	[tilespmem:s1+$0x18720] =	vst.add.f32.msk $0xffff, v3  }
0x561: {  	[tilespmem:s1+$0x18730] =	vst.add.f32.msk $0xffff, v4  }
0x562: {  	[tilespmem:s1+$0x18740] =	vst.add.f32.msk $0xffff, v5  }
0x563: {  	s4 =	simm.s32 $0x0;
	s15 =	simm.s32 $0x200;
	[tilespmem:s1+$0x18750] =	vst.add.f32.msk $0xffff, v6  }
.LBB2_46:
0x564: {  	s4 =	sadd.s32 $0x80, s4;
	[tilespmem:s1+$0x18760] =	vst.add.f32.msk $0xffff, v0;
	s1 =	sshra.s32 s15, $0x2  }
0x565: {  	v0 =	vld [tilespmem:s1+$0x1C770];
	p0 =	slt.u32 s4, $0xF80  }
0x566: {  	v1 =	vld [tilespmem:s1+$0x1C700]  }
0x567: {  	v2 =	vld [tilespmem:s1+$0x1C710]  }
0x568: {  	v3 =	vld [tilespmem:s1+$0x1C720]  }
0x569: {  	v4 =	vld [tilespmem:s1+$0x1C730]  }
0x56a: {  	v5 =	vld [tilespmem:s1+$0x1C740]  }
0x56b: {  	v6 =	vld [tilespmem:s1+$0x1C750]  }
0x56c: {  	v7 =	vld [tilespmem:s1+$0x1C760]  }
0x56d: {  	v0 =	vld.idx.msk [tilespmem:v0+s5+$0x0], $0xffff  }
0x56e: {  	v1 =	vld.idx.msk [tilespmem:v1+s5+$0x0], $0xffff  }
0x56f: {  	v2 =	vld.idx.msk [tilespmem:v2+s5+$0x0], $0xffff  }
0x570: {  	v3 =	vld.idx.msk [tilespmem:v3+s5+$0x0], $0xffff  }
0x571: {  	v4 =	vld.idx.msk [tilespmem:v4+s5+$0x0], $0xffff  }
0x572: {  	v5 =	vld.idx.msk [tilespmem:v5+s5+$0x0], $0xffff  }
0x573: {  	[tilespmem:s1+$0x18770] =	vst.add.f32.msk $0xffff, v0  }
0x574: {  	v6 =	vld.idx.msk [tilespmem:v6+s5+$0x0], $0xffff  }
0x575: {  	v0 =	vld.idx.msk [tilespmem:v7+s5+$0x0], $0xffff  }
0x576: {  	[tilespmem:s1+$0x18700] =	vst.add.f32.msk $0xffff, v1  }
.Ltmp22:
0x577: {  	[tilespmem:s1+$0x18710] =	vst.add.f32.msk $0xffff, v2;
	(pc) =	sbr.rel @p0 .LBB2_46-.Ltmp22, $4  }
0x578: {  	[tilespmem:s1+$0x18720] =	vst.add.f32.msk $0xffff, v3  }
0x579: {  	[tilespmem:s1+$0x18730] =	vst.add.f32.msk $0xffff, v4  }
0x57a: {  	[tilespmem:s1+$0x18740] =	vst.add.f32.msk $0xffff, v5  }
0x57b: {  	s15 =	sadd.s32 $0x200, s15;
	[tilespmem:s1+$0x18750] =	vst.add.f32.msk $0xffff, v6  }
0x57c: {  	[tilespmem:s1+$0x18760] =	vst.add.f32.msk $0xffff, v0  }
0x57d: {  	s1 =	sld [smem:$0x7FC];
	_ =	sdelay $0x1  }
0x57e: {  	s29 =	sld [smem:$0x7EF]  }
0x57f: {  	[tilespmem:s6], [sflag:$0x1] =	stream.strided.gather [hbm4b:s1+s31], $0x1000, s0, s31, $0x38;
	[tilespmem:$0x1E700] =	vst v63  }
0x580: {  	_ = 	snop  }
0x581: {  	[hbm4b:s29+s31] =	stream.strided.scatter [tilespmem:s8], [sflag:$0x7], $0x1000, s0, s31, $0x38;
	[tilespmem:$0x1E700] =	vst v63  }
0x582: {  	_ =	swait.ge [sflag:s24], $0x1000  }
0x583: {  	s30 =	sld [smem:$0x7F1]  }
0x584: {  	[sflag:s24] =	ssyncset.done $0x0  }
0x585: {  	[sflag:s24] =	ssyncadd.s32 $0xFFFFF000  }
0x586: {  	[tilespmem:s12], [sflag:$0x5] =	stream.strided.gather [hbm4b:s30+s31], $0x1000, s0, s31, $0x38;
	[tilespmem:$0x1E700] =	vst v63  }
0x587: {  	_ =	swait.ge [sflag:s13], $0x1000  }
0x588: {  	[sflag:s13] =	ssyncset.done $0x0  }
0x589: {  	[sflag:s13] =	ssyncadd.s32 $0xFFFFF000  }
0x58a: {  	_ =	swait.ge [sflag:s14], $0x1000  }
0x58b: {  	[sflag:s14] =	ssyncset.done $0x0  }
0x58c: {  	s1 =	simm.s32 $0x0;
	[sflag:s14] =	ssyncadd.s32 $0xFFFFF000  }
0x58d: {  	v0 =	vld [tilespmem:s1+$0x1D770]  }
0x58e: {  	v1 =	vld [tilespmem:s1+$0x1D700]  }
0x58f: {  	v2 =	vld [tilespmem:s1+$0x1D710]  }
0x590: {  	v3 =	vld [tilespmem:s1+$0x1D720]  }
0x591: {  	v4 =	vld [tilespmem:s1+$0x1D730]  }
0x592: {  	v5 =	vld [tilespmem:s1+$0x1D740]  }
0x593: {  	v6 =	vld [tilespmem:s1+$0x1D750]  }
0x594: {  	v7 =	vld [tilespmem:s1+$0x1D760]  }
0x595: {  	v0 =	vld.idx.msk [tilespmem:v0+s5+$0x0], $0xffff  }
0x596: {  	v1 =	vld.idx.msk [tilespmem:v1+s5+$0x0], $0xffff  }
0x597: {  	v2 =	vld.idx.msk [tilespmem:v2+s5+$0x0], $0xffff  }
0x598: {  	v3 =	vld.idx.msk [tilespmem:v3+s5+$0x0], $0xffff  }
0x599: {  	v4 =	vld.idx.msk [tilespmem:v4+s5+$0x0], $0xffff  }
0x59a: {  	v5 =	vld.idx.msk [tilespmem:v5+s5+$0x0], $0xffff  }
0x59b: {  	v6 =	vld.idx.msk [tilespmem:v6+s5+$0x0], $0xffff  }
0x59c: {  	[tilespmem:s1+$0x19770] =	vst.add.f32.msk $0xffff, v0  }
0x59d: {  	v0 =	vld.idx.msk [tilespmem:v7+s5+$0x0], $0xffff  }
0x59e: {  	[tilespmem:s1+$0x19700] =	vst.add.f32.msk $0xffff, v1  }
0x59f: {  	[tilespmem:s1+$0x19710] =	vst.add.f32.msk $0xffff, v2  }
0x5a0: {  	[tilespmem:s1+$0x19720] =	vst.add.f32.msk $0xffff, v3  }
0x5a1: {  	[tilespmem:s1+$0x19730] =	vst.add.f32.msk $0xffff, v4  }
0x5a2: {  	[tilespmem:s1+$0x19740] =	vst.add.f32.msk $0xffff, v5  }
0x5a3: {  	s4 =	simm.s32 $0x0;
	s15 =	simm.s32 $0x200;
	[tilespmem:s1+$0x19750] =	vst.add.f32.msk $0xffff, v6  }
.LBB2_48:
0x5a4: {  	s4 =	sadd.s32 $0x80, s4;
	[tilespmem:s1+$0x19760] =	vst.add.f32.msk $0xffff, v0;
	s1 =	sshra.s32 s15, $0x2  }
0x5a5: {  	v0 =	vld [tilespmem:s1+$0x1D770];
	p0 =	slt.u32 s4, $0xF80  }
0x5a6: {  	v1 =	vld [tilespmem:s1+$0x1D700]  }
0x5a7: {  	v2 =	vld [tilespmem:s1+$0x1D710]  }
0x5a8: {  	v3 =	vld [tilespmem:s1+$0x1D720]  }
0x5a9: {  	v4 =	vld [tilespmem:s1+$0x1D730]  }
0x5aa: {  	v5 =	vld [tilespmem:s1+$0x1D740]  }
0x5ab: {  	v6 =	vld [tilespmem:s1+$0x1D750]  }
0x5ac: {  	v7 =	vld [tilespmem:s1+$0x1D760]  }
0x5ad: {  	v0 =	vld.idx.msk [tilespmem:v0+s5+$0x0], $0xffff  }
0x5ae: {  	v1 =	vld.idx.msk [tilespmem:v1+s5+$0x0], $0xffff  }
0x5af: {  	v2 =	vld.idx.msk [tilespmem:v2+s5+$0x0], $0xffff  }
0x5b0: {  	v3 =	vld.idx.msk [tilespmem:v3+s5+$0x0], $0xffff  }
0x5b1: {  	v4 =	vld.idx.msk [tilespmem:v4+s5+$0x0], $0xffff  }
0x5b2: {  	v5 =	vld.idx.msk [tilespmem:v5+s5+$0x0], $0xffff  }
0x5b3: {  	[tilespmem:s1+$0x19770] =	vst.add.f32.msk $0xffff, v0  }
0x5b4: {  	v6 =	vld.idx.msk [tilespmem:v6+s5+$0x0], $0xffff  }
0x5b5: {  	v0 =	vld.idx.msk [tilespmem:v7+s5+$0x0], $0xffff  }
0x5b6: {  	[tilespmem:s1+$0x19700] =	vst.add.f32.msk $0xffff, v1  }
.Ltmp23:
0x5b7: {  	[tilespmem:s1+$0x19710] =	vst.add.f32.msk $0xffff, v2;
	(pc) =	sbr.rel @p0 .LBB2_48-.Ltmp23, $4  }
0x5b8: {  	[tilespmem:s1+$0x19720] =	vst.add.f32.msk $0xffff, v3  }
0x5b9: {  	[tilespmem:s1+$0x19730] =	vst.add.f32.msk $0xffff, v4  }
0x5ba: {  	[tilespmem:s1+$0x19740] =	vst.add.f32.msk $0xffff, v5  }
0x5bb: {  	s15 =	sadd.s32 $0x200, s15;
	[tilespmem:s1+$0x19750] =	vst.add.f32.msk $0xffff, v6  }
0x5bc: {  	[tilespmem:s1+$0x19760] =	vst.add.f32.msk $0xffff, v0  }
0x5bd: {  	s1 =	sld [smem:$0x7FD];
	_ =	sdelay $0x1  }
0x5be: {  	s29 =	sld [smem:$0x7F0]  }
0x5bf: {  	[tilespmem:s7], [sflag:$0x2] =	stream.strided.gather [hbm4b:s1+s31], $0x1000, s0, s31, $0x38;
	[tilespmem:$0x1E700] =	vst v63  }
0x5c0: {  	_ = 	snop  }
0x5c1: {  	[hbm4b:s29+s31] =	stream.strided.scatter [tilespmem:s9], [sflag:$0x8], $0x1000, s0, s31, $0x38;
	[tilespmem:$0x1E700] =	vst v63  }
0x5c2: {  	_ =	swait.ge [sflag:s25], $0x1000  }
0x5c3: {  	s30 =	sld [smem:$0x7F3]  }
0x5c4: {  	[sflag:s25] =	ssyncset.done $0x0  }
0x5c5: {  	[sflag:s25] =	ssyncadd.s32 $0xFFFFF000  }
0x5c6: {  	[tilespmem:s16], [sflag:$0x6] =	stream.strided.gather [hbm4b:s30+s31], $0x1000, s0, s31, $0x38;
	[tilespmem:$0x1E700] =	vst v63  }
0x5c7: {  	_ =	swait.ge [sflag:s10], $0x1000  }
0x5c8: {  	[sflag:s10] =	ssyncset.done $0x0  }
0x5c9: {  	[sflag:s10] =	ssyncadd.s32 $0xFFFFF000  }
0x5ca: {  	_ =	swait.ge [sflag:s17], $0x1000  }
0x5cb: {  	[sflag:s17] =	ssyncset.done $0x0  }
0x5cc: {  	s1 =	simm.s32 $0x0;
	[sflag:s17] =	ssyncadd.s32 $0xFFFFF000  }
0x5cd: {  	v0 =	vld [tilespmem:s1+$0x1C770]  }
0x5ce: {  	v1 =	vld [tilespmem:s1+$0x1C700]  }
0x5cf: {  	v2 =	vld [tilespmem:s1+$0x1C710]  }
0x5d0: {  	v3 =	vld [tilespmem:s1+$0x1C720]  }
0x5d1: {  	v4 =	vld [tilespmem:s1+$0x1C730]  }
0x5d2: {  	v5 =	vld [tilespmem:s1+$0x1C740]  }
0x5d3: {  	v6 =	vld [tilespmem:s1+$0x1C750]  }
0x5d4: {  	v7 =	vld [tilespmem:s1+$0x1C760]  }
0x5d5: {  	v0 =	vld.idx.msk [tilespmem:v0+s5+$0x0], $0xffff  }
0x5d6: {  	v1 =	vld.idx.msk [tilespmem:v1+s5+$0x0], $0xffff  }
0x5d7: {  	v2 =	vld.idx.msk [tilespmem:v2+s5+$0x0], $0xffff  }
0x5d8: {  	v3 =	vld.idx.msk [tilespmem:v3+s5+$0x0], $0xffff  }
0x5d9: {  	v4 =	vld.idx.msk [tilespmem:v4+s5+$0x0], $0xffff  }
0x5da: {  	v5 =	vld.idx.msk [tilespmem:v5+s5+$0x0], $0xffff  }
0x5db: {  	v6 =	vld.idx.msk [tilespmem:v6+s5+$0x0], $0xffff  }
0x5dc: {  	[tilespmem:s1+$0x1A770] =	vst.add.f32.msk $0xffff, v0  }
0x5dd: {  	v0 =	vld.idx.msk [tilespmem:v7+s5+$0x0], $0xffff  }
0x5de: {  	[tilespmem:s1+$0x1A700] =	vst.add.f32.msk $0xffff, v1  }
0x5df: {  	[tilespmem:s1+$0x1A710] =	vst.add.f32.msk $0xffff, v2  }
0x5e0: {  	[tilespmem:s1+$0x1A720] =	vst.add.f32.msk $0xffff, v3  }
0x5e1: {  	[tilespmem:s1+$0x1A730] =	vst.add.f32.msk $0xffff, v4  }
0x5e2: {  	[tilespmem:s1+$0x1A740] =	vst.add.f32.msk $0xffff, v5  }
0x5e3: {  	s4 =	simm.s32 $0x0;
	s15 =	simm.s32 $0x200;
	[tilespmem:s1+$0x1A750] =	vst.add.f32.msk $0xffff, v6  }
.LBB2_50:
0x5e4: {  	s4 =	sadd.s32 $0x80, s4;
	[tilespmem:s1+$0x1A760] =	vst.add.f32.msk $0xffff, v0;
	s1 =	sshra.s32 s15, $0x2  }
0x5e5: {  	v0 =	vld [tilespmem:s1+$0x1C770];
	p0 =	slt.u32 s4, $0xF80  }
0x5e6: {  	v1 =	vld [tilespmem:s1+$0x1C700]  }
0x5e7: {  	v2 =	vld [tilespmem:s1+$0x1C710]  }
0x5e8: {  	v3 =	vld [tilespmem:s1+$0x1C720]  }
0x5e9: {  	v4 =	vld [tilespmem:s1+$0x1C730]  }
0x5ea: {  	v5 =	vld [tilespmem:s1+$0x1C740]  }
0x5eb: {  	v6 =	vld [tilespmem:s1+$0x1C750]  }
0x5ec: {  	v7 =	vld [tilespmem:s1+$0x1C760]  }
0x5ed: {  	v0 =	vld.idx.msk [tilespmem:v0+s5+$0x0], $0xffff  }
0x5ee: {  	v1 =	vld.idx.msk [tilespmem:v1+s5+$0x0], $0xffff  }
0x5ef: {  	v2 =	vld.idx.msk [tilespmem:v2+s5+$0x0], $0xffff  }
0x5f0: {  	v3 =	vld.idx.msk [tilespmem:v3+s5+$0x0], $0xffff  }
0x5f1: {  	v4 =	vld.idx.msk [tilespmem:v4+s5+$0x0], $0xffff  }
0x5f2: {  	v5 =	vld.idx.msk [tilespmem:v5+s5+$0x0], $0xffff  }
0x5f3: {  	[tilespmem:s1+$0x1A770] =	vst.add.f32.msk $0xffff, v0  }
0x5f4: {  	v6 =	vld.idx.msk [tilespmem:v6+s5+$0x0], $0xffff  }
0x5f5: {  	v0 =	vld.idx.msk [tilespmem:v7+s5+$0x0], $0xffff  }
0x5f6: {  	[tilespmem:s1+$0x1A700] =	vst.add.f32.msk $0xffff, v1  }
.Ltmp24:
0x5f7: {  	[tilespmem:s1+$0x1A710] =	vst.add.f32.msk $0xffff, v2;
	(pc) =	sbr.rel @p0 .LBB2_50-.Ltmp24, $4  }
0x5f8: {  	[tilespmem:s1+$0x1A720] =	vst.add.f32.msk $0xffff, v3  }
0x5f9: {  	[tilespmem:s1+$0x1A730] =	vst.add.f32.msk $0xffff, v4  }
0x5fa: {  	[tilespmem:s1+$0x1A740] =	vst.add.f32.msk $0xffff, v5  }
0x5fb: {  	s15 =	sadd.s32 $0x200, s15;
	[tilespmem:s1+$0x1A750] =	vst.add.f32.msk $0xffff, v6  }
0x5fc: {  	[tilespmem:s1+$0x1A760] =	vst.add.f32.msk $0xffff, v0  }
0x5fd: {  	s1 =	sld [smem:$0x7F2];
	_ =	sdelay $0x2  }
0x5fe: {  	[hbm4b:s1+s31] =	stream.strided.scatter [tilespmem:s12], [sflag:$0x9], $0x1000, s0, s31, $0x38;
	[tilespmem:$0x1E700] =	vst v63  }
0x5ff: {  	_ =	swait.ge [sflag:s21], $0x1000  }
0x600: {  	[sflag:s21] =	ssyncset.done $0x0  }
0x601: {  	[sflag:s21] =	ssyncadd.s32 $0xFFFFF000  }
0x602: {  	_ =	swait.ge [sflag:s13], $0x1000  }
0x603: {  	[sflag:s13] =	ssyncset.done $0x0  }
0x604: {  	[sflag:s13] =	ssyncadd.s32 $0xFFFFF000  }
0x605: {  	_ =	swait.ge [sflag:s22], $0x1000  }
0x606: {  	[sflag:s22] =	ssyncset.done $0x0  }
0x607: {  	s1 =	simm.s32 $0x0;
	[sflag:s22] =	ssyncadd.s32 $0xFFFFF000  }
0x608: {  	v0 =	vld [tilespmem:s1+$0x1D770]  }
0x609: {  	v1 =	vld [tilespmem:s1+$0x1D700]  }
0x60a: {  	v2 =	vld [tilespmem:s1+$0x1D710]  }
0x60b: {  	v3 =	vld [tilespmem:s1+$0x1D720]  }
0x60c: {  	v4 =	vld [tilespmem:s1+$0x1D730]  }
0x60d: {  	v5 =	vld [tilespmem:s1+$0x1D740]  }
0x60e: {  	v6 =	vld [tilespmem:s1+$0x1D750]  }
0x60f: {  	v7 =	vld [tilespmem:s1+$0x1D760]  }
0x610: {  	v0 =	vld.idx.msk [tilespmem:v0+s5+$0x0], $0xffff  }
0x611: {  	v1 =	vld.idx.msk [tilespmem:v1+s5+$0x0], $0xffff  }
0x612: {  	v2 =	vld.idx.msk [tilespmem:v2+s5+$0x0], $0xffff  }
0x613: {  	v3 =	vld.idx.msk [tilespmem:v3+s5+$0x0], $0xffff  }
0x614: {  	v4 =	vld.idx.msk [tilespmem:v4+s5+$0x0], $0xffff  }
0x615: {  	v5 =	vld.idx.msk [tilespmem:v5+s5+$0x0], $0xffff  }
0x616: {  	v6 =	vld.idx.msk [tilespmem:v6+s5+$0x0], $0xffff  }
0x617: {  	[tilespmem:s1+$0x1B770] =	vst.add.f32.msk $0xffff, v0  }
0x618: {  	v0 =	vld.idx.msk [tilespmem:v7+s5+$0x0], $0xffff  }
0x619: {  	[tilespmem:s1+$0x1B700] =	vst.add.f32.msk $0xffff, v1  }
0x61a: {  	[tilespmem:s1+$0x1B710] =	vst.add.f32.msk $0xffff, v2  }
0x61b: {  	[tilespmem:s1+$0x1B720] =	vst.add.f32.msk $0xffff, v3  }
0x61c: {  	[tilespmem:s1+$0x1B730] =	vst.add.f32.msk $0xffff, v4  }
0x61d: {  	[tilespmem:s1+$0x1B740] =	vst.add.f32.msk $0xffff, v5  }
0x61e: {  	s4 =	simm.s32 $0x0;
	s15 =	simm.s32 $0x200;
	[tilespmem:s1+$0x1B750] =	vst.add.f32.msk $0xffff, v6  }
.LBB2_52:
0x61f: {  	s4 =	sadd.s32 $0x80, s4;
	[tilespmem:s1+$0x1B760] =	vst.add.f32.msk $0xffff, v0;
	s1 =	sshra.s32 s15, $0x2  }
0x620: {  	v0 =	vld [tilespmem:s1+$0x1D770];
	p0 =	slt.u32 s4, $0xF80  }
0x621: {  	v1 =	vld [tilespmem:s1+$0x1D700]  }
0x622: {  	v2 =	vld [tilespmem:s1+$0x1D710]  }
0x623: {  	v3 =	vld [tilespmem:s1+$0x1D720]  }
0x624: {  	v4 =	vld [tilespmem:s1+$0x1D730]  }
0x625: {  	v5 =	vld [tilespmem:s1+$0x1D740]  }
0x626: {  	v6 =	vld [tilespmem:s1+$0x1D750]  }
0x627: {  	v7 =	vld [tilespmem:s1+$0x1D760]  }
0x628: {  	v0 =	vld.idx.msk [tilespmem:v0+s5+$0x0], $0xffff  }
0x629: {  	v1 =	vld.idx.msk [tilespmem:v1+s5+$0x0], $0xffff  }
0x62a: {  	v2 =	vld.idx.msk [tilespmem:v2+s5+$0x0], $0xffff  }
0x62b: {  	v3 =	vld.idx.msk [tilespmem:v3+s5+$0x0], $0xffff  }
0x62c: {  	v4 =	vld.idx.msk [tilespmem:v4+s5+$0x0], $0xffff  }
0x62d: {  	v5 =	vld.idx.msk [tilespmem:v5+s5+$0x0], $0xffff  }
0x62e: {  	[tilespmem:s1+$0x1B770] =	vst.add.f32.msk $0xffff, v0  }
0x62f: {  	v6 =	vld.idx.msk [tilespmem:v6+s5+$0x0], $0xffff  }
0x630: {  	v0 =	vld.idx.msk [tilespmem:v7+s5+$0x0], $0xffff  }
0x631: {  	[tilespmem:s1+$0x1B700] =	vst.add.f32.msk $0xffff, v1  }
.Ltmp25:
0x632: {  	[tilespmem:s1+$0x1B710] =	vst.add.f32.msk $0xffff, v2;
	(pc) =	sbr.rel @p0 .LBB2_52-.Ltmp25, $4  }
0x633: {  	[tilespmem:s1+$0x1B720] =	vst.add.f32.msk $0xffff, v3  }
0x634: {  	[tilespmem:s1+$0x1B730] =	vst.add.f32.msk $0xffff, v4  }
0x635: {  	[tilespmem:s1+$0x1B740] =	vst.add.f32.msk $0xffff, v5  }
0x636: {  	s15 =	sadd.s32 $0x200, s15;
	[tilespmem:s1+$0x1B750] =	vst.add.f32.msk $0xffff, v6  }
0x637: {  	[tilespmem:s1+$0x1B760] =	vst.add.f32.msk $0xffff, v0  }
0x638: {  	s1 =	sld [smem:$0x7F4];
	_ =	sdelay $0x2  }
0x639: {  	[hbm4b:s1+s31] =	stream.strided.scatter [tilespmem:s16], [sflag:$0xA], $0x1000, s0, s31, $0x38;
	[tilespmem:$0x1E700] =	vst v63  }
0x63a: {  	_ =	swait.ge [sflag:s23], $0x1000  }
0x63b: {  	[sflag:s23] =	ssyncset.done $0x0  }
0x63c: {  	[sflag:s23] =	ssyncadd.s32 $0xFFFFF000  }
0x63d: {  	_ =	swait.ge [sflag:s24], $0x1000  }
0x63e: {  	[sflag:s24] =	ssyncset.done $0x0  }
0x63f: {  	[sflag:s24] =	ssyncadd.s32 $0xFFFFF000  }
0x640: {  	_ =	swait.ge [sflag:s25], $0x1000  }
0x641: {  	s4 =	sld [smem:$0x7EB]  }
0x642: {  	s30 =	sld [smem:$0x7F5];
	_ =	sdelay $0x1  }
0x643: {  	s4 =	sadd.s32 $0x1, s4  }
0x644: {  	p0 =	sne.s32 s4, s30  }
.Ltmp26:
0x645: {  	_ = 	snop;
	(pc) =	sbr.rel @p0 .LBB2_1-.Ltmp26, $3  }
0x646: {  	_ =	sdelay $0x1  }
0x647: {  	[sflag:s25] =	ssyncset.done $0x0  }
0x648: {  	[sflag:s25] =	ssyncadd.s32 $0xFFFFF000  }
0x649: {  	_ =	sfence.sel $0x180000  }
0x64a: {  	[bflag:$0x0] =	sbarrier.arrive $0xFFFF  }
0x64b: {  	_ =	strace $0x90000047  }
0x64c: {  	s0 =	stileid.u32;
	[bflag:$0x2] =	sbarrier.arrive $0xFFFF  }
0x64d: {  	p0 =	sne.s32 s0, $0x0;
	s0 =	rddreg [dreg:$0x4]  }
0x64e: {  	s0 =	sadd.s32 @!p0 $0x100000, s0  }
0x64f: {  	[sflag:s0] =	ssyncadd.tile.s32 @!p0 $0x1;
	_ =	shalt  }
.Lfunc_end2:
_tile_overlayer_lowered:
.L_overlay_start_2:
0x650: {  	(tag) =	ssettag $0x2  }
0x651: {  	s0 =	rddreg [dreg:$0x0];
	s2 =	stileid.u32  }
0x652: {  	s1 =	rddreg [dreg:$0x1];
	p0 =	sne.s32 s2, $0x0  }
0x653: {  	s3 =	rddreg [dreg:$0x2];
	[bflag:$0x3] =	sbarrier.arrive $0xFFFF;
	s2 =	simm.s32 @!p0 $0x1C0B  }
0x654: {  	[timem:s3], [sflag:s2] =	dma.local @!p0 [hbm:s0], s1  }
0x655: {  	s0 =	simm.s32 @!p0 $0xB  }
0x656: {  	_ =	swait.ge @!p0 [sflag:s0], s1  }
0x657: {  	s1 =	ssub.s32 @!p0 $0x0, s1;
	[sflag:s0] =	ssyncset.done @!p0 $0x0  }
0x658: {  	[sflag:s0] =	ssyncadd.s32 @!p0 s1  }
0x659: {  	[bflag:$0x3] =	sbarrier.arrive $0xFFFF  }
0x65a: {  	_ =	shalt  }

</sc_bundles>
